<compile_context>
chip_gen: v7x
topology: tpu7x:2x2x1
jax: 0.10.2.dev20260603
libtpu: 0.0.44.dev20260713+nightly
codegen_flags: <defaults>
</compile_context>

<pallas_src>
import jax
import jax.numpy as jnp
from jax import lax
from jax.experimental import pallas as pl
from jax.experimental.pallas import tpu as pltpu
from jax.experimental.pallas import tpu_sc as plsc

_SIZES = (2048, 2048)
_N = _SIZES[0] * _SIZES[1]
_K = 8
_L = 16
_NC, _NS = 2, 16
_NW = _NC * _NS
_ROWS_W = _N // _NW
_B = 2048
_NB = _ROWS_W // _B
_E = _B * _K
_TB = _B // 128


def _mm_body(a1_ref, a2_ref, a3_ref, g_ref):
    a23 = jnp.dot(a2_ref[...], a3_ref[...], preferred_element_type=jnp.float32)
    g_ref[...] = jnp.dot(a1_ref[...], a23, preferred_element_type=jnp.float32)


def _gather_body(table, idx_hbm, dist_hbm, out_hbm,
                 idx0, idx1, dst0, dst1, gat0, gat1, out0, out1,
                 sl0, sl1, sg0, sg1, so0, so1):
    idxs = [idx0, idx1]
    dsts = [dst0, dst1]
    gats = [gat0, gat1]
    outs = [out0, out1]
    sls = [sl0, sl1]
    sgs = [sg0, sg1]
    sos = [so0, so1]

    wid = lax.axis_index("s") * _NC + lax.axis_index("c")
    base_r = wid * _ROWS_W

    def start_loads(g, b):
        e0 = (base_r + g * _B) * _K
        pltpu.make_async_copy(idx_hbm.at[pl.ds(e0, _E)], idxs[b], sls[b]).start()
        r0 = base_r + g * _B
        for k in range(_K):
            pltpu.make_async_copy(
                dist_hbm.at[pl.ds(k * _N + r0, _B)],
                dsts[b].at[pl.ds(k * _B, _B)], sls[b]).start()

    def wait_loads(b):
        pltpu.make_async_copy(idx_hbm.at[pl.ds(0, _E)], idxs[b], sls[b]).wait()
        for k in range(_K):
            pltpu.make_async_copy(
                dist_hbm.at[pl.ds(0, _B)],
                dsts[b].at[pl.ds(k * _B, _B)], sls[b]).wait()

    start_loads(0, 0)
    start_loads(1, 1)
    wait_loads(0)
    pltpu.make_async_copy(table.at[idxs[0]], gats[0], sgs[0]).start()

    def outer(gg, carry):
        for b in range(2):
            g = gg * 2 + b
            nb = 1 - b

            @pl.when(g + 1 < _NB)
            def _():
                wait_loads(nb)
                pltpu.make_async_copy(table.at[idxs[nb]], gats[nb], sgs[nb]).start()

            pltpu.make_async_copy(table.at[idxs[b]], gats[b], sgs[b]).wait()

            @pl.when(g + 2 < _NB)
            def _():
                e2 = (base_r + (g + 2) * _B) * _K
                pltpu.make_async_copy(idx_hbm.at[pl.ds(e2, _E)], idxs[b], sls[b]).start()

            @pl.when(g >= 2)
            def _():
                pltpu.make_async_copy(outs[b], out_hbm.at[0], sos[b]).wait()

            def inner(tb, c):
                gbase = tb * (128 * _K)
                for jj in range(8):
                    acc = jnp.zeros((_L,), jnp.float32)
                    for k in range(_K):
                        gv = gats[b][pl.ds(gbase + k * 128 + jj * _L, _L)]
                        wv = dsts[b][pl.ds(k * _B + tb * 128 + jj * _L, _L)]
                        acc = acc + gv * wv
                    outs[b][pl.ds(tb * 128 + jj * _L, _L)] = acc
                return c

            lax.fori_loop(0, _TB, inner, 0)
            pltpu.make_async_copy(
                outs[b], out_hbm.at[wid * _NB + g], sos[b]).start()

            @pl.when(g + 2 < _NB)
            def _():
                r2 = base_r + (g + 2) * _B
                for k in range(_K):
                    pltpu.make_async_copy(
                        dist_hbm.at[pl.ds(k * _N + r2, _B)],
                        dsts[b].at[pl.ds(k * _B, _B)], sls[b]).start()

        return carry

    lax.fori_loop(0, _NB // 2, outer, 0)
    for b in range(2):
        pltpu.make_async_copy(outs[b], out_hbm.at[0], sos[b]).wait()


@jax.jit
def _run(A1, A2, A3, idx_t, dist_t):
    g = pl.pallas_call(
        _mm_body,
        out_shape=jax.ShapeDtypeStruct(_SIZES, jnp.float32),
    )(A1, A2, A3)
    table = g.reshape(_N)
    sc_gather = pl.kernel(
        _gather_body,
        out_type=jax.ShapeDtypeStruct(_SIZES, jnp.float32),
        mesh=plsc.VectorSubcoreMesh(
            core_axis_name="c", subcore_axis_name="s",
            num_cores=_NC, num_subcores=_NS,
        ),
        scratch_types=[
            pltpu.VMEM((_E,), jnp.int32), pltpu.VMEM((_E,), jnp.int32),
            pltpu.VMEM((_E,), jnp.float32), pltpu.VMEM((_E,), jnp.float32),
            pltpu.VMEM((_E,), jnp.float32), pltpu.VMEM((_E,), jnp.float32),
            pltpu.VMEM((_B,), jnp.float32), pltpu.VMEM((_B,), jnp.float32),
            pltpu.SemaphoreType.DMA, pltpu.SemaphoreType.DMA,
            pltpu.SemaphoreType.DMA, pltpu.SemaphoreType.DMA,
            pltpu.SemaphoreType.DMA, pltpu.SemaphoreType.DMA,
        ],
    )
    return sc_gather(table, idx_t, dist_t)


def kernel(x, A1, A2, A3, neighbor_index, neighbor_dist):
    idx_t = neighbor_index.reshape(_N // 128, 128, _K).transpose(0, 2, 1).reshape(_N * _K)
    dist_t = neighbor_dist.transpose(1, 2, 0).reshape(_N * _K)
    return _run(A1, A2, A3, idx_t, dist_t)

# --- scband reference (transcript-rebuilt; emitter-appended) ---
"""Pipeline reference for scband-knn-net-49684181680461 (READ-ONLY COPY).

The authoritative reference and input builder live on the scoring server;
editing this copy changes nothing except your own understanding.
"""

import jax, jax.numpy as jnp
import numpy as np

SIZES = (2048, 2048)
N = SIZES[0] * SIZES[1]
K = 8
DIM_COR = (128, 128)


def setup_inputs(seed: int = 0) -> dict:
    key = jax.random.key(seed)
    k1, k2, k3, k4, k5, k6 = jax.random.split(key, 6)
    # dummy forward arg (DMF mode ignores x; the net is an input-free deep matrix factorization)
    x = jax.random.normal(k1, (1,), dtype=jnp.float32)
    # DMF factors: sizes[0] x dim_cor[0] x dim_cor[1] x sizes[1]
    A1 = jax.random.normal(k2, (SIZES[0], DIM_COR[0]), dtype=jnp.float32) * 0.02
    A2 = jax.random.normal(k3, (DIM_COR[0], DIM_COR[1]), dtype=jnp.float32) * 0.02
    A3 = jax.random.normal(k4, (DIM_COR[1], SIZES[1]), dtype=jnp.float32) * 0.02
    # precomputed kNN indices (set by update_neighbor via sklearn NearestNeighbors)
    neighbor_index = jax.random.randint(k5, (N, K), 0, N, dtype=jnp.int32)
    # softmax-weighted distances, normalized per row, with trailing singleton dim (unsqueeze(2))
    d = jax.random.uniform(k6, (N, K), dtype=jnp.float32)
    w = jnp.exp(-d)
    w = w / jnp.sum(w, axis=1, keepdims=True)
    neighbor_dist = w[:, :, None].astype(jnp.float32)
    return {
        "x": x,
        "A1": A1,
        "A2": A2,
        "A3": A3,
        "neighbor_index": neighbor_index,
        "neighbor_dist": neighbor_dist,
    }


def reference(x, A1, A2, A3, neighbor_index, neighbor_dist):
    # G = self.G_net(x): DMF = chained matrix factorization producing the full matrix
    G = A1 @ A2 @ A3  # [sizes[0], sizes[1]]
    # tb.reshape2(G): flatten to column vector [N, 1]
    Gf = G.reshape(-1, 1)
    # torch.sum(G[self.neighbor_index] * self.neighbor_dist, dim=1).reshape(self.sizes)
    gathered = jnp.take(Gf, neighbor_index, axis=0)  # [N, K, 1]
    out = jnp.sum(gathered * neighbor_dist, axis=1)  # [N, 1]
    return out.reshape(SIZES)

if __name__ == "__main__":
    import jax
    _d = setup_inputs()
    print(jax.jit(kernel)(*tuple(_d.values())))

</pallas_src>

<mosaic_0001>
#map = affine_map<(d0, d1) -> (0)>
#map1 = affine_map<(d0, d1) -> (0, 0)>
module attributes {stable_mosaic.version = 14 : i64} {
  func.func @_gather_body(%arg0: i32, %arg1: i32, %arg2: memref<4194304xf32, #tpu.memory_space<hbm>>, %arg3: memref<33554432xi32, #tpu.memory_space<hbm>>, %arg4: memref<33554432xf32, #tpu.memory_space<hbm>>, %arg5: memref<2048x2048xf32, #tpu.memory_space<hbm>>, %arg6: memref<16384xi32, #tpu.memory_space<vmem>>, %arg7: memref<16384xi32, #tpu.memory_space<vmem>>, %arg8: memref<16384xf32, #tpu.memory_space<vmem>>, %arg9: memref<16384xf32, #tpu.memory_space<vmem>>, %arg10: memref<16384xf32, #tpu.memory_space<vmem>>, %arg11: memref<16384xf32, #tpu.memory_space<vmem>>, %arg12: memref<2048xf32, #tpu.memory_space<vmem>>, %arg13: memref<2048xf32, #tpu.memory_space<vmem>>, %arg14: memref<!tpu.dma_semaphore, #tpu.memory_space<semaphore_mem>>, %arg15: memref<!tpu.dma_semaphore, #tpu.memory_space<semaphore_mem>>, %arg16: memref<!tpu.dma_semaphore, #tpu.memory_space<semaphore_mem>>, %arg17: memref<!tpu.dma_semaphore, #tpu.memory_space<semaphore_mem>>, %arg18: memref<!tpu.dma_semaphore, #tpu.memory_space<semaphore_mem>>, %arg19: memref<!tpu.dma_semaphore, #tpu.memory_space<semaphore_mem>>) attributes {dimension_semantics = [#tpu.dimension_semantics<core_parallel>, #tpu.dimension_semantics<subcore_parallel>], iteration_bounds = array<i64: 2, 16>, scalar_prefetch = 0 : i64, scratch_operands = 14 : i64, tpu.core_type = #tpu.core_type<sc_vector_subcore>, window_params = [{transform_indices = #map}, {transform_indices = #map}, {transform_indices = #map}, {transform_indices = #map1}]} {
    %mul3A = arith.constant 2 : i32
    %mul3A_0 = arith.muli %arg1, %mul3A : i32
    %add3A = arith.addi %mul3A_0, %arg0 : i32
    %mul3A_1 = arith.constant 131072 : i32
    %mul3A_2 = arith.muli %add3A, %mul3A_1 : i32
    %add3A_3 = arith.constant 0 : i32
    %add3A_4 = arith.addi %mul3A_2, %add3A_3 : i32
    %mul3A_5 = arith.constant 8 : i32
    %mul3A_6 = arith.muli %add3A_4, %mul3A_5 : i32
    %dma_start3A = tpu.memref_slice %arg3[%mul3A_6] : memref<33554432xi32, #tpu.memory_space<hbm>> -> memref<16384xi32, #tpu.memory_space<hbm>>
    %dma_start3A_7 = tpu.memref_slice %arg3[%mul3A_6] : memref<33554432xi32, #tpu.memory_space<hbm>> -> memref<16384xi32, #tpu.memory_space<hbm>>
    tpu.enqueue_dma source(%dma_start3A_7 : memref<16384xi32, #tpu.memory_space<hbm>>) target(%arg6 : memref<16384xi32, #tpu.memory_space<vmem>>) target_semaphore(%arg14 : memref<!tpu.dma_semaphore, #tpu.memory_space<semaphore_mem>>)
    %add3A_8 = arith.constant 0 : i32
    %add3A_9 = arith.addi %mul3A_2, %add3A_8 : i32
    %add3A_10 = arith.constant 0 : i32
    %add3A_11 = arith.addi %add3A_10, %add3A_9 : i32
    %dma_start3A_12 = arith.constant 0 : i32
    %dma_start3A_13 = tpu.memref_slice %arg8[%dma_start3A_12] : memref<16384xf32, #tpu.memory_space<vmem>> -> memref<2048xf32, #tpu.memory_space<vmem>>
    %dma_start3A_14 = tpu.memref_slice %arg4[%add3A_11] : memref<33554432xf32, #tpu.memory_space<hbm>> -> memref<2048xf32, #tpu.memory_space<hbm>>
    %dma_start3A_15 = arith.constant 0 : i32
    %dma_start3A_16 = tpu.memref_slice %arg8[%dma_start3A_15] : memref<16384xf32, #tpu.memory_space<vmem>> -> memref<2048xf32, #tpu.memory_space<vmem>>
    %dma_start3A_17 = tpu.memref_slice %arg4[%add3A_11] : memref<33554432xf32, #tpu.memory_space<hbm>> -> memref<2048xf32, #tpu.memory_space<hbm>>
    tpu.enqueue_dma source(%dma_start3A_17 : memref<2048xf32, #tpu.memory_space<hbm>>) target(%dma_start3A_16 : memref<2048xf32, #tpu.memory_space<vmem>>) target_semaphore(%arg14 : memref<!tpu.dma_semaphore, #tpu.memory_space<semaphore_mem>>)
    %add3A_18 = arith.constant 4194304 : i32
    %add3A_19 = arith.addi %add3A_18, %add3A_9 : i32
    %dma_start3A_20 = arith.constant 2048 : i32
    %dma_start3A_21 = tpu.memref_slice %arg8[%dma_start3A_20] : memref<16384xf32, #tpu.memory_space<vmem>> -> memref<2048xf32, #tpu.memory_space<vmem>>
    %dma_start3A_22 = tpu.memref_slice %arg4[%add3A_19] : memref<33554432xf32, #tpu.memory_space<hbm>> -> memref<2048xf32, #tpu.memory_space<hbm>>
    %dma_start3A_23 = arith.constant 2048 : i32
    %dma_start3A_24 = tpu.memref_slice %arg8[%dma_start3A_23] : memref<16384xf32, #tpu.memory_space<vmem>> -> memref<2048xf32, #tpu.memory_space<vmem>>
    %dma_start3A_25 = tpu.memref_slice %arg4[%add3A_19] : memref<33554432xf32, #tpu.memory_space<hbm>> -> memref<2048xf32, #tpu.memory_space<hbm>>
    tpu.enqueue_dma source(%dma_start3A_25 : memref<2048xf32, #tpu.memory_space<hbm>>) target(%dma_start3A_24 : memref<2048xf32, #tpu.memory_space<vmem>>) target_semaphore(%arg14 : memref<!tpu.dma_semaphore, #tpu.memory_space<semaphore_mem>>)
    %add3A_26 = arith.constant 8388608 : i32
    %add3A_27 = arith.addi %add3A_26, %add3A_9 : i32
    %dma_start3A_28 = arith.constant 4096 : i32
    %dma_start3A_29 = tpu.memref_slice %arg8[%dma_start3A_28] : memref<16384xf32, #tpu.memory_space<vmem>> -> memref<2048xf32, #tpu.memory_space<vmem>>
    %dma_start3A_30 = tpu.memref_slice %arg4[%add3A_27] : memref<33554432xf32, #tpu.memory_space<hbm>> -> memref<2048xf32, #tpu.memory_space<hbm>>
    %dma_start3A_31 = arith.constant 4096 : i32
    %dma_start3A_32 = tpu.memref_slice %arg8[%dma_start3A_31] : memref<16384xf32, #tpu.memory_space<vmem>> -> memref<2048xf32, #tpu.memory_space<vmem>>
    %dma_start3A_33 = tpu.memref_slice %arg4[%add3A_27] : memref<33554432xf32, #tpu.memory_space<hbm>> -> memref<2048xf32, #tpu.memory_space<hbm>>
    tpu.enqueue_dma source(%dma_start3A_33 : memref<2048xf32, #tpu.memory_space<hbm>>) target(%dma_start3A_32 : memref<2048xf32, #tpu.memory_space<vmem>>) target_semaphore(%arg14 : memref<!tpu.dma_semaphore, #tpu.memory_space<semaphore_mem>>)
    %add3A_34 = arith.constant 12582912 : i32
    %add3A_35 = arith.addi %add3A_34, %add3A_9 : i32
    %dma_start3A_36 = arith.constant 6144 : i32
    %dma_start3A_37 = tpu.memref_slice %arg8[%dma_start3A_36] : memref<16384xf32, #tpu.memory_space<vmem>> -> memref<2048xf32, #tpu.memory_space<vmem>>
    %dma_start3A_38 = tpu.memref_slice %arg4[%add3A_35] : memref<33554432xf32, #tpu.memory_space<hbm>> -> memref<2048xf32, #tpu.memory_space<hbm>>
    %dma_start3A_39 = arith.constant 6144 : i32
    %dma_start3A_40 = tpu.memref_slice %arg8[%dma_start3A_39] : memref<16384xf32, #tpu.memory_space<vmem>> -> memref<2048xf32, #tpu.memory_space<vmem>>
    %dma_start3A_41 = tpu.memref_slice %arg4[%add3A_35] : memref<33554432xf32, #tpu.memory_space<hbm>> -> memref<2048xf32, #tpu.memory_space<hbm>>
    tpu.enqueue_dma source(%dma_start3A_41 : memref<2048xf32, #tpu.memory_space<hbm>>) target(%dma_start3A_40 : memref<2048xf32, #tpu.memory_space<vmem>>) target_semaphore(%arg14 : memref<!tpu.dma_semaphore, #tpu.memory_space<semaphore_mem>>)
    %add3A_42 = arith.constant 16777216 : i32
    %add3A_43 = arith.addi %add3A_42, %add3A_9 : i32
    %dma_start3A_44 = arith.constant 8192 : i32
    %dma_start3A_45 = tpu.memref_slice %arg8[%dma_start3A_44] : memref<16384xf32, #tpu.memory_space<vmem>> -> memref<2048xf32, #tpu.memory_space<vmem>>
    %dma_start3A_46 = tpu.memref_slice %arg4[%add3A_43] : memref<33554432xf32, #tpu.memory_space<hbm>> -> memref<2048xf32, #tpu.memory_space<hbm>>
    %dma_start3A_47 = arith.constant 8192 : i32
    %dma_start3A_48 = tpu.memref_slice %arg8[%dma_start3A_47] : memref<16384xf32, #tpu.memory_space<vmem>> -> memref<2048xf32, #tpu.memory_space<vmem>>
    %dma_start3A_49 = tpu.memref_slice %arg4[%add3A_43] : memref<33554432xf32, #tpu.memory_space<hbm>> -> memref<2048xf32, #tpu.memory_space<hbm>>
    tpu.enqueue_dma source(%dma_start3A_49 : memref<2048xf32, #tpu.memory_space<hbm>>) target(%dma_start3A_48 : memref<2048xf32, #tpu.memory_space<vmem>>) target_semaphore(%arg14 : memref<!tpu.dma_semaphore, #tpu.memory_space<semaphore_mem>>)
    %add3A_50 = arith.constant 20971520 : i32
    %add3A_51 = arith.addi %add3A_50, %add3A_9 : i32
    %dma_start3A_52 = arith.constant 10240 : i32
    %dma_start3A_53 = tpu.memref_slice %arg8[%dma_start3A_52] : memref<16384xf32, #tpu.memory_space<vmem>> -> memref<2048xf32, #tpu.memory_space<vmem>>
    %dma_start3A_54 = tpu.memref_slice %arg4[%add3A_51] : memref<33554432xf32, #tpu.memory_space<hbm>> -> memref<2048xf32, #tpu.memory_space<hbm>>
    %dma_start3A_55 = arith.constant 10240 : i32
    %dma_start3A_56 = tpu.memref_slice %arg8[%dma_start3A_55] : memref<16384xf32, #tpu.memory_space<vmem>> -> memref<2048xf32, #tpu.memory_space<vmem>>
    %dma_start3A_57 = tpu.memref_slice %arg4[%add3A_51] : memref<33554432xf32, #tpu.memory_space<hbm>> -> memref<2048xf32, #tpu.memory_space<hbm>>
    tpu.enqueue_dma source(%dma_start3A_57 : memref<2048xf32, #tpu.memory_space<hbm>>) target(%dma_start3A_56 : memref<2048xf32, #tpu.memory_space<vmem>>) target_semaphore(%arg14 : memref<!tpu.dma_semaphore, #tpu.memory_space<semaphore_mem>>)
    %add3A_58 = arith.constant 25165824 : i32
    %add3A_59 = arith.addi %add3A_58, %add3A_9 : i32
    %dma_start3A_60 = arith.constant 12288 : i32
    %dma_start3A_61 = tpu.memref_slice %arg8[%dma_start3A_60] : memref<16384xf32, #tpu.memory_space<vmem>> -> memref<2048xf32, #tpu.memory_space<vmem>>
    %dma_start3A_62 = tpu.memref_slice %arg4[%add3A_59] : memref<33554432xf32, #tpu.memory_space<hbm>> -> memref<2048xf32, #tpu.memory_space<hbm>>
    %dma_start3A_63 = arith.constant 12288 : i32
    %dma_start3A_64 = tpu.memref_slice %arg8[%dma_start3A_63] : memref<16384xf32, #tpu.memory_space<vmem>> -> memref<2048xf32, #tpu.memory_space<vmem>>
    %dma_start3A_65 = tpu.memref_slice %arg4[%add3A_59] : memref<33554432xf32, #tpu.memory_space<hbm>> -> memref<2048xf32, #tpu.memory_space<hbm>>
    tpu.enqueue_dma source(%dma_start3A_65 : memref<2048xf32, #tpu.memory_space<hbm>>) target(%dma_start3A_64 : memref<2048xf32, #tpu.memory_space<vmem>>) target_semaphore(%arg14 : memref<!tpu.dma_semaphore, #tpu.memory_space<semaphore_mem>>)
    %add3A_66 = arith.constant 29360128 : i32
    %add3A_67 = arith.addi %add3A_66, %add3A_9 : i32
    %dma_start3A_68 = arith.constant 14336 : i32
    %dma_start3A_69 = tpu.memref_slice %arg8[%dma_start3A_68] : memref<16384xf32, #tpu.memory_space<vmem>> -> memref<2048xf32, #tpu.memory_space<vmem>>
    %dma_start3A_70 = tpu.memref_slice %arg4[%add3A_67] : memref<33554432xf32, #tpu.memory_space<hbm>> -> memref<2048xf32, #tpu.memory_space<hbm>>
    %dma_start3A_71 = arith.constant 14336 : i32
    %dma_start3A_72 = tpu.memref_slice %arg8[%dma_start3A_71] : memref<16384xf32, #tpu.memory_space<vmem>> -> memref<2048xf32, #tpu.memory_space<vmem>>
    %dma_start3A_73 = tpu.memref_slice %arg4[%add3A_67] : memref<33554432xf32, #tpu.memory_space<hbm>> -> memref<2048xf32, #tpu.memory_space<hbm>>
    tpu.enqueue_dma source(%dma_start3A_73 : memref<2048xf32, #tpu.memory_space<hbm>>) target(%dma_start3A_72 : memref<2048xf32, #tpu.memory_space<vmem>>) target_semaphore(%arg14 : memref<!tpu.dma_semaphore, #tpu.memory_space<semaphore_mem>>)
    %add3A_74 = arith.constant 2048 : i32
    %add3A_75 = arith.addi %mul3A_2, %add3A_74 : i32
    %mul3A_76 = arith.constant 8 : i32
    %mul3A_77 = arith.muli %add3A_75, %mul3A_76 : i32
    %dma_start3A_78 = tpu.memref_slice %arg3[%mul3A_77] : memref<33554432xi32, #tpu.memory_space<hbm>> -> memref<16384xi32, #tpu.memory_space<hbm>>
    %dma_start3A_79 = tpu.memref_slice %arg3[%mul3A_77] : memref<33554432xi32, #tpu.memory_space<hbm>> -> memref<16384xi32, #tpu.memory_space<hbm>>
    tpu.enqueue_dma source(%dma_start3A_79 : memref<16384xi32, #tpu.memory_space<hbm>>) target(%arg7 : memref<16384xi32, #tpu.memory_space<vmem>>) target_semaphore(%arg15 : memref<!tpu.dma_semaphore, #tpu.memory_space<semaphore_mem>>)
    %add3A_80 = arith.constant 2048 : i32
    %add3A_81 = arith.addi %mul3A_2, %add3A_80 : i32
    %add3A_82 = arith.constant 0 : i32
    %add3A_83 = arith.addi %add3A_82, %add3A_81 : i32
    %dma_start3A_84 = arith.constant 0 : i32
    %dma_start3A_85 = tpu.memref_slice %arg9[%dma_start3A_84] : memref<16384xf32, #tpu.memory_space<vmem>> -> memref<2048xf32, #tpu.memory_space<vmem>>
    %dma_start3A_86 = tpu.memref_slice %arg4[%add3A_83] : memref<33554432xf32, #tpu.memory_space<hbm>> -> memref<2048xf32, #tpu.memory_space<hbm>>
    %dma_start3A_87 = arith.constant 0 : i32
    %dma_start3A_88 = tpu.memref_slice %arg9[%dma_start3A_87] : memref<16384xf32, #tpu.memory_space<vmem>> -> memref<2048xf32, #tpu.memory_space<vmem>>
    %dma_start3A_89 = tpu.memref_slice %arg4[%add3A_83] : memref<33554432xf32, #tpu.memory_space<hbm>> -> memref<2048xf32, #tpu.memory_space<hbm>>
    tpu.enqueue_dma source(%dma_start3A_89 : memref<2048xf32, #tpu.memory_space<hbm>>) target(%dma_start3A_88 : memref<2048xf32, #tpu.memory_space<vmem>>) target_semaphore(%arg15 : memref<!tpu.dma_semaphore, #tpu.memory_space<semaphore_mem>>)
    %add3A_90 = arith.constant 4194304 : i32
    %add3A_91 = arith.addi %add3A_90, %add3A_81 : i32
    %dma_start3A_92 = arith.constant 2048 : i32
    %dma_start3A_93 = tpu.memref_slice %arg9[%dma_start3A_92] : memref<16384xf32, #tpu.memory_space<vmem>> -> memref<2048xf32, #tpu.memory_space<vmem>>
    %dma_start3A_94 = tpu.memref_slice %arg4[%add3A_91] : memref<33554432xf32, #tpu.memory_space<hbm>> -> memref<2048xf32, #tpu.memory_space<hbm>>
    %dma_start3A_95 = arith.constant 2048 : i32
    %dma_start3A_96 = tpu.memref_slice %arg9[%dma_start3A_95] : memref<16384xf32, #tpu.memory_space<vmem>> -> memref<2048xf32, #tpu.memory_space<vmem>>
    %dma_start3A_97 = tpu.memref_slice %arg4[%add3A_91] : memref<33554432xf32, #tpu.memory_space<hbm>> -> memref<2048xf32, #tpu.memory_space<hbm>>
    tpu.enqueue_dma source(%dma_start3A_97 : memref<2048xf32, #tpu.memory_space<hbm>>) target(%dma_start3A_96 : memref<2048xf32, #tpu.memory_space<vmem>>) target_semaphore(%arg15 : memref<!tpu.dma_semaphore, #tpu.memory_space<semaphore_mem>>)
    %add3A_98 = arith.constant 8388608 : i32
    %add3A_99 = arith.addi %add3A_98, %add3A_81 : i32
    %dma_start3A_100 = arith.constant 4096 : i32
    %dma_start3A_101 = tpu.memref_slice %arg9[%dma_start3A_100] : memref<16384xf32, #tpu.memory_space<vmem>> -> memref<2048xf32, #tpu.memory_space<vmem>>
    %dma_start3A_102 = tpu.memref_slice %arg4[%add3A_99] : memref<33554432xf32, #tpu.memory_space<hbm>> -> memref<2048xf32, #tpu.memory_space<hbm>>
    %dma_start3A_103 = arith.constant 4096 : i32
    %dma_start3A_104 = tpu.memref_slice %arg9[%dma_start3A_103] : memref<16384xf32, #tpu.memory_space<vmem>> -> memref<2048xf32, #tpu.memory_space<vmem>>
    %dma_start3A_105 = tpu.memref_slice %arg4[%add3A_99] : memref<33554432xf32, #tpu.memory_space<hbm>> -> memref<2048xf32, #tpu.memory_space<hbm>>
    tpu.enqueue_dma source(%dma_start3A_105 : memref<2048xf32, #tpu.memory_space<hbm>>) target(%dma_start3A_104 : memref<2048xf32, #tpu.memory_space<vmem>>) target_semaphore(%arg15 : memref<!tpu.dma_semaphore, #tpu.memory_space<semaphore_mem>>)
    %add3A_106 = arith.constant 12582912 : i32
    %add3A_107 = arith.addi %add3A_106, %add3A_81 : i32
    %dma_start3A_108 = arith.constant 6144 : i32
    %dma_start3A_109 = tpu.memref_slice %arg9[%dma_start3A_108] : memref<16384xf32, #tpu.memory_space<vmem>> -> memref<2048xf32, #tpu.memory_space<vmem>>
    %dma_start3A_110 = tpu.memref_slice %arg4[%add3A_107] : memref<33554432xf32, #tpu.memory_space<hbm>> -> memref<2048xf32, #tpu.memory_space<hbm>>
    %dma_start3A_111 = arith.constant 6144 : i32
    %dma_start3A_112 = tpu.memref_slice %arg9[%dma_start3A_111] : memref<16384xf32, #tpu.memory_space<vmem>> -> memref<2048xf32, #tpu.memory_space<vmem>>
    %dma_start3A_113 = tpu.memref_slice %arg4[%add3A_107] : memref<33554432xf32, #tpu.memory_space<hbm>> -> memref<2048xf32, #tpu.memory_space<hbm>>
    tpu.enqueue_dma source(%dma_start3A_113 : memref<2048xf32, #tpu.memory_space<hbm>>) target(%dma_start3A_112 : memref<2048xf32, #tpu.memory_space<vmem>>) target_semaphore(%arg15 : memref<!tpu.dma_semaphore, #tpu.memory_space<semaphore_mem>>)
    %add3A_114 = arith.constant 16777216 : i32
    %add3A_115 = arith.addi %add3A_114, %add3A_81 : i32
    %dma_start3A_116 = arith.constant 8192 : i32
    %dma_start3A_117 = tpu.memref_slice %arg9[%dma_start3A_116] : memref<16384xf32, #tpu.memory_space<vmem>> -> memref<2048xf32, #tpu.memory_space<vmem>>
    %dma_start3A_118 = tpu.memref_slice %arg4[%add3A_115] : memref<33554432xf32, #tpu.memory_space<hbm>> -> memref<2048xf32, #tpu.memory_space<hbm>>
    %dma_start3A_119 = arith.constant 8192 : i32
    %dma_start3A_120 = tpu.memref_slice %arg9[%dma_start3A_119] : memref<16384xf32, #tpu.memory_space<vmem>> -> memref<2048xf32, #tpu.memory_space<vmem>>
    %dma_start3A_121 = tpu.memref_slice %arg4[%add3A_115] : memref<33554432xf32, #tpu.memory_space<hbm>> -> memref<2048xf32, #tpu.memory_space<hbm>>
    tpu.enqueue_dma source(%dma_start3A_121 : memref<2048xf32, #tpu.memory_space<hbm>>) target(%dma_start3A_120 : memref<2048xf32, #tpu.memory_space<vmem>>) target_semaphore(%arg15 : memref<!tpu.dma_semaphore, #tpu.memory_space<semaphore_mem>>)
    %add3A_122 = arith.constant 20971520 : i32
    %add3A_123 = arith.addi %add3A_122, %add3A_81 : i32
    %dma_start3A_124 = arith.constant 10240 : i32
    %dma_start3A_125 = tpu.memref_slice %arg9[%dma_start3A_124] : memref<16384xf32, #tpu.memory_space<vmem>> -> memref<2048xf32, #tpu.memory_space<vmem>>
    %dma_start3A_126 = tpu.memref_slice %arg4[%add3A_123] : memref<33554432xf32, #tpu.memory_space<hbm>> -> memref<2048xf32, #tpu.memory_space<hbm>>
    %dma_start3A_127 = arith.constant 10240 : i32
    %dma_start3A_128 = tpu.memref_slice %arg9[%dma_start3A_127] : memref<16384xf32, #tpu.memory_space<vmem>> -> memref<2048xf32, #tpu.memory_space<vmem>>
    %dma_start3A_129 = tpu.memref_slice %arg4[%add3A_123] : memref<33554432xf32, #tpu.memory_space<hbm>> -> memref<2048xf32, #tpu.memory_space<hbm>>
    tpu.enqueue_dma source(%dma_start3A_129 : memref<2048xf32, #tpu.memory_space<hbm>>) target(%dma_start3A_128 : memref<2048xf32, #tpu.memory_space<vmem>>) target_semaphore(%arg15 : memref<!tpu.dma_semaphore, #tpu.memory_space<semaphore_mem>>)
    %add3A_130 = arith.constant 25165824 : i32
    %add3A_131 = arith.addi %add3A_130, %add3A_81 : i32
    %dma_start3A_132 = arith.constant 12288 : i32
    %dma_start3A_133 = tpu.memref_slice %arg9[%dma_start3A_132] : memref<16384xf32, #tpu.memory_space<vmem>> -> memref<2048xf32, #tpu.memory_space<vmem>>
    %dma_start3A_134 = tpu.memref_slice %arg4[%add3A_131] : memref<33554432xf32, #tpu.memory_space<hbm>> -> memref<2048xf32, #tpu.memory_space<hbm>>
    %dma_start3A_135 = arith.constant 12288 : i32
    %dma_start3A_136 = tpu.memref_slice %arg9[%dma_start3A_135] : memref<16384xf32, #tpu.memory_space<vmem>> -> memref<2048xf32, #tpu.memory_space<vmem>>
    %dma_start3A_137 = tpu.memref_slice %arg4[%add3A_131] : memref<33554432xf32, #tpu.memory_space<hbm>> -> memref<2048xf32, #tpu.memory_space<hbm>>
    tpu.enqueue_dma source(%dma_start3A_137 : memref<2048xf32, #tpu.memory_space<hbm>>) target(%dma_start3A_136 : memref<2048xf32, #tpu.memory_space<vmem>>) target_semaphore(%arg15 : memref<!tpu.dma_semaphore, #tpu.memory_space<semaphore_mem>>)
    %add3A_138 = arith.constant 29360128 : i32
    %add3A_139 = arith.addi %add3A_138, %add3A_81 : i32
    %dma_start3A_140 = arith.constant 14336 : i32
    %dma_start3A_141 = tpu.memref_slice %arg9[%dma_start3A_140] : memref<16384xf32, #tpu.memory_space<vmem>> -> memref<2048xf32, #tpu.memory_space<vmem>>
    %dma_start3A_142 = tpu.memref_slice %arg4[%add3A_139] : memref<33554432xf32, #tpu.memory_space<hbm>> -> memref<2048xf32, #tpu.memory_space<hbm>>
    %dma_start3A_143 = arith.constant 14336 : i32
    %dma_start3A_144 = tpu.memref_slice %arg9[%dma_start3A_143] : memref<16384xf32, #tpu.memory_space<vmem>> -> memref<2048xf32, #tpu.memory_space<vmem>>
    %dma_start3A_145 = tpu.memref_slice %arg4[%add3A_139] : memref<33554432xf32, #tpu.memory_space<hbm>> -> memref<2048xf32, #tpu.memory_space<hbm>>
    tpu.enqueue_dma source(%dma_start3A_145 : memref<2048xf32, #tpu.memory_space<hbm>>) target(%dma_start3A_144 : memref<2048xf32, #tpu.memory_space<vmem>>) target_semaphore(%arg15 : memref<!tpu.dma_semaphore, #tpu.memory_space<semaphore_mem>>)
    %dma_wait3A = arith.constant 0 : i32
    %dma_wait3A_146 = tpu.memref_slice %arg3[%dma_wait3A] : memref<33554432xi32, #tpu.memory_space<hbm>> -> memref<16384xi32, #tpu.memory_space<hbm>>
    %dma_wait3A_147 = arith.constant 0 : i32
    %dma_wait3A_148 = tpu.memref_slice %arg3[%dma_wait3A_147] : memref<33554432xi32, #tpu.memory_space<hbm>> -> memref<16384xi32, #tpu.memory_space<hbm>>
    tpu.wait_dma2 semaphore(%arg14 : memref<!tpu.dma_semaphore, #tpu.memory_space<semaphore_mem>>) src(%dma_wait3A_148 : memref<16384xi32, #tpu.memory_space<hbm>>) dst(%arg6 : memref<16384xi32, #tpu.memory_space<vmem>>)
    %dma_wait3A_149 = arith.constant 0 : i32
    %dma_wait3A_150 = tpu.memref_slice %arg8[%dma_wait3A_149] : memref<16384xf32, #tpu.memory_space<vmem>> -> memref<2048xf32, #tpu.memory_space<vmem>>
    %dma_wait3A_151 = arith.constant 0 : i32
    %dma_wait3A_152 = tpu.memref_slice %arg4[%dma_wait3A_151] : memref<33554432xf32, #tpu.memory_space<hbm>> -> memref<2048xf32, #tpu.memory_space<hbm>>
    %dma_wait3A_153 = arith.constant 0 : i32
    %dma_wait3A_154 = tpu.memref_slice %arg8[%dma_wait3A_153] : memref<16384xf32, #tpu.memory_space<vmem>> -> memref<2048xf32, #tpu.memory_space<vmem>>
    %dma_wait3A_155 = arith.constant 0 : i32
    %dma_wait3A_156 = tpu.memref_slice %arg4[%dma_wait3A_155] : memref<33554432xf32, #tpu.memory_space<hbm>> -> memref<2048xf32, #tpu.memory_space<hbm>>
    tpu.wait_dma2 semaphore(%arg14 : memref<!tpu.dma_semaphore, #tpu.memory_space<semaphore_mem>>) src(%dma_wait3A_156 : memref<2048xf32, #tpu.memory_space<hbm>>) dst(%dma_wait3A_154 : memref<2048xf32, #tpu.memory_space<vmem>>)
    %dma_wait3A_157 = arith.constant 2048 : i32
    %dma_wait3A_158 = tpu.memref_slice %arg8[%dma_wait3A_157] : memref<16384xf32, #tpu.memory_space<vmem>> -> memref<2048xf32, #tpu.memory_space<vmem>>
    %dma_wait3A_159 = arith.constant 0 : i32
    %dma_wait3A_160 = tpu.memref_slice %arg4[%dma_wait3A_159] : memref<33554432xf32, #tpu.memory_space<hbm>> -> memref<2048xf32, #tpu.memory_space<hbm>>
    %dma_wait3A_161 = arith.constant 2048 : i32
    %dma_wait3A_162 = tpu.memref_slice %arg8[%dma_wait3A_161] : memref<16384xf32, #tpu.memory_space<vmem>> -> memref<2048xf32, #tpu.memory_space<vmem>>
    %dma_wait3A_163 = arith.constant 0 : i32
    %dma_wait3A_164 = tpu.memref_slice %arg4[%dma_wait3A_163] : memref<33554432xf32, #tpu.memory_space<hbm>> -> memref<2048xf32, #tpu.memory_space<hbm>>
    tpu.wait_dma2 semaphore(%arg14 : memref<!tpu.dma_semaphore, #tpu.memory_space<semaphore_mem>>) src(%dma_wait3A_164 : memref<2048xf32, #tpu.memory_space<hbm>>) dst(%dma_wait3A_162 : memref<2048xf32, #tpu.memory_space<vmem>>)
    %dma_wait3A_165 = arith.constant 4096 : i32
    %dma_wait3A_166 = tpu.memref_slice %arg8[%dma_wait3A_165] : memref<16384xf32, #tpu.memory_space<vmem>> -> memref<2048xf32, #tpu.memory_space<vmem>>
    %dma_wait3A_167 = arith.constant 0 : i32
    %dma_wait3A_168 = tpu.memref_slice %arg4[%dma_wait3A_167] : memref<33554432xf32, #tpu.memory_space<hbm>> -> memref<2048xf32, #tpu.memory_space<hbm>>
    %dma_wait3A_169 = arith.constant 4096 : i32
    %dma_wait3A_170 = tpu.memref_slice %arg8[%dma_wait3A_169] : memref<16384xf32, #tpu.memory_space<vmem>> -> memref<2048xf32, #tpu.memory_space<vmem>>
    %dma_wait3A_171 = arith.constant 0 : i32
    %dma_wait3A_172 = tpu.memref_slice %arg4[%dma_wait3A_171] : memref<33554432xf32, #tpu.memory_space<hbm>> -> memref<2048xf32, #tpu.memory_space<hbm>>
    tpu.wait_dma2 semaphore(%arg14 : memref<!tpu.dma_semaphore, #tpu.memory_space<semaphore_mem>>) src(%dma_wait3A_172 : memref<2048xf32, #tpu.memory_space<hbm>>) dst(%dma_wait3A_170 : memref<2048xf32, #tpu.memory_space<vmem>>)
    %dma_wait3A_173 = arith.constant 6144 : i32
    %dma_wait3A_174 = tpu.memref_slice %arg8[%dma_wait3A_173] : memref<16384xf32, #tpu.memory_space<vmem>> -> memref<2048xf32, #tpu.memory_space<vmem>>
    %dma_wait3A_175 = arith.constant 0 : i32
    %dma_wait3A_176 = tpu.memref_slice %arg4[%dma_wait3A_175] : memref<33554432xf32, #tpu.memory_space<hbm>> -> memref<2048xf32, #tpu.memory_space<hbm>>
    %dma_wait3A_177 = arith.constant 6144 : i32
    %dma_wait3A_178 = tpu.memref_slice %arg8[%dma_wait3A_177] : memref<16384xf32, #tpu.memory_space<vmem>> -> memref<2048xf32, #tpu.memory_space<vmem>>
    %dma_wait3A_179 = arith.constant 0 : i32
    %dma_wait3A_180 = tpu.memref_slice %arg4[%dma_wait3A_179] : memref<33554432xf32, #tpu.memory_space<hbm>> -> memref<2048xf32, #tpu.memory_space<hbm>>
    tpu.wait_dma2 semaphore(%arg14 : memref<!tpu.dma_semaphore, #tpu.memory_space<semaphore_mem>>) src(%dma_wait3A_180 : memref<2048xf32, #tpu.memory_space<hbm>>) dst(%dma_wait3A_178 : memref<2048xf32, #tpu.memory_space<vmem>>)
    %dma_wait3A_181 = arith.constant 8192 : i32
    %dma_wait3A_182 = tpu.memref_slice %arg8[%dma_wait3A_181] : memref<16384xf32, #tpu.memory_space<vmem>> -> memref<2048xf32, #tpu.memory_space<vmem>>
    %dma_wait3A_183 = arith.constant 0 : i32
    %dma_wait3A_184 = tpu.memref_slice %arg4[%dma_wait3A_183] : memref<33554432xf32, #tpu.memory_space<hbm>> -> memref<2048xf32, #tpu.memory_space<hbm>>
    %dma_wait3A_185 = arith.constant 8192 : i32
    %dma_wait3A_186 = tpu.memref_slice %arg8[%dma_wait3A_185] : memref<16384xf32, #tpu.memory_space<vmem>> -> memref<2048xf32, #tpu.memory_space<vmem>>
    %dma_wait3A_187 = arith.constant 0 : i32
    %dma_wait3A_188 = tpu.memref_slice %arg4[%dma_wait3A_187] : memref<33554432xf32, #tpu.memory_space<hbm>> -> memref<2048xf32, #tpu.memory_space<hbm>>
    tpu.wait_dma2 semaphore(%arg14 : memref<!tpu.dma_semaphore, #tpu.memory_space<semaphore_mem>>) src(%dma_wait3A_188 : memref<2048xf32, #tpu.memory_space<hbm>>) dst(%dma_wait3A_186 : memref<2048xf32, #tpu.memory_space<vmem>>)
    %dma_wait3A_189 = arith.constant 10240 : i32
    %dma_wait3A_190 = tpu.memref_slice %arg8[%dma_wait3A_189] : memref<16384xf32, #tpu.memory_space<vmem>> -> memref<2048xf32, #tpu.memory_space<vmem>>
    %dma_wait3A_191 = arith.constant 0 : i32
    %dma_wait3A_192 = tpu.memref_slice %arg4[%dma_wait3A_191] : memref<33554432xf32, #tpu.memory_space<hbm>> -> memref<2048xf32, #tpu.memory_space<hbm>>
    %dma_wait3A_193 = arith.constant 10240 : i32
    %dma_wait3A_194 = tpu.memref_slice %arg8[%dma_wait3A_193] : memref<16384xf32, #tpu.memory_space<vmem>> -> memref<2048xf32, #tpu.memory_space<vmem>>
    %dma_wait3A_195 = arith.constant 0 : i32
    %dma_wait3A_196 = tpu.memref_slice %arg4[%dma_wait3A_195] : memref<33554432xf32, #tpu.memory_space<hbm>> -> memref<2048xf32, #tpu.memory_space<hbm>>
    tpu.wait_dma2 semaphore(%arg14 : memref<!tpu.dma_semaphore, #tpu.memory_space<semaphore_mem>>) src(%dma_wait3A_196 : memref<2048xf32, #tpu.memory_space<hbm>>) dst(%dma_wait3A_194 : memref<2048xf32, #tpu.memory_space<vmem>>)
    %dma_wait3A_197 = arith.constant 12288 : i32
    %dma_wait3A_198 = tpu.memref_slice %arg8[%dma_wait3A_197] : memref<16384xf32, #tpu.memory_space<vmem>> -> memref<2048xf32, #tpu.memory_space<vmem>>
    %dma_wait3A_199 = arith.constant 0 : i32
    %dma_wait3A_200 = tpu.memref_slice %arg4[%dma_wait3A_199] : memref<33554432xf32, #tpu.memory_space<hbm>> -> memref<2048xf32, #tpu.memory_space<hbm>>
    %dma_wait3A_201 = arith.constant 12288 : i32
    %dma_wait3A_202 = tpu.memref_slice %arg8[%dma_wait3A_201] : memref<16384xf32, #tpu.memory_space<vmem>> -> memref<2048xf32, #tpu.memory_space<vmem>>
    %dma_wait3A_203 = arith.constant 0 : i32
    %dma_wait3A_204 = tpu.memref_slice %arg4[%dma_wait3A_203] : memref<33554432xf32, #tpu.memory_space<hbm>> -> memref<2048xf32, #tpu.memory_space<hbm>>
    tpu.wait_dma2 semaphore(%arg14 : memref<!tpu.dma_semaphore, #tpu.memory_space<semaphore_mem>>) src(%dma_wait3A_204 : memref<2048xf32, #tpu.memory_space<hbm>>) dst(%dma_wait3A_202 : memref<2048xf32, #tpu.memory_space<vmem>>)
    %dma_wait3A_205 = arith.constant 14336 : i32
    %dma_wait3A_206 = tpu.memref_slice %arg8[%dma_wait3A_205] : memref<16384xf32, #tpu.memory_space<vmem>> -> memref<2048xf32, #tpu.memory_space<vmem>>
    %dma_wait3A_207 = arith.constant 0 : i32
    %dma_wait3A_208 = tpu.memref_slice %arg4[%dma_wait3A_207] : memref<33554432xf32, #tpu.memory_space<hbm>> -> memref<2048xf32, #tpu.memory_space<hbm>>
    %dma_wait3A_209 = arith.constant 14336 : i32
    %dma_wait3A_210 = tpu.memref_slice %arg8[%dma_wait3A_209] : memref<16384xf32, #tpu.memory_space<vmem>> -> memref<2048xf32, #tpu.memory_space<vmem>>
    %dma_wait3A_211 = arith.constant 0 : i32
    %dma_wait3A_212 = tpu.memref_slice %arg4[%dma_wait3A_211] : memref<33554432xf32, #tpu.memory_space<hbm>> -> memref<2048xf32, #tpu.memory_space<hbm>>
    tpu.wait_dma2 semaphore(%arg14 : memref<!tpu.dma_semaphore, #tpu.memory_space<semaphore_mem>>) src(%dma_wait3A_212 : memref<2048xf32, #tpu.memory_space<hbm>>) dst(%dma_wait3A_210 : memref<2048xf32, #tpu.memory_space<vmem>>)
    %dma_start3A_213 = arith.constant 0 : i32
    %dma_start3A_214 = tpu.memref_slice %arg2[%dma_start3A_213] : memref<4194304xf32, #tpu.memory_space<hbm>> -> memref<4194304xf32, #tpu.memory_space<hbm>>
    tpu.enqueue_indirect_dma source(%dma_start3A_214 : memref<4194304xf32, #tpu.memory_space<hbm>>) target(%arg10 : memref<16384xf32, #tpu.memory_space<vmem>>) offsets(%arg6 : memref<16384xi32, #tpu.memory_space<vmem>>) semaphore(%arg16 : memref<!tpu.dma_semaphore, #tpu.memory_space<semaphore_mem>>)
    %scan3A = arith.constant 0 : i32
    %scan3A_215 = arith.constant 0 : i32
    %scan3A_216 = arith.constant 32 : i32
    %scan3A_217 = arith.addi %scan3A_215, %scan3A_216 : i32
    %scan3A_218 = arith.constant 1 : i32
    scf.for %scan3A_234 = %scan3A_215 to %scan3A_217 step %scan3A_218  : i32 {
      %mul3A_235 = arith.constant 2 : i32
      %mul3A_236 = arith.muli %scan3A_234, %mul3A_235 : i32
      %add3A_237 = arith.constant 0 : i32
      %add3A_238 = arith.addi %mul3A_236, %add3A_237 : i32
      %add3A_239 = arith.constant 1 : i32
      %add3A_240 = arith.addi %add3A_238, %add3A_239 : i32
      %lt3A = arith.constant 64 : i32
      %lt3A_241 = arith.cmpi slt, %add3A_240, %lt3A : i32
      %convert_element_type3A = arith.extui %lt3A_241 : i1 to i32
      %cond3A = arith.constant 0 : i32
      %cond3A_242 = arith.cmpi ne, %convert_element_type3A, %cond3A : i32
      scf.if %cond3A_242 {
        %dma_wait3A_325 = arith.constant 0 : i32
        %dma_wait3A_326 = tpu.memref_slice %arg3[%dma_wait3A_325] : memref<33554432xi32, #tpu.memory_space<hbm>> -> memref<16384xi32, #tpu.memory_space<hbm>>
        %dma_wait3A_327 = arith.constant 0 : i32
        %dma_wait3A_328 = tpu.memref_slice %arg3[%dma_wait3A_327] : memref<33554432xi32, #tpu.memory_space<hbm>> -> memref<16384xi32, #tpu.memory_space<hbm>>
        tpu.wait_dma2 semaphore(%arg15 : memref<!tpu.dma_semaphore, #tpu.memory_space<semaphore_mem>>) src(%dma_wait3A_328 : memref<16384xi32, #tpu.memory_space<hbm>>) dst(%arg7 : memref<16384xi32, #tpu.memory_space<vmem>>)
        %dma_wait3A_329 = arith.constant 0 : i32
        %dma_wait3A_330 = tpu.memref_slice %arg9[%dma_wait3A_329] : memref<16384xf32, #tpu.memory_space<vmem>> -> memref<2048xf32, #tpu.memory_space<vmem>>
        %dma_wait3A_331 = arith.constant 0 : i32
        %dma_wait3A_332 = tpu.memref_slice %arg4[%dma_wait3A_331] : memref<33554432xf32, #tpu.memory_space<hbm>> -> memref<2048xf32, #tpu.memory_space<hbm>>
        %dma_wait3A_333 = arith.constant 0 : i32
        %dma_wait3A_334 = tpu.memref_slice %arg9[%dma_wait3A_333] : memref<16384xf32, #tpu.memory_space<vmem>> -> memref<2048xf32, #tpu.memory_space<vmem>>
        %dma_wait3A_335 = arith.constant 0 : i32
        %dma_wait3A_336 = tpu.memref_slice %arg4[%dma_wait3A_335] : memref<33554432xf32, #tpu.memory_space<hbm>> -> memref<2048xf32, #tpu.memory_space<hbm>>
        tpu.wait_dma2 semaphore(%arg15 : memref<!tpu.dma_semaphore, #tpu.memory_space<semaphore_mem>>) src(%dma_wait3A_336 : memref<2048xf32, #tpu.memory_space<hbm>>) dst(%dma_wait3A_334 : memref<2048xf32, #tpu.memory_space<vmem>>)
        %dma_wait3A_337 = arith.constant 2048 : i32
        %dma_wait3A_338 = tpu.memref_slice %arg9[%dma_wait3A_337] : memref<16384xf32, #tpu.memory_space<vmem>> -> memref<2048xf32, #tpu.memory_space<vmem>>
        %dma_wait3A_339 = arith.constant 0 : i32
        %dma_wait3A_340 = tpu.memref_slice %arg4[%dma_wait3A_339] : memref<33554432xf32, #tpu.memory_space<hbm>> -> memref<2048xf32, #tpu.memory_space<hbm>>
        %dma_wait3A_341 = arith.constant 2048 : i32
        %dma_wait3A_342 = tpu.memref_slice %arg9[%dma_wait3A_341] : memref<16384xf32, #tpu.memory_space<vmem>> -> memref<2048xf32, #tpu.memory_space<vmem>>
        %dma_wait3A_343 = arith.constant 0 : i32
        %dma_wait3A_344 = tpu.memref_slice %arg4[%dma_wait3A_343] : memref<33554432xf32, #tpu.memory_space<hbm>> -> memref<2048xf32, #tpu.memory_space<hbm>>
        tpu.wait_dma2 semaphore(%arg15 : memref<!tpu.dma_semaphore, #tpu.memory_space<semaphore_mem>>) src(%dma_wait3A_344 : memref<2048xf32, #tpu.memory_space<hbm>>) dst(%dma_wait3A_342 : memref<2048xf32, #tpu.memory_space<vmem>>)
        %dma_wait3A_345 = arith.constant 4096 : i32
        %dma_wait3A_346 = tpu.memref_slice %arg9[%dma_wait3A_345] : memref<16384xf32, #tpu.memory_space<vmem>> -> memref<2048xf32, #tpu.memory_space<vmem>>
        %dma_wait3A_347 = arith.constant 0 : i32
        %dma_wait3A_348 = tpu.memref_slice %arg4[%dma_wait3A_347] : memref<33554432xf32, #tpu.memory_space<hbm>> -> memref<2048xf32, #tpu.memory_space<hbm>>
        %dma_wait3A_349 = arith.constant 4096 : i32
        %dma_wait3A_350 = tpu.memref_slice %arg9[%dma_wait3A_349] : memref<16384xf32, #tpu.memory_space<vmem>> -> memref<2048xf32, #tpu.memory_space<vmem>>
        %dma_wait3A_351 = arith.constant 0 : i32
        %dma_wait3A_352 = tpu.memref_slice %arg4[%dma_wait3A_351] : memref<33554432xf32, #tpu.memory_space<hbm>> -> memref<2048xf32, #tpu.memory_space<hbm>>
        tpu.wait_dma2 semaphore(%arg15 : memref<!tpu.dma_semaphore, #tpu.memory_space<semaphore_mem>>) src(%dma_wait3A_352 : memref<2048xf32, #tpu.memory_space<hbm>>) dst(%dma_wait3A_350 : memref<2048xf32, #tpu.memory_space<vmem>>)
        %dma_wait3A_353 = arith.constant 6144 : i32
        %dma_wait3A_354 = tpu.memref_slice %arg9[%dma_wait3A_353] : memref<16384xf32, #tpu.memory_space<vmem>> -> memref<2048xf32, #tpu.memory_space<vmem>>
        %dma_wait3A_355 = arith.constant 0 : i32
        %dma_wait3A_356 = tpu.memref_slice %arg4[%dma_wait3A_355] : memref<33554432xf32, #tpu.memory_space<hbm>> -> memref<2048xf32, #tpu.memory_space<hbm>>
        %dma_wait3A_357 = arith.constant 6144 : i32
        %dma_wait3A_358 = tpu.memref_slice %arg9[%dma_wait3A_357] : memref<16384xf32, #tpu.memory_space<vmem>> -> memref<2048xf32, #tpu.memory_space<vmem>>
        %dma_wait3A_359 = arith.constant 0 : i32
        %dma_wait3A_360 = tpu.memref_slice %arg4[%dma_wait3A_359] : memref<33554432xf32, #tpu.memory_space<hbm>> -> memref<2048xf32, #tpu.memory_space<hbm>>
        tpu.wait_dma2 semaphore(%arg15 : memref<!tpu.dma_semaphore, #tpu.memory_space<semaphore_mem>>) src(%dma_wait3A_360 : memref<2048xf32, #tpu.memory_space<hbm>>) dst(%dma_wait3A_358 : memref<2048xf32, #tpu.memory_space<vmem>>)
        %dma_wait3A_361 = arith.constant 8192 : i32
        %dma_wait3A_362 = tpu.memref_slice %arg9[%dma_wait3A_361] : memref<16384xf32, #tpu.memory_space<vmem>> -> memref<2048xf32, #tpu.memory_space<vmem>>
        %dma_wait3A_363 = arith.constant 0 : i32
        %dma_wait3A_364 = tpu.memref_slice %arg4[%dma_wait3A_363] : memref<33554432xf32, #tpu.memory_space<hbm>> -> memref<2048xf32, #tpu.memory_space<hbm>>
        %dma_wait3A_365 = arith.constant 8192 : i32
        %dma_wait3A_366 = tpu.memref_slice %arg9[%dma_wait3A_365] : memref<16384xf32, #tpu.memory_space<vmem>> -> memref<2048xf32, #tpu.memory_space<vmem>>
        %dma_wait3A_367 = arith.constant 0 : i32
        %dma_wait3A_368 = tpu.memref_slice %arg4[%dma_wait3A_367] : memref<33554432xf32, #tpu.memory_space<hbm>> -> memref<2048xf32, #tpu.memory_space<hbm>>
        tpu.wait_dma2 semaphore(%arg15 : memref<!tpu.dma_semaphore, #tpu.memory_space<semaphore_mem>>) src(%dma_wait3A_368 : memref<2048xf32, #tpu.memory_space<hbm>>) dst(%dma_wait3A_366 : memref<2048xf32, #tpu.memory_space<vmem>>)
        %dma_wait3A_369 = arith.constant 10240 : i32
        %dma_wait3A_370 = tpu.memref_slice %arg9[%dma_wait3A_369] : memref<16384xf32, #tpu.memory_space<vmem>> -> memref<2048xf32, #tpu.memory_space<vmem>>
        %dma_wait3A_371 = arith.constant 0 : i32
        %dma_wait3A_372 = tpu.memref_slice %arg4[%dma_wait3A_371] : memref<33554432xf32, #tpu.memory_space<hbm>> -> memref<2048xf32, #tpu.memory_space<hbm>>
        %dma_wait3A_373 = arith.constant 10240 : i32
        %dma_wait3A_374 = tpu.memref_slice %arg9[%dma_wait3A_373] : memref<16384xf32, #tpu.memory_space<vmem>> -> memref<2048xf32, #tpu.memory_space<vmem>>
        %dma_wait3A_375 = arith.constant 0 : i32
        %dma_wait3A_376 = tpu.memref_slice %arg4[%dma_wait3A_375] : memref<33554432xf32, #tpu.memory_space<hbm>> -> memref<2048xf32, #tpu.memory_space<hbm>>
        tpu.wait_dma2 semaphore(%arg15 : memref<!tpu.dma_semaphore, #tpu.memory_space<semaphore_mem>>) src(%dma_wait3A_376 : memref<2048xf32, #tpu.memory_space<hbm>>) dst(%dma_wait3A_374 : memref<2048xf32, #tpu.memory_space<vmem>>)
        %dma_wait3A_377 = arith.constant 12288 : i32
        %dma_wait3A_378 = tpu.memref_slice %arg9[%dma_wait3A_377] : memref<16384xf32, #tpu.memory_space<vmem>> -> memref<2048xf32, #tpu.memory_space<vmem>>
        %dma_wait3A_379 = arith.constant 0 : i32
        %dma_wait3A_380 = tpu.memref_slice %arg4[%dma_wait3A_379] : memref<33554432xf32, #tpu.memory_space<hbm>> -> memref<2048xf32, #tpu.memory_space<hbm>>
        %dma_wait3A_381 = arith.constant 12288 : i32
        %dma_wait3A_382 = tpu.memref_slice %arg9[%dma_wait3A_381] : memref<16384xf32, #tpu.memory_space<vmem>> -> memref<2048xf32, #tpu.memory_space<vmem>>
        %dma_wait3A_383 = arith.constant 0 : i32
        %dma_wait3A_384 = tpu.memref_slice %arg4[%dma_wait3A_383] : memref<33554432xf32, #tpu.memory_space<hbm>> -> memref<2048xf32, #tpu.memory_space<hbm>>
        tpu.wait_dma2 semaphore(%arg15 : memref<!tpu.dma_semaphore, #tpu.memory_space<semaphore_mem>>) src(%dma_wait3A_384 : memref<2048xf32, #tpu.memory_space<hbm>>) dst(%dma_wait3A_382 : memref<2048xf32, #tpu.memory_space<vmem>>)
        %dma_wait3A_385 = arith.constant 14336 : i32
        %dma_wait3A_386 = tpu.memref_slice %arg9[%dma_wait3A_385] : memref<16384xf32, #tpu.memory_space<vmem>> -> memref<2048xf32, #tpu.memory_space<vmem>>
        %dma_wait3A_387 = arith.constant 0 : i32
        %dma_wait3A_388 = tpu.memref_slice %arg4[%dma_wait3A_387] : memref<33554432xf32, #tpu.memory_space<hbm>> -> memref<2048xf32, #tpu.memory_space<hbm>>
        %dma_wait3A_389 = arith.constant 14336 : i32
        %dma_wait3A_390 = tpu.memref_slice %arg9[%dma_wait3A_389] : memref<16384xf32, #tpu.memory_space<vmem>> -> memref<2048xf32, #tpu.memory_space<vmem>>
        %dma_wait3A_391 = arith.constant 0 : i32
        %dma_wait3A_392 = tpu.memref_slice %arg4[%dma_wait3A_391] : memref<33554432xf32, #tpu.memory_space<hbm>> -> memref<2048xf32, #tpu.memory_space<hbm>>
        tpu.wait_dma2 semaphore(%arg15 : memref<!tpu.dma_semaphore, #tpu.memory_space<semaphore_mem>>) src(%dma_wait3A_392 : memref<2048xf32, #tpu.memory_space<hbm>>) dst(%dma_wait3A_390 : memref<2048xf32, #tpu.memory_space<vmem>>)
        %dma_start3A_393 = arith.constant 0 : i32
        %dma_start3A_394 = tpu.memref_slice %arg2[%dma_start3A_393] : memref<4194304xf32, #tpu.memory_space<hbm>> -> memref<4194304xf32, #tpu.memory_space<hbm>>
        tpu.enqueue_indirect_dma source(%dma_start3A_394 : memref<4194304xf32, #tpu.memory_space<hbm>>) target(%arg11 : memref<16384xf32, #tpu.memory_space<vmem>>) offsets(%arg7 : memref<16384xi32, #tpu.memory_space<vmem>>) semaphore(%arg17 : memref<!tpu.dma_semaphore, #tpu.memory_space<semaphore_mem>>)
      } else {
      }
      %dma_wait3A_243 = arith.constant 0 : i32
      %dma_wait3A_244 = tpu.memref_slice %arg2[%dma_wait3A_243] : memref<4194304xf32, #tpu.memory_space<hbm>> -> memref<4194304xf32, #tpu.memory_space<hbm>>
      tpu.wait_indirect_dma semaphore(%arg16 : memref<!tpu.dma_semaphore, #tpu.memory_space<semaphore_mem>>) src(%dma_wait3A_244 : memref<4194304xf32, #tpu.memory_space<hbm>>) dst(%arg10 : memref<16384xf32, #tpu.memory_space<vmem>>)
      %add3A_245 = arith.constant 2 : i32
      %add3A_246 = arith.addi %add3A_238, %add3A_245 : i32
      %lt3A_247 = arith.constant 64 : i32
      %lt3A_248 = arith.cmpi slt, %add3A_246, %lt3A_247 : i32
      %convert_element_type3A_249 = arith.extui %lt3A_248 : i1 to i32
      %cond3A_250 = arith.constant 0 : i32
      %cond3A_251 = arith.cmpi ne, %convert_element_type3A_249, %cond3A_250 : i32
      scf.if %cond3A_251 {
        %add3A_325 = arith.constant 2 : i32
        %add3A_326 = arith.addi %add3A_238, %add3A_325 : i32
        %mul3A_327 = arith.constant 2048 : i32
        %mul3A_328 = arith.muli %add3A_326, %mul3A_327 : i32
        %add3A_329 = arith.addi %mul3A_2, %mul3A_328 : i32
        %mul3A_330 = arith.constant 8 : i32
        %mul3A_331 = arith.muli %add3A_329, %mul3A_330 : i32
        %dma_start3A_332 = tpu.memref_slice %arg3[%mul3A_331] : memref<33554432xi32, #tpu.memory_space<hbm>> -> memref<16384xi32, #tpu.memory_space<hbm>>
        %dma_start3A_333 = tpu.memref_slice %arg3[%mul3A_331] : memref<33554432xi32, #tpu.memory_space<hbm>> -> memref<16384xi32, #tpu.memory_space<hbm>>
        tpu.enqueue_dma source(%dma_start3A_333 : memref<16384xi32, #tpu.memory_space<hbm>>) target(%arg6 : memref<16384xi32, #tpu.memory_space<vmem>>) target_semaphore(%arg14 : memref<!tpu.dma_semaphore, #tpu.memory_space<semaphore_mem>>)
      } else {
      }
      %ge3A = arith.constant 2 : i32
      %ge3A_252 = arith.cmpi sge, %add3A_238, %ge3A : i32
      %convert_element_type3A_253 = arith.extui %ge3A_252 : i1 to i32
      %cond3A_254 = arith.constant 0 : i32
      %cond3A_255 = arith.cmpi ne, %convert_element_type3A_253, %cond3A_254 : i32
      scf.if %cond3A_255 {
        %dma_wait3A_325 = arith.constant 0 : i32
        %dma_wait3A_326 = arith.constant 0 : i32
        %dma_wait3A_327 = tpu.memref_slice %arg5[%dma_wait3A_325, %dma_wait3A_326] : memref<2048x2048xf32, #tpu.memory_space<hbm>> -> memref<1x2048xf32, #tpu.memory_space<hbm>>
        %dma_wait3A_328 = tpu.memref_squeeze %dma_wait3A_327 : memref<1x2048xf32, #tpu.memory_space<hbm>> -> memref<2048xf32, #tpu.memory_space<hbm>>
        %dma_wait3A_329 = arith.constant 0 : i32
        %dma_wait3A_330 = tpu.memref_slice %arg5[%dma_wait3A_325, %dma_wait3A_329] : memref<2048x2048xf32, #tpu.memory_space<hbm>> -> memref<1x2048xf32, #tpu.memory_space<hbm>>
        %dma_wait3A_331 = tpu.memref_squeeze %dma_wait3A_330 : memref<1x2048xf32, #tpu.memory_space<hbm>> -> memref<2048xf32, #tpu.memory_space<hbm>>
        tpu.wait_dma2 semaphore(%arg18 : memref<!tpu.dma_semaphore, #tpu.memory_space<semaphore_mem>>) src(%arg12 : memref<2048xf32, #tpu.memory_space<vmem>>) dst(%dma_wait3A_331 : memref<2048xf32, #tpu.memory_space<hbm>>)
      } else {
      }
      %scan3A_256 = arith.constant 0 : i32
      %scan3A_257 = arith.constant 0 : i32
      %scan3A_258 = arith.constant 16 : i32
      %scan3A_259 = arith.addi %scan3A_257, %scan3A_258 : i32
      %scan3A_260 = arith.constant 1 : i32
      scf.for %scan3A_325 = %scan3A_257 to %scan3A_259 step %scan3A_260  : i32 {
        %mul3A_326 = arith.constant 1024 : i32
        %mul3A_327 = arith.muli %scan3A_325, %mul3A_326 : i32
        %broadcast_in_dim3A = arith.constant 0.000000e+00 : f32
        %broadcast_in_dim3A_328 = vector.broadcast %broadcast_in_dim3A : f32 to vector<16xf32>
        %add3A_329 = arith.constant 0 : i32
        %add3A_330 = arith.addi %mul3A_327, %add3A_329 : i32
        %add3A_331 = arith.constant 0 : i32
        %add3A_332 = arith.addi %add3A_330, %add3A_331 : i32
        %get3A = arith.index_cast %add3A_332 : i32 to index
        %get3A_333 = tpu.vector_load %arg10[%get3A] {strides = array<i32>} : memref<16384xf32, #tpu.memory_space<vmem>>, vector<16xf32>,
        %get3A_334 = vector.shape_cast %get3A_333 : vector<16xf32> to vector<16xf32>
        %mul3A_335 = arith.constant 128 : i32
        %mul3A_336 = arith.muli %scan3A_325, %mul3A_335 : i32
        %add3A_337 = arith.constant 0 : i32
        %add3A_338 = arith.addi %add3A_337, %mul3A_336 : i32
        %add3A_339 = arith.constant 0 : i32
        %add3A_340 = arith.addi %add3A_338, %add3A_339 : i32
        %get3A_341 = arith.index_cast %add3A_340 : i32 to index
        %get3A_342 = tpu.vector_load %arg8[%get3A_341] {strides = array<i32>} : memref<16384xf32, #tpu.memory_space<vmem>>, vector<16xf32>,
        %get3A_343 = vector.shape_cast %get3A_342 : vector<16xf32> to vector<16xf32>
        %mul3A_344 = arith.mulf %get3A_334, %get3A_343 : vector<16xf32>
        %add3A_345 = arith.addf %broadcast_in_dim3A_328, %mul3A_344 : vector<16xf32>
        %add3A_346 = arith.constant 128 : i32
        %add3A_347 = arith.addi %mul3A_327, %add3A_346 : i32
        %add3A_348 = arith.constant 0 : i32
        %add3A_349 = arith.addi %add3A_347, %add3A_348 : i32
        %get3A_350 = arith.index_cast %add3A_349 : i32 to index
        %get3A_351 = tpu.vector_load %arg10[%get3A_350] {strides = array<i32>} : memref<16384xf32, #tpu.memory_space<vmem>>, vector<16xf32>,
        %get3A_352 = vector.shape_cast %get3A_351 : vector<16xf32> to vector<16xf32>
        %mul3A_353 = arith.constant 128 : i32
        %mul3A_354 = arith.muli %scan3A_325, %mul3A_353 : i32
        %add3A_355 = arith.constant 2048 : i32
        %add3A_356 = arith.addi %add3A_355, %mul3A_354 : i32
        %add3A_357 = arith.constant 0 : i32
        %add3A_358 = arith.addi %add3A_356, %add3A_357 : i32
        %get3A_359 = arith.index_cast %add3A_358 : i32 to index
        %get3A_360 = tpu.vector_load %arg8[%get3A_359] {strides = array<i32>} : memref<16384xf32, #tpu.memory_space<vmem>>, vector<16xf32>,
        %get3A_361 = vector.shape_cast %get3A_360 : vector<16xf32> to vector<16xf32>
        %mul3A_362 = arith.mulf %get3A_352, %get3A_361 : vector<16xf32>
        %add3A_363 = arith.addf %add3A_345, %mul3A_362 : vector<16xf32>
        %add3A_364 = arith.constant 256 : i32
        %add3A_365 = arith.addi %mul3A_327, %add3A_364 : i32
        %add3A_366 = arith.constant 0 : i32
        %add3A_367 = arith.addi %add3A_365, %add3A_366 : i32
        %get3A_368 = arith.index_cast %add3A_367 : i32 to index
        %get3A_369 = tpu.vector_load %arg10[%get3A_368] {strides = array<i32>} : memref<16384xf32, #tpu.memory_space<vmem>>, vector<16xf32>,
        %get3A_370 = vector.shape_cast %get3A_369 : vector<16xf32> to vector<16xf32>
        %mul3A_371 = arith.constant 128 : i32
        %mul3A_372 = arith.muli %scan3A_325, %mul3A_371 : i32
        %add3A_373 = arith.constant 4096 : i32
        %add3A_374 = arith.addi %add3A_373, %mul3A_372 : i32
        %add3A_375 = arith.constant 0 : i32
        %add3A_376 = arith.addi %add3A_374, %add3A_375 : i32
        %get3A_377 = arith.index_cast %add3A_376 : i32 to index
        %get3A_378 = tpu.vector_load %arg8[%get3A_377] {strides = array<i32>} : memref<16384xf32, #tpu.memory_space<vmem>>, vector<16xf32>,
        %get3A_379 = vector.shape_cast %get3A_378 : vector<16xf32> to vector<16xf32>
        %mul3A_380 = arith.mulf %get3A_370, %get3A_379 : vector<16xf32>
        %add3A_381 = arith.addf %add3A_363, %mul3A_380 : vector<16xf32>
        %add3A_382 = arith.constant 384 : i32
        %add3A_383 = arith.addi %mul3A_327, %add3A_382 : i32
        %add3A_384 = arith.constant 0 : i32
        %add3A_385 = arith.addi %add3A_383, %add3A_384 : i32
        %get3A_386 = arith.index_cast %add3A_385 : i32 to index
        %get3A_387 = tpu.vector_load %arg10[%get3A_386] {strides = array<i32>} : memref<16384xf32, #tpu.memory_space<vmem>>, vector<16xf32>,
        %get3A_388 = vector.shape_cast %get3A_387 : vector<16xf32> to vector<16xf32>
        %mul3A_389 = arith.constant 128 : i32
        %mul3A_390 = arith.muli %scan3A_325, %mul3A_389 : i32
        %add3A_391 = arith.constant 6144 : i32
        %add3A_392 = arith.addi %add3A_391, %mul3A_390 : i32
        %add3A_393 = arith.constant 0 : i32
        %add3A_394 = arith.addi %add3A_392, %add3A_393 : i32
        %get3A_395 = arith.index_cast %add3A_394 : i32 to index
        %get3A_396 = tpu.vector_load %arg8[%get3A_395] {strides = array<i32>} : memref<16384xf32, #tpu.memory_space<vmem>>, vector<16xf32>,
        %get3A_397 = vector.shape_cast %get3A_396 : vector<16xf32> to vector<16xf32>
        %mul3A_398 = arith.mulf %get3A_388, %get3A_397 : vector<16xf32>
        %add3A_399 = arith.addf %add3A_381, %mul3A_398 : vector<16xf32>
        %add3A_400 = arith.constant 512 : i32
        %add3A_401 = arith.addi %mul3A_327, %add3A_400 : i32
        %add3A_402 = arith.constant 0 : i32
        %add3A_403 = arith.addi %add3A_401, %add3A_402 : i32
        %get3A_404 = arith.index_cast %add3A_403 : i32 to index
        %get3A_405 = tpu.vector_load %arg10[%get3A_404] {strides = array<i32>} : memref<16384xf32, #tpu.memory_space<vmem>>, vector<16xf32>,
        %get3A_406 = vector.shape_cast %get3A_405 : vector<16xf32> to vector<16xf32>
        %mul3A_407 = arith.constant 128 : i32
        %mul3A_408 = arith.muli %scan3A_325, %mul3A_407 : i32
        %add3A_409 = arith.constant 8192 : i32
        %add3A_410 = arith.addi %add3A_409, %mul3A_408 : i32
        %add3A_411 = arith.constant 0 : i32
        %add3A_412 = arith.addi %add3A_410, %add3A_411 : i32
        %get3A_413 = arith.index_cast %add3A_412 : i32 to index
        %get3A_414 = tpu.vector_load %arg8[%get3A_413] {strides = array<i32>} : memref<16384xf32, #tpu.memory_space<vmem>>, vector<16xf32>,
        %get3A_415 = vector.shape_cast %get3A_414 : vector<16xf32> to vector<16xf32>
        %mul3A_416 = arith.mulf %get3A_406, %get3A_415 : vector<16xf32>
        %add3A_417 = arith.addf %add3A_399, %mul3A_416 : vector<16xf32>
        %add3A_418 = arith.constant 640 : i32
        %add3A_419 = arith.addi %mul3A_327, %add3A_418 : i32
        %add3A_420 = arith.constant 0 : i32
        %add3A_421 = arith.addi %add3A_419, %add3A_420 : i32
        %get3A_422 = arith.index_cast %add3A_421 : i32 to index
        %get3A_423 = tpu.vector_load %arg10[%get3A_422] {strides = array<i32>} : memref<16384xf32, #tpu.memory_space<vmem>>, vector<16xf32>,
        %get3A_424 = vector.shape_cast %get3A_423 : vector<16xf32> to vector<16xf32>
        %mul3A_425 = arith.constant 128 : i32
        %mul3A_426 = arith.muli %scan3A_325, %mul3A_425 : i32
        %add3A_427 = arith.constant 10240 : i32
        %add3A_428 = arith.addi %add3A_427, %mul3A_426 : i32
        %add3A_429 = arith.constant 0 : i32
        %add3A_430 = arith.addi %add3A_428, %add3A_429 : i32
        %get3A_431 = arith.index_cast %add3A_430 : i32 to index
        %get3A_432 = tpu.vector_load %arg8[%get3A_431] {strides = array<i32>} : memref<16384xf32, #tpu.memory_space<vmem>>, vector<16xf32>,
        %get3A_433 = vector.shape_cast %get3A_432 : vector<16xf32> to vector<16xf32>
        %mul3A_434 = arith.mulf %get3A_424, %get3A_433 : vector<16xf32>
        %add3A_435 = arith.addf %add3A_417, %mul3A_434 : vector<16xf32>
        %add3A_436 = arith.constant 768 : i32
        %add3A_437 = arith.addi %mul3A_327, %add3A_436 : i32
        %add3A_438 = arith.constant 0 : i32
        %add3A_439 = arith.addi %add3A_437, %add3A_438 : i32
        %get3A_440 = arith.index_cast %add3A_439 : i32 to index
        %get3A_441 = tpu.vector_load %arg10[%get3A_440] {strides = array<i32>} : memref<16384xf32, #tpu.memory_space<vmem>>, vector<16xf32>,
        %get3A_442 = vector.shape_cast %get3A_441 : vector<16xf32> to vector<16xf32>
        %mul3A_443 = arith.constant 128 : i32
        %mul3A_444 = arith.muli %scan3A_325, %mul3A_443 : i32
        %add3A_445 = arith.constant 12288 : i32
        %add3A_446 = arith.addi %add3A_445, %mul3A_444 : i32
        %add3A_447 = arith.constant 0 : i32
        %add3A_448 = arith.addi %add3A_446, %add3A_447 : i32
        %get3A_449 = arith.index_cast %add3A_448 : i32 to index
        %get3A_450 = tpu.vector_load %arg8[%get3A_449] {strides = array<i32>} : memref<16384xf32, #tpu.memory_space<vmem>>, vector<16xf32>,
        %get3A_451 = vector.shape_cast %get3A_450 : vector<16xf32> to vector<16xf32>
        %mul3A_452 = arith.mulf %get3A_442, %get3A_451 : vector<16xf32>
        %add3A_453 = arith.addf %add3A_435, %mul3A_452 : vector<16xf32>
        %add3A_454 = arith.constant 896 : i32
        %add3A_455 = arith.addi %mul3A_327, %add3A_454 : i32
        %add3A_456 = arith.constant 0 : i32
        %add3A_457 = arith.addi %add3A_455, %add3A_456 : i32
        %get3A_458 = arith.index_cast %add3A_457 : i32 to index
        %get3A_459 = tpu.vector_load %arg10[%get3A_458] {strides = array<i32>} : memref<16384xf32, #tpu.memory_space<vmem>>, vector<16xf32>,
        %get3A_460 = vector.shape_cast %get3A_459 : vector<16xf32> to vector<16xf32>
        %mul3A_461 = arith.constant 128 : i32
        %mul3A_462 = arith.muli %scan3A_325, %mul3A_461 : i32
        %add3A_463 = arith.constant 14336 : i32
        %add3A_464 = arith.addi %add3A_463, %mul3A_462 : i32
        %add3A_465 = arith.constant 0 : i32
        %add3A_466 = arith.addi %add3A_464, %add3A_465 : i32
        %get3A_467 = arith.index_cast %add3A_466 : i32 to index
        %get3A_468 = tpu.vector_load %arg8[%get3A_467] {strides = array<i32>} : memref<16384xf32, #tpu.memory_space<vmem>>, vector<16xf32>,
        %get3A_469 = vector.shape_cast %get3A_468 : vector<16xf32> to vector<16xf32>
        %mul3A_470 = arith.mulf %get3A_460, %get3A_469 : vector<16xf32>
        %add3A_471 = arith.addf %add3A_453, %mul3A_470 : vector<16xf32>
        %mul3A_472 = arith.constant 128 : i32
        %mul3A_473 = arith.muli %scan3A_325, %mul3A_472 : i32
        %add3A_474 = arith.constant 0 : i32
        %add3A_475 = arith.addi %mul3A_473, %add3A_474 : i32
        %swap3A = arith.index_cast %add3A_475 : i32 to index
        %swap3A_476 = tpu.vector_load %arg12[%swap3A] {strides = array<i32>} : memref<2048xf32, #tpu.memory_space<vmem>>, vector<16xf32>,
        %swap3A_477 = vector.shape_cast %swap3A_476 : vector<16xf32> to vector<16xf32>
        %swap3A_478 = vector.shape_cast %add3A_471 : vector<16xf32> to vector<16xf32>
        tpu.vector_store %arg12[%swap3A], %swap3A_478 {strides = array<i32>} : memref<2048xf32, #tpu.memory_space<vmem>>, vector<16xf32>,
        %broadcast_in_dim3A_479 = arith.constant 0.000000e+00 : f32
        %broadcast_in_dim3A_480 = vector.broadcast %broadcast_in_dim3A_479 : f32 to vector<16xf32>
        %add3A_481 = arith.constant 0 : i32
        %add3A_482 = arith.addi %mul3A_327, %add3A_481 : i32
        %add3A_483 = arith.constant 16 : i32
        %add3A_484 = arith.addi %add3A_482, %add3A_483 : i32
        %get3A_485 = arith.index_cast %add3A_484 : i32 to index
        %get3A_486 = tpu.vector_load %arg10[%get3A_485] {strides = array<i32>} : memref<16384xf32, #tpu.memory_space<vmem>>, vector<16xf32>,
        %get3A_487 = vector.shape_cast %get3A_486 : vector<16xf32> to vector<16xf32>
        %mul3A_488 = arith.constant 128 : i32
        %mul3A_489 = arith.muli %scan3A_325, %mul3A_488 : i32
        %add3A_490 = arith.constant 0 : i32
        %add3A_491 = arith.addi %add3A_490, %mul3A_489 : i32
        %add3A_492 = arith.constant 16 : i32
        %add3A_493 = arith.addi %add3A_491, %add3A_492 : i32
        %get3A_494 = arith.index_cast %add3A_493 : i32 to index
        %get3A_495 = tpu.vector_load %arg8[%get3A_494] {strides = array<i32>} : memref<16384xf32, #tpu.memory_space<vmem>>, vector<16xf32>,
        %get3A_496 = vector.shape_cast %get3A_495 : vector<16xf32> to vector<16xf32>
        %mul3A_497 = arith.mulf %get3A_487, %get3A_496 : vector<16xf32>
        %add3A_498 = arith.addf %broadcast_in_dim3A_480, %mul3A_497 : vector<16xf32>
        %add3A_499 = arith.constant 128 : i32
        %add3A_500 = arith.addi %mul3A_327, %add3A_499 : i32
        %add3A_501 = arith.constant 16 : i32
        %add3A_502 = arith.addi %add3A_500, %add3A_501 : i32
        %get3A_503 = arith.index_cast %add3A_502 : i32 to index
        %get3A_504 = tpu.vector_load %arg10[%get3A_503] {strides = array<i32>} : memref<16384xf32, #tpu.memory_space<vmem>>, vector<16xf32>,
        %get3A_505 = vector.shape_cast %get3A_504 : vector<16xf32> to vector<16xf32>
        %mul3A_506 = arith.constant 128 : i32
        %mul3A_507 = arith.muli %scan3A_325, %mul3A_506 : i32
        %add3A_508 = arith.constant 2048 : i32
        %add3A_509 = arith.addi %add3A_508, %mul3A_507 : i32
        %add3A_510 = arith.constant 16 : i32
        %add3A_511 = arith.addi %add3A_509, %add3A_510 : i32
        %get3A_512 = arith.index_cast %add3A_511 : i32 to index
        %get3A_513 = tpu.vector_load %arg8[%get3A_512] {strides = array<i32>} : memref<16384xf32, #tpu.memory_space<vmem>>, vector<16xf32>,
        %get3A_514 = vector.shape_cast %get3A_513 : vector<16xf32> to vector<16xf32>
        %mul3A_515 = arith.mulf %get3A_505, %get3A_514 : vector<16xf32>
        %add3A_516 = arith.addf %add3A_498, %mul3A_515 : vector<16xf32>
        %add3A_517 = arith.constant 256 : i32
        %add3A_518 = arith.addi %mul3A_327, %add3A_517 : i32
        %add3A_519 = arith.constant 16 : i32
        %add3A_520 = arith.addi %add3A_518, %add3A_519 : i32
        %get3A_521 = arith.index_cast %add3A_520 : i32 to index
        %get3A_522 = tpu.vector_load %arg10[%get3A_521] {strides = array<i32>} : memref<16384xf32, #tpu.memory_space<vmem>>, vector<16xf32>,
        %get3A_523 = vector.shape_cast %get3A_522 : vector<16xf32> to vector<16xf32>
        %mul3A_524 = arith.constant 128 : i32
        %mul3A_525 = arith.muli %scan3A_325, %mul3A_524 : i32
        %add3A_526 = arith.constant 4096 : i32
        %add3A_527 = arith.addi %add3A_526, %mul3A_525 : i32
        %add3A_528 = arith.constant 16 : i32
        %add3A_529 = arith.addi %add3A_527, %add3A_528 : i32
        %get3A_530 = arith.index_cast %add3A_529 : i32 to index
        %get3A_531 = tpu.vector_load %arg8[%get3A_530] {strides = array<i32>} : memref<16384xf32, #tpu.memory_space<vmem>>, vector<16xf32>,
        %get3A_532 = vector.shape_cast %get3A_531 : vector<16xf32> to vector<16xf32>
        %mul3A_533 = arith.mulf %get3A_523, %get3A_532 : vector<16xf32>
        %add3A_534 = arith.addf %add3A_516, %mul3A_533 : vector<16xf32>
        %add3A_535 = arith.constant 384 : i32
        %add3A_536 = arith.addi %mul3A_327, %add3A_535 : i32
        %add3A_537 = arith.constant 16 : i32
        %add3A_538 = arith.addi %add3A_536, %add3A_537 : i32
        %get3A_539 = arith.index_cast %add3A_538 : i32 to index
        %get3A_540 = tpu.vector_load %arg10[%get3A_539] {strides = array<i32>} : memref<16384xf32, #tpu.memory_space<vmem>>, vector<16xf32>,
        %get3A_541 = vector.shape_cast %get3A_540 : vector<16xf32> to vector<16xf32>
        %mul3A_542 = arith.constant 128 : i32
        %mul3A_543 = arith.muli %scan3A_325, %mul3A_542 : i32
        %add3A_544 = arith.constant 6144 : i32
        %add3A_545 = arith.addi %add3A_544, %mul3A_543 : i32
        %add3A_546 = arith.constant 16 : i32
        %add3A_547 = arith.addi %add3A_545, %add3A_546 : i32
        %get3A_548 = arith.index_cast %add3A_547 : i32 to index
        %get3A_549 = tpu.vector_load %arg8[%get3A_548] {strides = array<i32>} : memref<16384xf32, #tpu.memory_space<vmem>>, vector<16xf32>,
        %get3A_550 = vector.shape_cast %get3A_549 : vector<16xf32> to vector<16xf32>
        %mul3A_551 = arith.mulf %get3A_541, %get3A_550 : vector<16xf32>
        %add3A_552 = arith.addf %add3A_534, %mul3A_551 : vector<16xf32>
        %add3A_553 = arith.constant 512 : i32
        %add3A_554 = arith.addi %mul3A_327, %add3A_553 : i32
        %add3A_555 = arith.constant 16 : i32
        %add3A_556 = arith.addi %add3A_554, %add3A_555 : i32
        %get3A_557 = arith.index_cast %add3A_556 : i32 to index
        %get3A_558 = tpu.vector_load %arg10[%get3A_557] {strides = array<i32>} : memref<16384xf32, #tpu.memory_space<vmem>>, vector<16xf32>,
        %get3A_559 = vector.shape_cast %get3A_558 : vector<16xf32> to vector<16xf32>
        %mul3A_560 = arith.constant 128 : i32
        %mul3A_561 = arith.muli %scan3A_325, %mul3A_560 : i32
        %add3A_562 = arith.constant 8192 : i32
        %add3A_563 = arith.addi %add3A_562, %mul3A_561 : i32
        %add3A_564 = arith.constant 16 : i32
        %add3A_565 = arith.addi %add3A_563, %add3A_564 : i32
        %get3A_566 = arith.index_cast %add3A_565 : i32 to index
        %get3A_567 = tpu.vector_load %arg8[%get3A_566] {strides = array<i32>} : memref<16384xf32, #tpu.memory_space<vmem>>, vector<16xf32>,
        %get3A_568 = vector.shape_cast %get3A_567 : vector<16xf32> to vector<16xf32>
        %mul3A_569 = arith.mulf %get3A_559, %get3A_568 : vector<16xf32>
        %add3A_570 = arith.addf %add3A_552, %mul3A_569 : vector<16xf32>
        %add3A_571 = arith.constant 640 : i32
        %add3A_572 = arith.addi %mul3A_327, %add3A_571 : i32
        %add3A_573 = arith.constant 16 : i32
        %add3A_574 = arith.addi %add3A_572, %add3A_573 : i32
        %get3A_575 = arith.index_cast %add3A_574 : i32 to index
        %get3A_576 = tpu.vector_load %arg10[%get3A_575] {strides = array<i32>} : memref<16384xf32, #tpu.memory_space<vmem>>, vector<16xf32>,
        %get3A_577 = vector.shape_cast %get3A_576 : vector<16xf32> to vector<16xf32>
        %mul3A_578 = arith.constant 128 : i32
        %mul3A_579 = arith.muli %scan3A_325, %mul3A_578 : i32
        %add3A_580 = arith.constant 10240 : i32
        %add3A_581 = arith.addi %add3A_580, %mul3A_579 : i32
        %add3A_582 = arith.constant 16 : i32
        %add3A_583 = arith.addi %add3A_581, %add3A_582 : i32
        %get3A_584 = arith.index_cast %add3A_583 : i32 to index
        %get3A_585 = tpu.vector_load %arg8[%get3A_584] {strides = array<i32>} : memref<16384xf32, #tpu.memory_space<vmem>>, vector<16xf32>,
        %get3A_586 = vector.shape_cast %get3A_585 : vector<16xf32> to vector<16xf32>
        %mul3A_587 = arith.mulf %get3A_577, %get3A_586 : vector<16xf32>
        %add3A_588 = arith.addf %add3A_570, %mul3A_587 : vector<16xf32>
        %add3A_589 = arith.constant 768 : i32
        %add3A_590 = arith.addi %mul3A_327, %add3A_589 : i32
        %add3A_591 = arith.constant 16 : i32
        %add3A_592 = arith.addi %add3A_590, %add3A_591 : i32
        %get3A_593 = arith.index_cast %add3A_592 : i32 to index
        %get3A_594 = tpu.vector_load %arg10[%get3A_593] {strides = array<i32>} : memref<16384xf32, #tpu.memory_space<vmem>>, vector<16xf32>,
        %get3A_595 = vector.shape_cast %get3A_594 : vector<16xf32> to vector<16xf32>
        %mul3A_596 = arith.constant 128 : i32
        %mul3A_597 = arith.muli %scan3A_325, %mul3A_596 : i32
        %add3A_598 = arith.constant 12288 : i32
        %add3A_599 = arith.addi %add3A_598, %mul3A_597 : i32
        %add3A_600 = arith.constant 16 : i32
        %add3A_601 = arith.addi %add3A_599, %add3A_600 : i32
        %get3A_602 = arith.index_cast %add3A_601 : i32 to index
        %get3A_603 = tpu.vector_load %arg8[%get3A_602] {strides = array<i32>} : memref<16384xf32, #tpu.memory_space<vmem>>, vector<16xf32>,
        %get3A_604 = vector.shape_cast %get3A_603 : vector<16xf32> to vector<16xf32>
        %mul3A_605 = arith.mulf %get3A_595, %get3A_604 : vector<16xf32>
        %add3A_606 = arith.addf %add3A_588, %mul3A_605 : vector<16xf32>
        %add3A_607 = arith.constant 896 : i32
        %add3A_608 = arith.addi %mul3A_327, %add3A_607 : i32
        %add3A_609 = arith.constant 16 : i32
        %add3A_610 = arith.addi %add3A_608, %add3A_609 : i32
        %get3A_611 = arith.index_cast %add3A_610 : i32 to index
        %get3A_612 = tpu.vector_load %arg10[%get3A_611] {strides = array<i32>} : memref<16384xf32, #tpu.memory_space<vmem>>, vector<16xf32>,
        %get3A_613 = vector.shape_cast %get3A_612 : vector<16xf32> to vector<16xf32>
        %mul3A_614 = arith.constant 128 : i32
        %mul3A_615 = arith.muli %scan3A_325, %mul3A_614 : i32
        %add3A_616 = arith.constant 14336 : i32
        %add3A_617 = arith.addi %add3A_616, %mul3A_615 : i32
        %add3A_618 = arith.constant 16 : i32
        %add3A_619 = arith.addi %add3A_617, %add3A_618 : i32
        %get3A_620 = arith.index_cast %add3A_619 : i32 to index
        %get3A_621 = tpu.vector_load %arg8[%get3A_620] {strides = array<i32>} : memref<16384xf32, #tpu.memory_space<vmem>>, vector<16xf32>,
        %get3A_622 = vector.shape_cast %get3A_621 : vector<16xf32> to vector<16xf32>
        %mul3A_623 = arith.mulf %get3A_613, %get3A_622 : vector<16xf32>
        %add3A_624 = arith.addf %add3A_606, %mul3A_623 : vector<16xf32>
        %mul3A_625 = arith.constant 128 : i32
        %mul3A_626 = arith.muli %scan3A_325, %mul3A_625 : i32
        %add3A_627 = arith.constant 16 : i32
        %add3A_628 = arith.addi %mul3A_626, %add3A_627 : i32
        %swap3A_629 = arith.index_cast %add3A_628 : i32 to index
        %swap3A_630 = tpu.vector_load %arg12[%swap3A_629] {strides = array<i32>} : memref<2048xf32, #tpu.memory_space<vmem>>, vector<16xf32>,
        %swap3A_631 = vector.shape_cast %swap3A_630 : vector<16xf32> to vector<16xf32>
        %swap3A_632 = vector.shape_cast %add3A_624 : vector<16xf32> to vector<16xf32>
        tpu.vector_store %arg12[%swap3A_629], %swap3A_632 {strides = array<i32>} : memref<2048xf32, #tpu.memory_space<vmem>>, vector<16xf32>,
        %broadcast_in_dim3A_633 = arith.constant 0.000000e+00 : f32
        %broadcast_in_dim3A_634 = vector.broadcast %broadcast_in_dim3A_633 : f32 to vector<16xf32>
        %add3A_635 = arith.constant 0 : i32
        %add3A_636 = arith.addi %mul3A_327, %add3A_635 : i32
        %add3A_637 = arith.constant 32 : i32
        %add3A_638 = arith.addi %add3A_636, %add3A_637 : i32
        %get3A_639 = arith.index_cast %add3A_638 : i32 to index
        %get3A_640 = tpu.vector_load %arg10[%get3A_639] {strides = array<i32>} : memref<16384xf32, #tpu.memory_space<vmem>>, vector<16xf32>,
        %get3A_641 = vector.shape_cast %get3A_640 : vector<16xf32> to vector<16xf32>
        %mul3A_642 = arith.constant 128 : i32
        %mul3A_643 = arith.muli %scan3A_325, %mul3A_642 : i32
        %add3A_644 = arith.constant 0 : i32
        %add3A_645 = arith.addi %add3A_644, %mul3A_643 : i32
        %add3A_646 = arith.constant 32 : i32
        %add3A_647 = arith.addi %add3A_645, %add3A_646 : i32
        %get3A_648 = arith.index_cast %add3A_647 : i32 to index
        %get3A_649 = tpu.vector_load %arg8[%get3A_648] {strides = array<i32>} : memref<16384xf32, #tpu.memory_space<vmem>>, vector<16xf32>,
        %get3A_650 = vector.shape_cast %get3A_649 : vector<16xf32> to vector<16xf32>
        %mul3A_651 = arith.mulf %get3A_641, %get3A_650 : vector<16xf32>
        %add3A_652 = arith.addf %broadcast_in_dim3A_634, %mul3A_651 : vector<16xf32>
        %add3A_653 = arith.constant 128 : i32
        %add3A_654 = arith.addi %mul3A_327, %add3A_653 : i32
        %add3A_655 = arith.constant 32 : i32
        %add3A_656 = arith.addi %add3A_654, %add3A_655 : i32
        %get3A_657 = arith.index_cast %add3A_656 : i32 to index
        %get3A_658 = tpu.vector_load %arg10[%get3A_657] {strides = array<i32>} : memref<16384xf32, #tpu.memory_space<vmem>>, vector<16xf32>,
        %get3A_659 = vector.shape_cast %get3A_658 : vector<16xf32> to vector<16xf32>
        %mul3A_660 = arith.constant 128 : i32
        %mul3A_661 = arith.muli %scan3A_325, %mul3A_660 : i32
        %add3A_662 = arith.constant 2048 : i32
        %add3A_663 = arith.addi %add3A_662, %mul3A_661 : i32
        %add3A_664 = arith.constant 32 : i32
        %add3A_665 = arith.addi %add3A_663, %add3A_664 : i32
        %get3A_666 = arith.index_cast %add3A_665 : i32 to index
        %get3A_667 = tpu.vector_load %arg8[%get3A_666] {strides = array<i32>} : memref<16384xf32, #tpu.memory_space<vmem>>, vector<16xf32>,
        %get3A_668 = vector.shape_cast %get3A_667 : vector<16xf32> to vector<16xf32>
        %mul3A_669 = arith.mulf %get3A_659, %get3A_668 : vector<16xf32>
        %add3A_670 = arith.addf %add3A_652, %mul3A_669 : vector<16xf32>
        %add3A_671 = arith.constant 256 : i32
        %add3A_672 = arith.addi %mul3A_327, %add3A_671 : i32
        %add3A_673 = arith.constant 32 : i32
        %add3A_674 = arith.addi %add3A_672, %add3A_673 : i32
        %get3A_675 = arith.index_cast %add3A_674 : i32 to index
        %get3A_676 = tpu.vector_load %arg10[%get3A_675] {strides = array<i32>} : memref<16384xf32, #tpu.memory_space<vmem>>, vector<16xf32>,
        %get3A_677 = vector.shape_cast %get3A_676 : vector<16xf32> to vector<16xf32>
        %mul3A_678 = arith.constant 128 : i32
        %mul3A_679 = arith.muli %scan3A_325, %mul3A_678 : i32
        %add3A_680 = arith.constant 4096 : i32
        %add3A_681 = arith.addi %add3A_680, %mul3A_679 : i32
        %add3A_682 = arith.constant 32 : i32
        %add3A_683 = arith.addi %add3A_681, %add3A_682 : i32
        %get3A_684 = arith.index_cast %add3A_683 : i32 to index
        %get3A_685 = tpu.vector_load %arg8[%get3A_684] {strides = array<i32>} : memref<16384xf32, #tpu.memory_space<vmem>>, vector<16xf32>,
        %get3A_686 = vector.shape_cast %get3A_685 : vector<16xf32> to vector<16xf32>
        %mul3A_687 = arith.mulf %get3A_677, %get3A_686 : vector<16xf32>
        %add3A_688 = arith.addf %add3A_670, %mul3A_687 : vector<16xf32>
        %add3A_689 = arith.constant 384 : i32
        %add3A_690 = arith.addi %mul3A_327, %add3A_689 : i32
        %add3A_691 = arith.constant 32 : i32
        %add3A_692 = arith.addi %add3A_690, %add3A_691 : i32
        %get3A_693 = arith.index_cast %add3A_692 : i32 to index
        %get3A_694 = tpu.vector_load %arg10[%get3A_693] {strides = array<i32>} : memref<16384xf32, #tpu.memory_space<vmem>>, vector<16xf32>,
        %get3A_695 = vector.shape_cast %get3A_694 : vector<16xf32> to vector<16xf32>
        %mul3A_696 = arith.constant 128 : i32
        %mul3A_697 = arith.muli %scan3A_325, %mul3A_696 : i32
        %add3A_698 = arith.constant 6144 : i32
        %add3A_699 = arith.addi %add3A_698, %mul3A_697 : i32
        %add3A_700 = arith.constant 32 : i32
        %add3A_701 = arith.addi %add3A_699, %add3A_700 : i32
        %get3A_702 = arith.index_cast %add3A_701 : i32 to index
        %get3A_703 = tpu.vector_load %arg8[%get3A_702] {strides = array<i32>} : memref<16384xf32, #tpu.memory_space<vmem>>, vector<16xf32>,
        %get3A_704 = vector.shape_cast %get3A_703 : vector<16xf32> to vector<16xf32>
        %mul3A_705 = arith.mulf %get3A_695, %get3A_704 : vector<16xf32>
        %add3A_706 = arith.addf %add3A_688, %mul3A_705 : vector<16xf32>
        %add3A_707 = arith.constant 512 : i32
        %add3A_708 = arith.addi %mul3A_327, %add3A_707 : i32
        %add3A_709 = arith.constant 32 : i32
        %add3A_710 = arith.addi %add3A_708, %add3A_709 : i32
        %get3A_711 = arith.index_cast %add3A_710 : i32 to index
        %get3A_712 = tpu.vector_load %arg10[%get3A_711] {strides = array<i32>} : memref<16384xf32, #tpu.memory_space<vmem>>, vector<16xf32>,
        %get3A_713 = vector.shape_cast %get3A_712 : vector<16xf32> to vector<16xf32>
        %mul3A_714 = arith.constant 128 : i32
        %mul3A_715 = arith.muli %scan3A_325, %mul3A_714 : i32
        %add3A_716 = arith.constant 8192 : i32
        %add3A_717 = arith.addi %add3A_716, %mul3A_715 : i32
        %add3A_718 = arith.constant 32 : i32
        %add3A_719 = arith.addi %add3A_717, %add3A_718 : i32
        %get3A_720 = arith.index_cast %add3A_719 : i32 to index
        %get3A_721 = tpu.vector_load %arg8[%get3A_720] {strides = array<i32>} : memref<16384xf32, #tpu.memory_space<vmem>>, vector<16xf32>,
        %get3A_722 = vector.shape_cast %get3A_721 : vector<16xf32> to vector<16xf32>
        %mul3A_723 = arith.mulf %get3A_713, %get3A_722 : vector<16xf32>
        %add3A_724 = arith.addf %add3A_706, %mul3A_723 : vector<16xf32>
        %add3A_725 = arith.constant 640 : i32
        %add3A_726 = arith.addi %mul3A_327, %add3A_725 : i32
        %add3A_727 = arith.constant 32 : i32
        %add3A_728 = arith.addi %add3A_726, %add3A_727 : i32
        %get3A_729 = arith.index_cast %add3A_728 : i32 to index
        %get3A_730 = tpu.vector_load %arg10[%get3A_729] {strides = array<i32>} : memref<16384xf32, #tpu.memory_space<vmem>>, vector<16xf32>,
        %get3A_731 = vector.shape_cast %get3A_730 : vector<16xf32> to vector<16xf32>
        %mul3A_732 = arith.constant 128 : i32
        %mul3A_733 = arith.muli %scan3A_325, %mul3A_732 : i32
        %add3A_734 = arith.constant 10240 : i32
        %add3A_735 = arith.addi %add3A_734, %mul3A_733 : i32
        %add3A_736 = arith.constant 32 : i32
        %add3A_737 = arith.addi %add3A_735, %add3A_736 : i32
        %get3A_738 = arith.index_cast %add3A_737 : i32 to index
        %get3A_739 = tpu.vector_load %arg8[%get3A_738] {strides = array<i32>} : memref<16384xf32, #tpu.memory_space<vmem>>, vector<16xf32>,
        %get3A_740 = vector.shape_cast %get3A_739 : vector<16xf32> to vector<16xf32>
        %mul3A_741 = arith.mulf %get3A_731, %get3A_740 : vector<16xf32>
        %add3A_742 = arith.addf %add3A_724, %mul3A_741 : vector<16xf32>
        %add3A_743 = arith.constant 768 : i32
        %add3A_744 = arith.addi %mul3A_327, %add3A_743 : i32
        %add3A_745 = arith.constant 32 : i32
        %add3A_746 = arith.addi %add3A_744, %add3A_745 : i32
        %get3A_747 = arith.index_cast %add3A_746 : i32 to index
        %get3A_748 = tpu.vector_load %arg10[%get3A_747] {strides = array<i32>} : memref<16384xf32, #tpu.memory_space<vmem>>, vector<16xf32>,
        %get3A_749 = vector.shape_cast %get3A_748 : vector<16xf32> to vector<16xf32>
        %mul3A_750 = arith.constant 128 : i32
        %mul3A_751 = arith.muli %scan3A_325, %mul3A_750 : i32
        %add3A_752 = arith.constant 12288 : i32
        %add3A_753 = arith.addi %add3A_752, %mul3A_751 : i32
        %add3A_754 = arith.constant 32 : i32
        %add3A_755 = arith.addi %add3A_753, %add3A_754 : i32
        %get3A_756 = arith.index_cast %add3A_755 : i32 to index
        %get3A_757 = tpu.vector_load %arg8[%get3A_756] {strides = array<i32>} : memref<16384xf32, #tpu.memory_space<vmem>>, vector<16xf32>,
        %get3A_758 = vector.shape_cast %get3A_757 : vector<16xf32> to vector<16xf32>
        %mul3A_759 = arith.mulf %get3A_749, %get3A_758 : vector<16xf32>
        %add3A_760 = arith.addf %add3A_742, %mul3A_759 : vector<16xf32>
        %add3A_761 = arith.constant 896 : i32
        %add3A_762 = arith.addi %mul3A_327, %add3A_761 : i32
        %add3A_763 = arith.constant 32 : i32
        %add3A_764 = arith.addi %add3A_762, %add3A_763 : i32
        %get3A_765 = arith.index_cast %add3A_764 : i32 to index
        %get3A_766 = tpu.vector_load %arg10[%get3A_765] {strides = array<i32>} : memref<16384xf32, #tpu.memory_space<vmem>>, vector<16xf32>,
        %get3A_767 = vector.shape_cast %get3A_766 : vector<16xf32> to vector<16xf32>
        %mul3A_768 = arith.constant 128 : i32
        %mul3A_769 = arith.muli %scan3A_325, %mul3A_768 : i32
        %add3A_770 = arith.constant 14336 : i32
        %add3A_771 = arith.addi %add3A_770, %mul3A_769 : i32
        %add3A_772 = arith.constant 32 : i32
        %add3A_773 = arith.addi %add3A_771, %add3A_772 : i32
        %get3A_774 = arith.index_cast %add3A_773 : i32 to index
        %get3A_775 = tpu.vector_load %arg8[%get3A_774] {strides = array<i32>} : memref<16384xf32, #tpu.memory_space<vmem>>, vector<16xf32>,
        %get3A_776 = vector.shape_cast %get3A_775 : vector<16xf32> to vector<16xf32>
        %mul3A_777 = arith.mulf %get3A_767, %get3A_776 : vector<16xf32>
        %add3A_778 = arith.addf %add3A_760, %mul3A_777 : vector<16xf32>
        %mul3A_779 = arith.constant 128 : i32
        %mul3A_780 = arith.muli %scan3A_325, %mul3A_779 : i32
        %add3A_781 = arith.constant 32 : i32
        %add3A_782 = arith.addi %mul3A_780, %add3A_781 : i32
        %swap3A_783 = arith.index_cast %add3A_782 : i32 to index
        %swap3A_784 = tpu.vector_load %arg12[%swap3A_783] {strides = array<i32>} : memref<2048xf32, #tpu.memory_space<vmem>>, vector<16xf32>,
        %swap3A_785 = vector.shape_cast %swap3A_784 : vector<16xf32> to vector<16xf32>
        %swap3A_786 = vector.shape_cast %add3A_778 : vector<16xf32> to vector<16xf32>
        tpu.vector_store %arg12[%swap3A_783], %swap3A_786 {strides = array<i32>} : memref<2048xf32, #tpu.memory_space<vmem>>, vector<16xf32>,
        %broadcast_in_dim3A_787 = arith.constant 0.000000e+00 : f32
        %broadcast_in_dim3A_788 = vector.broadcast %broadcast_in_dim3A_787 : f32 to vector<16xf32>
        %add3A_789 = arith.constant 0 : i32
        %add3A_790 = arith.addi %mul3A_327, %add3A_789 : i32
        %add3A_791 = arith.constant 48 : i32
        %add3A_792 = arith.addi %add3A_790, %add3A_791 : i32
        %get3A_793 = arith.index_cast %add3A_792 : i32 to index
        %get3A_794 = tpu.vector_load %arg10[%get3A_793] {strides = array<i32>} : memref<16384xf32, #tpu.memory_space<vmem>>, vector<16xf32>,
        %get3A_795 = vector.shape_cast %get3A_794 : vector<16xf32> to vector<16xf32>
        %mul3A_796 = arith.constant 128 : i32
        %mul3A_797 = arith.muli %scan3A_325, %mul3A_796 : i32
        %add3A_798 = arith.constant 0 : i32
        %add3A_799 = arith.addi %add3A_798, %mul3A_797 : i32
        %add3A_800 = arith.constant 48 : i32
        %add3A_801 = arith.addi %add3A_799, %add3A_800 : i32
        %get3A_802 = arith.index_cast %add3A_801 : i32 to index
        %get3A_803 = tpu.vector_load %arg8[%get3A_802] {strides = array<i32>} : memref<16384xf32, #tpu.memory_space<vmem>>, vector<16xf32>,
        %get3A_804 = vector.shape_cast %get3A_803 : vector<16xf32> to vector<16xf32>
        %mul3A_805 = arith.mulf %get3A_795, %get3A_804 : vector<16xf32>
        %add3A_806 = arith.addf %broadcast_in_dim3A_788, %mul3A_805 : vector<16xf32>
        %add3A_807 = arith.constant 128 : i32
        %add3A_808 = arith.addi %mul3A_327, %add3A_807 : i32
        %add3A_809 = arith.constant 48 : i32
        %add3A_810 = arith.addi %add3A_808, %add3A_809 : i32
        %get3A_811 = arith.index_cast %add3A_810 : i32 to index
        %get3A_812 = tpu.vector_load %arg10[%get3A_811] {strides = array<i32>} : memref<16384xf32, #tpu.memory_space<vmem>>, vector<16xf32>,
        %get3A_813 = vector.shape_cast %get3A_812 : vector<16xf32> to vector<16xf32>
        %mul3A_814 = arith.constant 128 : i32
        %mul3A_815 = arith.muli %scan3A_325, %mul3A_814 : i32
        %add3A_816 = arith.constant 2048 : i32
        %add3A_817 = arith.addi %add3A_816, %mul3A_815 : i32
        %add3A_818 = arith.constant 48 : i32
        %add3A_819 = arith.addi %add3A_817, %add3A_818 : i32
        %get3A_820 = arith.index_cast %add3A_819 : i32 to index
        %get3A_821 = tpu.vector_load %arg8[%get3A_820] {strides = array<i32>} : memref<16384xf32, #tpu.memory_space<vmem>>, vector<16xf32>,
        %get3A_822 = vector.shape_cast %get3A_821 : vector<16xf32> to vector<16xf32>
        %mul3A_823 = arith.mulf %get3A_813, %get3A_822 : vector<16xf32>
        %add3A_824 = arith.addf %add3A_806, %mul3A_823 : vector<16xf32>
        %add3A_825 = arith.constant 256 : i32
        %add3A_826 = arith.addi %mul3A_327, %add3A_825 : i32
        %add3A_827 = arith.constant 48 : i32
        %add3A_828 = arith.addi %add3A_826, %add3A_827 : i32
        %get3A_829 = arith.index_cast %add3A_828 : i32 to index
        %get3A_830 = tpu.vector_load %arg10[%get3A_829] {strides = array<i32>} : memref<16384xf32, #tpu.memory_space<vmem>>, vector<16xf32>,
        %get3A_831 = vector.shape_cast %get3A_830 : vector<16xf32> to vector<16xf32>
        %mul3A_832 = arith.constant 128 : i32
        %mul3A_833 = arith.muli %scan3A_325, %mul3A_832 : i32
        %add3A_834 = arith.constant 4096 : i32
        %add3A_835 = arith.addi %add3A_834, %mul3A_833 : i32
        %add3A_836 = arith.constant 48 : i32
        %add3A_837 = arith.addi %add3A_835, %add3A_836 : i32
        %get3A_838 = arith.index_cast %add3A_837 : i32 to index
        %get3A_839 = tpu.vector_load %arg8[%get3A_838] {strides = array<i32>} : memref<16384xf32, #tpu.memory_space<vmem>>, vector<16xf32>,
        %get3A_840 = vector.shape_cast %get3A_839 : vector<16xf32> to vector<16xf32>
        %mul3A_841 = arith.mulf %get3A_831, %get3A_840 : vector<16xf32>
        %add3A_842 = arith.addf %add3A_824, %mul3A_841 : vector<16xf32>
        %add3A_843 = arith.constant 384 : i32
        %add3A_844 = arith.addi %mul3A_327, %add3A_843 : i32
        %add3A_845 = arith.constant 48 : i32
        %add3A_846 = arith.addi %add3A_844, %add3A_845 : i32
        %get3A_847 = arith.index_cast %add3A_846 : i32 to index
        %get3A_848 = tpu.vector_load %arg10[%get3A_847] {strides = array<i32>} : memref<16384xf32, #tpu.memory_space<vmem>>, vector<16xf32>,
        %get3A_849 = vector.shape_cast %get3A_848 : vector<16xf32> to vector<16xf32>
        %mul3A_850 = arith.constant 128 : i32
        %mul3A_851 = arith.muli %scan3A_325, %mul3A_850 : i32
        %add3A_852 = arith.constant 6144 : i32
        %add3A_853 = arith.addi %add3A_852, %mul3A_851 : i32
        %add3A_854 = arith.constant 48 : i32
        %add3A_855 = arith.addi %add3A_853, %add3A_854 : i32
        %get3A_856 = arith.index_cast %add3A_855 : i32 to index
        %get3A_857 = tpu.vector_load %arg8[%get3A_856] {strides = array<i32>} : memref<16384xf32, #tpu.memory_space<vmem>>, vector<16xf32>,
        %get3A_858 = vector.shape_cast %get3A_857 : vector<16xf32> to vector<16xf32>
        %mul3A_859 = arith.mulf %get3A_849, %get3A_858 : vector<16xf32>
        %add3A_860 = arith.addf %add3A_842, %mul3A_859 : vector<16xf32>
        %add3A_861 = arith.constant 512 : i32
        %add3A_862 = arith.addi %mul3A_327, %add3A_861 : i32
        %add3A_863 = arith.constant 48 : i32
        %add3A_864 = arith.addi %add3A_862, %add3A_863 : i32
        %get3A_865 = arith.index_cast %add3A_864 : i32 to index
        %get3A_866 = tpu.vector_load %arg10[%get3A_865] {strides = array<i32>} : memref<16384xf32, #tpu.memory_space<vmem>>, vector<16xf32>,
        %get3A_867 = vector.shape_cast %get3A_866 : vector<16xf32> to vector<16xf32>
        %mul3A_868 = arith.constant 128 : i32
        %mul3A_869 = arith.muli %scan3A_325, %mul3A_868 : i32
        %add3A_870 = arith.constant 8192 : i32
        %add3A_871 = arith.addi %add3A_870, %mul3A_869 : i32
        %add3A_872 = arith.constant 48 : i32
        %add3A_873 = arith.addi %add3A_871, %add3A_872 : i32
        %get3A_874 = arith.index_cast %add3A_873 : i32 to index
        %get3A_875 = tpu.vector_load %arg8[%get3A_874] {strides = array<i32>} : memref<16384xf32, #tpu.memory_space<vmem>>, vector<16xf32>,
        %get3A_876 = vector.shape_cast %get3A_875 : vector<16xf32> to vector<16xf32>
        %mul3A_877 = arith.mulf %get3A_867, %get3A_876 : vector<16xf32>
        %add3A_878 = arith.addf %add3A_860, %mul3A_877 : vector<16xf32>
        %add3A_879 = arith.constant 640 : i32
        %add3A_880 = arith.addi %mul3A_327, %add3A_879 : i32
        %add3A_881 = arith.constant 48 : i32
        %add3A_882 = arith.addi %add3A_880, %add3A_881 : i32
        %get3A_883 = arith.index_cast %add3A_882 : i32 to index
        %get3A_884 = tpu.vector_load %arg10[%get3A_883] {strides = array<i32>} : memref<16384xf32, #tpu.memory_space<vmem>>, vector<16xf32>,
        %get3A_885 = vector.shape_cast %get3A_884 : vector<16xf32> to vector<16xf32>
        %mul3A_886 = arith.constant 128 : i32
        %mul3A_887 = arith.muli %scan3A_325, %mul3A_886 : i32
        %add3A_888 = arith.constant 10240 : i32
        %add3A_889 = arith.addi %add3A_888, %mul3A_887 : i32
        %add3A_890 = arith.constant 48 : i32
        %add3A_891 = arith.addi %add3A_889, %add3A_890 : i32
        %get3A_892 = arith.index_cast %add3A_891 : i32 to index
        %get3A_893 = tpu.vector_load %arg8[%get3A_892] {strides = array<i32>} : memref<16384xf32, #tpu.memory_space<vmem>>, vector<16xf32>,
        %get3A_894 = vector.shape_cast %get3A_893 : vector<16xf32> to vector<16xf32>
        %mul3A_895 = arith.mulf %get3A_885, %get3A_894 : vector<16xf32>
        %add3A_896 = arith.addf %add3A_878, %mul3A_895 : vector<16xf32>
        %add3A_897 = arith.constant 768 : i32
        %add3A_898 = arith.addi %mul3A_327, %add3A_897 : i32
        %add3A_899 = arith.constant 48 : i32
        %add3A_900 = arith.addi %add3A_898, %add3A_899 : i32
        %get3A_901 = arith.index_cast %add3A_900 : i32 to index
        %get3A_902 = tpu.vector_load %arg10[%get3A_901] {strides = array<i32>} : memref<16384xf32, #tpu.memory_space<vmem>>, vector<16xf32>,
        %get3A_903 = vector.shape_cast %get3A_902 : vector<16xf32> to vector<16xf32>
        %mul3A_904 = arith.constant 128 : i32
        %mul3A_905 = arith.muli %scan3A_325, %mul3A_904 : i32
        %add3A_906 = arith.constant 12288 : i32
        %add3A_907 = arith.addi %add3A_906, %mul3A_905 : i32
        %add3A_908 = arith.constant 48 : i32
        %add3A_909 = arith.addi %add3A_907, %add3A_908 : i32
        %get3A_910 = arith.index_cast %add3A_909 : i32 to index
        %get3A_911 = tpu.vector_load %arg8[%get3A_910] {strides = array<i32>} : memref<16384xf32, #tpu.memory_space<vmem>>, vector<16xf32>,
        %get3A_912 = vector.shape_cast %get3A_911 : vector<16xf32> to vector<16xf32>
        %mul3A_913 = arith.mulf %get3A_903, %get3A_912 : vector<16xf32>
        %add3A_914 = arith.addf %add3A_896, %mul3A_913 : vector<16xf32>
        %add3A_915 = arith.constant 896 : i32
        %add3A_916 = arith.addi %mul3A_327, %add3A_915 : i32
        %add3A_917 = arith.constant 48 : i32
        %add3A_918 = arith.addi %add3A_916, %add3A_917 : i32
        %get3A_919 = arith.index_cast %add3A_918 : i32 to index
        %get3A_920 = tpu.vector_load %arg10[%get3A_919] {strides = array<i32>} : memref<16384xf32, #tpu.memory_space<vmem>>, vector<16xf32>,
        %get3A_921 = vector.shape_cast %get3A_920 : vector<16xf32> to vector<16xf32>
        %mul3A_922 = arith.constant 128 : i32
        %mul3A_923 = arith.muli %scan3A_325, %mul3A_922 : i32
        %add3A_924 = arith.constant 14336 : i32
        %add3A_925 = arith.addi %add3A_924, %mul3A_923 : i32
        %add3A_926 = arith.constant 48 : i32
        %add3A_927 = arith.addi %add3A_925, %add3A_926 : i32
        %get3A_928 = arith.index_cast %add3A_927 : i32 to index
        %get3A_929 = tpu.vector_load %arg8[%get3A_928] {strides = array<i32>} : memref<16384xf32, #tpu.memory_space<vmem>>, vector<16xf32>,
        %get3A_930 = vector.shape_cast %get3A_929 : vector<16xf32> to vector<16xf32>
        %mul3A_931 = arith.mulf %get3A_921, %get3A_930 : vector<16xf32>
        %add3A_932 = arith.addf %add3A_914, %mul3A_931 : vector<16xf32>
        %mul3A_933 = arith.constant 128 : i32
        %mul3A_934 = arith.muli %scan3A_325, %mul3A_933 : i32
        %add3A_935 = arith.constant 48 : i32
        %add3A_936 = arith.addi %mul3A_934, %add3A_935 : i32
        %swap3A_937 = arith.index_cast %add3A_936 : i32 to index
        %swap3A_938 = tpu.vector_load %arg12[%swap3A_937] {strides = array<i32>} : memref<2048xf32, #tpu.memory_space<vmem>>, vector<16xf32>,
        %swap3A_939 = vector.shape_cast %swap3A_938 : vector<16xf32> to vector<16xf32>
        %swap3A_940 = vector.shape_cast %add3A_932 : vector<16xf32> to vector<16xf32>
        tpu.vector_store %arg12[%swap3A_937], %swap3A_940 {strides = array<i32>} : memref<2048xf32, #tpu.memory_space<vmem>>, vector<16xf32>,
        %broadcast_in_dim3A_941 = arith.constant 0.000000e+00 : f32
        %broadcast_in_dim3A_942 = vector.broadcast %broadcast_in_dim3A_941 : f32 to vector<16xf32>
        %add3A_943 = arith.constant 0 : i32
        %add3A_944 = arith.addi %mul3A_327, %add3A_943 : i32
        %add3A_945 = arith.constant 64 : i32
        %add3A_946 = arith.addi %add3A_944, %add3A_945 : i32
        %get3A_947 = arith.index_cast %add3A_946 : i32 to index
        %get3A_948 = tpu.vector_load %arg10[%get3A_947] {strides = array<i32>} : memref<16384xf32, #tpu.memory_space<vmem>>, vector<16xf32>,
        %get3A_949 = vector.shape_cast %get3A_948 : vector<16xf32> to vector<16xf32>
        %mul3A_950 = arith.constant 128 : i32
        %mul3A_951 = arith.muli %scan3A_325, %mul3A_950 : i32
        %add3A_952 = arith.constant 0 : i32
        %add3A_953 = arith.addi %add3A_952, %mul3A_951 : i32
        %add3A_954 = arith.constant 64 : i32
        %add3A_955 = arith.addi %add3A_953, %add3A_954 : i32
        %get3A_956 = arith.index_cast %add3A_955 : i32 to index
        %get3A_957 = tpu.vector_load %arg8[%get3A_956] {strides = array<i32>} : memref<16384xf32, #tpu.memory_space<vmem>>, vector<16xf32>,
        %get3A_958 = vector.shape_cast %get3A_957 : vector<16xf32> to vector<16xf32>
        %mul3A_959 = arith.mulf %get3A_949, %get3A_958 : vector<16xf32>
        %add3A_960 = arith.addf %broadcast_in_dim3A_942, %mul3A_959 : vector<16xf32>
        %add3A_961 = arith.constant 128 : i32
        %add3A_962 = arith.addi %mul3A_327, %add3A_961 : i32
        %add3A_963 = arith.constant 64 : i32
        %add3A_964 = arith.addi %add3A_962, %add3A_963 : i32
        %get3A_965 = arith.index_cast %add3A_964 : i32 to index
        %get3A_966 = tpu.vector_load %arg10[%get3A_965] {strides = array<i32>} : memref<16384xf32, #tpu.memory_space<vmem>>, vector<16xf32>,
        %get3A_967 = vector.shape_cast %get3A_966 : vector<16xf32> to vector<16xf32>
        %mul3A_968 = arith.constant 128 : i32
        %mul3A_969 = arith.muli %scan3A_325, %mul3A_968 : i32
        %add3A_970 = arith.constant 2048 : i32
        %add3A_971 = arith.addi %add3A_970, %mul3A_969 : i32
        %add3A_972 = arith.constant 64 : i32
        %add3A_973 = arith.addi %add3A_971, %add3A_972 : i32
        %get3A_974 = arith.index_cast %add3A_973 : i32 to index
        %get3A_975 = tpu.vector_load %arg8[%get3A_974] {strides = array<i32>} : memref<16384xf32, #tpu.memory_space<vmem>>, vector<16xf32>,
        %get3A_976 = vector.shape_cast %get3A_975 : vector<16xf32> to vector<16xf32>
        %mul3A_977 = arith.mulf %get3A_967, %get3A_976 : vector<16xf32>
        %add3A_978 = arith.addf %add3A_960, %mul3A_977 : vector<16xf32>
        %add3A_979 = arith.constant 256 : i32
        %add3A_980 = arith.addi %mul3A_327, %add3A_979 : i32
        %add3A_981 = arith.constant 64 : i32
        %add3A_982 = arith.addi %add3A_980, %add3A_981 : i32
        %get3A_983 = arith.index_cast %add3A_982 : i32 to index
        %get3A_984 = tpu.vector_load %arg10[%get3A_983] {strides = array<i32>} : memref<16384xf32, #tpu.memory_space<vmem>>, vector<16xf32>,
        %get3A_985 = vector.shape_cast %get3A_984 : vector<16xf32> to vector<16xf32>
        %mul3A_986 = arith.constant 128 : i32
        %mul3A_987 = arith.muli %scan3A_325, %mul3A_986 : i32
        %add3A_988 = arith.constant 4096 : i32
        %add3A_989 = arith.addi %add3A_988, %mul3A_987 : i32
        %add3A_990 = arith.constant 64 : i32
        %add3A_991 = arith.addi %add3A_989, %add3A_990 : i32
        %get3A_992 = arith.index_cast %add3A_991 : i32 to index
        %get3A_993 = tpu.vector_load %arg8[%get3A_992] {strides = array<i32>} : memref<16384xf32, #tpu.memory_space<vmem>>, vector<16xf32>,
        %get3A_994 = vector.shape_cast %get3A_993 : vector<16xf32> to vector<16xf32>
        %mul3A_995 = arith.mulf %get3A_985, %get3A_994 : vector<16xf32>
        %add3A_996 = arith.addf %add3A_978, %mul3A_995 : vector<16xf32>
        %add3A_997 = arith.constant 384 : i32
        %add3A_998 = arith.addi %mul3A_327, %add3A_997 : i32
        %add3A_999 = arith.constant 64 : i32
        %add3A_1000 = arith.addi %add3A_998, %add3A_999 : i32
        %get3A_1001 = arith.index_cast %add3A_1000 : i32 to index
        %get3A_1002 = tpu.vector_load %arg10[%get3A_1001] {strides = array<i32>} : memref<16384xf32, #tpu.memory_space<vmem>>, vector<16xf32>,
        %get3A_1003 = vector.shape_cast %get3A_1002 : vector<16xf32> to vector<16xf32>
        %mul3A_1004 = arith.constant 128 : i32
        %mul3A_1005 = arith.muli %scan3A_325, %mul3A_1004 : i32
        %add3A_1006 = arith.constant 6144 : i32
        %add3A_1007 = arith.addi %add3A_1006, %mul3A_1005 : i32
        %add3A_1008 = arith.constant 64 : i32
        %add3A_1009 = arith.addi %add3A_1007, %add3A_1008 : i32
        %get3A_1010 = arith.index_cast %add3A_1009 : i32 to index
        %get3A_1011 = tpu.vector_load %arg8[%get3A_1010] {strides = array<i32>} : memref<16384xf32, #tpu.memory_space<vmem>>, vector<16xf32>,
        %get3A_1012 = vector.shape_cast %get3A_1011 : vector<16xf32> to vector<16xf32>
        %mul3A_1013 = arith.mulf %get3A_1003, %get3A_1012 : vector<16xf32>
        %add3A_1014 = arith.addf %add3A_996, %mul3A_1013 : vector<16xf32>
        %add3A_1015 = arith.constant 512 : i32
        %add3A_1016 = arith.addi %mul3A_327, %add3A_1015 : i32
        %add3A_1017 = arith.constant 64 : i32
        %add3A_1018 = arith.addi %add3A_1016, %add3A_1017 : i32
        %get3A_1019 = arith.index_cast %add3A_1018 : i32 to index
        %get3A_1020 = tpu.vector_load %arg10[%get3A_1019] {strides = array<i32>} : memref<16384xf32, #tpu.memory_space<vmem>>, vector<16xf32>,
        %get3A_1021 = vector.shape_cast %get3A_1020 : vector<16xf32> to vector<16xf32>
        %mul3A_1022 = arith.constant 128 : i32
        %mul3A_1023 = arith.muli %scan3A_325, %mul3A_1022 : i32
        %add3A_1024 = arith.constant 8192 : i32
        %add3A_1025 = arith.addi %add3A_1024, %mul3A_1023 : i32
        %add3A_1026 = arith.constant 64 : i32
        %add3A_1027 = arith.addi %add3A_1025, %add3A_1026 : i32
        %get3A_1028 = arith.index_cast %add3A_1027 : i32 to index
        %get3A_1029 = tpu.vector_load %arg8[%get3A_1028] {strides = array<i32>} : memref<16384xf32, #tpu.memory_space<vmem>>, vector<16xf32>,
        %get3A_1030 = vector.shape_cast %get3A_1029 : vector<16xf32> to vector<16xf32>
        %mul3A_1031 = arith.mulf %get3A_1021, %get3A_1030 : vector<16xf32>
        %add3A_1032 = arith.addf %add3A_1014, %mul3A_1031 : vector<16xf32>
        %add3A_1033 = arith.constant 640 : i32
        %add3A_1034 = arith.addi %mul3A_327, %add3A_1033 : i32
        %add3A_1035 = arith.constant 64 : i32
        %add3A_1036 = arith.addi %add3A_1034, %add3A_1035 : i32
        %get3A_1037 = arith.index_cast %add3A_1036 : i32 to index
        %get3A_1038 = tpu.vector_load %arg10[%get3A_1037] {strides = array<i32>} : memref<16384xf32, #tpu.memory_space<vmem>>, vector<16xf32>,
        %get3A_1039 = vector.shape_cast %get3A_1038 : vector<16xf32> to vector<16xf32>
        %mul3A_1040 = arith.constant 128 : i32
        %mul3A_1041 = arith.muli %scan3A_325, %mul3A_1040 : i32
        %add3A_1042 = arith.constant 10240 : i32
        %add3A_1043 = arith.addi %add3A_1042, %mul3A_1041 : i32
        %add3A_1044 = arith.constant 64 : i32
        %add3A_1045 = arith.addi %add3A_1043, %add3A_1044 : i32
        %get3A_1046 = arith.index_cast %add3A_1045 : i32 to index
        %get3A_1047 = tpu.vector_load %arg8[%get3A_1046] {strides = array<i32>} : memref<16384xf32, #tpu.memory_space<vmem>>, vector<16xf32>,
        %get3A_1048 = vector.shape_cast %get3A_1047 : vector<16xf32> to vector<16xf32>
        %mul3A_1049 = arith.mulf %get3A_1039, %get3A_1048 : vector<16xf32>
        %add3A_1050 = arith.addf %add3A_1032, %mul3A_1049 : vector<16xf32>
        %add3A_1051 = arith.constant 768 : i32
        %add3A_1052 = arith.addi %mul3A_327, %add3A_1051 : i32
        %add3A_1053 = arith.constant 64 : i32
        %add3A_1054 = arith.addi %add3A_1052, %add3A_1053 : i32
        %get3A_1055 = arith.index_cast %add3A_1054 : i32 to index
        %get3A_1056 = tpu.vector_load %arg10[%get3A_1055] {strides = array<i32>} : memref<16384xf32, #tpu.memory_space<vmem>>, vector<16xf32>,
        %get3A_1057 = vector.shape_cast %get3A_1056 : vector<16xf32> to vector<16xf32>
        %mul3A_1058 = arith.constant 128 : i32
        %mul3A_1059 = arith.muli %scan3A_325, %mul3A_1058 : i32
        %add3A_1060 = arith.constant 12288 : i32
        %add3A_1061 = arith.addi %add3A_1060, %mul3A_1059 : i32
        %add3A_1062 = arith.constant 64 : i32
        %add3A_1063 = arith.addi %add3A_1061, %add3A_1062 : i32
        %get3A_1064 = arith.index_cast %add3A_1063 : i32 to index
        %get3A_1065 = tpu.vector_load %arg8[%get3A_1064] {strides = array<i32>} : memref<16384xf32, #tpu.memory_space<vmem>>, vector<16xf32>,
        %get3A_1066 = vector.shape_cast %get3A_1065 : vector<16xf32> to vector<16xf32>
        %mul3A_1067 = arith.mulf %get3A_1057, %get3A_1066 : vector<16xf32>
        %add3A_1068 = arith.addf %add3A_1050, %mul3A_1067 : vector<16xf32>
        %add3A_1069 = arith.constant 896 : i32
        %add3A_1070 = arith.addi %mul3A_327, %add3A_1069 : i32
        %add3A_1071 = arith.constant 64 : i32
        %add3A_1072 = arith.addi %add3A_1070, %add3A_1071 : i32
        %get3A_1073 = arith.index_cast %add3A_1072 : i32 to index
        %get3A_1074 = tpu.vector_load %arg10[%get3A_1073] {strides = array<i32>} : memref<16384xf32, #tpu.memory_space<vmem>>, vector<16xf32>,
        %get3A_1075 = vector.shape_cast %get3A_1074 : vector<16xf32> to vector<16xf32>
        %mul3A_1076 = arith.constant 128 : i32
        %mul3A_1077 = arith.muli %scan3A_325, %mul3A_1076 : i32
        %add3A_1078 = arith.constant 14336 : i32
        %add3A_1079 = arith.addi %add3A_1078, %mul3A_1077 : i32
        %add3A_1080 = arith.constant 64 : i32
        %add3A_1081 = arith.addi %add3A_1079, %add3A_1080 : i32
        %get3A_1082 = arith.index_cast %add3A_1081 : i32 to index
        %get3A_1083 = tpu.vector_load %arg8[%get3A_1082] {strides = array<i32>} : memref<16384xf32, #tpu.memory_space<vmem>>, vector<16xf32>,
        %get3A_1084 = vector.shape_cast %get3A_1083 : vector<16xf32> to vector<16xf32>
        %mul3A_1085 = arith.mulf %get3A_1075, %get3A_1084 : vector<16xf32>
        %add3A_1086 = arith.addf %add3A_1068, %mul3A_1085 : vector<16xf32>
        %mul3A_1087 = arith.constant 128 : i32
        %mul3A_1088 = arith.muli %scan3A_325, %mul3A_1087 : i32
        %add3A_1089 = arith.constant 64 : i32
        %add3A_1090 = arith.addi %mul3A_1088, %add3A_1089 : i32
        %swap3A_1091 = arith.index_cast %add3A_1090 : i32 to index
        %swap3A_1092 = tpu.vector_load %arg12[%swap3A_1091] {strides = array<i32>} : memref<2048xf32, #tpu.memory_space<vmem>>, vector<16xf32>,
        %swap3A_1093 = vector.shape_cast %swap3A_1092 : vector<16xf32> to vector<16xf32>
        %swap3A_1094 = vector.shape_cast %add3A_1086 : vector<16xf32> to vector<16xf32>
        tpu.vector_store %arg12[%swap3A_1091], %swap3A_1094 {strides = array<i32>} : memref<2048xf32, #tpu.memory_space<vmem>>, vector<16xf32>,
        %broadcast_in_dim3A_1095 = arith.constant 0.000000e+00 : f32
        %broadcast_in_dim3A_1096 = vector.broadcast %broadcast_in_dim3A_1095 : f32 to vector<16xf32>
        %add3A_1097 = arith.constant 0 : i32
        %add3A_1098 = arith.addi %mul3A_327, %add3A_1097 : i32
        %add3A_1099 = arith.constant 80 : i32
        %add3A_1100 = arith.addi %add3A_1098, %add3A_1099 : i32
        %get3A_1101 = arith.index_cast %add3A_1100 : i32 to index
        %get3A_1102 = tpu.vector_load %arg10[%get3A_1101] {strides = array<i32>} : memref<16384xf32, #tpu.memory_space<vmem>>, vector<16xf32>,
        %get3A_1103 = vector.shape_cast %get3A_1102 : vector<16xf32> to vector<16xf32>
        %mul3A_1104 = arith.constant 128 : i32
        %mul3A_1105 = arith.muli %scan3A_325, %mul3A_1104 : i32
        %add3A_1106 = arith.constant 0 : i32
        %add3A_1107 = arith.addi %add3A_1106, %mul3A_1105 : i32
        %add3A_1108 = arith.constant 80 : i32
        %add3A_1109 = arith.addi %add3A_1107, %add3A_1108 : i32
        %get3A_1110 = arith.index_cast %add3A_1109 : i32 to index
        %get3A_1111 = tpu.vector_load %arg8[%get3A_1110] {strides = array<i32>} : memref<16384xf32, #tpu.memory_space<vmem>>, vector<16xf32>,
        %get3A_1112 = vector.shape_cast %get3A_1111 : vector<16xf32> to vector<16xf32>
        %mul3A_1113 = arith.mulf %get3A_1103, %get3A_1112 : vector<16xf32>
        %add3A_1114 = arith.addf %broadcast_in_dim3A_1096, %mul3A_1113 : vector<16xf32>
        %add3A_1115 = arith.constant 128 : i32
        %add3A_1116 = arith.addi %mul3A_327, %add3A_1115 : i32
        %add3A_1117 = arith.constant 80 : i32
        %add3A_1118 = arith.addi %add3A_1116, %add3A_1117 : i32
        %get3A_1119 = arith.index_cast %add3A_1118 : i32 to index
        %get3A_1120 = tpu.vector_load %arg10[%get3A_1119] {strides = array<i32>} : memref<16384xf32, #tpu.memory_space<vmem>>, vector<16xf32>,
        %get3A_1121 = vector.shape_cast %get3A_1120 : vector<16xf32> to vector<16xf32>
        %mul3A_1122 = arith.constant 128 : i32
        %mul3A_1123 = arith.muli %scan3A_325, %mul3A_1122 : i32
        %add3A_1124 = arith.constant 2048 : i32
        %add3A_1125 = arith.addi %add3A_1124, %mul3A_1123 : i32
        %add3A_1126 = arith.constant 80 : i32
        %add3A_1127 = arith.addi %add3A_1125, %add3A_1126 : i32
        %get3A_1128 = arith.index_cast %add3A_1127 : i32 to index
        %get3A_1129 = tpu.vector_load %arg8[%get3A_1128] {strides = array<i32>} : memref<16384xf32, #tpu.memory_space<vmem>>, vector<16xf32>,
        %get3A_1130 = vector.shape_cast %get3A_1129 : vector<16xf32> to vector<16xf32>
        %mul3A_1131 = arith.mulf %get3A_1121, %get3A_1130 : vector<16xf32>
        %add3A_1132 = arith.addf %add3A_1114, %mul3A_1131 : vector<16xf32>
        %add3A_1133 = arith.constant 256 : i32
        %add3A_1134 = arith.addi %mul3A_327, %add3A_1133 : i32
        %add3A_1135 = arith.constant 80 : i32
        %add3A_1136 = arith.addi %add3A_1134, %add3A_1135 : i32
        %get3A_1137 = arith.index_cast %add3A_1136 : i32 to index
        %get3A_1138 = tpu.vector_load %arg10[%get3A_1137] {strides = array<i32>} : memref<16384xf32, #tpu.memory_space<vmem>>, vector<16xf32>,
        %get3A_1139 = vector.shape_cast %get3A_1138 : vector<16xf32> to vector<16xf32>
        %mul3A_1140 = arith.constant 128 : i32
        %mul3A_1141 = arith.muli %scan3A_325, %mul3A_1140 : i32
        %add3A_1142 = arith.constant 4096 : i32
        %add3A_1143 = arith.addi %add3A_1142, %mul3A_1141 : i32
        %add3A_1144 = arith.constant 80 : i32
        %add3A_1145 = arith.addi %add3A_1143, %add3A_1144 : i32
        %get3A_1146 = arith.index_cast %add3A_1145 : i32 to index
        %get3A_1147 = tpu.vector_load %arg8[%get3A_1146] {strides = array<i32>} : memref<16384xf32, #tpu.memory_space<vmem>>, vector<16xf32>,
        %get3A_1148 = vector.shape_cast %get3A_1147 : vector<16xf32> to vector<16xf32>
        %mul3A_1149 = arith.mulf %get3A_1139, %get3A_1148 : vector<16xf32>
        %add3A_1150 = arith.addf %add3A_1132, %mul3A_1149 : vector<16xf32>
        %add3A_1151 = arith.constant 384 : i32
        %add3A_1152 = arith.addi %mul3A_327, %add3A_1151 : i32
        %add3A_1153 = arith.constant 80 : i32
        %add3A_1154 = arith.addi %add3A_1152, %add3A_1153 : i32
        %get3A_1155 = arith.index_cast %add3A_1154 : i32 to index
        %get3A_1156 = tpu.vector_load %arg10[%get3A_1155] {strides = array<i32>} : memref<16384xf32, #tpu.memory_space<vmem>>, vector<16xf32>,
        %get3A_1157 = vector.shape_cast %get3A_1156 : vector<16xf32> to vector<16xf32>
        %mul3A_1158 = arith.constant 128 : i32
        %mul3A_1159 = arith.muli %scan3A_325, %mul3A_1158 : i32
        %add3A_1160 = arith.constant 6144 : i32
        %add3A_1161 = arith.addi %add3A_1160, %mul3A_1159 : i32
        %add3A_1162 = arith.constant 80 : i32
        %add3A_1163 = arith.addi %add3A_1161, %add3A_1162 : i32
        %get3A_1164 = arith.index_cast %add3A_1163 : i32 to index
        %get3A_1165 = tpu.vector_load %arg8[%get3A_1164] {strides = array<i32>} : memref<16384xf32, #tpu.memory_space<vmem>>, vector<16xf32>,
        %get3A_1166 = vector.shape_cast %get3A_1165 : vector<16xf32> to vector<16xf32>
        %mul3A_1167 = arith.mulf %get3A_1157, %get3A_1166 : vector<16xf32>
        %add3A_1168 = arith.addf %add3A_1150, %mul3A_1167 : vector<16xf32>
        %add3A_1169 = arith.constant 512 : i32
        %add3A_1170 = arith.addi %mul3A_327, %add3A_1169 : i32
        %add3A_1171 = arith.constant 80 : i32
        %add3A_1172 = arith.addi %add3A_1170, %add3A_1171 : i32
        %get3A_1173 = arith.index_cast %add3A_1172 : i32 to index
        %get3A_1174 = tpu.vector_load %arg10[%get3A_1173] {strides = array<i32>} : memref<16384xf32, #tpu.memory_space<vmem>>, vector<16xf32>,
        %get3A_1175 = vector.shape_cast %get3A_1174 : vector<16xf32> to vector<16xf32>
        %mul3A_1176 = arith.constant 128 : i32
        %mul3A_1177 = arith.muli %scan3A_325, %mul3A_1176 : i32
        %add3A_1178 = arith.constant 8192 : i32
        %add3A_1179 = arith.addi %add3A_1178, %mul3A_1177 : i32
        %add3A_1180 = arith.constant 80 : i32
        %add3A_1181 = arith.addi %add3A_1179, %add3A_1180 : i32
        %get3A_1182 = arith.index_cast %add3A_1181 : i32 to index
        %get3A_1183 = tpu.vector_load %arg8[%get3A_1182] {strides = array<i32>} : memref<16384xf32, #tpu.memory_space<vmem>>, vector<16xf32>,
        %get3A_1184 = vector.shape_cast %get3A_1183 : vector<16xf32> to vector<16xf32>
        %mul3A_1185 = arith.mulf %get3A_1175, %get3A_1184 : vector<16xf32>
        %add3A_1186 = arith.addf %add3A_1168, %mul3A_1185 : vector<16xf32>
        %add3A_1187 = arith.constant 640 : i32
        %add3A_1188 = arith.addi %mul3A_327, %add3A_1187 : i32
        %add3A_1189 = arith.constant 80 : i32
        %add3A_1190 = arith.addi %add3A_1188, %add3A_1189 : i32
        %get3A_1191 = arith.index_cast %add3A_1190 : i32 to index
        %get3A_1192 = tpu.vector_load %arg10[%get3A_1191] {strides = array<i32>} : memref<16384xf32, #tpu.memory_space<vmem>>, vector<16xf32>,
        %get3A_1193 = vector.shape_cast %get3A_1192 : vector<16xf32> to vector<16xf32>
        %mul3A_1194 = arith.constant 128 : i32
        %mul3A_1195 = arith.muli %scan3A_325, %mul3A_1194 : i32
        %add3A_1196 = arith.constant 10240 : i32
        %add3A_1197 = arith.addi %add3A_1196, %mul3A_1195 : i32
        %add3A_1198 = arith.constant 80 : i32
        %add3A_1199 = arith.addi %add3A_1197, %add3A_1198 : i32
        %get3A_1200 = arith.index_cast %add3A_1199 : i32 to index
        %get3A_1201 = tpu.vector_load %arg8[%get3A_1200] {strides = array<i32>} : memref<16384xf32, #tpu.memory_space<vmem>>, vector<16xf32>,
        %get3A_1202 = vector.shape_cast %get3A_1201 : vector<16xf32> to vector<16xf32>
        %mul3A_1203 = arith.mulf %get3A_1193, %get3A_1202 : vector<16xf32>
        %add3A_1204 = arith.addf %add3A_1186, %mul3A_1203 : vector<16xf32>
        %add3A_1205 = arith.constant 768 : i32
        %add3A_1206 = arith.addi %mul3A_327, %add3A_1205 : i32
        %add3A_1207 = arith.constant 80 : i32
        %add3A_1208 = arith.addi %add3A_1206, %add3A_1207 : i32
        %get3A_1209 = arith.index_cast %add3A_1208 : i32 to index
        %get3A_1210 = tpu.vector_load %arg10[%get3A_1209] {strides = array<i32>} : memref<16384xf32, #tpu.memory_space<vmem>>, vector<16xf32>,
        %get3A_1211 = vector.shape_cast %get3A_1210 : vector<16xf32> to vector<16xf32>
        %mul3A_1212 = arith.constant 128 : i32
        %mul3A_1213 = arith.muli %scan3A_325, %mul3A_1212 : i32
        %add3A_1214 = arith.constant 12288 : i32
        %add3A_1215 = arith.addi %add3A_1214, %mul3A_1213 : i32
        %add3A_1216 = arith.constant 80 : i32
        %add3A_1217 = arith.addi %add3A_1215, %add3A_1216 : i32
        %get3A_1218 = arith.index_cast %add3A_1217 : i32 to index
        %get3A_1219 = tpu.vector_load %arg8[%get3A_1218] {strides = array<i32>} : memref<16384xf32, #tpu.memory_space<vmem>>, vector<16xf32>,
        %get3A_1220 = vector.shape_cast %get3A_1219 : vector<16xf32> to vector<16xf32>
        %mul3A_1221 = arith.mulf %get3A_1211, %get3A_1220 : vector<16xf32>
        %add3A_1222 = arith.addf %add3A_1204, %mul3A_1221 : vector<16xf32>
        %add3A_1223 = arith.constant 896 : i32
        %add3A_1224 = arith.addi %mul3A_327, %add3A_1223 : i32
        %add3A_1225 = arith.constant 80 : i32
        %add3A_1226 = arith.addi %add3A_1224, %add3A_1225 : i32
        %get3A_1227 = arith.index_cast %add3A_1226 : i32 to index
        %get3A_1228 = tpu.vector_load %arg10[%get3A_1227] {strides = array<i32>} : memref<16384xf32, #tpu.memory_space<vmem>>, vector<16xf32>,
        %get3A_1229 = vector.shape_cast %get3A_1228 : vector<16xf32> to vector<16xf32>
        %mul3A_1230 = arith.constant 128 : i32
        %mul3A_1231 = arith.muli %scan3A_325, %mul3A_1230 : i32
        %add3A_1232 = arith.constant 14336 : i32
        %add3A_1233 = arith.addi %add3A_1232, %mul3A_1231 : i32
        %add3A_1234 = arith.constant 80 : i32
        %add3A_1235 = arith.addi %add3A_1233, %add3A_1234 : i32
        %get3A_1236 = arith.index_cast %add3A_1235 : i32 to index
        %get3A_1237 = tpu.vector_load %arg8[%get3A_1236] {strides = array<i32>} : memref<16384xf32, #tpu.memory_space<vmem>>, vector<16xf32>,
        %get3A_1238 = vector.shape_cast %get3A_1237 : vector<16xf32> to vector<16xf32>
        %mul3A_1239 = arith.mulf %get3A_1229, %get3A_1238 : vector<16xf32>
        %add3A_1240 = arith.addf %add3A_1222, %mul3A_1239 : vector<16xf32>
        %mul3A_1241 = arith.constant 128 : i32
        %mul3A_1242 = arith.muli %scan3A_325, %mul3A_1241 : i32
        %add3A_1243 = arith.constant 80 : i32
        %add3A_1244 = arith.addi %mul3A_1242, %add3A_1243 : i32
        %swap3A_1245 = arith.index_cast %add3A_1244 : i32 to index
        %swap3A_1246 = tpu.vector_load %arg12[%swap3A_1245] {strides = array<i32>} : memref<2048xf32, #tpu.memory_space<vmem>>, vector<16xf32>,
        %swap3A_1247 = vector.shape_cast %swap3A_1246 : vector<16xf32> to vector<16xf32>
        %swap3A_1248 = vector.shape_cast %add3A_1240 : vector<16xf32> to vector<16xf32>
        tpu.vector_store %arg12[%swap3A_1245], %swap3A_1248 {strides = array<i32>} : memref<2048xf32, #tpu.memory_space<vmem>>, vector<16xf32>,
        %broadcast_in_dim3A_1249 = arith.constant 0.000000e+00 : f32
        %broadcast_in_dim3A_1250 = vector.broadcast %broadcast_in_dim3A_1249 : f32 to vector<16xf32>
        %add3A_1251 = arith.constant 0 : i32
        %add3A_1252 = arith.addi %mul3A_327, %add3A_1251 : i32
        %add3A_1253 = arith.constant 96 : i32
        %add3A_1254 = arith.addi %add3A_1252, %add3A_1253 : i32
        %get3A_1255 = arith.index_cast %add3A_1254 : i32 to index
        %get3A_1256 = tpu.vector_load %arg10[%get3A_1255] {strides = array<i32>} : memref<16384xf32, #tpu.memory_space<vmem>>, vector<16xf32>,
        %get3A_1257 = vector.shape_cast %get3A_1256 : vector<16xf32> to vector<16xf32>
        %mul3A_1258 = arith.constant 128 : i32
        %mul3A_1259 = arith.muli %scan3A_325, %mul3A_1258 : i32
        %add3A_1260 = arith.constant 0 : i32
        %add3A_1261 = arith.addi %add3A_1260, %mul3A_1259 : i32
        %add3A_1262 = arith.constant 96 : i32
        %add3A_1263 = arith.addi %add3A_1261, %add3A_1262 : i32
        %get3A_1264 = arith.index_cast %add3A_1263 : i32 to index
        %get3A_1265 = tpu.vector_load %arg8[%get3A_1264] {strides = array<i32>} : memref<16384xf32, #tpu.memory_space<vmem>>, vector<16xf32>,
        %get3A_1266 = vector.shape_cast %get3A_1265 : vector<16xf32> to vector<16xf32>
        %mul3A_1267 = arith.mulf %get3A_1257, %get3A_1266 : vector<16xf32>
        %add3A_1268 = arith.addf %broadcast_in_dim3A_1250, %mul3A_1267 : vector<16xf32>
        %add3A_1269 = arith.constant 128 : i32
        %add3A_1270 = arith.addi %mul3A_327, %add3A_1269 : i32
        %add3A_1271 = arith.constant 96 : i32
        %add3A_1272 = arith.addi %add3A_1270, %add3A_1271 : i32
        %get3A_1273 = arith.index_cast %add3A_1272 : i32 to index
        %get3A_1274 = tpu.vector_load %arg10[%get3A_1273] {strides = array<i32>} : memref<16384xf32, #tpu.memory_space<vmem>>, vector<16xf32>,
        %get3A_1275 = vector.shape_cast %get3A_1274 : vector<16xf32> to vector<16xf32>
        %mul3A_1276 = arith.constant 128 : i32
        %mul3A_1277 = arith.muli %scan3A_325, %mul3A_1276 : i32
        %add3A_1278 = arith.constant 2048 : i32
        %add3A_1279 = arith.addi %add3A_1278, %mul3A_1277 : i32
        %add3A_1280 = arith.constant 96 : i32
        %add3A_1281 = arith.addi %add3A_1279, %add3A_1280 : i32
        %get3A_1282 = arith.index_cast %add3A_1281 : i32 to index
        %get3A_1283 = tpu.vector_load %arg8[%get3A_1282] {strides = array<i32>} : memref<16384xf32, #tpu.memory_space<vmem>>, vector<16xf32>,
        %get3A_1284 = vector.shape_cast %get3A_1283 : vector<16xf32> to vector<16xf32>
        %mul3A_1285 = arith.mulf %get3A_1275, %get3A_1284 : vector<16xf32>
        %add3A_1286 = arith.addf %add3A_1268, %mul3A_1285 : vector<16xf32>
        %add3A_1287 = arith.constant 256 : i32
        %add3A_1288 = arith.addi %mul3A_327, %add3A_1287 : i32
        %add3A_1289 = arith.constant 96 : i32
        %add3A_1290 = arith.addi %add3A_1288, %add3A_1289 : i32
        %get3A_1291 = arith.index_cast %add3A_1290 : i32 to index
        %get3A_1292 = tpu.vector_load %arg10[%get3A_1291] {strides = array<i32>} : memref<16384xf32, #tpu.memory_space<vmem>>, vector<16xf32>,
        %get3A_1293 = vector.shape_cast %get3A_1292 : vector<16xf32> to vector<16xf32>
        %mul3A_1294 = arith.constant 128 : i32
        %mul3A_1295 = arith.muli %scan3A_325, %mul3A_1294 : i32
        %add3A_1296 = arith.constant 4096 : i32
        %add3A_1297 = arith.addi %add3A_1296, %mul3A_1295 : i32
        %add3A_1298 = arith.constant 96 : i32
        %add3A_1299 = arith.addi %add3A_1297, %add3A_1298 : i32
        %get3A_1300 = arith.index_cast %add3A_1299 : i32 to index
        %get3A_1301 = tpu.vector_load %arg8[%get3A_1300] {strides = array<i32>} : memref<16384xf32, #tpu.memory_space<vmem>>, vector<16xf32>,
        %get3A_1302 = vector.shape_cast %get3A_1301 : vector<16xf32> to vector<16xf32>
        %mul3A_1303 = arith.mulf %get3A_1293, %get3A_1302 : vector<16xf32>
        %add3A_1304 = arith.addf %add3A_1286, %mul3A_1303 : vector<16xf32>
        %add3A_1305 = arith.constant 384 : i32
        %add3A_1306 = arith.addi %mul3A_327, %add3A_1305 : i32
        %add3A_1307 = arith.constant 96 : i32
        %add3A_1308 = arith.addi %add3A_1306, %add3A_1307 : i32
        %get3A_1309 = arith.index_cast %add3A_1308 : i32 to index
        %get3A_1310 = tpu.vector_load %arg10[%get3A_1309] {strides = array<i32>} : memref<16384xf32, #tpu.memory_space<vmem>>, vector<16xf32>,
        %get3A_1311 = vector.shape_cast %get3A_1310 : vector<16xf32> to vector<16xf32>
        %mul3A_1312 = arith.constant 128 : i32
        %mul3A_1313 = arith.muli %scan3A_325, %mul3A_1312 : i32
        %add3A_1314 = arith.constant 6144 : i32
        %add3A_1315 = arith.addi %add3A_1314, %mul3A_1313 : i32
        %add3A_1316 = arith.constant 96 : i32
        %add3A_1317 = arith.addi %add3A_1315, %add3A_1316 : i32
        %get3A_1318 = arith.index_cast %add3A_1317 : i32 to index
        %get3A_1319 = tpu.vector_load %arg8[%get3A_1318] {strides = array<i32>} : memref<16384xf32, #tpu.memory_space<vmem>>, vector<16xf32>,
        %get3A_1320 = vector.shape_cast %get3A_1319 : vector<16xf32> to vector<16xf32>
        %mul3A_1321 = arith.mulf %get3A_1311, %get3A_1320 : vector<16xf32>
        %add3A_1322 = arith.addf %add3A_1304, %mul3A_1321 : vector<16xf32>
        %add3A_1323 = arith.constant 512 : i32
        %add3A_1324 = arith.addi %mul3A_327, %add3A_1323 : i32
        %add3A_1325 = arith.constant 96 : i32
        %add3A_1326 = arith.addi %add3A_1324, %add3A_1325 : i32
        %get3A_1327 = arith.index_cast %add3A_1326 : i32 to index
        %get3A_1328 = tpu.vector_load %arg10[%get3A_1327] {strides = array<i32>} : memref<16384xf32, #tpu.memory_space<vmem>>, vector<16xf32>,
        %get3A_1329 = vector.shape_cast %get3A_1328 : vector<16xf32> to vector<16xf32>
        %mul3A_1330 = arith.constant 128 : i32
        %mul3A_1331 = arith.muli %scan3A_325, %mul3A_1330 : i32
        %add3A_1332 = arith.constant 8192 : i32
        %add3A_1333 = arith.addi %add3A_1332, %mul3A_1331 : i32
        %add3A_1334 = arith.constant 96 : i32
        %add3A_1335 = arith.addi %add3A_1333, %add3A_1334 : i32
        %get3A_1336 = arith.index_cast %add3A_1335 : i32 to index
        %get3A_1337 = tpu.vector_load %arg8[%get3A_1336] {strides = array<i32>} : memref<16384xf32, #tpu.memory_space<vmem>>, vector<16xf32>,
        %get3A_1338 = vector.shape_cast %get3A_1337 : vector<16xf32> to vector<16xf32>
        %mul3A_1339 = arith.mulf %get3A_1329, %get3A_1338 : vector<16xf32>
        %add3A_1340 = arith.addf %add3A_1322, %mul3A_1339 : vector<16xf32>
        %add3A_1341 = arith.constant 640 : i32
        %add3A_1342 = arith.addi %mul3A_327, %add3A_1341 : i32
        %add3A_1343 = arith.constant 96 : i32
        %add3A_1344 = arith.addi %add3A_1342, %add3A_1343 : i32
        %get3A_1345 = arith.index_cast %add3A_1344 : i32 to index
        %get3A_1346 = tpu.vector_load %arg10[%get3A_1345] {strides = array<i32>} : memref<16384xf32, #tpu.memory_space<vmem>>, vector<16xf32>,
        %get3A_1347 = vector.shape_cast %get3A_1346 : vector<16xf32> to vector<16xf32>
        %mul3A_1348 = arith.constant 128 : i32
        %mul3A_1349 = arith.muli %scan3A_325, %mul3A_1348 : i32
        %add3A_1350 = arith.constant 10240 : i32
        %add3A_1351 = arith.addi %add3A_1350, %mul3A_1349 : i32
        %add3A_1352 = arith.constant 96 : i32
        %add3A_1353 = arith.addi %add3A_1351, %add3A_1352 : i32
        %get3A_1354 = arith.index_cast %add3A_1353 : i32 to index
        %get3A_1355 = tpu.vector_load %arg8[%get3A_1354] {strides = array<i32>} : memref<16384xf32, #tpu.memory_space<vmem>>, vector<16xf32>,
        %get3A_1356 = vector.shape_cast %get3A_1355 : vector<16xf32> to vector<16xf32>
        %mul3A_1357 = arith.mulf %get3A_1347, %get3A_1356 : vector<16xf32>
        %add3A_1358 = arith.addf %add3A_1340, %mul3A_1357 : vector<16xf32>
        %add3A_1359 = arith.constant 768 : i32
        %add3A_1360 = arith.addi %mul3A_327, %add3A_1359 : i32
        %add3A_1361 = arith.constant 96 : i32
        %add3A_1362 = arith.addi %add3A_1360, %add3A_1361 : i32
        %get3A_1363 = arith.index_cast %add3A_1362 : i32 to index
        %get3A_1364 = tpu.vector_load %arg10[%get3A_1363] {strides = array<i32>} : memref<16384xf32, #tpu.memory_space<vmem>>, vector<16xf32>,
        %get3A_1365 = vector.shape_cast %get3A_1364 : vector<16xf32> to vector<16xf32>
        %mul3A_1366 = arith.constant 128 : i32
        %mul3A_1367 = arith.muli %scan3A_325, %mul3A_1366 : i32
        %add3A_1368 = arith.constant 12288 : i32
        %add3A_1369 = arith.addi %add3A_1368, %mul3A_1367 : i32
        %add3A_1370 = arith.constant 96 : i32
        %add3A_1371 = arith.addi %add3A_1369, %add3A_1370 : i32
        %get3A_1372 = arith.index_cast %add3A_1371 : i32 to index
        %get3A_1373 = tpu.vector_load %arg8[%get3A_1372] {strides = array<i32>} : memref<16384xf32, #tpu.memory_space<vmem>>, vector<16xf32>,
        %get3A_1374 = vector.shape_cast %get3A_1373 : vector<16xf32> to vector<16xf32>
        %mul3A_1375 = arith.mulf %get3A_1365, %get3A_1374 : vector<16xf32>
        %add3A_1376 = arith.addf %add3A_1358, %mul3A_1375 : vector<16xf32>
        %add3A_1377 = arith.constant 896 : i32
        %add3A_1378 = arith.addi %mul3A_327, %add3A_1377 : i32
        %add3A_1379 = arith.constant 96 : i32
        %add3A_1380 = arith.addi %add3A_1378, %add3A_1379 : i32
        %get3A_1381 = arith.index_cast %add3A_1380 : i32 to index
        %get3A_1382 = tpu.vector_load %arg10[%get3A_1381] {strides = array<i32>} : memref<16384xf32, #tpu.memory_space<vmem>>, vector<16xf32>,
        %get3A_1383 = vector.shape_cast %get3A_1382 : vector<16xf32> to vector<16xf32>
        %mul3A_1384 = arith.constant 128 : i32
        %mul3A_1385 = arith.muli %scan3A_325, %mul3A_1384 : i32
        %add3A_1386 = arith.constant 14336 : i32
        %add3A_1387 = arith.addi %add3A_1386, %mul3A_1385 : i32
        %add3A_1388 = arith.constant 96 : i32
        %add3A_1389 = arith.addi %add3A_1387, %add3A_1388 : i32
        %get3A_1390 = arith.index_cast %add3A_1389 : i32 to index
        %get3A_1391 = tpu.vector_load %arg8[%get3A_1390] {strides = array<i32>} : memref<16384xf32, #tpu.memory_space<vmem>>, vector<16xf32>,
        %get3A_1392 = vector.shape_cast %get3A_1391 : vector<16xf32> to vector<16xf32>
        %mul3A_1393 = arith.mulf %get3A_1383, %get3A_1392 : vector<16xf32>
        %add3A_1394 = arith.addf %add3A_1376, %mul3A_1393 : vector<16xf32>
        %mul3A_1395 = arith.constant 128 : i32
        %mul3A_1396 = arith.muli %scan3A_325, %mul3A_1395 : i32
        %add3A_1397 = arith.constant 96 : i32
        %add3A_1398 = arith.addi %mul3A_1396, %add3A_1397 : i32
        %swap3A_1399 = arith.index_cast %add3A_1398 : i32 to index
        %swap3A_1400 = tpu.vector_load %arg12[%swap3A_1399] {strides = array<i32>} : memref<2048xf32, #tpu.memory_space<vmem>>, vector<16xf32>,
        %swap3A_1401 = vector.shape_cast %swap3A_1400 : vector<16xf32> to vector<16xf32>
        %swap3A_1402 = vector.shape_cast %add3A_1394 : vector<16xf32> to vector<16xf32>
        tpu.vector_store %arg12[%swap3A_1399], %swap3A_1402 {strides = array<i32>} : memref<2048xf32, #tpu.memory_space<vmem>>, vector<16xf32>,
        %broadcast_in_dim3A_1403 = arith.constant 0.000000e+00 : f32
        %broadcast_in_dim3A_1404 = vector.broadcast %broadcast_in_dim3A_1403 : f32 to vector<16xf32>
        %add3A_1405 = arith.constant 0 : i32
        %add3A_1406 = arith.addi %mul3A_327, %add3A_1405 : i32
        %add3A_1407 = arith.constant 112 : i32
        %add3A_1408 = arith.addi %add3A_1406, %add3A_1407 : i32
        %get3A_1409 = arith.index_cast %add3A_1408 : i32 to index
        %get3A_1410 = tpu.vector_load %arg10[%get3A_1409] {strides = array<i32>} : memref<16384xf32, #tpu.memory_space<vmem>>, vector<16xf32>,
        %get3A_1411 = vector.shape_cast %get3A_1410 : vector<16xf32> to vector<16xf32>
        %mul3A_1412 = arith.constant 128 : i32
        %mul3A_1413 = arith.muli %scan3A_325, %mul3A_1412 : i32
        %add3A_1414 = arith.constant 0 : i32
        %add3A_1415 = arith.addi %add3A_1414, %mul3A_1413 : i32
        %add3A_1416 = arith.constant 112 : i32
        %add3A_1417 = arith.addi %add3A_1415, %add3A_1416 : i32
        %get3A_1418 = arith.index_cast %add3A_1417 : i32 to index
        %get3A_1419 = tpu.vector_load %arg8[%get3A_1418] {strides = array<i32>} : memref<16384xf32, #tpu.memory_space<vmem>>, vector<16xf32>,
        %get3A_1420 = vector.shape_cast %get3A_1419 : vector<16xf32> to vector<16xf32>
        %mul3A_1421 = arith.mulf %get3A_1411, %get3A_1420 : vector<16xf32>
        %add3A_1422 = arith.addf %broadcast_in_dim3A_1404, %mul3A_1421 : vector<16xf32>
        %add3A_1423 = arith.constant 128 : i32
        %add3A_1424 = arith.addi %mul3A_327, %add3A_1423 : i32
        %add3A_1425 = arith.constant 112 : i32
        %add3A_1426 = arith.addi %add3A_1424, %add3A_1425 : i32
        %get3A_1427 = arith.index_cast %add3A_1426 : i32 to index
        %get3A_1428 = tpu.vector_load %arg10[%get3A_1427] {strides = array<i32>} : memref<16384xf32, #tpu.memory_space<vmem>>, vector<16xf32>,
        %get3A_1429 = vector.shape_cast %get3A_1428 : vector<16xf32> to vector<16xf32>
        %mul3A_1430 = arith.constant 128 : i32
        %mul3A_1431 = arith.muli %scan3A_325, %mul3A_1430 : i32
        %add3A_1432 = arith.constant 2048 : i32
        %add3A_1433 = arith.addi %add3A_1432, %mul3A_1431 : i32
        %add3A_1434 = arith.constant 112 : i32
        %add3A_1435 = arith.addi %add3A_1433, %add3A_1434 : i32
        %get3A_1436 = arith.index_cast %add3A_1435 : i32 to index
        %get3A_1437 = tpu.vector_load %arg8[%get3A_1436] {strides = array<i32>} : memref<16384xf32, #tpu.memory_space<vmem>>, vector<16xf32>,
        %get3A_1438 = vector.shape_cast %get3A_1437 : vector<16xf32> to vector<16xf32>
        %mul3A_1439 = arith.mulf %get3A_1429, %get3A_1438 : vector<16xf32>
        %add3A_1440 = arith.addf %add3A_1422, %mul3A_1439 : vector<16xf32>
        %add3A_1441 = arith.constant 256 : i32
        %add3A_1442 = arith.addi %mul3A_327, %add3A_1441 : i32
        %add3A_1443 = arith.constant 112 : i32
        %add3A_1444 = arith.addi %add3A_1442, %add3A_1443 : i32
        %get3A_1445 = arith.index_cast %add3A_1444 : i32 to index
        %get3A_1446 = tpu.vector_load %arg10[%get3A_1445] {strides = array<i32>} : memref<16384xf32, #tpu.memory_space<vmem>>, vector<16xf32>,
        %get3A_1447 = vector.shape_cast %get3A_1446 : vector<16xf32> to vector<16xf32>
        %mul3A_1448 = arith.constant 128 : i32
        %mul3A_1449 = arith.muli %scan3A_325, %mul3A_1448 : i32
        %add3A_1450 = arith.constant 4096 : i32
        %add3A_1451 = arith.addi %add3A_1450, %mul3A_1449 : i32
        %add3A_1452 = arith.constant 112 : i32
        %add3A_1453 = arith.addi %add3A_1451, %add3A_1452 : i32
        %get3A_1454 = arith.index_cast %add3A_1453 : i32 to index
        %get3A_1455 = tpu.vector_load %arg8[%get3A_1454] {strides = array<i32>} : memref<16384xf32, #tpu.memory_space<vmem>>, vector<16xf32>,
        %get3A_1456 = vector.shape_cast %get3A_1455 : vector<16xf32> to vector<16xf32>
        %mul3A_1457 = arith.mulf %get3A_1447, %get3A_1456 : vector<16xf32>
        %add3A_1458 = arith.addf %add3A_1440, %mul3A_1457 : vector<16xf32>
        %add3A_1459 = arith.constant 384 : i32
        %add3A_1460 = arith.addi %mul3A_327, %add3A_1459 : i32
        %add3A_1461 = arith.constant 112 : i32
        %add3A_1462 = arith.addi %add3A_1460, %add3A_1461 : i32
        %get3A_1463 = arith.index_cast %add3A_1462 : i32 to index
        %get3A_1464 = tpu.vector_load %arg10[%get3A_1463] {strides = array<i32>} : memref<16384xf32, #tpu.memory_space<vmem>>, vector<16xf32>,
        %get3A_1465 = vector.shape_cast %get3A_1464 : vector<16xf32> to vector<16xf32>
        %mul3A_1466 = arith.constant 128 : i32
        %mul3A_1467 = arith.muli %scan3A_325, %mul3A_1466 : i32
        %add3A_1468 = arith.constant 6144 : i32
        %add3A_1469 = arith.addi %add3A_1468, %mul3A_1467 : i32
        %add3A_1470 = arith.constant 112 : i32
        %add3A_1471 = arith.addi %add3A_1469, %add3A_1470 : i32
        %get3A_1472 = arith.index_cast %add3A_1471 : i32 to index
        %get3A_1473 = tpu.vector_load %arg8[%get3A_1472] {strides = array<i32>} : memref<16384xf32, #tpu.memory_space<vmem>>, vector<16xf32>,
        %get3A_1474 = vector.shape_cast %get3A_1473 : vector<16xf32> to vector<16xf32>
        %mul3A_1475 = arith.mulf %get3A_1465, %get3A_1474 : vector<16xf32>
        %add3A_1476 = arith.addf %add3A_1458, %mul3A_1475 : vector<16xf32>
        %add3A_1477 = arith.constant 512 : i32
        %add3A_1478 = arith.addi %mul3A_327, %add3A_1477 : i32
        %add3A_1479 = arith.constant 112 : i32
        %add3A_1480 = arith.addi %add3A_1478, %add3A_1479 : i32
        %get3A_1481 = arith.index_cast %add3A_1480 : i32 to index
        %get3A_1482 = tpu.vector_load %arg10[%get3A_1481] {strides = array<i32>} : memref<16384xf32, #tpu.memory_space<vmem>>, vector<16xf32>,
        %get3A_1483 = vector.shape_cast %get3A_1482 : vector<16xf32> to vector<16xf32>
        %mul3A_1484 = arith.constant 128 : i32
        %mul3A_1485 = arith.muli %scan3A_325, %mul3A_1484 : i32
        %add3A_1486 = arith.constant 8192 : i32
        %add3A_1487 = arith.addi %add3A_1486, %mul3A_1485 : i32
        %add3A_1488 = arith.constant 112 : i32
        %add3A_1489 = arith.addi %add3A_1487, %add3A_1488 : i32
        %get3A_1490 = arith.index_cast %add3A_1489 : i32 to index
        %get3A_1491 = tpu.vector_load %arg8[%get3A_1490] {strides = array<i32>} : memref<16384xf32, #tpu.memory_space<vmem>>, vector<16xf32>,
        %get3A_1492 = vector.shape_cast %get3A_1491 : vector<16xf32> to vector<16xf32>
        %mul3A_1493 = arith.mulf %get3A_1483, %get3A_1492 : vector<16xf32>
        %add3A_1494 = arith.addf %add3A_1476, %mul3A_1493 : vector<16xf32>
        %add3A_1495 = arith.constant 640 : i32
        %add3A_1496 = arith.addi %mul3A_327, %add3A_1495 : i32
        %add3A_1497 = arith.constant 112 : i32
        %add3A_1498 = arith.addi %add3A_1496, %add3A_1497 : i32
        %get3A_1499 = arith.index_cast %add3A_1498 : i32 to index
        %get3A_1500 = tpu.vector_load %arg10[%get3A_1499] {strides = array<i32>} : memref<16384xf32, #tpu.memory_space<vmem>>, vector<16xf32>,
        %get3A_1501 = vector.shape_cast %get3A_1500 : vector<16xf32> to vector<16xf32>
        %mul3A_1502 = arith.constant 128 : i32
        %mul3A_1503 = arith.muli %scan3A_325, %mul3A_1502 : i32
        %add3A_1504 = arith.constant 10240 : i32
        %add3A_1505 = arith.addi %add3A_1504, %mul3A_1503 : i32
        %add3A_1506 = arith.constant 112 : i32
        %add3A_1507 = arith.addi %add3A_1505, %add3A_1506 : i32
        %get3A_1508 = arith.index_cast %add3A_1507 : i32 to index
        %get3A_1509 = tpu.vector_load %arg8[%get3A_1508] {strides = array<i32>} : memref<16384xf32, #tpu.memory_space<vmem>>, vector<16xf32>,
        %get3A_1510 = vector.shape_cast %get3A_1509 : vector<16xf32> to vector<16xf32>
        %mul3A_1511 = arith.mulf %get3A_1501, %get3A_1510 : vector<16xf32>
        %add3A_1512 = arith.addf %add3A_1494, %mul3A_1511 : vector<16xf32>
        %add3A_1513 = arith.constant 768 : i32
        %add3A_1514 = arith.addi %mul3A_327, %add3A_1513 : i32
        %add3A_1515 = arith.constant 112 : i32
        %add3A_1516 = arith.addi %add3A_1514, %add3A_1515 : i32
        %get3A_1517 = arith.index_cast %add3A_1516 : i32 to index
        %get3A_1518 = tpu.vector_load %arg10[%get3A_1517] {strides = array<i32>} : memref<16384xf32, #tpu.memory_space<vmem>>, vector<16xf32>,
        %get3A_1519 = vector.shape_cast %get3A_1518 : vector<16xf32> to vector<16xf32>
        %mul3A_1520 = arith.constant 128 : i32
        %mul3A_1521 = arith.muli %scan3A_325, %mul3A_1520 : i32
        %add3A_1522 = arith.constant 12288 : i32
        %add3A_1523 = arith.addi %add3A_1522, %mul3A_1521 : i32
        %add3A_1524 = arith.constant 112 : i32
        %add3A_1525 = arith.addi %add3A_1523, %add3A_1524 : i32
        %get3A_1526 = arith.index_cast %add3A_1525 : i32 to index
        %get3A_1527 = tpu.vector_load %arg8[%get3A_1526] {strides = array<i32>} : memref<16384xf32, #tpu.memory_space<vmem>>, vector<16xf32>,
        %get3A_1528 = vector.shape_cast %get3A_1527 : vector<16xf32> to vector<16xf32>
        %mul3A_1529 = arith.mulf %get3A_1519, %get3A_1528 : vector<16xf32>
        %add3A_1530 = arith.addf %add3A_1512, %mul3A_1529 : vector<16xf32>
        %add3A_1531 = arith.constant 896 : i32
        %add3A_1532 = arith.addi %mul3A_327, %add3A_1531 : i32
        %add3A_1533 = arith.constant 112 : i32
        %add3A_1534 = arith.addi %add3A_1532, %add3A_1533 : i32
        %get3A_1535 = arith.index_cast %add3A_1534 : i32 to index
        %get3A_1536 = tpu.vector_load %arg10[%get3A_1535] {strides = array<i32>} : memref<16384xf32, #tpu.memory_space<vmem>>, vector<16xf32>,
        %get3A_1537 = vector.shape_cast %get3A_1536 : vector<16xf32> to vector<16xf32>
        %mul3A_1538 = arith.constant 128 : i32
        %mul3A_1539 = arith.muli %scan3A_325, %mul3A_1538 : i32
        %add3A_1540 = arith.constant 14336 : i32
        %add3A_1541 = arith.addi %add3A_1540, %mul3A_1539 : i32
        %add3A_1542 = arith.constant 112 : i32
        %add3A_1543 = arith.addi %add3A_1541, %add3A_1542 : i32
        %get3A_1544 = arith.index_cast %add3A_1543 : i32 to index
        %get3A_1545 = tpu.vector_load %arg8[%get3A_1544] {strides = array<i32>} : memref<16384xf32, #tpu.memory_space<vmem>>, vector<16xf32>,
        %get3A_1546 = vector.shape_cast %get3A_1545 : vector<16xf32> to vector<16xf32>
        %mul3A_1547 = arith.mulf %get3A_1537, %get3A_1546 : vector<16xf32>
        %add3A_1548 = arith.addf %add3A_1530, %mul3A_1547 : vector<16xf32>
        %mul3A_1549 = arith.constant 128 : i32
        %mul3A_1550 = arith.muli %scan3A_325, %mul3A_1549 : i32
        %add3A_1551 = arith.constant 112 : i32
        %add3A_1552 = arith.addi %mul3A_1550, %add3A_1551 : i32
        %swap3A_1553 = arith.index_cast %add3A_1552 : i32 to index
        %swap3A_1554 = tpu.vector_load %arg12[%swap3A_1553] {strides = array<i32>} : memref<2048xf32, #tpu.memory_space<vmem>>, vector<16xf32>,
        %swap3A_1555 = vector.shape_cast %swap3A_1554 : vector<16xf32> to vector<16xf32>
        %swap3A_1556 = vector.shape_cast %add3A_1548 : vector<16xf32> to vector<16xf32>
        tpu.vector_store %arg12[%swap3A_1553], %swap3A_1556 {strides = array<i32>} : memref<2048xf32, #tpu.memory_space<vmem>>, vector<16xf32>,
      }
      %scan3A_261 = arith.constant 16 : i32
      %mul3A_262 = arith.constant 64 : i32
      %mul3A_263 = arith.muli %add3A, %mul3A_262 : i32
      %add3A_264 = arith.addi %mul3A_263, %add3A_238 : i32
      %dma_start3A_265 = arith.constant 0 : i32
      %dma_start3A_266 = tpu.memref_slice %arg5[%add3A_264, %dma_start3A_265] : memref<2048x2048xf32, #tpu.memory_space<hbm>> -> memref<1x2048xf32, #tpu.memory_space<hbm>>
      %dma_start3A_267 = tpu.memref_squeeze %dma_start3A_266 : memref<1x2048xf32, #tpu.memory_space<hbm>> -> memref<2048xf32, #tpu.memory_space<hbm>>
      %dma_start3A_268 = arith.constant 0 : i32
      %dma_start3A_269 = tpu.memref_slice %arg5[%add3A_264, %dma_start3A_268] : memref<2048x2048xf32, #tpu.memory_space<hbm>> -> memref<1x2048xf32, #tpu.memory_space<hbm>>
      %dma_start3A_270 = tpu.memref_squeeze %dma_start3A_269 : memref<1x2048xf32, #tpu.memory_space<hbm>> -> memref<2048xf32, #tpu.memory_space<hbm>>
      tpu.enqueue_dma source(%arg12 : memref<2048xf32, #tpu.memory_space<vmem>>) target(%dma_start3A_270 : memref<2048xf32, #tpu.memory_space<hbm>>) target_semaphore(%arg18 : memref<!tpu.dma_semaphore, #tpu.memory_space<semaphore_mem>>)
      %add3A_271 = arith.constant 2 : i32
      %add3A_272 = arith.addi %add3A_238, %add3A_271 : i32
      %lt3A_273 = arith.constant 64 : i32
      %lt3A_274 = arith.cmpi slt, %add3A_272, %lt3A_273 : i32
      %convert_element_type3A_275 = arith.extui %lt3A_274 : i1 to i32
      %cond3A_276 = arith.constant 0 : i32
      %cond3A_277 = arith.cmpi ne, %convert_element_type3A_275, %cond3A_276 : i32
      scf.if %cond3A_277 {
        %add3A_325 = arith.constant 2 : i32
        %add3A_326 = arith.addi %add3A_238, %add3A_325 : i32
        %mul3A_327 = arith.constant 2048 : i32
        %mul3A_328 = arith.muli %add3A_326, %mul3A_327 : i32
        %add3A_329 = arith.addi %mul3A_2, %mul3A_328 : i32
        %add3A_330 = arith.constant 0 : i32
        %add3A_331 = arith.addi %add3A_330, %add3A_329 : i32
        %dma_start3A_332 = arith.constant 0 : i32
        %dma_start3A_333 = tpu.memref_slice %arg8[%dma_start3A_332] : memref<16384xf32, #tpu.memory_space<vmem>> -> memref<2048xf32, #tpu.memory_space<vmem>>
        %dma_start3A_334 = tpu.memref_slice %arg4[%add3A_331] : memref<33554432xf32, #tpu.memory_space<hbm>> -> memref<2048xf32, #tpu.memory_space<hbm>>
        %dma_start3A_335 = arith.constant 0 : i32
        %dma_start3A_336 = tpu.memref_slice %arg8[%dma_start3A_335] : memref<16384xf32, #tpu.memory_space<vmem>> -> memref<2048xf32, #tpu.memory_space<vmem>>
        %dma_start3A_337 = tpu.memref_slice %arg4[%add3A_331] : memref<33554432xf32, #tpu.memory_space<hbm>> -> memref<2048xf32, #tpu.memory_space<hbm>>
        tpu.enqueue_dma source(%dma_start3A_337 : memref<2048xf32, #tpu.memory_space<hbm>>) target(%dma_start3A_336 : memref<2048xf32, #tpu.memory_space<vmem>>) target_semaphore(%arg14 : memref<!tpu.dma_semaphore, #tpu.memory_space<semaphore_mem>>)
        %add3A_338 = arith.constant 4194304 : i32
        %add3A_339 = arith.addi %add3A_338, %add3A_329 : i32
        %dma_start3A_340 = arith.constant 2048 : i32
        %dma_start3A_341 = tpu.memref_slice %arg8[%dma_start3A_340] : memref<16384xf32, #tpu.memory_space<vmem>> -> memref<2048xf32, #tpu.memory_space<vmem>>
        %dma_start3A_342 = tpu.memref_slice %arg4[%add3A_339] : memref<33554432xf32, #tpu.memory_space<hbm>> -> memref<2048xf32, #tpu.memory_space<hbm>>
        %dma_start3A_343 = arith.constant 2048 : i32
        %dma_start3A_344 = tpu.memref_slice %arg8[%dma_start3A_343] : memref<16384xf32, #tpu.memory_space<vmem>> -> memref<2048xf32, #tpu.memory_space<vmem>>
        %dma_start3A_345 = tpu.memref_slice %arg4[%add3A_339] : memref<33554432xf32, #tpu.memory_space<hbm>> -> memref<2048xf32, #tpu.memory_space<hbm>>
        tpu.enqueue_dma source(%dma_start3A_345 : memref<2048xf32, #tpu.memory_space<hbm>>) target(%dma_start3A_344 : memref<2048xf32, #tpu.memory_space<vmem>>) target_semaphore(%arg14 : memref<!tpu.dma_semaphore, #tpu.memory_space<semaphore_mem>>)
        %add3A_346 = arith.constant 8388608 : i32
        %add3A_347 = arith.addi %add3A_346, %add3A_329 : i32
        %dma_start3A_348 = arith.constant 4096 : i32
        %dma_start3A_349 = tpu.memref_slice %arg8[%dma_start3A_348] : memref<16384xf32, #tpu.memory_space<vmem>> -> memref<2048xf32, #tpu.memory_space<vmem>>
        %dma_start3A_350 = tpu.memref_slice %arg4[%add3A_347] : memref<33554432xf32, #tpu.memory_space<hbm>> -> memref<2048xf32, #tpu.memory_space<hbm>>
        %dma_start3A_351 = arith.constant 4096 : i32
        %dma_start3A_352 = tpu.memref_slice %arg8[%dma_start3A_351] : memref<16384xf32, #tpu.memory_space<vmem>> -> memref<2048xf32, #tpu.memory_space<vmem>>
        %dma_start3A_353 = tpu.memref_slice %arg4[%add3A_347] : memref<33554432xf32, #tpu.memory_space<hbm>> -> memref<2048xf32, #tpu.memory_space<hbm>>
        tpu.enqueue_dma source(%dma_start3A_353 : memref<2048xf32, #tpu.memory_space<hbm>>) target(%dma_start3A_352 : memref<2048xf32, #tpu.memory_space<vmem>>) target_semaphore(%arg14 : memref<!tpu.dma_semaphore, #tpu.memory_space<semaphore_mem>>)
        %add3A_354 = arith.constant 12582912 : i32
        %add3A_355 = arith.addi %add3A_354, %add3A_329 : i32
        %dma_start3A_356 = arith.constant 6144 : i32
        %dma_start3A_357 = tpu.memref_slice %arg8[%dma_start3A_356] : memref<16384xf32, #tpu.memory_space<vmem>> -> memref<2048xf32, #tpu.memory_space<vmem>>
        %dma_start3A_358 = tpu.memref_slice %arg4[%add3A_355] : memref<33554432xf32, #tpu.memory_space<hbm>> -> memref<2048xf32, #tpu.memory_space<hbm>>
        %dma_start3A_359 = arith.constant 6144 : i32
        %dma_start3A_360 = tpu.memref_slice %arg8[%dma_start3A_359] : memref<16384xf32, #tpu.memory_space<vmem>> -> memref<2048xf32, #tpu.memory_space<vmem>>
        %dma_start3A_361 = tpu.memref_slice %arg4[%add3A_355] : memref<33554432xf32, #tpu.memory_space<hbm>> -> memref<2048xf32, #tpu.memory_space<hbm>>
        tpu.enqueue_dma source(%dma_start3A_361 : memref<2048xf32, #tpu.memory_space<hbm>>) target(%dma_start3A_360 : memref<2048xf32, #tpu.memory_space<vmem>>) target_semaphore(%arg14 : memref<!tpu.dma_semaphore, #tpu.memory_space<semaphore_mem>>)
        %add3A_362 = arith.constant 16777216 : i32
        %add3A_363 = arith.addi %add3A_362, %add3A_329 : i32
        %dma_start3A_364 = arith.constant 8192 : i32
        %dma_start3A_365 = tpu.memref_slice %arg8[%dma_start3A_364] : memref<16384xf32, #tpu.memory_space<vmem>> -> memref<2048xf32, #tpu.memory_space<vmem>>
        %dma_start3A_366 = tpu.memref_slice %arg4[%add3A_363] : memref<33554432xf32, #tpu.memory_space<hbm>> -> memref<2048xf32, #tpu.memory_space<hbm>>
        %dma_start3A_367 = arith.constant 8192 : i32
        %dma_start3A_368 = tpu.memref_slice %arg8[%dma_start3A_367] : memref<16384xf32, #tpu.memory_space<vmem>> -> memref<2048xf32, #tpu.memory_space<vmem>>
        %dma_start3A_369 = tpu.memref_slice %arg4[%add3A_363] : memref<33554432xf32, #tpu.memory_space<hbm>> -> memref<2048xf32, #tpu.memory_space<hbm>>
        tpu.enqueue_dma source(%dma_start3A_369 : memref<2048xf32, #tpu.memory_space<hbm>>) target(%dma_start3A_368 : memref<2048xf32, #tpu.memory_space<vmem>>) target_semaphore(%arg14 : memref<!tpu.dma_semaphore, #tpu.memory_space<semaphore_mem>>)
        %add3A_370 = arith.constant 20971520 : i32
        %add3A_371 = arith.addi %add3A_370, %add3A_329 : i32
        %dma_start3A_372 = arith.constant 10240 : i32
        %dma_start3A_373 = tpu.memref_slice %arg8[%dma_start3A_372] : memref<16384xf32, #tpu.memory_space<vmem>> -> memref<2048xf32, #tpu.memory_space<vmem>>
        %dma_start3A_374 = tpu.memref_slice %arg4[%add3A_371] : memref<33554432xf32, #tpu.memory_space<hbm>> -> memref<2048xf32, #tpu.memory_space<hbm>>
        %dma_start3A_375 = arith.constant 10240 : i32
        %dma_start3A_376 = tpu.memref_slice %arg8[%dma_start3A_375] : memref<16384xf32, #tpu.memory_space<vmem>> -> memref<2048xf32, #tpu.memory_space<vmem>>
        %dma_start3A_377 = tpu.memref_slice %arg4[%add3A_371] : memref<33554432xf32, #tpu.memory_space<hbm>> -> memref<2048xf32, #tpu.memory_space<hbm>>
        tpu.enqueue_dma source(%dma_start3A_377 : memref<2048xf32, #tpu.memory_space<hbm>>) target(%dma_start3A_376 : memref<2048xf32, #tpu.memory_space<vmem>>) target_semaphore(%arg14 : memref<!tpu.dma_semaphore, #tpu.memory_space<semaphore_mem>>)
        %add3A_378 = arith.constant 25165824 : i32
        %add3A_379 = arith.addi %add3A_378, %add3A_329 : i32
        %dma_start3A_380 = arith.constant 12288 : i32
        %dma_start3A_381 = tpu.memref_slice %arg8[%dma_start3A_380] : memref<16384xf32, #tpu.memory_space<vmem>> -> memref<2048xf32, #tpu.memory_space<vmem>>
        %dma_start3A_382 = tpu.memref_slice %arg4[%add3A_379] : memref<33554432xf32, #tpu.memory_space<hbm>> -> memref<2048xf32, #tpu.memory_space<hbm>>
        %dma_start3A_383 = arith.constant 12288 : i32
        %dma_start3A_384 = tpu.memref_slice %arg8[%dma_start3A_383] : memref<16384xf32, #tpu.memory_space<vmem>> -> memref<2048xf32, #tpu.memory_space<vmem>>
        %dma_start3A_385 = tpu.memref_slice %arg4[%add3A_379] : memref<33554432xf32, #tpu.memory_space<hbm>> -> memref<2048xf32, #tpu.memory_space<hbm>>
        tpu.enqueue_dma source(%dma_start3A_385 : memref<2048xf32, #tpu.memory_space<hbm>>) target(%dma_start3A_384 : memref<2048xf32, #tpu.memory_space<vmem>>) target_semaphore(%arg14 : memref<!tpu.dma_semaphore, #tpu.memory_space<semaphore_mem>>)
        %add3A_386 = arith.constant 29360128 : i32
        %add3A_387 = arith.addi %add3A_386, %add3A_329 : i32
        %dma_start3A_388 = arith.constant 14336 : i32
        %dma_start3A_389 = tpu.memref_slice %arg8[%dma_start3A_388] : memref<16384xf32, #tpu.memory_space<vmem>> -> memref<2048xf32, #tpu.memory_space<vmem>>
        %dma_start3A_390 = tpu.memref_slice %arg4[%add3A_387] : memref<33554432xf32, #tpu.memory_space<hbm>> -> memref<2048xf32, #tpu.memory_space<hbm>>
        %dma_start3A_391 = arith.constant 14336 : i32
        %dma_start3A_392 = tpu.memref_slice %arg8[%dma_start3A_391] : memref<16384xf32, #tpu.memory_space<vmem>> -> memref<2048xf32, #tpu.memory_space<vmem>>
        %dma_start3A_393 = tpu.memref_slice %arg4[%add3A_387] : memref<33554432xf32, #tpu.memory_space<hbm>> -> memref<2048xf32, #tpu.memory_space<hbm>>
        tpu.enqueue_dma source(%dma_start3A_393 : memref<2048xf32, #tpu.memory_space<hbm>>) target(%dma_start3A_392 : memref<2048xf32, #tpu.memory_space<vmem>>) target_semaphore(%arg14 : memref<!tpu.dma_semaphore, #tpu.memory_space<semaphore_mem>>)
      } else {
      }
      %mul3A_278 = arith.constant 2 : i32
      %mul3A_279 = arith.muli %scan3A_234, %mul3A_278 : i32
      %add3A_280 = arith.constant 1 : i32
      %add3A_281 = arith.addi %mul3A_279, %add3A_280 : i32
      %add3A_282 = arith.constant 1 : i32
      %add3A_283 = arith.addi %add3A_281, %add3A_282 : i32
      %lt3A_284 = arith.constant 64 : i32
      %lt3A_285 = arith.cmpi slt, %add3A_283, %lt3A_284 : i32
      %convert_element_type3A_286 = arith.extui %lt3A_285 : i1 to i32
      %cond3A_287 = arith.constant 0 : i32
      %cond3A_288 = arith.cmpi ne, %convert_element_type3A_286, %cond3A_287 : i32
      scf.if %cond3A_288 {
        %dma_wait3A_325 = arith.constant 0 : i32
        %dma_wait3A_326 = tpu.memref_slice %arg3[%dma_wait3A_325] : memref<33554432xi32, #tpu.memory_space<hbm>> -> memref<16384xi32, #tpu.memory_space<hbm>>
        %dma_wait3A_327 = arith.constant 0 : i32
        %dma_wait3A_328 = tpu.memref_slice %arg3[%dma_wait3A_327] : memref<33554432xi32, #tpu.memory_space<hbm>> -> memref<16384xi32, #tpu.memory_space<hbm>>
        tpu.wait_dma2 semaphore(%arg14 : memref<!tpu.dma_semaphore, #tpu.memory_space<semaphore_mem>>) src(%dma_wait3A_328 : memref<16384xi32, #tpu.memory_space<hbm>>) dst(%arg6 : memref<16384xi32, #tpu.memory_space<vmem>>)
        %dma_wait3A_329 = arith.constant 0 : i32
        %dma_wait3A_330 = tpu.memref_slice %arg8[%dma_wait3A_329] : memref<16384xf32, #tpu.memory_space<vmem>> -> memref<2048xf32, #tpu.memory_space<vmem>>
        %dma_wait3A_331 = arith.constant 0 : i32
        %dma_wait3A_332 = tpu.memref_slice %arg4[%dma_wait3A_331] : memref<33554432xf32, #tpu.memory_space<hbm>> -> memref<2048xf32, #tpu.memory_space<hbm>>
        %dma_wait3A_333 = arith.constant 0 : i32
        %dma_wait3A_334 = tpu.memref_slice %arg8[%dma_wait3A_333] : memref<16384xf32, #tpu.memory_space<vmem>> -> memref<2048xf32, #tpu.memory_space<vmem>>
        %dma_wait3A_335 = arith.constant 0 : i32
        %dma_wait3A_336 = tpu.memref_slice %arg4[%dma_wait3A_335] : memref<33554432xf32, #tpu.memory_space<hbm>> -> memref<2048xf32, #tpu.memory_space<hbm>>
        tpu.wait_dma2 semaphore(%arg14 : memref<!tpu.dma_semaphore, #tpu.memory_space<semaphore_mem>>) src(%dma_wait3A_336 : memref<2048xf32, #tpu.memory_space<hbm>>) dst(%dma_wait3A_334 : memref<2048xf32, #tpu.memory_space<vmem>>)
        %dma_wait3A_337 = arith.constant 2048 : i32
        %dma_wait3A_338 = tpu.memref_slice %arg8[%dma_wait3A_337] : memref<16384xf32, #tpu.memory_space<vmem>> -> memref<2048xf32, #tpu.memory_space<vmem>>
        %dma_wait3A_339 = arith.constant 0 : i32
        %dma_wait3A_340 = tpu.memref_slice %arg4[%dma_wait3A_339] : memref<33554432xf32, #tpu.memory_space<hbm>> -> memref<2048xf32, #tpu.memory_space<hbm>>
        %dma_wait3A_341 = arith.constant 2048 : i32
        %dma_wait3A_342 = tpu.memref_slice %arg8[%dma_wait3A_341] : memref<16384xf32, #tpu.memory_space<vmem>> -> memref<2048xf32, #tpu.memory_space<vmem>>
        %dma_wait3A_343 = arith.constant 0 : i32
        %dma_wait3A_344 = tpu.memref_slice %arg4[%dma_wait3A_343] : memref<33554432xf32, #tpu.memory_space<hbm>> -> memref<2048xf32, #tpu.memory_space<hbm>>
        tpu.wait_dma2 semaphore(%arg14 : memref<!tpu.dma_semaphore, #tpu.memory_space<semaphore_mem>>) src(%dma_wait3A_344 : memref<2048xf32, #tpu.memory_space<hbm>>) dst(%dma_wait3A_342 : memref<2048xf32, #tpu.memory_space<vmem>>)
        %dma_wait3A_345 = arith.constant 4096 : i32
        %dma_wait3A_346 = tpu.memref_slice %arg8[%dma_wait3A_345] : memref<16384xf32, #tpu.memory_space<vmem>> -> memref<2048xf32, #tpu.memory_space<vmem>>
        %dma_wait3A_347 = arith.constant 0 : i32
        %dma_wait3A_348 = tpu.memref_slice %arg4[%dma_wait3A_347] : memref<33554432xf32, #tpu.memory_space<hbm>> -> memref<2048xf32, #tpu.memory_space<hbm>>
        %dma_wait3A_349 = arith.constant 4096 : i32
        %dma_wait3A_350 = tpu.memref_slice %arg8[%dma_wait3A_349] : memref<16384xf32, #tpu.memory_space<vmem>> -> memref<2048xf32, #tpu.memory_space<vmem>>
        %dma_wait3A_351 = arith.constant 0 : i32
        %dma_wait3A_352 = tpu.memref_slice %arg4[%dma_wait3A_351] : memref<33554432xf32, #tpu.memory_space<hbm>> -> memref<2048xf32, #tpu.memory_space<hbm>>
        tpu.wait_dma2 semaphore(%arg14 : memref<!tpu.dma_semaphore, #tpu.memory_space<semaphore_mem>>) src(%dma_wait3A_352 : memref<2048xf32, #tpu.memory_space<hbm>>) dst(%dma_wait3A_350 : memref<2048xf32, #tpu.memory_space<vmem>>)
        %dma_wait3A_353 = arith.constant 6144 : i32
        %dma_wait3A_354 = tpu.memref_slice %arg8[%dma_wait3A_353] : memref<16384xf32, #tpu.memory_space<vmem>> -> memref<2048xf32, #tpu.memory_space<vmem>>
        %dma_wait3A_355 = arith.constant 0 : i32
        %dma_wait3A_356 = tpu.memref_slice %arg4[%dma_wait3A_355] : memref<33554432xf32, #tpu.memory_space<hbm>> -> memref<2048xf32, #tpu.memory_space<hbm>>
        %dma_wait3A_357 = arith.constant 6144 : i32
        %dma_wait3A_358 = tpu.memref_slice %arg8[%dma_wait3A_357] : memref<16384xf32, #tpu.memory_space<vmem>> -> memref<2048xf32, #tpu.memory_space<vmem>>
        %dma_wait3A_359 = arith.constant 0 : i32
        %dma_wait3A_360 = tpu.memref_slice %arg4[%dma_wait3A_359] : memref<33554432xf32, #tpu.memory_space<hbm>> -> memref<2048xf32, #tpu.memory_space<hbm>>
        tpu.wait_dma2 semaphore(%arg14 : memref<!tpu.dma_semaphore, #tpu.memory_space<semaphore_mem>>) src(%dma_wait3A_360 : memref<2048xf32, #tpu.memory_space<hbm>>) dst(%dma_wait3A_358 : memref<2048xf32, #tpu.memory_space<vmem>>)
        %dma_wait3A_361 = arith.constant 8192 : i32
        %dma_wait3A_362 = tpu.memref_slice %arg8[%dma_wait3A_361] : memref<16384xf32, #tpu.memory_space<vmem>> -> memref<2048xf32, #tpu.memory_space<vmem>>
        %dma_wait3A_363 = arith.constant 0 : i32
        %dma_wait3A_364 = tpu.memref_slice %arg4[%dma_wait3A_363] : memref<33554432xf32, #tpu.memory_space<hbm>> -> memref<2048xf32, #tpu.memory_space<hbm>>
        %dma_wait3A_365 = arith.constant 8192 : i32
        %dma_wait3A_366 = tpu.memref_slice %arg8[%dma_wait3A_365] : memref<16384xf32, #tpu.memory_space<vmem>> -> memref<2048xf32, #tpu.memory_space<vmem>>
        %dma_wait3A_367 = arith.constant 0 : i32
        %dma_wait3A_368 = tpu.memref_slice %arg4[%dma_wait3A_367] : memref<33554432xf32, #tpu.memory_space<hbm>> -> memref<2048xf32, #tpu.memory_space<hbm>>
        tpu.wait_dma2 semaphore(%arg14 : memref<!tpu.dma_semaphore, #tpu.memory_space<semaphore_mem>>) src(%dma_wait3A_368 : memref<2048xf32, #tpu.memory_space<hbm>>) dst(%dma_wait3A_366 : memref<2048xf32, #tpu.memory_space<vmem>>)
        %dma_wait3A_369 = arith.constant 10240 : i32
        %dma_wait3A_370 = tpu.memref_slice %arg8[%dma_wait3A_369] : memref<16384xf32, #tpu.memory_space<vmem>> -> memref<2048xf32, #tpu.memory_space<vmem>>
        %dma_wait3A_371 = arith.constant 0 : i32
        %dma_wait3A_372 = tpu.memref_slice %arg4[%dma_wait3A_371] : memref<33554432xf32, #tpu.memory_space<hbm>> -> memref<2048xf32, #tpu.memory_space<hbm>>
        %dma_wait3A_373 = arith.constant 10240 : i32
        %dma_wait3A_374 = tpu.memref_slice %arg8[%dma_wait3A_373] : memref<16384xf32, #tpu.memory_space<vmem>> -> memref<2048xf32, #tpu.memory_space<vmem>>
        %dma_wait3A_375 = arith.constant 0 : i32
        %dma_wait3A_376 = tpu.memref_slice %arg4[%dma_wait3A_375] : memref<33554432xf32, #tpu.memory_space<hbm>> -> memref<2048xf32, #tpu.memory_space<hbm>>
        tpu.wait_dma2 semaphore(%arg14 : memref<!tpu.dma_semaphore, #tpu.memory_space<semaphore_mem>>) src(%dma_wait3A_376 : memref<2048xf32, #tpu.memory_space<hbm>>) dst(%dma_wait3A_374 : memref<2048xf32, #tpu.memory_space<vmem>>)
        %dma_wait3A_377 = arith.constant 12288 : i32
        %dma_wait3A_378 = tpu.memref_slice %arg8[%dma_wait3A_377] : memref<16384xf32, #tpu.memory_space<vmem>> -> memref<2048xf32, #tpu.memory_space<vmem>>
        %dma_wait3A_379 = arith.constant 0 : i32
        %dma_wait3A_380 = tpu.memref_slice %arg4[%dma_wait3A_379] : memref<33554432xf32, #tpu.memory_space<hbm>> -> memref<2048xf32, #tpu.memory_space<hbm>>
        %dma_wait3A_381 = arith.constant 12288 : i32
        %dma_wait3A_382 = tpu.memref_slice %arg8[%dma_wait3A_381] : memref<16384xf32, #tpu.memory_space<vmem>> -> memref<2048xf32, #tpu.memory_space<vmem>>
        %dma_wait3A_383 = arith.constant 0 : i32
        %dma_wait3A_384 = tpu.memref_slice %arg4[%dma_wait3A_383] : memref<33554432xf32, #tpu.memory_space<hbm>> -> memref<2048xf32, #tpu.memory_space<hbm>>
        tpu.wait_dma2 semaphore(%arg14 : memref<!tpu.dma_semaphore, #tpu.memory_space<semaphore_mem>>) src(%dma_wait3A_384 : memref<2048xf32, #tpu.memory_space<hbm>>) dst(%dma_wait3A_382 : memref<2048xf32, #tpu.memory_space<vmem>>)
        %dma_wait3A_385 = arith.constant 14336 : i32
        %dma_wait3A_386 = tpu.memref_slice %arg8[%dma_wait3A_385] : memref<16384xf32, #tpu.memory_space<vmem>> -> memref<2048xf32, #tpu.memory_space<vmem>>
        %dma_wait3A_387 = arith.constant 0 : i32
        %dma_wait3A_388 = tpu.memref_slice %arg4[%dma_wait3A_387] : memref<33554432xf32, #tpu.memory_space<hbm>> -> memref<2048xf32, #tpu.memory_space<hbm>>
        %dma_wait3A_389 = arith.constant 14336 : i32
        %dma_wait3A_390 = tpu.memref_slice %arg8[%dma_wait3A_389] : memref<16384xf32, #tpu.memory_space<vmem>> -> memref<2048xf32, #tpu.memory_space<vmem>>
        %dma_wait3A_391 = arith.constant 0 : i32
        %dma_wait3A_392 = tpu.memref_slice %arg4[%dma_wait3A_391] : memref<33554432xf32, #tpu.memory_space<hbm>> -> memref<2048xf32, #tpu.memory_space<hbm>>
        tpu.wait_dma2 semaphore(%arg14 : memref<!tpu.dma_semaphore, #tpu.memory_space<semaphore_mem>>) src(%dma_wait3A_392 : memref<2048xf32, #tpu.memory_space<hbm>>) dst(%dma_wait3A_390 : memref<2048xf32, #tpu.memory_space<vmem>>)
        %dma_start3A_393 = arith.constant 0 : i32
        %dma_start3A_394 = tpu.memref_slice %arg2[%dma_start3A_393] : memref<4194304xf32, #tpu.memory_space<hbm>> -> memref<4194304xf32, #tpu.memory_space<hbm>>
        tpu.enqueue_indirect_dma source(%dma_start3A_394 : memref<4194304xf32, #tpu.memory_space<hbm>>) target(%arg10 : memref<16384xf32, #tpu.memory_space<vmem>>) offsets(%arg6 : memref<16384xi32, #tpu.memory_space<vmem>>) semaphore(%arg16 : memref<!tpu.dma_semaphore, #tpu.memory_space<semaphore_mem>>)
      } else {
      }
      %dma_wait3A_289 = arith.constant 0 : i32
      %dma_wait3A_290 = tpu.memref_slice %arg2[%dma_wait3A_289] : memref<4194304xf32, #tpu.memory_space<hbm>> -> memref<4194304xf32, #tpu.memory_space<hbm>>
      tpu.wait_indirect_dma semaphore(%arg17 : memref<!tpu.dma_semaphore, #tpu.memory_space<semaphore_mem>>) src(%dma_wait3A_290 : memref<4194304xf32, #tpu.memory_space<hbm>>) dst(%arg11 : memref<16384xf32, #tpu.memory_space<vmem>>)
      %add3A_291 = arith.constant 2 : i32
      %add3A_292 = arith.addi %add3A_281, %add3A_291 : i32
      %lt3A_293 = arith.constant 64 : i32
      %lt3A_294 = arith.cmpi slt, %add3A_292, %lt3A_293 : i32
      %convert_element_type3A_295 = arith.extui %lt3A_294 : i1 to i32
      %cond3A_296 = arith.constant 0 : i32
      %cond3A_297 = arith.cmpi ne, %convert_element_type3A_295, %cond3A_296 : i32
      scf.if %cond3A_297 {
        %add3A_325 = arith.constant 2 : i32
        %add3A_326 = arith.addi %add3A_281, %add3A_325 : i32
        %mul3A_327 = arith.constant 2048 : i32
        %mul3A_328 = arith.muli %add3A_326, %mul3A_327 : i32
        %add3A_329 = arith.addi %mul3A_2, %mul3A_328 : i32
        %mul3A_330 = arith.constant 8 : i32
        %mul3A_331 = arith.muli %add3A_329, %mul3A_330 : i32
        %dma_start3A_332 = tpu.memref_slice %arg3[%mul3A_331] : memref<33554432xi32, #tpu.memory_space<hbm>> -> memref<16384xi32, #tpu.memory_space<hbm>>
        %dma_start3A_333 = tpu.memref_slice %arg3[%mul3A_331] : memref<33554432xi32, #tpu.memory_space<hbm>> -> memref<16384xi32, #tpu.memory_space<hbm>>
        tpu.enqueue_dma source(%dma_start3A_333 : memref<16384xi32, #tpu.memory_space<hbm>>) target(%arg7 : memref<16384xi32, #tpu.memory_space<vmem>>) target_semaphore(%arg15 : memref<!tpu.dma_semaphore, #tpu.memory_space<semaphore_mem>>)
      } else {
      }
      %ge3A_298 = arith.constant 2 : i32
      %ge3A_299 = arith.cmpi sge, %add3A_281, %ge3A_298 : i32
      %convert_element_type3A_300 = arith.extui %ge3A_299 : i1 to i32
      %cond3A_301 = arith.constant 0 : i32
      %cond3A_302 = arith.cmpi ne, %convert_element_type3A_300, %cond3A_301 : i32
      scf.if %cond3A_302 {
        %dma_wait3A_325 = arith.constant 0 : i32
        %dma_wait3A_326 = arith.constant 0 : i32
        %dma_wait3A_327 = tpu.memref_slice %arg5[%dma_wait3A_325, %dma_wait3A_326] : memref<2048x2048xf32, #tpu.memory_space<hbm>> -> memref<1x2048xf32, #tpu.memory_space<hbm>>
        %dma_wait3A_328 = tpu.memref_squeeze %dma_wait3A_327 : memref<1x2048xf32, #tpu.memory_space<hbm>> -> memref<2048xf32, #tpu.memory_space<hbm>>
        %dma_wait3A_329 = arith.constant 0 : i32
        %dma_wait3A_330 = tpu.memref_slice %arg5[%dma_wait3A_325, %dma_wait3A_329] : memref<2048x2048xf32, #tpu.memory_space<hbm>> -> memref<1x2048xf32, #tpu.memory_space<hbm>>
        %dma_wait3A_331 = tpu.memref_squeeze %dma_wait3A_330 : memref<1x2048xf32, #tpu.memory_space<hbm>> -> memref<2048xf32, #tpu.memory_space<hbm>>
        tpu.wait_dma2 semaphore(%arg19 : memref<!tpu.dma_semaphore, #tpu.memory_space<semaphore_mem>>) src(%arg13 : memref<2048xf32, #tpu.memory_space<vmem>>) dst(%dma_wait3A_331 : memref<2048xf32, #tpu.memory_space<hbm>>)
      } else {
      }
      %scan3A_303 = arith.constant 0 : i32
      %scan3A_304 = arith.constant 0 : i32
      %scan3A_305 = arith.constant 16 : i32
      %scan3A_306 = arith.addi %scan3A_304, %scan3A_305 : i32
      %scan3A_307 = arith.constant 1 : i32
      scf.for %scan3A_325 = %scan3A_304 to %scan3A_306 step %scan3A_307  : i32 {
        %mul3A_326 = arith.constant 1024 : i32
        %mul3A_327 = arith.muli %scan3A_325, %mul3A_326 : i32
        %broadcast_in_dim3A = arith.constant 0.000000e+00 : f32
        %broadcast_in_dim3A_328 = vector.broadcast %broadcast_in_dim3A : f32 to vector<16xf32>
        %add3A_329 = arith.constant 0 : i32
        %add3A_330 = arith.addi %mul3A_327, %add3A_329 : i32
        %add3A_331 = arith.constant 0 : i32
        %add3A_332 = arith.addi %add3A_330, %add3A_331 : i32
        %get3A = arith.index_cast %add3A_332 : i32 to index
        %get3A_333 = tpu.vector_load %arg11[%get3A] {strides = array<i32>} : memref<16384xf32, #tpu.memory_space<vmem>>, vector<16xf32>,
        %get3A_334 = vector.shape_cast %get3A_333 : vector<16xf32> to vector<16xf32>
        %mul3A_335 = arith.constant 128 : i32
        %mul3A_336 = arith.muli %scan3A_325, %mul3A_335 : i32
        %add3A_337 = arith.constant 0 : i32
        %add3A_338 = arith.addi %add3A_337, %mul3A_336 : i32
        %add3A_339 = arith.constant 0 : i32
        %add3A_340 = arith.addi %add3A_338, %add3A_339 : i32
        %get3A_341 = arith.index_cast %add3A_340 : i32 to index
        %get3A_342 = tpu.vector_load %arg9[%get3A_341] {strides = array<i32>} : memref<16384xf32, #tpu.memory_space<vmem>>, vector<16xf32>,
        %get3A_343 = vector.shape_cast %get3A_342 : vector<16xf32> to vector<16xf32>
        %mul3A_344 = arith.mulf %get3A_334, %get3A_343 : vector<16xf32>
        %add3A_345 = arith.addf %broadcast_in_dim3A_328, %mul3A_344 : vector<16xf32>
        %add3A_346 = arith.constant 128 : i32
        %add3A_347 = arith.addi %mul3A_327, %add3A_346 : i32
        %add3A_348 = arith.constant 0 : i32
        %add3A_349 = arith.addi %add3A_347, %add3A_348 : i32
        %get3A_350 = arith.index_cast %add3A_349 : i32 to index
        %get3A_351 = tpu.vector_load %arg11[%get3A_350] {strides = array<i32>} : memref<16384xf32, #tpu.memory_space<vmem>>, vector<16xf32>,
        %get3A_352 = vector.shape_cast %get3A_351 : vector<16xf32> to vector<16xf32>
        %mul3A_353 = arith.constant 128 : i32
        %mul3A_354 = arith.muli %scan3A_325, %mul3A_353 : i32
        %add3A_355 = arith.constant 2048 : i32
        %add3A_356 = arith.addi %add3A_355, %mul3A_354 : i32
        %add3A_357 = arith.constant 0 : i32
        %add3A_358 = arith.addi %add3A_356, %add3A_357 : i32
        %get3A_359 = arith.index_cast %add3A_358 : i32 to index
        %get3A_360 = tpu.vector_load %arg9[%get3A_359] {strides = array<i32>} : memref<16384xf32, #tpu.memory_space<vmem>>, vector<16xf32>,
        %get3A_361 = vector.shape_cast %get3A_360 : vector<16xf32> to vector<16xf32>
        %mul3A_362 = arith.mulf %get3A_352, %get3A_361 : vector<16xf32>
        %add3A_363 = arith.addf %add3A_345, %mul3A_362 : vector<16xf32>
        %add3A_364 = arith.constant 256 : i32
        %add3A_365 = arith.addi %mul3A_327, %add3A_364 : i32
        %add3A_366 = arith.constant 0 : i32
        %add3A_367 = arith.addi %add3A_365, %add3A_366 : i32
        %get3A_368 = arith.index_cast %add3A_367 : i32 to index
        %get3A_369 = tpu.vector_load %arg11[%get3A_368] {strides = array<i32>} : memref<16384xf32, #tpu.memory_space<vmem>>, vector<16xf32>,
        %get3A_370 = vector.shape_cast %get3A_369 : vector<16xf32> to vector<16xf32>
        %mul3A_371 = arith.constant 128 : i32
        %mul3A_372 = arith.muli %scan3A_325, %mul3A_371 : i32
        %add3A_373 = arith.constant 4096 : i32
        %add3A_374 = arith.addi %add3A_373, %mul3A_372 : i32
        %add3A_375 = arith.constant 0 : i32
        %add3A_376 = arith.addi %add3A_374, %add3A_375 : i32
        %get3A_377 = arith.index_cast %add3A_376 : i32 to index
        %get3A_378 = tpu.vector_load %arg9[%get3A_377] {strides = array<i32>} : memref<16384xf32, #tpu.memory_space<vmem>>, vector<16xf32>,
        %get3A_379 = vector.shape_cast %get3A_378 : vector<16xf32> to vector<16xf32>
        %mul3A_380 = arith.mulf %get3A_370, %get3A_379 : vector<16xf32>
        %add3A_381 = arith.addf %add3A_363, %mul3A_380 : vector<16xf32>
        %add3A_382 = arith.constant 384 : i32
        %add3A_383 = arith.addi %mul3A_327, %add3A_382 : i32
        %add3A_384 = arith.constant 0 : i32
        %add3A_385 = arith.addi %add3A_383, %add3A_384 : i32
        %get3A_386 = arith.index_cast %add3A_385 : i32 to index
        %get3A_387 = tpu.vector_load %arg11[%get3A_386] {strides = array<i32>} : memref<16384xf32, #tpu.memory_space<vmem>>, vector<16xf32>,
        %get3A_388 = vector.shape_cast %get3A_387 : vector<16xf32> to vector<16xf32>
        %mul3A_389 = arith.constant 128 : i32
        %mul3A_390 = arith.muli %scan3A_325, %mul3A_389 : i32
        %add3A_391 = arith.constant 6144 : i32
        %add3A_392 = arith.addi %add3A_391, %mul3A_390 : i32
        %add3A_393 = arith.constant 0 : i32
        %add3A_394 = arith.addi %add3A_392, %add3A_393 : i32
        %get3A_395 = arith.index_cast %add3A_394 : i32 to index
        %get3A_396 = tpu.vector_load %arg9[%get3A_395] {strides = array<i32>} : memref<16384xf32, #tpu.memory_space<vmem>>, vector<16xf32>,
        %get3A_397 = vector.shape_cast %get3A_396 : vector<16xf32> to vector<16xf32>
        %mul3A_398 = arith.mulf %get3A_388, %get3A_397 : vector<16xf32>
        %add3A_399 = arith.addf %add3A_381, %mul3A_398 : vector<16xf32>
        %add3A_400 = arith.constant 512 : i32
        %add3A_401 = arith.addi %mul3A_327, %add3A_400 : i32
        %add3A_402 = arith.constant 0 : i32
        %add3A_403 = arith.addi %add3A_401, %add3A_402 : i32
        %get3A_404 = arith.index_cast %add3A_403 : i32 to index
        %get3A_405 = tpu.vector_load %arg11[%get3A_404] {strides = array<i32>} : memref<16384xf32, #tpu.memory_space<vmem>>, vector<16xf32>,
        %get3A_406 = vector.shape_cast %get3A_405 : vector<16xf32> to vector<16xf32>
        %mul3A_407 = arith.constant 128 : i32
        %mul3A_408 = arith.muli %scan3A_325, %mul3A_407 : i32
        %add3A_409 = arith.constant 8192 : i32
        %add3A_410 = arith.addi %add3A_409, %mul3A_408 : i32
        %add3A_411 = arith.constant 0 : i32
        %add3A_412 = arith.addi %add3A_410, %add3A_411 : i32
        %get3A_413 = arith.index_cast %add3A_412 : i32 to index
        %get3A_414 = tpu.vector_load %arg9[%get3A_413] {strides = array<i32>} : memref<16384xf32, #tpu.memory_space<vmem>>, vector<16xf32>,
        %get3A_415 = vector.shape_cast %get3A_414 : vector<16xf32> to vector<16xf32>
        %mul3A_416 = arith.mulf %get3A_406, %get3A_415 : vector<16xf32>
        %add3A_417 = arith.addf %add3A_399, %mul3A_416 : vector<16xf32>
        %add3A_418 = arith.constant 640 : i32
        %add3A_419 = arith.addi %mul3A_327, %add3A_418 : i32
        %add3A_420 = arith.constant 0 : i32
        %add3A_421 = arith.addi %add3A_419, %add3A_420 : i32
        %get3A_422 = arith.index_cast %add3A_421 : i32 to index
        %get3A_423 = tpu.vector_load %arg11[%get3A_422] {strides = array<i32>} : memref<16384xf32, #tpu.memory_space<vmem>>, vector<16xf32>,
        %get3A_424 = vector.shape_cast %get3A_423 : vector<16xf32> to vector<16xf32>
        %mul3A_425 = arith.constant 128 : i32
        %mul3A_426 = arith.muli %scan3A_325, %mul3A_425 : i32
        %add3A_427 = arith.constant 10240 : i32
        %add3A_428 = arith.addi %add3A_427, %mul3A_426 : i32
        %add3A_429 = arith.constant 0 : i32
        %add3A_430 = arith.addi %add3A_428, %add3A_429 : i32
        %get3A_431 = arith.index_cast %add3A_430 : i32 to index
        %get3A_432 = tpu.vector_load %arg9[%get3A_431] {strides = array<i32>} : memref<16384xf32, #tpu.memory_space<vmem>>, vector<16xf32>,
        %get3A_433 = vector.shape_cast %get3A_432 : vector<16xf32> to vector<16xf32>
        %mul3A_434 = arith.mulf %get3A_424, %get3A_433 : vector<16xf32>
        %add3A_435 = arith.addf %add3A_417, %mul3A_434 : vector<16xf32>
        %add3A_436 = arith.constant 768 : i32
        %add3A_437 = arith.addi %mul3A_327, %add3A_436 : i32
        %add3A_438 = arith.constant 0 : i32
        %add3A_439 = arith.addi %add3A_437, %add3A_438 : i32
        %get3A_440 = arith.index_cast %add3A_439 : i32 to index
        %get3A_441 = tpu.vector_load %arg11[%get3A_440] {strides = array<i32>} : memref<16384xf32, #tpu.memory_space<vmem>>, vector<16xf32>,
        %get3A_442 = vector.shape_cast %get3A_441 : vector<16xf32> to vector<16xf32>
        %mul3A_443 = arith.constant 128 : i32
        %mul3A_444 = arith.muli %scan3A_325, %mul3A_443 : i32
        %add3A_445 = arith.constant 12288 : i32
        %add3A_446 = arith.addi %add3A_445, %mul3A_444 : i32
        %add3A_447 = arith.constant 0 : i32
        %add3A_448 = arith.addi %add3A_446, %add3A_447 : i32
        %get3A_449 = arith.index_cast %add3A_448 : i32 to index
        %get3A_450 = tpu.vector_load %arg9[%get3A_449] {strides = array<i32>} : memref<16384xf32, #tpu.memory_space<vmem>>, vector<16xf32>,
        %get3A_451 = vector.shape_cast %get3A_450 : vector<16xf32> to vector<16xf32>
        %mul3A_452 = arith.mulf %get3A_442, %get3A_451 : vector<16xf32>
        %add3A_453 = arith.addf %add3A_435, %mul3A_452 : vector<16xf32>
        %add3A_454 = arith.constant 896 : i32
        %add3A_455 = arith.addi %mul3A_327, %add3A_454 : i32
        %add3A_456 = arith.constant 0 : i32
        %add3A_457 = arith.addi %add3A_455, %add3A_456 : i32
        %get3A_458 = arith.index_cast %add3A_457 : i32 to index
        %get3A_459 = tpu.vector_load %arg11[%get3A_458] {strides = array<i32>} : memref<16384xf32, #tpu.memory_space<vmem>>, vector<16xf32>,
        %get3A_460 = vector.shape_cast %get3A_459 : vector<16xf32> to vector<16xf32>
        %mul3A_461 = arith.constant 128 : i32
        %mul3A_462 = arith.muli %scan3A_325, %mul3A_461 : i32
        %add3A_463 = arith.constant 14336 : i32
        %add3A_464 = arith.addi %add3A_463, %mul3A_462 : i32
        %add3A_465 = arith.constant 0 : i32
        %add3A_466 = arith.addi %add3A_464, %add3A_465 : i32
        %get3A_467 = arith.index_cast %add3A_466 : i32 to index
        %get3A_468 = tpu.vector_load %arg9[%get3A_467] {strides = array<i32>} : memref<16384xf32, #tpu.memory_space<vmem>>, vector<16xf32>,
        %get3A_469 = vector.shape_cast %get3A_468 : vector<16xf32> to vector<16xf32>
        %mul3A_470 = arith.mulf %get3A_460, %get3A_469 : vector<16xf32>
        %add3A_471 = arith.addf %add3A_453, %mul3A_470 : vector<16xf32>
        %mul3A_472 = arith.constant 128 : i32
        %mul3A_473 = arith.muli %scan3A_325, %mul3A_472 : i32
        %add3A_474 = arith.constant 0 : i32
        %add3A_475 = arith.addi %mul3A_473, %add3A_474 : i32
        %swap3A = arith.index_cast %add3A_475 : i32 to index
        %swap3A_476 = tpu.vector_load %arg13[%swap3A] {strides = array<i32>} : memref<2048xf32, #tpu.memory_space<vmem>>, vector<16xf32>,
        %swap3A_477 = vector.shape_cast %swap3A_476 : vector<16xf32> to vector<16xf32>
        %swap3A_478 = vector.shape_cast %add3A_471 : vector<16xf32> to vector<16xf32>
        tpu.vector_store %arg13[%swap3A], %swap3A_478 {strides = array<i32>} : memref<2048xf32, #tpu.memory_space<vmem>>, vector<16xf32>,
        %broadcast_in_dim3A_479 = arith.constant 0.000000e+00 : f32
        %broadcast_in_dim3A_480 = vector.broadcast %broadcast_in_dim3A_479 : f32 to vector<16xf32>
        %add3A_481 = arith.constant 0 : i32
        %add3A_482 = arith.addi %mul3A_327, %add3A_481 : i32
        %add3A_483 = arith.constant 16 : i32
        %add3A_484 = arith.addi %add3A_482, %add3A_483 : i32
        %get3A_485 = arith.index_cast %add3A_484 : i32 to index
        %get3A_486 = tpu.vector_load %arg11[%get3A_485] {strides = array<i32>} : memref<16384xf32, #tpu.memory_space<vmem>>, vector<16xf32>,
        %get3A_487 = vector.shape_cast %get3A_486 : vector<16xf32> to vector<16xf32>
        %mul3A_488 = arith.constant 128 : i32
        %mul3A_489 = arith.muli %scan3A_325, %mul3A_488 : i32
        %add3A_490 = arith.constant 0 : i32
        %add3A_491 = arith.addi %add3A_490, %mul3A_489 : i32
        %add3A_492 = arith.constant 16 : i32
        %add3A_493 = arith.addi %add3A_491, %add3A_492 : i32
        %get3A_494 = arith.index_cast %add3A_493 : i32 to index
        %get3A_495 = tpu.vector_load %arg9[%get3A_494] {strides = array<i32>} : memref<16384xf32, #tpu.memory_space<vmem>>, vector<16xf32>,
        %get3A_496 = vector.shape_cast %get3A_495 : vector<16xf32> to vector<16xf32>
        %mul3A_497 = arith.mulf %get3A_487, %get3A_496 : vector<16xf32>
        %add3A_498 = arith.addf %broadcast_in_dim3A_480, %mul3A_497 : vector<16xf32>
        %add3A_499 = arith.constant 128 : i32
        %add3A_500 = arith.addi %mul3A_327, %add3A_499 : i32
        %add3A_501 = arith.constant 16 : i32
        %add3A_502 = arith.addi %add3A_500, %add3A_501 : i32
        %get3A_503 = arith.index_cast %add3A_502 : i32 to index
        %get3A_504 = tpu.vector_load %arg11[%get3A_503] {strides = array<i32>} : memref<16384xf32, #tpu.memory_space<vmem>>, vector<16xf32>,
        %get3A_505 = vector.shape_cast %get3A_504 : vector<16xf32> to vector<16xf32>
        %mul3A_506 = arith.constant 128 : i32
        %mul3A_507 = arith.muli %scan3A_325, %mul3A_506 : i32
        %add3A_508 = arith.constant 2048 : i32
        %add3A_509 = arith.addi %add3A_508, %mul3A_507 : i32
        %add3A_510 = arith.constant 16 : i32
        %add3A_511 = arith.addi %add3A_509, %add3A_510 : i32
        %get3A_512 = arith.index_cast %add3A_511 : i32 to index
        %get3A_513 = tpu.vector_load %arg9[%get3A_512] {strides = array<i32>} : memref<16384xf32, #tpu.memory_space<vmem>>, vector<16xf32>,
        %get3A_514 = vector.shape_cast %get3A_513 : vector<16xf32> to vector<16xf32>
        %mul3A_515 = arith.mulf %get3A_505, %get3A_514 : vector<16xf32>
        %add3A_516 = arith.addf %add3A_498, %mul3A_515 : vector<16xf32>
        %add3A_517 = arith.constant 256 : i32
        %add3A_518 = arith.addi %mul3A_327, %add3A_517 : i32
        %add3A_519 = arith.constant 16 : i32
        %add3A_520 = arith.addi %add3A_518, %add3A_519 : i32
        %get3A_521 = arith.index_cast %add3A_520 : i32 to index
        %get3A_522 = tpu.vector_load %arg11[%get3A_521] {strides = array<i32>} : memref<16384xf32, #tpu.memory_space<vmem>>, vector<16xf32>,
        %get3A_523 = vector.shape_cast %get3A_522 : vector<16xf32> to vector<16xf32>
        %mul3A_524 = arith.constant 128 : i32
        %mul3A_525 = arith.muli %scan3A_325, %mul3A_524 : i32
        %add3A_526 = arith.constant 4096 : i32
        %add3A_527 = arith.addi %add3A_526, %mul3A_525 : i32
        %add3A_528 = arith.constant 16 : i32
        %add3A_529 = arith.addi %add3A_527, %add3A_528 : i32
        %get3A_530 = arith.index_cast %add3A_529 : i32 to index
        %get3A_531 = tpu.vector_load %arg9[%get3A_530] {strides = array<i32>} : memref<16384xf32, #tpu.memory_space<vmem>>, vector<16xf32>,
        %get3A_532 = vector.shape_cast %get3A_531 : vector<16xf32> to vector<16xf32>
        %mul3A_533 = arith.mulf %get3A_523, %get3A_532 : vector<16xf32>
        %add3A_534 = arith.addf %add3A_516, %mul3A_533 : vector<16xf32>
        %add3A_535 = arith.constant 384 : i32
        %add3A_536 = arith.addi %mul3A_327, %add3A_535 : i32
        %add3A_537 = arith.constant 16 : i32
        %add3A_538 = arith.addi %add3A_536, %add3A_537 : i32
        %get3A_539 = arith.index_cast %add3A_538 : i32 to index
        %get3A_540 = tpu.vector_load %arg11[%get3A_539] {strides = array<i32>} : memref<16384xf32, #tpu.memory_space<vmem>>, vector<16xf32>,
        %get3A_541 = vector.shape_cast %get3A_540 : vector<16xf32> to vector<16xf32>
        %mul3A_542 = arith.constant 128 : i32
        %mul3A_543 = arith.muli %scan3A_325, %mul3A_542 : i32
        %add3A_544 = arith.constant 6144 : i32
        %add3A_545 = arith.addi %add3A_544, %mul3A_543 : i32
        %add3A_546 = arith.constant 16 : i32
        %add3A_547 = arith.addi %add3A_545, %add3A_546 : i32
        %get3A_548 = arith.index_cast %add3A_547 : i32 to index
        %get3A_549 = tpu.vector_load %arg9[%get3A_548] {strides = array<i32>} : memref<16384xf32, #tpu.memory_space<vmem>>, vector<16xf32>,
        %get3A_550 = vector.shape_cast %get3A_549 : vector<16xf32> to vector<16xf32>
        %mul3A_551 = arith.mulf %get3A_541, %get3A_550 : vector<16xf32>
        %add3A_552 = arith.addf %add3A_534, %mul3A_551 : vector<16xf32>
        %add3A_553 = arith.constant 512 : i32
        %add3A_554 = arith.addi %mul3A_327, %add3A_553 : i32
        %add3A_555 = arith.constant 16 : i32
        %add3A_556 = arith.addi %add3A_554, %add3A_555 : i32
        %get3A_557 = arith.index_cast %add3A_556 : i32 to index
        %get3A_558 = tpu.vector_load %arg11[%get3A_557] {strides = array<i32>} : memref<16384xf32, #tpu.memory_space<vmem>>, vector<16xf32>,
        %get3A_559 = vector.shape_cast %get3A_558 : vector<16xf32> to vector<16xf32>
        %mul3A_560 = arith.constant 128 : i32
        %mul3A_561 = arith.muli %scan3A_325, %mul3A_560 : i32
        %add3A_562 = arith.constant 8192 : i32
        %add3A_563 = arith.addi %add3A_562, %mul3A_561 : i32
        %add3A_564 = arith.constant 16 : i32
        %add3A_565 = arith.addi %add3A_563, %add3A_564 : i32
        %get3A_566 = arith.index_cast %add3A_565 : i32 to index
        %get3A_567 = tpu.vector_load %arg9[%get3A_566] {strides = array<i32>} : memref<16384xf32, #tpu.memory_space<vmem>>, vector<16xf32>,
        %get3A_568 = vector.shape_cast %get3A_567 : vector<16xf32> to vector<16xf32>
        %mul3A_569 = arith.mulf %get3A_559, %get3A_568 : vector<16xf32>
        %add3A_570 = arith.addf %add3A_552, %mul3A_569 : vector<16xf32>
        %add3A_571 = arith.constant 640 : i32
        %add3A_572 = arith.addi %mul3A_327, %add3A_571 : i32
        %add3A_573 = arith.constant 16 : i32
        %add3A_574 = arith.addi %add3A_572, %add3A_573 : i32
        %get3A_575 = arith.index_cast %add3A_574 : i32 to index
        %get3A_576 = tpu.vector_load %arg11[%get3A_575] {strides = array<i32>} : memref<16384xf32, #tpu.memory_space<vmem>>, vector<16xf32>,
        %get3A_577 = vector.shape_cast %get3A_576 : vector<16xf32> to vector<16xf32>
        %mul3A_578 = arith.constant 128 : i32
        %mul3A_579 = arith.muli %scan3A_325, %mul3A_578 : i32
        %add3A_580 = arith.constant 10240 : i32
        %add3A_581 = arith.addi %add3A_580, %mul3A_579 : i32
        %add3A_582 = arith.constant 16 : i32
        %add3A_583 = arith.addi %add3A_581, %add3A_582 : i32
        %get3A_584 = arith.index_cast %add3A_583 : i32 to index
        %get3A_585 = tpu.vector_load %arg9[%get3A_584] {strides = array<i32>} : memref<16384xf32, #tpu.memory_space<vmem>>, vector<16xf32>,
        %get3A_586 = vector.shape_cast %get3A_585 : vector<16xf32> to vector<16xf32>
        %mul3A_587 = arith.mulf %get3A_577, %get3A_586 : vector<16xf32>
        %add3A_588 = arith.addf %add3A_570, %mul3A_587 : vector<16xf32>
        %add3A_589 = arith.constant 768 : i32
        %add3A_590 = arith.addi %mul3A_327, %add3A_589 : i32
        %add3A_591 = arith.constant 16 : i32
        %add3A_592 = arith.addi %add3A_590, %add3A_591 : i32
        %get3A_593 = arith.index_cast %add3A_592 : i32 to index
        %get3A_594 = tpu.vector_load %arg11[%get3A_593] {strides = array<i32>} : memref<16384xf32, #tpu.memory_space<vmem>>, vector<16xf32>,
        %get3A_595 = vector.shape_cast %get3A_594 : vector<16xf32> to vector<16xf32>
        %mul3A_596 = arith.constant 128 : i32
        %mul3A_597 = arith.muli %scan3A_325, %mul3A_596 : i32
        %add3A_598 = arith.constant 12288 : i32
        %add3A_599 = arith.addi %add3A_598, %mul3A_597 : i32
        %add3A_600 = arith.constant 16 : i32
        %add3A_601 = arith.addi %add3A_599, %add3A_600 : i32
        %get3A_602 = arith.index_cast %add3A_601 : i32 to index
        %get3A_603 = tpu.vector_load %arg9[%get3A_602] {strides = array<i32>} : memref<16384xf32, #tpu.memory_space<vmem>>, vector<16xf32>,
        %get3A_604 = vector.shape_cast %get3A_603 : vector<16xf32> to vector<16xf32>
        %mul3A_605 = arith.mulf %get3A_595, %get3A_604 : vector<16xf32>
        %add3A_606 = arith.addf %add3A_588, %mul3A_605 : vector<16xf32>
        %add3A_607 = arith.constant 896 : i32
        %add3A_608 = arith.addi %mul3A_327, %add3A_607 : i32
        %add3A_609 = arith.constant 16 : i32
        %add3A_610 = arith.addi %add3A_608, %add3A_609 : i32
        %get3A_611 = arith.index_cast %add3A_610 : i32 to index
        %get3A_612 = tpu.vector_load %arg11[%get3A_611] {strides = array<i32>} : memref<16384xf32, #tpu.memory_space<vmem>>, vector<16xf32>,
        %get3A_613 = vector.shape_cast %get3A_612 : vector<16xf32> to vector<16xf32>
        %mul3A_614 = arith.constant 128 : i32
        %mul3A_615 = arith.muli %scan3A_325, %mul3A_614 : i32
        %add3A_616 = arith.constant 14336 : i32
        %add3A_617 = arith.addi %add3A_616, %mul3A_615 : i32
        %add3A_618 = arith.constant 16 : i32
        %add3A_619 = arith.addi %add3A_617, %add3A_618 : i32
        %get3A_620 = arith.index_cast %add3A_619 : i32 to index
        %get3A_621 = tpu.vector_load %arg9[%get3A_620] {strides = array<i32>} : memref<16384xf32, #tpu.memory_space<vmem>>, vector<16xf32>,
        %get3A_622 = vector.shape_cast %get3A_621 : vector<16xf32> to vector<16xf32>
        %mul3A_623 = arith.mulf %get3A_613, %get3A_622 : vector<16xf32>
        %add3A_624 = arith.addf %add3A_606, %mul3A_623 : vector<16xf32>
        %mul3A_625 = arith.constant 128 : i32
        %mul3A_626 = arith.muli %scan3A_325, %mul3A_625 : i32
        %add3A_627 = arith.constant 16 : i32
        %add3A_628 = arith.addi %mul3A_626, %add3A_627 : i32
        %swap3A_629 = arith.index_cast %add3A_628 : i32 to index
        %swap3A_630 = tpu.vector_load %arg13[%swap3A_629] {strides = array<i32>} : memref<2048xf32, #tpu.memory_space<vmem>>, vector<16xf32>,
        %swap3A_631 = vector.shape_cast %swap3A_630 : vector<16xf32> to vector<16xf32>
        %swap3A_632 = vector.shape_cast %add3A_624 : vector<16xf32> to vector<16xf32>
        tpu.vector_store %arg13[%swap3A_629], %swap3A_632 {strides = array<i32>} : memref<2048xf32, #tpu.memory_space<vmem>>, vector<16xf32>,
        %broadcast_in_dim3A_633 = arith.constant 0.000000e+00 : f32
        %broadcast_in_dim3A_634 = vector.broadcast %broadcast_in_dim3A_633 : f32 to vector<16xf32>
        %add3A_635 = arith.constant 0 : i32
        %add3A_636 = arith.addi %mul3A_327, %add3A_635 : i32
        %add3A_637 = arith.constant 32 : i32
        %add3A_638 = arith.addi %add3A_636, %add3A_637 : i32
        %get3A_639 = arith.index_cast %add3A_638 : i32 to index
        %get3A_640 = tpu.vector_load %arg11[%get3A_639] {strides = array<i32>} : memref<16384xf32, #tpu.memory_space<vmem>>, vector<16xf32>,
        %get3A_641 = vector.shape_cast %get3A_640 : vector<16xf32> to vector<16xf32>
        %mul3A_642 = arith.constant 128 : i32
        %mul3A_643 = arith.muli %scan3A_325, %mul3A_642 : i32
        %add3A_644 = arith.constant 0 : i32
        %add3A_645 = arith.addi %add3A_644, %mul3A_643 : i32
        %add3A_646 = arith.constant 32 : i32
        %add3A_647 = arith.addi %add3A_645, %add3A_646 : i32
        %get3A_648 = arith.index_cast %add3A_647 : i32 to index
        %get3A_649 = tpu.vector_load %arg9[%get3A_648] {strides = array<i32>} : memref<16384xf32, #tpu.memory_space<vmem>>, vector<16xf32>,
        %get3A_650 = vector.shape_cast %get3A_649 : vector<16xf32> to vector<16xf32>
        %mul3A_651 = arith.mulf %get3A_641, %get3A_650 : vector<16xf32>
        %add3A_652 = arith.addf %broadcast_in_dim3A_634, %mul3A_651 : vector<16xf32>
        %add3A_653 = arith.constant 128 : i32
        %add3A_654 = arith.addi %mul3A_327, %add3A_653 : i32
        %add3A_655 = arith.constant 32 : i32
        %add3A_656 = arith.addi %add3A_654, %add3A_655 : i32
        %get3A_657 = arith.index_cast %add3A_656 : i32 to index
        %get3A_658 = tpu.vector_load %arg11[%get3A_657] {strides = array<i32>} : memref<16384xf32, #tpu.memory_space<vmem>>, vector<16xf32>,
        %get3A_659 = vector.shape_cast %get3A_658 : vector<16xf32> to vector<16xf32>
        %mul3A_660 = arith.constant 128 : i32
        %mul3A_661 = arith.muli %scan3A_325, %mul3A_660 : i32
        %add3A_662 = arith.constant 2048 : i32
        %add3A_663 = arith.addi %add3A_662, %mul3A_661 : i32
        %add3A_664 = arith.constant 32 : i32
        %add3A_665 = arith.addi %add3A_663, %add3A_664 : i32
        %get3A_666 = arith.index_cast %add3A_665 : i32 to index
        %get3A_667 = tpu.vector_load %arg9[%get3A_666] {strides = array<i32>} : memref<16384xf32, #tpu.memory_space<vmem>>, vector<16xf32>,
        %get3A_668 = vector.shape_cast %get3A_667 : vector<16xf32> to vector<16xf32>
        %mul3A_669 = arith.mulf %get3A_659, %get3A_668 : vector<16xf32>
        %add3A_670 = arith.addf %add3A_652, %mul3A_669 : vector<16xf32>
        %add3A_671 = arith.constant 256 : i32
        %add3A_672 = arith.addi %mul3A_327, %add3A_671 : i32
        %add3A_673 = arith.constant 32 : i32
        %add3A_674 = arith.addi %add3A_672, %add3A_673 : i32
        %get3A_675 = arith.index_cast %add3A_674 : i32 to index
        %get3A_676 = tpu.vector_load %arg11[%get3A_675] {strides = array<i32>} : memref<16384xf32, #tpu.memory_space<vmem>>, vector<16xf32>,
        %get3A_677 = vector.shape_cast %get3A_676 : vector<16xf32> to vector<16xf32>
        %mul3A_678 = arith.constant 128 : i32
        %mul3A_679 = arith.muli %scan3A_325, %mul3A_678 : i32
        %add3A_680 = arith.constant 4096 : i32
        %add3A_681 = arith.addi %add3A_680, %mul3A_679 : i32
        %add3A_682 = arith.constant 32 : i32
        %add3A_683 = arith.addi %add3A_681, %add3A_682 : i32
        %get3A_684 = arith.index_cast %add3A_683 : i32 to index
        %get3A_685 = tpu.vector_load %arg9[%get3A_684] {strides = array<i32>} : memref<16384xf32, #tpu.memory_space<vmem>>, vector<16xf32>,
        %get3A_686 = vector.shape_cast %get3A_685 : vector<16xf32> to vector<16xf32>
        %mul3A_687 = arith.mulf %get3A_677, %get3A_686 : vector<16xf32>
        %add3A_688 = arith.addf %add3A_670, %mul3A_687 : vector<16xf32>
        %add3A_689 = arith.constant 384 : i32
        %add3A_690 = arith.addi %mul3A_327, %add3A_689 : i32
        %add3A_691 = arith.constant 32 : i32
        %add3A_692 = arith.addi %add3A_690, %add3A_691 : i32
        %get3A_693 = arith.index_cast %add3A_692 : i32 to index
        %get3A_694 = tpu.vector_load %arg11[%get3A_693] {strides = array<i32>} : memref<16384xf32, #tpu.memory_space<vmem>>, vector<16xf32>,
        %get3A_695 = vector.shape_cast %get3A_694 : vector<16xf32> to vector<16xf32>
        %mul3A_696 = arith.constant 128 : i32
        %mul3A_697 = arith.muli %scan3A_325, %mul3A_696 : i32
        %add3A_698 = arith.constant 6144 : i32
        %add3A_699 = arith.addi %add3A_698, %mul3A_697 : i32
        %add3A_700 = arith.constant 32 : i32
        %add3A_701 = arith.addi %add3A_699, %add3A_700 : i32
        %get3A_702 = arith.index_cast %add3A_701 : i32 to index
        %get3A_703 = tpu.vector_load %arg9[%get3A_702] {strides = array<i32>} : memref<16384xf32, #tpu.memory_space<vmem>>, vector<16xf32>,
        %get3A_704 = vector.shape_cast %get3A_703 : vector<16xf32> to vector<16xf32>
        %mul3A_705 = arith.mulf %get3A_695, %get3A_704 : vector<16xf32>
        %add3A_706 = arith.addf %add3A_688, %mul3A_705 : vector<16xf32>
        %add3A_707 = arith.constant 512 : i32
        %add3A_708 = arith.addi %mul3A_327, %add3A_707 : i32
        %add3A_709 = arith.constant 32 : i32
        %add3A_710 = arith.addi %add3A_708, %add3A_709 : i32
        %get3A_711 = arith.index_cast %add3A_710 : i32 to index
        %get3A_712 = tpu.vector_load %arg11[%get3A_711] {strides = array<i32>} : memref<16384xf32, #tpu.memory_space<vmem>>, vector<16xf32>,
        %get3A_713 = vector.shape_cast %get3A_712 : vector<16xf32> to vector<16xf32>
        %mul3A_714 = arith.constant 128 : i32
        %mul3A_715 = arith.muli %scan3A_325, %mul3A_714 : i32
        %add3A_716 = arith.constant 8192 : i32
        %add3A_717 = arith.addi %add3A_716, %mul3A_715 : i32
        %add3A_718 = arith.constant 32 : i32
        %add3A_719 = arith.addi %add3A_717, %add3A_718 : i32
        %get3A_720 = arith.index_cast %add3A_719 : i32 to index
        %get3A_721 = tpu.vector_load %arg9[%get3A_720] {strides = array<i32>} : memref<16384xf32, #tpu.memory_space<vmem>>, vector<16xf32>,
        %get3A_722 = vector.shape_cast %get3A_721 : vector<16xf32> to vector<16xf32>
        %mul3A_723 = arith.mulf %get3A_713, %get3A_722 : vector<16xf32>
        %add3A_724 = arith.addf %add3A_706, %mul3A_723 : vector<16xf32>
        %add3A_725 = arith.constant 640 : i32
        %add3A_726 = arith.addi %mul3A_327, %add3A_725 : i32
        %add3A_727 = arith.constant 32 : i32
        %add3A_728 = arith.addi %add3A_726, %add3A_727 : i32
        %get3A_729 = arith.index_cast %add3A_728 : i32 to index
        %get3A_730 = tpu.vector_load %arg11[%get3A_729] {strides = array<i32>} : memref<16384xf32, #tpu.memory_space<vmem>>, vector<16xf32>,
        %get3A_731 = vector.shape_cast %get3A_730 : vector<16xf32> to vector<16xf32>
        %mul3A_732 = arith.constant 128 : i32
        %mul3A_733 = arith.muli %scan3A_325, %mul3A_732 : i32
        %add3A_734 = arith.constant 10240 : i32
        %add3A_735 = arith.addi %add3A_734, %mul3A_733 : i32
        %add3A_736 = arith.constant 32 : i32
        %add3A_737 = arith.addi %add3A_735, %add3A_736 : i32
        %get3A_738 = arith.index_cast %add3A_737 : i32 to index
        %get3A_739 = tpu.vector_load %arg9[%get3A_738] {strides = array<i32>} : memref<16384xf32, #tpu.memory_space<vmem>>, vector<16xf32>,
        %get3A_740 = vector.shape_cast %get3A_739 : vector<16xf32> to vector<16xf32>
        %mul3A_741 = arith.mulf %get3A_731, %get3A_740 : vector<16xf32>
        %add3A_742 = arith.addf %add3A_724, %mul3A_741 : vector<16xf32>
        %add3A_743 = arith.constant 768 : i32
        %add3A_744 = arith.addi %mul3A_327, %add3A_743 : i32
        %add3A_745 = arith.constant 32 : i32
        %add3A_746 = arith.addi %add3A_744, %add3A_745 : i32
        %get3A_747 = arith.index_cast %add3A_746 : i32 to index
        %get3A_748 = tpu.vector_load %arg11[%get3A_747] {strides = array<i32>} : memref<16384xf32, #tpu.memory_space<vmem>>, vector<16xf32>,
        %get3A_749 = vector.shape_cast %get3A_748 : vector<16xf32> to vector<16xf32>
        %mul3A_750 = arith.constant 128 : i32
        %mul3A_751 = arith.muli %scan3A_325, %mul3A_750 : i32
        %add3A_752 = arith.constant 12288 : i32
        %add3A_753 = arith.addi %add3A_752, %mul3A_751 : i32
        %add3A_754 = arith.constant 32 : i32
        %add3A_755 = arith.addi %add3A_753, %add3A_754 : i32
        %get3A_756 = arith.index_cast %add3A_755 : i32 to index
        %get3A_757 = tpu.vector_load %arg9[%get3A_756] {strides = array<i32>} : memref<16384xf32, #tpu.memory_space<vmem>>, vector<16xf32>,
        %get3A_758 = vector.shape_cast %get3A_757 : vector<16xf32> to vector<16xf32>
        %mul3A_759 = arith.mulf %get3A_749, %get3A_758 : vector<16xf32>
        %add3A_760 = arith.addf %add3A_742, %mul3A_759 : vector<16xf32>
        %add3A_761 = arith.constant 896 : i32
        %add3A_762 = arith.addi %mul3A_327, %add3A_761 : i32
        %add3A_763 = arith.constant 32 : i32
        %add3A_764 = arith.addi %add3A_762, %add3A_763 : i32
        %get3A_765 = arith.index_cast %add3A_764 : i32 to index
        %get3A_766 = tpu.vector_load %arg11[%get3A_765] {strides = array<i32>} : memref<16384xf32, #tpu.memory_space<vmem>>, vector<16xf32>,
        %get3A_767 = vector.shape_cast %get3A_766 : vector<16xf32> to vector<16xf32>
        %mul3A_768 = arith.constant 128 : i32
        %mul3A_769 = arith.muli %scan3A_325, %mul3A_768 : i32
        %add3A_770 = arith.constant 14336 : i32
        %add3A_771 = arith.addi %add3A_770, %mul3A_769 : i32
        %add3A_772 = arith.constant 32 : i32
        %add3A_773 = arith.addi %add3A_771, %add3A_772 : i32
        %get3A_774 = arith.index_cast %add3A_773 : i32 to index
        %get3A_775 = tpu.vector_load %arg9[%get3A_774] {strides = array<i32>} : memref<16384xf32, #tpu.memory_space<vmem>>, vector<16xf32>,
        %get3A_776 = vector.shape_cast %get3A_775 : vector<16xf32> to vector<16xf32>
        %mul3A_777 = arith.mulf %get3A_767, %get3A_776 : vector<16xf32>
        %add3A_778 = arith.addf %add3A_760, %mul3A_777 : vector<16xf32>
        %mul3A_779 = arith.constant 128 : i32
        %mul3A_780 = arith.muli %scan3A_325, %mul3A_779 : i32
        %add3A_781 = arith.constant 32 : i32
        %add3A_782 = arith.addi %mul3A_780, %add3A_781 : i32
        %swap3A_783 = arith.index_cast %add3A_782 : i32 to index
        %swap3A_784 = tpu.vector_load %arg13[%swap3A_783] {strides = array<i32>} : memref<2048xf32, #tpu.memory_space<vmem>>, vector<16xf32>,
        %swap3A_785 = vector.shape_cast %swap3A_784 : vector<16xf32> to vector<16xf32>
        %swap3A_786 = vector.shape_cast %add3A_778 : vector<16xf32> to vector<16xf32>
        tpu.vector_store %arg13[%swap3A_783], %swap3A_786 {strides = array<i32>} : memref<2048xf32, #tpu.memory_space<vmem>>, vector<16xf32>,
        %broadcast_in_dim3A_787 = arith.constant 0.000000e+00 : f32
        %broadcast_in_dim3A_788 = vector.broadcast %broadcast_in_dim3A_787 : f32 to vector<16xf32>
        %add3A_789 = arith.constant 0 : i32
        %add3A_790 = arith.addi %mul3A_327, %add3A_789 : i32
        %add3A_791 = arith.constant 48 : i32
        %add3A_792 = arith.addi %add3A_790, %add3A_791 : i32
        %get3A_793 = arith.index_cast %add3A_792 : i32 to index
        %get3A_794 = tpu.vector_load %arg11[%get3A_793] {strides = array<i32>} : memref<16384xf32, #tpu.memory_space<vmem>>, vector<16xf32>,
        %get3A_795 = vector.shape_cast %get3A_794 : vector<16xf32> to vector<16xf32>
        %mul3A_796 = arith.constant 128 : i32
        %mul3A_797 = arith.muli %scan3A_325, %mul3A_796 : i32
        %add3A_798 = arith.constant 0 : i32
        %add3A_799 = arith.addi %add3A_798, %mul3A_797 : i32
        %add3A_800 = arith.constant 48 : i32
        %add3A_801 = arith.addi %add3A_799, %add3A_800 : i32
        %get3A_802 = arith.index_cast %add3A_801 : i32 to index
        %get3A_803 = tpu.vector_load %arg9[%get3A_802] {strides = array<i32>} : memref<16384xf32, #tpu.memory_space<vmem>>, vector<16xf32>,
        %get3A_804 = vector.shape_cast %get3A_803 : vector<16xf32> to vector<16xf32>
        %mul3A_805 = arith.mulf %get3A_795, %get3A_804 : vector<16xf32>
        %add3A_806 = arith.addf %broadcast_in_dim3A_788, %mul3A_805 : vector<16xf32>
        %add3A_807 = arith.constant 128 : i32
        %add3A_808 = arith.addi %mul3A_327, %add3A_807 : i32
        %add3A_809 = arith.constant 48 : i32
        %add3A_810 = arith.addi %add3A_808, %add3A_809 : i32
        %get3A_811 = arith.index_cast %add3A_810 : i32 to index
        %get3A_812 = tpu.vector_load %arg11[%get3A_811] {strides = array<i32>} : memref<16384xf32, #tpu.memory_space<vmem>>, vector<16xf32>,
        %get3A_813 = vector.shape_cast %get3A_812 : vector<16xf32> to vector<16xf32>
        %mul3A_814 = arith.constant 128 : i32
        %mul3A_815 = arith.muli %scan3A_325, %mul3A_814 : i32
        %add3A_816 = arith.constant 2048 : i32
        %add3A_817 = arith.addi %add3A_816, %mul3A_815 : i32
        %add3A_818 = arith.constant 48 : i32
        %add3A_819 = arith.addi %add3A_817, %add3A_818 : i32
        %get3A_820 = arith.index_cast %add3A_819 : i32 to index
        %get3A_821 = tpu.vector_load %arg9[%get3A_820] {strides = array<i32>} : memref<16384xf32, #tpu.memory_space<vmem>>, vector<16xf32>,
        %get3A_822 = vector.shape_cast %get3A_821 : vector<16xf32> to vector<16xf32>
        %mul3A_823 = arith.mulf %get3A_813, %get3A_822 : vector<16xf32>
        %add3A_824 = arith.addf %add3A_806, %mul3A_823 : vector<16xf32>
        %add3A_825 = arith.constant 256 : i32
        %add3A_826 = arith.addi %mul3A_327, %add3A_825 : i32
        %add3A_827 = arith.constant 48 : i32
        %add3A_828 = arith.addi %add3A_826, %add3A_827 : i32
        %get3A_829 = arith.index_cast %add3A_828 : i32 to index
        %get3A_830 = tpu.vector_load %arg11[%get3A_829] {strides = array<i32>} : memref<16384xf32, #tpu.memory_space<vmem>>, vector<16xf32>,
        %get3A_831 = vector.shape_cast %get3A_830 : vector<16xf32> to vector<16xf32>
        %mul3A_832 = arith.constant 128 : i32
        %mul3A_833 = arith.muli %scan3A_325, %mul3A_832 : i32
        %add3A_834 = arith.constant 4096 : i32
        %add3A_835 = arith.addi %add3A_834, %mul3A_833 : i32
        %add3A_836 = arith.constant 48 : i32
        %add3A_837 = arith.addi %add3A_835, %add3A_836 : i32
        %get3A_838 = arith.index_cast %add3A_837 : i32 to index
        %get3A_839 = tpu.vector_load %arg9[%get3A_838] {strides = array<i32>} : memref<16384xf32, #tpu.memory_space<vmem>>, vector<16xf32>,
        %get3A_840 = vector.shape_cast %get3A_839 : vector<16xf32> to vector<16xf32>
        %mul3A_841 = arith.mulf %get3A_831, %get3A_840 : vector<16xf32>
        %add3A_842 = arith.addf %add3A_824, %mul3A_841 : vector<16xf32>
        %add3A_843 = arith.constant 384 : i32
        %add3A_844 = arith.addi %mul3A_327, %add3A_843 : i32
        %add3A_845 = arith.constant 48 : i32
        %add3A_846 = arith.addi %add3A_844, %add3A_845 : i32
        %get3A_847 = arith.index_cast %add3A_846 : i32 to index
        %get3A_848 = tpu.vector_load %arg11[%get3A_847] {strides = array<i32>} : memref<16384xf32, #tpu.memory_space<vmem>>, vector<16xf32>,
        %get3A_849 = vector.shape_cast %get3A_848 : vector<16xf32> to vector<16xf32>
        %mul3A_850 = arith.constant 128 : i32
        %mul3A_851 = arith.muli %scan3A_325, %mul3A_850 : i32
        %add3A_852 = arith.constant 6144 : i32
        %add3A_853 = arith.addi %add3A_852, %mul3A_851 : i32
        %add3A_854 = arith.constant 48 : i32
        %add3A_855 = arith.addi %add3A_853, %add3A_854 : i32
        %get3A_856 = arith.index_cast %add3A_855 : i32 to index
        %get3A_857 = tpu.vector_load %arg9[%get3A_856] {strides = array<i32>} : memref<16384xf32, #tpu.memory_space<vmem>>, vector<16xf32>,
        %get3A_858 = vector.shape_cast %get3A_857 : vector<16xf32> to vector<16xf32>
        %mul3A_859 = arith.mulf %get3A_849, %get3A_858 : vector<16xf32>
        %add3A_860 = arith.addf %add3A_842, %mul3A_859 : vector<16xf32>
        %add3A_861 = arith.constant 512 : i32
        %add3A_862 = arith.addi %mul3A_327, %add3A_861 : i32
        %add3A_863 = arith.constant 48 : i32
        %add3A_864 = arith.addi %add3A_862, %add3A_863 : i32
        %get3A_865 = arith.index_cast %add3A_864 : i32 to index
        %get3A_866 = tpu.vector_load %arg11[%get3A_865] {strides = array<i32>} : memref<16384xf32, #tpu.memory_space<vmem>>, vector<16xf32>,
        %get3A_867 = vector.shape_cast %get3A_866 : vector<16xf32> to vector<16xf32>
        %mul3A_868 = arith.constant 128 : i32
        %mul3A_869 = arith.muli %scan3A_325, %mul3A_868 : i32
        %add3A_870 = arith.constant 8192 : i32
        %add3A_871 = arith.addi %add3A_870, %mul3A_869 : i32
        %add3A_872 = arith.constant 48 : i32
        %add3A_873 = arith.addi %add3A_871, %add3A_872 : i32
        %get3A_874 = arith.index_cast %add3A_873 : i32 to index
        %get3A_875 = tpu.vector_load %arg9[%get3A_874] {strides = array<i32>} : memref<16384xf32, #tpu.memory_space<vmem>>, vector<16xf32>,
        %get3A_876 = vector.shape_cast %get3A_875 : vector<16xf32> to vector<16xf32>
        %mul3A_877 = arith.mulf %get3A_867, %get3A_876 : vector<16xf32>
        %add3A_878 = arith.addf %add3A_860, %mul3A_877 : vector<16xf32>
        %add3A_879 = arith.constant 640 : i32
        %add3A_880 = arith.addi %mul3A_327, %add3A_879 : i32
        %add3A_881 = arith.constant 48 : i32
        %add3A_882 = arith.addi %add3A_880, %add3A_881 : i32
        %get3A_883 = arith.index_cast %add3A_882 : i32 to index
        %get3A_884 = tpu.vector_load %arg11[%get3A_883] {strides = array<i32>} : memref<16384xf32, #tpu.memory_space<vmem>>, vector<16xf32>,
        %get3A_885 = vector.shape_cast %get3A_884 : vector<16xf32> to vector<16xf32>
        %mul3A_886 = arith.constant 128 : i32
        %mul3A_887 = arith.muli %scan3A_325, %mul3A_886 : i32
        %add3A_888 = arith.constant 10240 : i32
        %add3A_889 = arith.addi %add3A_888, %mul3A_887 : i32
        %add3A_890 = arith.constant 48 : i32
        %add3A_891 = arith.addi %add3A_889, %add3A_890 : i32
        %get3A_892 = arith.index_cast %add3A_891 : i32 to index
        %get3A_893 = tpu.vector_load %arg9[%get3A_892] {strides = array<i32>} : memref<16384xf32, #tpu.memory_space<vmem>>, vector<16xf32>,
        %get3A_894 = vector.shape_cast %get3A_893 : vector<16xf32> to vector<16xf32>
        %mul3A_895 = arith.mulf %get3A_885, %get3A_894 : vector<16xf32>
        %add3A_896 = arith.addf %add3A_878, %mul3A_895 : vector<16xf32>
        %add3A_897 = arith.constant 768 : i32
        %add3A_898 = arith.addi %mul3A_327, %add3A_897 : i32
        %add3A_899 = arith.constant 48 : i32
        %add3A_900 = arith.addi %add3A_898, %add3A_899 : i32
        %get3A_901 = arith.index_cast %add3A_900 : i32 to index
        %get3A_902 = tpu.vector_load %arg11[%get3A_901] {strides = array<i32>} : memref<16384xf32, #tpu.memory_space<vmem>>, vector<16xf32>,
        %get3A_903 = vector.shape_cast %get3A_902 : vector<16xf32> to vector<16xf32>
        %mul3A_904 = arith.constant 128 : i32
        %mul3A_905 = arith.muli %scan3A_325, %mul3A_904 : i32
        %add3A_906 = arith.constant 12288 : i32
        %add3A_907 = arith.addi %add3A_906, %mul3A_905 : i32
        %add3A_908 = arith.constant 48 : i32
        %add3A_909 = arith.addi %add3A_907, %add3A_908 : i32
        %get3A_910 = arith.index_cast %add3A_909 : i32 to index
        %get3A_911 = tpu.vector_load %arg9[%get3A_910] {strides = array<i32>} : memref<16384xf32, #tpu.memory_space<vmem>>, vector<16xf32>,
        %get3A_912 = vector.shape_cast %get3A_911 : vector<16xf32> to vector<16xf32>
        %mul3A_913 = arith.mulf %get3A_903, %get3A_912 : vector<16xf32>
        %add3A_914 = arith.addf %add3A_896, %mul3A_913 : vector<16xf32>
        %add3A_915 = arith.constant 896 : i32
        %add3A_916 = arith.addi %mul3A_327, %add3A_915 : i32
        %add3A_917 = arith.constant 48 : i32
        %add3A_918 = arith.addi %add3A_916, %add3A_917 : i32
        %get3A_919 = arith.index_cast %add3A_918 : i32 to index
        %get3A_920 = tpu.vector_load %arg11[%get3A_919] {strides = array<i32>} : memref<16384xf32, #tpu.memory_space<vmem>>, vector<16xf32>,
        %get3A_921 = vector.shape_cast %get3A_920 : vector<16xf32> to vector<16xf32>
        %mul3A_922 = arith.constant 128 : i32
        %mul3A_923 = arith.muli %scan3A_325, %mul3A_922 : i32
        %add3A_924 = arith.constant 14336 : i32
        %add3A_925 = arith.addi %add3A_924, %mul3A_923 : i32
        %add3A_926 = arith.constant 48 : i32
        %add3A_927 = arith.addi %add3A_925, %add3A_926 : i32
        %get3A_928 = arith.index_cast %add3A_927 : i32 to index
        %get3A_929 = tpu.vector_load %arg9[%get3A_928] {strides = array<i32>} : memref<16384xf32, #tpu.memory_space<vmem>>, vector<16xf32>,
        %get3A_930 = vector.shape_cast %get3A_929 : vector<16xf32> to vector<16xf32>
        %mul3A_931 = arith.mulf %get3A_921, %get3A_930 : vector<16xf32>
        %add3A_932 = arith.addf %add3A_914, %mul3A_931 : vector<16xf32>
        %mul3A_933 = arith.constant 128 : i32
        %mul3A_934 = arith.muli %scan3A_325, %mul3A_933 : i32
        %add3A_935 = arith.constant 48 : i32
        %add3A_936 = arith.addi %mul3A_934, %add3A_935 : i32
        %swap3A_937 = arith.index_cast %add3A_936 : i32 to index
        %swap3A_938 = tpu.vector_load %arg13[%swap3A_937] {strides = array<i32>} : memref<2048xf32, #tpu.memory_space<vmem>>, vector<16xf32>,
        %swap3A_939 = vector.shape_cast %swap3A_938 : vector<16xf32> to vector<16xf32>
        %swap3A_940 = vector.shape_cast %add3A_932 : vector<16xf32> to vector<16xf32>
        tpu.vector_store %arg13[%swap3A_937], %swap3A_940 {strides = array<i32>} : memref<2048xf32, #tpu.memory_space<vmem>>, vector<16xf32>,
        %broadcast_in_dim3A_941 = arith.constant 0.000000e+00 : f32
        %broadcast_in_dim3A_942 = vector.broadcast %broadcast_in_dim3A_941 : f32 to vector<16xf32>
        %add3A_943 = arith.constant 0 : i32
        %add3A_944 = arith.addi %mul3A_327, %add3A_943 : i32
        %add3A_945 = arith.constant 64 : i32
        %add3A_946 = arith.addi %add3A_944, %add3A_945 : i32
        %get3A_947 = arith.index_cast %add3A_946 : i32 to index
        %get3A_948 = tpu.vector_load %arg11[%get3A_947] {strides = array<i32>} : memref<16384xf32, #tpu.memory_space<vmem>>, vector<16xf32>,
        %get3A_949 = vector.shape_cast %get3A_948 : vector<16xf32> to vector<16xf32>
        %mul3A_950 = arith.constant 128 : i32
        %mul3A_951 = arith.muli %scan3A_325, %mul3A_950 : i32
        %add3A_952 = arith.constant 0 : i32
        %add3A_953 = arith.addi %add3A_952, %mul3A_951 : i32
        %add3A_954 = arith.constant 64 : i32
        %add3A_955 = arith.addi %add3A_953, %add3A_954 : i32
        %get3A_956 = arith.index_cast %add3A_955 : i32 to index
        %get3A_957 = tpu.vector_load %arg9[%get3A_956] {strides = array<i32>} : memref<16384xf32, #tpu.memory_space<vmem>>, vector<16xf32>,
        %get3A_958 = vector.shape_cast %get3A_957 : vector<16xf32> to vector<16xf32>
        %mul3A_959 = arith.mulf %get3A_949, %get3A_958 : vector<16xf32>
        %add3A_960 = arith.addf %broadcast_in_dim3A_942, %mul3A_959 : vector<16xf32>
        %add3A_961 = arith.constant 128 : i32
        %add3A_962 = arith.addi %mul3A_327, %add3A_961 : i32
        %add3A_963 = arith.constant 64 : i32
        %add3A_964 = arith.addi %add3A_962, %add3A_963 : i32
        %get3A_965 = arith.index_cast %add3A_964 : i32 to index
        %get3A_966 = tpu.vector_load %arg11[%get3A_965] {strides = array<i32>} : memref<16384xf32, #tpu.memory_space<vmem>>, vector<16xf32>,
        %get3A_967 = vector.shape_cast %get3A_966 : vector<16xf32> to vector<16xf32>
        %mul3A_968 = arith.constant 128 : i32
        %mul3A_969 = arith.muli %scan3A_325, %mul3A_968 : i32
        %add3A_970 = arith.constant 2048 : i32
        %add3A_971 = arith.addi %add3A_970, %mul3A_969 : i32
        %add3A_972 = arith.constant 64 : i32
        %add3A_973 = arith.addi %add3A_971, %add3A_972 : i32
        %get3A_974 = arith.index_cast %add3A_973 : i32 to index
        %get3A_975 = tpu.vector_load %arg9[%get3A_974] {strides = array<i32>} : memref<16384xf32, #tpu.memory_space<vmem>>, vector<16xf32>,
        %get3A_976 = vector.shape_cast %get3A_975 : vector<16xf32> to vector<16xf32>
        %mul3A_977 = arith.mulf %get3A_967, %get3A_976 : vector<16xf32>
        %add3A_978 = arith.addf %add3A_960, %mul3A_977 : vector<16xf32>
        %add3A_979 = arith.constant 256 : i32
        %add3A_980 = arith.addi %mul3A_327, %add3A_979 : i32
        %add3A_981 = arith.constant 64 : i32
        %add3A_982 = arith.addi %add3A_980, %add3A_981 : i32
        %get3A_983 = arith.index_cast %add3A_982 : i32 to index
        %get3A_984 = tpu.vector_load %arg11[%get3A_983] {strides = array<i32>} : memref<16384xf32, #tpu.memory_space<vmem>>, vector<16xf32>,
        %get3A_985 = vector.shape_cast %get3A_984 : vector<16xf32> to vector<16xf32>
        %mul3A_986 = arith.constant 128 : i32
        %mul3A_987 = arith.muli %scan3A_325, %mul3A_986 : i32
        %add3A_988 = arith.constant 4096 : i32
        %add3A_989 = arith.addi %add3A_988, %mul3A_987 : i32
        %add3A_990 = arith.constant 64 : i32
        %add3A_991 = arith.addi %add3A_989, %add3A_990 : i32
        %get3A_992 = arith.index_cast %add3A_991 : i32 to index
        %get3A_993 = tpu.vector_load %arg9[%get3A_992] {strides = array<i32>} : memref<16384xf32, #tpu.memory_space<vmem>>, vector<16xf32>,
        %get3A_994 = vector.shape_cast %get3A_993 : vector<16xf32> to vector<16xf32>
        %mul3A_995 = arith.mulf %get3A_985, %get3A_994 : vector<16xf32>
        %add3A_996 = arith.addf %add3A_978, %mul3A_995 : vector<16xf32>
        %add3A_997 = arith.constant 384 : i32
        %add3A_998 = arith.addi %mul3A_327, %add3A_997 : i32
        %add3A_999 = arith.constant 64 : i32
        %add3A_1000 = arith.addi %add3A_998, %add3A_999 : i32
        %get3A_1001 = arith.index_cast %add3A_1000 : i32 to index
        %get3A_1002 = tpu.vector_load %arg11[%get3A_1001] {strides = array<i32>} : memref<16384xf32, #tpu.memory_space<vmem>>, vector<16xf32>,
        %get3A_1003 = vector.shape_cast %get3A_1002 : vector<16xf32> to vector<16xf32>
        %mul3A_1004 = arith.constant 128 : i32
        %mul3A_1005 = arith.muli %scan3A_325, %mul3A_1004 : i32
        %add3A_1006 = arith.constant 6144 : i32
        %add3A_1007 = arith.addi %add3A_1006, %mul3A_1005 : i32
        %add3A_1008 = arith.constant 64 : i32
        %add3A_1009 = arith.addi %add3A_1007, %add3A_1008 : i32
        %get3A_1010 = arith.index_cast %add3A_1009 : i32 to index
        %get3A_1011 = tpu.vector_load %arg9[%get3A_1010] {strides = array<i32>} : memref<16384xf32, #tpu.memory_space<vmem>>, vector<16xf32>,
        %get3A_1012 = vector.shape_cast %get3A_1011 : vector<16xf32> to vector<16xf32>
        %mul3A_1013 = arith.mulf %get3A_1003, %get3A_1012 : vector<16xf32>
        %add3A_1014 = arith.addf %add3A_996, %mul3A_1013 : vector<16xf32>
        %add3A_1015 = arith.constant 512 : i32
        %add3A_1016 = arith.addi %mul3A_327, %add3A_1015 : i32
        %add3A_1017 = arith.constant 64 : i32
        %add3A_1018 = arith.addi %add3A_1016, %add3A_1017 : i32
        %get3A_1019 = arith.index_cast %add3A_1018 : i32 to index
        %get3A_1020 = tpu.vector_load %arg11[%get3A_1019] {strides = array<i32>} : memref<16384xf32, #tpu.memory_space<vmem>>, vector<16xf32>,
        %get3A_1021 = vector.shape_cast %get3A_1020 : vector<16xf32> to vector<16xf32>
        %mul3A_1022 = arith.constant 128 : i32
        %mul3A_1023 = arith.muli %scan3A_325, %mul3A_1022 : i32
        %add3A_1024 = arith.constant 8192 : i32
        %add3A_1025 = arith.addi %add3A_1024, %mul3A_1023 : i32
        %add3A_1026 = arith.constant 64 : i32
        %add3A_1027 = arith.addi %add3A_1025, %add3A_1026 : i32
        %get3A_1028 = arith.index_cast %add3A_1027 : i32 to index
        %get3A_1029 = tpu.vector_load %arg9[%get3A_1028] {strides = array<i32>} : memref<16384xf32, #tpu.memory_space<vmem>>, vector<16xf32>,
        %get3A_1030 = vector.shape_cast %get3A_1029 : vector<16xf32> to vector<16xf32>
        %mul3A_1031 = arith.mulf %get3A_1021, %get3A_1030 : vector<16xf32>
        %add3A_1032 = arith.addf %add3A_1014, %mul3A_1031 : vector<16xf32>
        %add3A_1033 = arith.constant 640 : i32
        %add3A_1034 = arith.addi %mul3A_327, %add3A_1033 : i32
        %add3A_1035 = arith.constant 64 : i32
        %add3A_1036 = arith.addi %add3A_1034, %add3A_1035 : i32
        %get3A_1037 = arith.index_cast %add3A_1036 : i32 to index
        %get3A_1038 = tpu.vector_load %arg11[%get3A_1037] {strides = array<i32>} : memref<16384xf32, #tpu.memory_space<vmem>>, vector<16xf32>,
        %get3A_1039 = vector.shape_cast %get3A_1038 : vector<16xf32> to vector<16xf32>
        %mul3A_1040 = arith.constant 128 : i32
        %mul3A_1041 = arith.muli %scan3A_325, %mul3A_1040 : i32
        %add3A_1042 = arith.constant 10240 : i32
        %add3A_1043 = arith.addi %add3A_1042, %mul3A_1041 : i32
        %add3A_1044 = arith.constant 64 : i32
        %add3A_1045 = arith.addi %add3A_1043, %add3A_1044 : i32
        %get3A_1046 = arith.index_cast %add3A_1045 : i32 to index
        %get3A_1047 = tpu.vector_load %arg9[%get3A_1046] {strides = array<i32>} : memref<16384xf32, #tpu.memory_space<vmem>>, vector<16xf32>,
        %get3A_1048 = vector.shape_cast %get3A_1047 : vector<16xf32> to vector<16xf32>
        %mul3A_1049 = arith.mulf %get3A_1039, %get3A_1048 : vector<16xf32>
        %add3A_1050 = arith.addf %add3A_1032, %mul3A_1049 : vector<16xf32>
        %add3A_1051 = arith.constant 768 : i32
        %add3A_1052 = arith.addi %mul3A_327, %add3A_1051 : i32
        %add3A_1053 = arith.constant 64 : i32
        %add3A_1054 = arith.addi %add3A_1052, %add3A_1053 : i32
        %get3A_1055 = arith.index_cast %add3A_1054 : i32 to index
        %get3A_1056 = tpu.vector_load %arg11[%get3A_1055] {strides = array<i32>} : memref<16384xf32, #tpu.memory_space<vmem>>, vector<16xf32>,
        %get3A_1057 = vector.shape_cast %get3A_1056 : vector<16xf32> to vector<16xf32>
        %mul3A_1058 = arith.constant 128 : i32
        %mul3A_1059 = arith.muli %scan3A_325, %mul3A_1058 : i32
        %add3A_1060 = arith.constant 12288 : i32
        %add3A_1061 = arith.addi %add3A_1060, %mul3A_1059 : i32
        %add3A_1062 = arith.constant 64 : i32
        %add3A_1063 = arith.addi %add3A_1061, %add3A_1062 : i32
        %get3A_1064 = arith.index_cast %add3A_1063 : i32 to index
        %get3A_1065 = tpu.vector_load %arg9[%get3A_1064] {strides = array<i32>} : memref<16384xf32, #tpu.memory_space<vmem>>, vector<16xf32>,
        %get3A_1066 = vector.shape_cast %get3A_1065 : vector<16xf32> to vector<16xf32>
        %mul3A_1067 = arith.mulf %get3A_1057, %get3A_1066 : vector<16xf32>
        %add3A_1068 = arith.addf %add3A_1050, %mul3A_1067 : vector<16xf32>
        %add3A_1069 = arith.constant 896 : i32
        %add3A_1070 = arith.addi %mul3A_327, %add3A_1069 : i32
        %add3A_1071 = arith.constant 64 : i32
        %add3A_1072 = arith.addi %add3A_1070, %add3A_1071 : i32
        %get3A_1073 = arith.index_cast %add3A_1072 : i32 to index
        %get3A_1074 = tpu.vector_load %arg11[%get3A_1073] {strides = array<i32>} : memref<16384xf32, #tpu.memory_space<vmem>>, vector<16xf32>,
        %get3A_1075 = vector.shape_cast %get3A_1074 : vector<16xf32> to vector<16xf32>
        %mul3A_1076 = arith.constant 128 : i32
        %mul3A_1077 = arith.muli %scan3A_325, %mul3A_1076 : i32
        %add3A_1078 = arith.constant 14336 : i32
        %add3A_1079 = arith.addi %add3A_1078, %mul3A_1077 : i32
        %add3A_1080 = arith.constant 64 : i32
        %add3A_1081 = arith.addi %add3A_1079, %add3A_1080 : i32
        %get3A_1082 = arith.index_cast %add3A_1081 : i32 to index
        %get3A_1083 = tpu.vector_load %arg9[%get3A_1082] {strides = array<i32>} : memref<16384xf32, #tpu.memory_space<vmem>>, vector<16xf32>,
        %get3A_1084 = vector.shape_cast %get3A_1083 : vector<16xf32> to vector<16xf32>
        %mul3A_1085 = arith.mulf %get3A_1075, %get3A_1084 : vector<16xf32>
        %add3A_1086 = arith.addf %add3A_1068, %mul3A_1085 : vector<16xf32>
        %mul3A_1087 = arith.constant 128 : i32
        %mul3A_1088 = arith.muli %scan3A_325, %mul3A_1087 : i32
        %add3A_1089 = arith.constant 64 : i32
        %add3A_1090 = arith.addi %mul3A_1088, %add3A_1089 : i32
        %swap3A_1091 = arith.index_cast %add3A_1090 : i32 to index
        %swap3A_1092 = tpu.vector_load %arg13[%swap3A_1091] {strides = array<i32>} : memref<2048xf32, #tpu.memory_space<vmem>>, vector<16xf32>,
        %swap3A_1093 = vector.shape_cast %swap3A_1092 : vector<16xf32> to vector<16xf32>
        %swap3A_1094 = vector.shape_cast %add3A_1086 : vector<16xf32> to vector<16xf32>
        tpu.vector_store %arg13[%swap3A_1091], %swap3A_1094 {strides = array<i32>} : memref<2048xf32, #tpu.memory_space<vmem>>, vector<16xf32>,
        %broadcast_in_dim3A_1095 = arith.constant 0.000000e+00 : f32
        %broadcast_in_dim3A_1096 = vector.broadcast %broadcast_in_dim3A_1095 : f32 to vector<16xf32>
        %add3A_1097 = arith.constant 0 : i32
        %add3A_1098 = arith.addi %mul3A_327, %add3A_1097 : i32
        %add3A_1099 = arith.constant 80 : i32
        %add3A_1100 = arith.addi %add3A_1098, %add3A_1099 : i32
        %get3A_1101 = arith.index_cast %add3A_1100 : i32 to index
        %get3A_1102 = tpu.vector_load %arg11[%get3A_1101] {strides = array<i32>} : memref<16384xf32, #tpu.memory_space<vmem>>, vector<16xf32>,
        %get3A_1103 = vector.shape_cast %get3A_1102 : vector<16xf32> to vector<16xf32>
        %mul3A_1104 = arith.constant 128 : i32
        %mul3A_1105 = arith.muli %scan3A_325, %mul3A_1104 : i32
        %add3A_1106 = arith.constant 0 : i32
        %add3A_1107 = arith.addi %add3A_1106, %mul3A_1105 : i32
        %add3A_1108 = arith.constant 80 : i32
        %add3A_1109 = arith.addi %add3A_1107, %add3A_1108 : i32
        %get3A_1110 = arith.index_cast %add3A_1109 : i32 to index
        %get3A_1111 = tpu.vector_load %arg9[%get3A_1110] {strides = array<i32>} : memref<16384xf32, #tpu.memory_space<vmem>>, vector<16xf32>,
        %get3A_1112 = vector.shape_cast %get3A_1111 : vector<16xf32> to vector<16xf32>
        %mul3A_1113 = arith.mulf %get3A_1103, %get3A_1112 : vector<16xf32>
        %add3A_1114 = arith.addf %broadcast_in_dim3A_1096, %mul3A_1113 : vector<16xf32>
        %add3A_1115 = arith.constant 128 : i32
        %add3A_1116 = arith.addi %mul3A_327, %add3A_1115 : i32
        %add3A_1117 = arith.constant 80 : i32
        %add3A_1118 = arith.addi %add3A_1116, %add3A_1117 : i32
        %get3A_1119 = arith.index_cast %add3A_1118 : i32 to index
        %get3A_1120 = tpu.vector_load %arg11[%get3A_1119] {strides = array<i32>} : memref<16384xf32, #tpu.memory_space<vmem>>, vector<16xf32>,
        %get3A_1121 = vector.shape_cast %get3A_1120 : vector<16xf32> to vector<16xf32>
        %mul3A_1122 = arith.constant 128 : i32
        %mul3A_1123 = arith.muli %scan3A_325, %mul3A_1122 : i32
        %add3A_1124 = arith.constant 2048 : i32
        %add3A_1125 = arith.addi %add3A_1124, %mul3A_1123 : i32
        %add3A_1126 = arith.constant 80 : i32
        %add3A_1127 = arith.addi %add3A_1125, %add3A_1126 : i32
        %get3A_1128 = arith.index_cast %add3A_1127 : i32 to index
        %get3A_1129 = tpu.vector_load %arg9[%get3A_1128] {strides = array<i32>} : memref<16384xf32, #tpu.memory_space<vmem>>, vector<16xf32>,
        %get3A_1130 = vector.shape_cast %get3A_1129 : vector<16xf32> to vector<16xf32>
        %mul3A_1131 = arith.mulf %get3A_1121, %get3A_1130 : vector<16xf32>
        %add3A_1132 = arith.addf %add3A_1114, %mul3A_1131 : vector<16xf32>
        %add3A_1133 = arith.constant 256 : i32
        %add3A_1134 = arith.addi %mul3A_327, %add3A_1133 : i32
        %add3A_1135 = arith.constant 80 : i32
        %add3A_1136 = arith.addi %add3A_1134, %add3A_1135 : i32
        %get3A_1137 = arith.index_cast %add3A_1136 : i32 to index
        %get3A_1138 = tpu.vector_load %arg11[%get3A_1137] {strides = array<i32>} : memref<16384xf32, #tpu.memory_space<vmem>>, vector<16xf32>,
        %get3A_1139 = vector.shape_cast %get3A_1138 : vector<16xf32> to vector<16xf32>
        %mul3A_1140 = arith.constant 128 : i32
        %mul3A_1141 = arith.muli %scan3A_325, %mul3A_1140 : i32
        %add3A_1142 = arith.constant 4096 : i32
        %add3A_1143 = arith.addi %add3A_1142, %mul3A_1141 : i32
        %add3A_1144 = arith.constant 80 : i32
        %add3A_1145 = arith.addi %add3A_1143, %add3A_1144 : i32
        %get3A_1146 = arith.index_cast %add3A_1145 : i32 to index
        %get3A_1147 = tpu.vector_load %arg9[%get3A_1146] {strides = array<i32>} : memref<16384xf32, #tpu.memory_space<vmem>>, vector<16xf32>,
        %get3A_1148 = vector.shape_cast %get3A_1147 : vector<16xf32> to vector<16xf32>
        %mul3A_1149 = arith.mulf %get3A_1139, %get3A_1148 : vector<16xf32>
        %add3A_1150 = arith.addf %add3A_1132, %mul3A_1149 : vector<16xf32>
        %add3A_1151 = arith.constant 384 : i32
        %add3A_1152 = arith.addi %mul3A_327, %add3A_1151 : i32
        %add3A_1153 = arith.constant 80 : i32
        %add3A_1154 = arith.addi %add3A_1152, %add3A_1153 : i32
        %get3A_1155 = arith.index_cast %add3A_1154 : i32 to index
        %get3A_1156 = tpu.vector_load %arg11[%get3A_1155] {strides = array<i32>} : memref<16384xf32, #tpu.memory_space<vmem>>, vector<16xf32>,
        %get3A_1157 = vector.shape_cast %get3A_1156 : vector<16xf32> to vector<16xf32>
        %mul3A_1158 = arith.constant 128 : i32
        %mul3A_1159 = arith.muli %scan3A_325, %mul3A_1158 : i32
        %add3A_1160 = arith.constant 6144 : i32
        %add3A_1161 = arith.addi %add3A_1160, %mul3A_1159 : i32
        %add3A_1162 = arith.constant 80 : i32
        %add3A_1163 = arith.addi %add3A_1161, %add3A_1162 : i32
        %get3A_1164 = arith.index_cast %add3A_1163 : i32 to index
        %get3A_1165 = tpu.vector_load %arg9[%get3A_1164] {strides = array<i32>} : memref<16384xf32, #tpu.memory_space<vmem>>, vector<16xf32>,
        %get3A_1166 = vector.shape_cast %get3A_1165 : vector<16xf32> to vector<16xf32>
        %mul3A_1167 = arith.mulf %get3A_1157, %get3A_1166 : vector<16xf32>
        %add3A_1168 = arith.addf %add3A_1150, %mul3A_1167 : vector<16xf32>
        %add3A_1169 = arith.constant 512 : i32
        %add3A_1170 = arith.addi %mul3A_327, %add3A_1169 : i32
        %add3A_1171 = arith.constant 80 : i32
        %add3A_1172 = arith.addi %add3A_1170, %add3A_1171 : i32
        %get3A_1173 = arith.index_cast %add3A_1172 : i32 to index
        %get3A_1174 = tpu.vector_load %arg11[%get3A_1173] {strides = array<i32>} : memref<16384xf32, #tpu.memory_space<vmem>>, vector<16xf32>,
        %get3A_1175 = vector.shape_cast %get3A_1174 : vector<16xf32> to vector<16xf32>
        %mul3A_1176 = arith.constant 128 : i32
        %mul3A_1177 = arith.muli %scan3A_325, %mul3A_1176 : i32
        %add3A_1178 = arith.constant 8192 : i32
        %add3A_1179 = arith.addi %add3A_1178, %mul3A_1177 : i32
        %add3A_1180 = arith.constant 80 : i32
        %add3A_1181 = arith.addi %add3A_1179, %add3A_1180 : i32
        %get3A_1182 = arith.index_cast %add3A_1181 : i32 to index
        %get3A_1183 = tpu.vector_load %arg9[%get3A_1182] {strides = array<i32>} : memref<16384xf32, #tpu.memory_space<vmem>>, vector<16xf32>,
        %get3A_1184 = vector.shape_cast %get3A_1183 : vector<16xf32> to vector<16xf32>
        %mul3A_1185 = arith.mulf %get3A_1175, %get3A_1184 : vector<16xf32>
        %add3A_1186 = arith.addf %add3A_1168, %mul3A_1185 : vector<16xf32>
        %add3A_1187 = arith.constant 640 : i32
        %add3A_1188 = arith.addi %mul3A_327, %add3A_1187 : i32
        %add3A_1189 = arith.constant 80 : i32
        %add3A_1190 = arith.addi %add3A_1188, %add3A_1189 : i32
        %get3A_1191 = arith.index_cast %add3A_1190 : i32 to index
        %get3A_1192 = tpu.vector_load %arg11[%get3A_1191] {strides = array<i32>} : memref<16384xf32, #tpu.memory_space<vmem>>, vector<16xf32>,
        %get3A_1193 = vector.shape_cast %get3A_1192 : vector<16xf32> to vector<16xf32>
        %mul3A_1194 = arith.constant 128 : i32
        %mul3A_1195 = arith.muli %scan3A_325, %mul3A_1194 : i32
        %add3A_1196 = arith.constant 10240 : i32
        %add3A_1197 = arith.addi %add3A_1196, %mul3A_1195 : i32
        %add3A_1198 = arith.constant 80 : i32
        %add3A_1199 = arith.addi %add3A_1197, %add3A_1198 : i32
        %get3A_1200 = arith.index_cast %add3A_1199 : i32 to index
        %get3A_1201 = tpu.vector_load %arg9[%get3A_1200] {strides = array<i32>} : memref<16384xf32, #tpu.memory_space<vmem>>, vector<16xf32>,
        %get3A_1202 = vector.shape_cast %get3A_1201 : vector<16xf32> to vector<16xf32>
        %mul3A_1203 = arith.mulf %get3A_1193, %get3A_1202 : vector<16xf32>
        %add3A_1204 = arith.addf %add3A_1186, %mul3A_1203 : vector<16xf32>
        %add3A_1205 = arith.constant 768 : i32
        %add3A_1206 = arith.addi %mul3A_327, %add3A_1205 : i32
        %add3A_1207 = arith.constant 80 : i32
        %add3A_1208 = arith.addi %add3A_1206, %add3A_1207 : i32
        %get3A_1209 = arith.index_cast %add3A_1208 : i32 to index
        %get3A_1210 = tpu.vector_load %arg11[%get3A_1209] {strides = array<i32>} : memref<16384xf32, #tpu.memory_space<vmem>>, vector<16xf32>,
        %get3A_1211 = vector.shape_cast %get3A_1210 : vector<16xf32> to vector<16xf32>
        %mul3A_1212 = arith.constant 128 : i32
        %mul3A_1213 = arith.muli %scan3A_325, %mul3A_1212 : i32
        %add3A_1214 = arith.constant 12288 : i32
        %add3A_1215 = arith.addi %add3A_1214, %mul3A_1213 : i32
        %add3A_1216 = arith.constant 80 : i32
        %add3A_1217 = arith.addi %add3A_1215, %add3A_1216 : i32
        %get3A_1218 = arith.index_cast %add3A_1217 : i32 to index
        %get3A_1219 = tpu.vector_load %arg9[%get3A_1218] {strides = array<i32>} : memref<16384xf32, #tpu.memory_space<vmem>>, vector<16xf32>,
        %get3A_1220 = vector.shape_cast %get3A_1219 : vector<16xf32> to vector<16xf32>
        %mul3A_1221 = arith.mulf %get3A_1211, %get3A_1220 : vector<16xf32>
        %add3A_1222 = arith.addf %add3A_1204, %mul3A_1221 : vector<16xf32>
        %add3A_1223 = arith.constant 896 : i32
        %add3A_1224 = arith.addi %mul3A_327, %add3A_1223 : i32
        %add3A_1225 = arith.constant 80 : i32
        %add3A_1226 = arith.addi %add3A_1224, %add3A_1225 : i32
        %get3A_1227 = arith.index_cast %add3A_1226 : i32 to index
        %get3A_1228 = tpu.vector_load %arg11[%get3A_1227] {strides = array<i32>} : memref<16384xf32, #tpu.memory_space<vmem>>, vector<16xf32>,
        %get3A_1229 = vector.shape_cast %get3A_1228 : vector<16xf32> to vector<16xf32>
        %mul3A_1230 = arith.constant 128 : i32
        %mul3A_1231 = arith.muli %scan3A_325, %mul3A_1230 : i32
        %add3A_1232 = arith.constant 14336 : i32
        %add3A_1233 = arith.addi %add3A_1232, %mul3A_1231 : i32
        %add3A_1234 = arith.constant 80 : i32
        %add3A_1235 = arith.addi %add3A_1233, %add3A_1234 : i32
        %get3A_1236 = arith.index_cast %add3A_1235 : i32 to index
        %get3A_1237 = tpu.vector_load %arg9[%get3A_1236] {strides = array<i32>} : memref<16384xf32, #tpu.memory_space<vmem>>, vector<16xf32>,
        %get3A_1238 = vector.shape_cast %get3A_1237 : vector<16xf32> to vector<16xf32>
        %mul3A_1239 = arith.mulf %get3A_1229, %get3A_1238 : vector<16xf32>
        %add3A_1240 = arith.addf %add3A_1222, %mul3A_1239 : vector<16xf32>
        %mul3A_1241 = arith.constant 128 : i32
        %mul3A_1242 = arith.muli %scan3A_325, %mul3A_1241 : i32
        %add3A_1243 = arith.constant 80 : i32
        %add3A_1244 = arith.addi %mul3A_1242, %add3A_1243 : i32
        %swap3A_1245 = arith.index_cast %add3A_1244 : i32 to index
        %swap3A_1246 = tpu.vector_load %arg13[%swap3A_1245] {strides = array<i32>} : memref<2048xf32, #tpu.memory_space<vmem>>, vector<16xf32>,
        %swap3A_1247 = vector.shape_cast %swap3A_1246 : vector<16xf32> to vector<16xf32>
        %swap3A_1248 = vector.shape_cast %add3A_1240 : vector<16xf32> to vector<16xf32>
        tpu.vector_store %arg13[%swap3A_1245], %swap3A_1248 {strides = array<i32>} : memref<2048xf32, #tpu.memory_space<vmem>>, vector<16xf32>,
        %broadcast_in_dim3A_1249 = arith.constant 0.000000e+00 : f32
        %broadcast_in_dim3A_1250 = vector.broadcast %broadcast_in_dim3A_1249 : f32 to vector<16xf32>
        %add3A_1251 = arith.constant 0 : i32
        %add3A_1252 = arith.addi %mul3A_327, %add3A_1251 : i32
        %add3A_1253 = arith.constant 96 : i32
        %add3A_1254 = arith.addi %add3A_1252, %add3A_1253 : i32
        %get3A_1255 = arith.index_cast %add3A_1254 : i32 to index
        %get3A_1256 = tpu.vector_load %arg11[%get3A_1255] {strides = array<i32>} : memref<16384xf32, #tpu.memory_space<vmem>>, vector<16xf32>,
        %get3A_1257 = vector.shape_cast %get3A_1256 : vector<16xf32> to vector<16xf32>
        %mul3A_1258 = arith.constant 128 : i32
        %mul3A_1259 = arith.muli %scan3A_325, %mul3A_1258 : i32
        %add3A_1260 = arith.constant 0 : i32
        %add3A_1261 = arith.addi %add3A_1260, %mul3A_1259 : i32
        %add3A_1262 = arith.constant 96 : i32
        %add3A_1263 = arith.addi %add3A_1261, %add3A_1262 : i32
        %get3A_1264 = arith.index_cast %add3A_1263 : i32 to index
        %get3A_1265 = tpu.vector_load %arg9[%get3A_1264] {strides = array<i32>} : memref<16384xf32, #tpu.memory_space<vmem>>, vector<16xf32>,
        %get3A_1266 = vector.shape_cast %get3A_1265 : vector<16xf32> to vector<16xf32>
        %mul3A_1267 = arith.mulf %get3A_1257, %get3A_1266 : vector<16xf32>
        %add3A_1268 = arith.addf %broadcast_in_dim3A_1250, %mul3A_1267 : vector<16xf32>
        %add3A_1269 = arith.constant 128 : i32
        %add3A_1270 = arith.addi %mul3A_327, %add3A_1269 : i32
        %add3A_1271 = arith.constant 96 : i32
        %add3A_1272 = arith.addi %add3A_1270, %add3A_1271 : i32
        %get3A_1273 = arith.index_cast %add3A_1272 : i32 to index
        %get3A_1274 = tpu.vector_load %arg11[%get3A_1273] {strides = array<i32>} : memref<16384xf32, #tpu.memory_space<vmem>>, vector<16xf32>,
        %get3A_1275 = vector.shape_cast %get3A_1274 : vector<16xf32> to vector<16xf32>
        %mul3A_1276 = arith.constant 128 : i32
        %mul3A_1277 = arith.muli %scan3A_325, %mul3A_1276 : i32
        %add3A_1278 = arith.constant 2048 : i32
        %add3A_1279 = arith.addi %add3A_1278, %mul3A_1277 : i32
        %add3A_1280 = arith.constant 96 : i32
        %add3A_1281 = arith.addi %add3A_1279, %add3A_1280 : i32
        %get3A_1282 = arith.index_cast %add3A_1281 : i32 to index
        %get3A_1283 = tpu.vector_load %arg9[%get3A_1282] {strides = array<i32>} : memref<16384xf32, #tpu.memory_space<vmem>>, vector<16xf32>,
        %get3A_1284 = vector.shape_cast %get3A_1283 : vector<16xf32> to vector<16xf32>
        %mul3A_1285 = arith.mulf %get3A_1275, %get3A_1284 : vector<16xf32>
        %add3A_1286 = arith.addf %add3A_1268, %mul3A_1285 : vector<16xf32>
        %add3A_1287 = arith.constant 256 : i32
        %add3A_1288 = arith.addi %mul3A_327, %add3A_1287 : i32
        %add3A_1289 = arith.constant 96 : i32
        %add3A_1290 = arith.addi %add3A_1288, %add3A_1289 : i32
        %get3A_1291 = arith.index_cast %add3A_1290 : i32 to index
        %get3A_1292 = tpu.vector_load %arg11[%get3A_1291] {strides = array<i32>} : memref<16384xf32, #tpu.memory_space<vmem>>, vector<16xf32>,
        %get3A_1293 = vector.shape_cast %get3A_1292 : vector<16xf32> to vector<16xf32>
        %mul3A_1294 = arith.constant 128 : i32
        %mul3A_1295 = arith.muli %scan3A_325, %mul3A_1294 : i32
        %add3A_1296 = arith.constant 4096 : i32
        %add3A_1297 = arith.addi %add3A_1296, %mul3A_1295 : i32
        %add3A_1298 = arith.constant 96 : i32
        %add3A_1299 = arith.addi %add3A_1297, %add3A_1298 : i32
        %get3A_1300 = arith.index_cast %add3A_1299 : i32 to index
        %get3A_1301 = tpu.vector_load %arg9[%get3A_1300] {strides = array<i32>} : memref<16384xf32, #tpu.memory_space<vmem>>, vector<16xf32>,
        %get3A_1302 = vector.shape_cast %get3A_1301 : vector<16xf32> to vector<16xf32>
        %mul3A_1303 = arith.mulf %get3A_1293, %get3A_1302 : vector<16xf32>
        %add3A_1304 = arith.addf %add3A_1286, %mul3A_1303 : vector<16xf32>
        %add3A_1305 = arith.constant 384 : i32
        %add3A_1306 = arith.addi %mul3A_327, %add3A_1305 : i32
        %add3A_1307 = arith.constant 96 : i32
        %add3A_1308 = arith.addi %add3A_1306, %add3A_1307 : i32
        %get3A_1309 = arith.index_cast %add3A_1308 : i32 to index
        %get3A_1310 = tpu.vector_load %arg11[%get3A_1309] {strides = array<i32>} : memref<16384xf32, #tpu.memory_space<vmem>>, vector<16xf32>,
        %get3A_1311 = vector.shape_cast %get3A_1310 : vector<16xf32> to vector<16xf32>
        %mul3A_1312 = arith.constant 128 : i32
        %mul3A_1313 = arith.muli %scan3A_325, %mul3A_1312 : i32
        %add3A_1314 = arith.constant 6144 : i32
        %add3A_1315 = arith.addi %add3A_1314, %mul3A_1313 : i32
        %add3A_1316 = arith.constant 96 : i32
        %add3A_1317 = arith.addi %add3A_1315, %add3A_1316 : i32
        %get3A_1318 = arith.index_cast %add3A_1317 : i32 to index
        %get3A_1319 = tpu.vector_load %arg9[%get3A_1318] {strides = array<i32>} : memref<16384xf32, #tpu.memory_space<vmem>>, vector<16xf32>,
        %get3A_1320 = vector.shape_cast %get3A_1319 : vector<16xf32> to vector<16xf32>
        %mul3A_1321 = arith.mulf %get3A_1311, %get3A_1320 : vector<16xf32>
        %add3A_1322 = arith.addf %add3A_1304, %mul3A_1321 : vector<16xf32>
        %add3A_1323 = arith.constant 512 : i32
        %add3A_1324 = arith.addi %mul3A_327, %add3A_1323 : i32
        %add3A_1325 = arith.constant 96 : i32
        %add3A_1326 = arith.addi %add3A_1324, %add3A_1325 : i32
        %get3A_1327 = arith.index_cast %add3A_1326 : i32 to index
        %get3A_1328 = tpu.vector_load %arg11[%get3A_1327] {strides = array<i32>} : memref<16384xf32, #tpu.memory_space<vmem>>, vector<16xf32>,
        %get3A_1329 = vector.shape_cast %get3A_1328 : vector<16xf32> to vector<16xf32>
        %mul3A_1330 = arith.constant 128 : i32
        %mul3A_1331 = arith.muli %scan3A_325, %mul3A_1330 : i32
        %add3A_1332 = arith.constant 8192 : i32
        %add3A_1333 = arith.addi %add3A_1332, %mul3A_1331 : i32
        %add3A_1334 = arith.constant 96 : i32
        %add3A_1335 = arith.addi %add3A_1333, %add3A_1334 : i32
        %get3A_1336 = arith.index_cast %add3A_1335 : i32 to index
        %get3A_1337 = tpu.vector_load %arg9[%get3A_1336] {strides = array<i32>} : memref<16384xf32, #tpu.memory_space<vmem>>, vector<16xf32>,
        %get3A_1338 = vector.shape_cast %get3A_1337 : vector<16xf32> to vector<16xf32>
        %mul3A_1339 = arith.mulf %get3A_1329, %get3A_1338 : vector<16xf32>
        %add3A_1340 = arith.addf %add3A_1322, %mul3A_1339 : vector<16xf32>
        %add3A_1341 = arith.constant 640 : i32
        %add3A_1342 = arith.addi %mul3A_327, %add3A_1341 : i32
        %add3A_1343 = arith.constant 96 : i32
        %add3A_1344 = arith.addi %add3A_1342, %add3A_1343 : i32
        %get3A_1345 = arith.index_cast %add3A_1344 : i32 to index
        %get3A_1346 = tpu.vector_load %arg11[%get3A_1345] {strides = array<i32>} : memref<16384xf32, #tpu.memory_space<vmem>>, vector<16xf32>,
        %get3A_1347 = vector.shape_cast %get3A_1346 : vector<16xf32> to vector<16xf32>
        %mul3A_1348 = arith.constant 128 : i32
        %mul3A_1349 = arith.muli %scan3A_325, %mul3A_1348 : i32
        %add3A_1350 = arith.constant 10240 : i32
        %add3A_1351 = arith.addi %add3A_1350, %mul3A_1349 : i32
        %add3A_1352 = arith.constant 96 : i32
        %add3A_1353 = arith.addi %add3A_1351, %add3A_1352 : i32
        %get3A_1354 = arith.index_cast %add3A_1353 : i32 to index
        %get3A_1355 = tpu.vector_load %arg9[%get3A_1354] {strides = array<i32>} : memref<16384xf32, #tpu.memory_space<vmem>>, vector<16xf32>,
        %get3A_1356 = vector.shape_cast %get3A_1355 : vector<16xf32> to vector<16xf32>
        %mul3A_1357 = arith.mulf %get3A_1347, %get3A_1356 : vector<16xf32>
        %add3A_1358 = arith.addf %add3A_1340, %mul3A_1357 : vector<16xf32>
        %add3A_1359 = arith.constant 768 : i32
        %add3A_1360 = arith.addi %mul3A_327, %add3A_1359 : i32
        %add3A_1361 = arith.constant 96 : i32
        %add3A_1362 = arith.addi %add3A_1360, %add3A_1361 : i32
        %get3A_1363 = arith.index_cast %add3A_1362 : i32 to index
        %get3A_1364 = tpu.vector_load %arg11[%get3A_1363] {strides = array<i32>} : memref<16384xf32, #tpu.memory_space<vmem>>, vector<16xf32>,
        %get3A_1365 = vector.shape_cast %get3A_1364 : vector<16xf32> to vector<16xf32>
        %mul3A_1366 = arith.constant 128 : i32
        %mul3A_1367 = arith.muli %scan3A_325, %mul3A_1366 : i32
        %add3A_1368 = arith.constant 12288 : i32
        %add3A_1369 = arith.addi %add3A_1368, %mul3A_1367 : i32
        %add3A_1370 = arith.constant 96 : i32
        %add3A_1371 = arith.addi %add3A_1369, %add3A_1370 : i32
        %get3A_1372 = arith.index_cast %add3A_1371 : i32 to index
        %get3A_1373 = tpu.vector_load %arg9[%get3A_1372] {strides = array<i32>} : memref<16384xf32, #tpu.memory_space<vmem>>, vector<16xf32>,
        %get3A_1374 = vector.shape_cast %get3A_1373 : vector<16xf32> to vector<16xf32>
        %mul3A_1375 = arith.mulf %get3A_1365, %get3A_1374 : vector<16xf32>
        %add3A_1376 = arith.addf %add3A_1358, %mul3A_1375 : vector<16xf32>
        %add3A_1377 = arith.constant 896 : i32
        %add3A_1378 = arith.addi %mul3A_327, %add3A_1377 : i32
        %add3A_1379 = arith.constant 96 : i32
        %add3A_1380 = arith.addi %add3A_1378, %add3A_1379 : i32
        %get3A_1381 = arith.index_cast %add3A_1380 : i32 to index
        %get3A_1382 = tpu.vector_load %arg11[%get3A_1381] {strides = array<i32>} : memref<16384xf32, #tpu.memory_space<vmem>>, vector<16xf32>,
        %get3A_1383 = vector.shape_cast %get3A_1382 : vector<16xf32> to vector<16xf32>
        %mul3A_1384 = arith.constant 128 : i32
        %mul3A_1385 = arith.muli %scan3A_325, %mul3A_1384 : i32
        %add3A_1386 = arith.constant 14336 : i32
        %add3A_1387 = arith.addi %add3A_1386, %mul3A_1385 : i32
        %add3A_1388 = arith.constant 96 : i32
        %add3A_1389 = arith.addi %add3A_1387, %add3A_1388 : i32
        %get3A_1390 = arith.index_cast %add3A_1389 : i32 to index
        %get3A_1391 = tpu.vector_load %arg9[%get3A_1390] {strides = array<i32>} : memref<16384xf32, #tpu.memory_space<vmem>>, vector<16xf32>,
        %get3A_1392 = vector.shape_cast %get3A_1391 : vector<16xf32> to vector<16xf32>
        %mul3A_1393 = arith.mulf %get3A_1383, %get3A_1392 : vector<16xf32>
        %add3A_1394 = arith.addf %add3A_1376, %mul3A_1393 : vector<16xf32>
        %mul3A_1395 = arith.constant 128 : i32
        %mul3A_1396 = arith.muli %scan3A_325, %mul3A_1395 : i32
        %add3A_1397 = arith.constant 96 : i32
        %add3A_1398 = arith.addi %mul3A_1396, %add3A_1397 : i32
        %swap3A_1399 = arith.index_cast %add3A_1398 : i32 to index
        %swap3A_1400 = tpu.vector_load %arg13[%swap3A_1399] {strides = array<i32>} : memref<2048xf32, #tpu.memory_space<vmem>>, vector<16xf32>,
        %swap3A_1401 = vector.shape_cast %swap3A_1400 : vector<16xf32> to vector<16xf32>
        %swap3A_1402 = vector.shape_cast %add3A_1394 : vector<16xf32> to vector<16xf32>
        tpu.vector_store %arg13[%swap3A_1399], %swap3A_1402 {strides = array<i32>} : memref<2048xf32, #tpu.memory_space<vmem>>, vector<16xf32>,
        %broadcast_in_dim3A_1403 = arith.constant 0.000000e+00 : f32
        %broadcast_in_dim3A_1404 = vector.broadcast %broadcast_in_dim3A_1403 : f32 to vector<16xf32>
        %add3A_1405 = arith.constant 0 : i32
        %add3A_1406 = arith.addi %mul3A_327, %add3A_1405 : i32
        %add3A_1407 = arith.constant 112 : i32
        %add3A_1408 = arith.addi %add3A_1406, %add3A_1407 : i32
        %get3A_1409 = arith.index_cast %add3A_1408 : i32 to index
        %get3A_1410 = tpu.vector_load %arg11[%get3A_1409] {strides = array<i32>} : memref<16384xf32, #tpu.memory_space<vmem>>, vector<16xf32>,
        %get3A_1411 = vector.shape_cast %get3A_1410 : vector<16xf32> to vector<16xf32>
        %mul3A_1412 = arith.constant 128 : i32
        %mul3A_1413 = arith.muli %scan3A_325, %mul3A_1412 : i32
        %add3A_1414 = arith.constant 0 : i32
        %add3A_1415 = arith.addi %add3A_1414, %mul3A_1413 : i32
        %add3A_1416 = arith.constant 112 : i32
        %add3A_1417 = arith.addi %add3A_1415, %add3A_1416 : i32
        %get3A_1418 = arith.index_cast %add3A_1417 : i32 to index
        %get3A_1419 = tpu.vector_load %arg9[%get3A_1418] {strides = array<i32>} : memref<16384xf32, #tpu.memory_space<vmem>>, vector<16xf32>,
        %get3A_1420 = vector.shape_cast %get3A_1419 : vector<16xf32> to vector<16xf32>
        %mul3A_1421 = arith.mulf %get3A_1411, %get3A_1420 : vector<16xf32>
        %add3A_1422 = arith.addf %broadcast_in_dim3A_1404, %mul3A_1421 : vector<16xf32>
        %add3A_1423 = arith.constant 128 : i32
        %add3A_1424 = arith.addi %mul3A_327, %add3A_1423 : i32
        %add3A_1425 = arith.constant 112 : i32
        %add3A_1426 = arith.addi %add3A_1424, %add3A_1425 : i32
        %get3A_1427 = arith.index_cast %add3A_1426 : i32 to index
        %get3A_1428 = tpu.vector_load %arg11[%get3A_1427] {strides = array<i32>} : memref<16384xf32, #tpu.memory_space<vmem>>, vector<16xf32>,
        %get3A_1429 = vector.shape_cast %get3A_1428 : vector<16xf32> to vector<16xf32>
        %mul3A_1430 = arith.constant 128 : i32
        %mul3A_1431 = arith.muli %scan3A_325, %mul3A_1430 : i32
        %add3A_1432 = arith.constant 2048 : i32
        %add3A_1433 = arith.addi %add3A_1432, %mul3A_1431 : i32
        %add3A_1434 = arith.constant 112 : i32
        %add3A_1435 = arith.addi %add3A_1433, %add3A_1434 : i32
        %get3A_1436 = arith.index_cast %add3A_1435 : i32 to index
        %get3A_1437 = tpu.vector_load %arg9[%get3A_1436] {strides = array<i32>} : memref<16384xf32, #tpu.memory_space<vmem>>, vector<16xf32>,
        %get3A_1438 = vector.shape_cast %get3A_1437 : vector<16xf32> to vector<16xf32>
        %mul3A_1439 = arith.mulf %get3A_1429, %get3A_1438 : vector<16xf32>
        %add3A_1440 = arith.addf %add3A_1422, %mul3A_1439 : vector<16xf32>
        %add3A_1441 = arith.constant 256 : i32
        %add3A_1442 = arith.addi %mul3A_327, %add3A_1441 : i32
        %add3A_1443 = arith.constant 112 : i32
        %add3A_1444 = arith.addi %add3A_1442, %add3A_1443 : i32
        %get3A_1445 = arith.index_cast %add3A_1444 : i32 to index
        %get3A_1446 = tpu.vector_load %arg11[%get3A_1445] {strides = array<i32>} : memref<16384xf32, #tpu.memory_space<vmem>>, vector<16xf32>,
        %get3A_1447 = vector.shape_cast %get3A_1446 : vector<16xf32> to vector<16xf32>
        %mul3A_1448 = arith.constant 128 : i32
        %mul3A_1449 = arith.muli %scan3A_325, %mul3A_1448 : i32
        %add3A_1450 = arith.constant 4096 : i32
        %add3A_1451 = arith.addi %add3A_1450, %mul3A_1449 : i32
        %add3A_1452 = arith.constant 112 : i32
        %add3A_1453 = arith.addi %add3A_1451, %add3A_1452 : i32
        %get3A_1454 = arith.index_cast %add3A_1453 : i32 to index
        %get3A_1455 = tpu.vector_load %arg9[%get3A_1454] {strides = array<i32>} : memref<16384xf32, #tpu.memory_space<vmem>>, vector<16xf32>,
        %get3A_1456 = vector.shape_cast %get3A_1455 : vector<16xf32> to vector<16xf32>
        %mul3A_1457 = arith.mulf %get3A_1447, %get3A_1456 : vector<16xf32>
        %add3A_1458 = arith.addf %add3A_1440, %mul3A_1457 : vector<16xf32>
        %add3A_1459 = arith.constant 384 : i32
        %add3A_1460 = arith.addi %mul3A_327, %add3A_1459 : i32
        %add3A_1461 = arith.constant 112 : i32
        %add3A_1462 = arith.addi %add3A_1460, %add3A_1461 : i32
        %get3A_1463 = arith.index_cast %add3A_1462 : i32 to index
        %get3A_1464 = tpu.vector_load %arg11[%get3A_1463] {strides = array<i32>} : memref<16384xf32, #tpu.memory_space<vmem>>, vector<16xf32>,
        %get3A_1465 = vector.shape_cast %get3A_1464 : vector<16xf32> to vector<16xf32>
        %mul3A_1466 = arith.constant 128 : i32
        %mul3A_1467 = arith.muli %scan3A_325, %mul3A_1466 : i32
        %add3A_1468 = arith.constant 6144 : i32
        %add3A_1469 = arith.addi %add3A_1468, %mul3A_1467 : i32
        %add3A_1470 = arith.constant 112 : i32
        %add3A_1471 = arith.addi %add3A_1469, %add3A_1470 : i32
        %get3A_1472 = arith.index_cast %add3A_1471 : i32 to index
        %get3A_1473 = tpu.vector_load %arg9[%get3A_1472] {strides = array<i32>} : memref<16384xf32, #tpu.memory_space<vmem>>, vector<16xf32>,
        %get3A_1474 = vector.shape_cast %get3A_1473 : vector<16xf32> to vector<16xf32>
        %mul3A_1475 = arith.mulf %get3A_1465, %get3A_1474 : vector<16xf32>
        %add3A_1476 = arith.addf %add3A_1458, %mul3A_1475 : vector<16xf32>
        %add3A_1477 = arith.constant 512 : i32
        %add3A_1478 = arith.addi %mul3A_327, %add3A_1477 : i32
        %add3A_1479 = arith.constant 112 : i32
        %add3A_1480 = arith.addi %add3A_1478, %add3A_1479 : i32
        %get3A_1481 = arith.index_cast %add3A_1480 : i32 to index
        %get3A_1482 = tpu.vector_load %arg11[%get3A_1481] {strides = array<i32>} : memref<16384xf32, #tpu.memory_space<vmem>>, vector<16xf32>,
        %get3A_1483 = vector.shape_cast %get3A_1482 : vector<16xf32> to vector<16xf32>
        %mul3A_1484 = arith.constant 128 : i32
        %mul3A_1485 = arith.muli %scan3A_325, %mul3A_1484 : i32
        %add3A_1486 = arith.constant 8192 : i32
        %add3A_1487 = arith.addi %add3A_1486, %mul3A_1485 : i32
        %add3A_1488 = arith.constant 112 : i32
        %add3A_1489 = arith.addi %add3A_1487, %add3A_1488 : i32
        %get3A_1490 = arith.index_cast %add3A_1489 : i32 to index
        %get3A_1491 = tpu.vector_load %arg9[%get3A_1490] {strides = array<i32>} : memref<16384xf32, #tpu.memory_space<vmem>>, vector<16xf32>,
        %get3A_1492 = vector.shape_cast %get3A_1491 : vector<16xf32> to vector<16xf32>
        %mul3A_1493 = arith.mulf %get3A_1483, %get3A_1492 : vector<16xf32>
        %add3A_1494 = arith.addf %add3A_1476, %mul3A_1493 : vector<16xf32>
        %add3A_1495 = arith.constant 640 : i32
        %add3A_1496 = arith.addi %mul3A_327, %add3A_1495 : i32
        %add3A_1497 = arith.constant 112 : i32
        %add3A_1498 = arith.addi %add3A_1496, %add3A_1497 : i32
        %get3A_1499 = arith.index_cast %add3A_1498 : i32 to index
        %get3A_1500 = tpu.vector_load %arg11[%get3A_1499] {strides = array<i32>} : memref<16384xf32, #tpu.memory_space<vmem>>, vector<16xf32>,
        %get3A_1501 = vector.shape_cast %get3A_1500 : vector<16xf32> to vector<16xf32>
        %mul3A_1502 = arith.constant 128 : i32
        %mul3A_1503 = arith.muli %scan3A_325, %mul3A_1502 : i32
        %add3A_1504 = arith.constant 10240 : i32
        %add3A_1505 = arith.addi %add3A_1504, %mul3A_1503 : i32
        %add3A_1506 = arith.constant 112 : i32
        %add3A_1507 = arith.addi %add3A_1505, %add3A_1506 : i32
        %get3A_1508 = arith.index_cast %add3A_1507 : i32 to index
        %get3A_1509 = tpu.vector_load %arg9[%get3A_1508] {strides = array<i32>} : memref<16384xf32, #tpu.memory_space<vmem>>, vector<16xf32>,
        %get3A_1510 = vector.shape_cast %get3A_1509 : vector<16xf32> to vector<16xf32>
        %mul3A_1511 = arith.mulf %get3A_1501, %get3A_1510 : vector<16xf32>
        %add3A_1512 = arith.addf %add3A_1494, %mul3A_1511 : vector<16xf32>
        %add3A_1513 = arith.constant 768 : i32
        %add3A_1514 = arith.addi %mul3A_327, %add3A_1513 : i32
        %add3A_1515 = arith.constant 112 : i32
        %add3A_1516 = arith.addi %add3A_1514, %add3A_1515 : i32
        %get3A_1517 = arith.index_cast %add3A_1516 : i32 to index
        %get3A_1518 = tpu.vector_load %arg11[%get3A_1517] {strides = array<i32>} : memref<16384xf32, #tpu.memory_space<vmem>>, vector<16xf32>,
        %get3A_1519 = vector.shape_cast %get3A_1518 : vector<16xf32> to vector<16xf32>
        %mul3A_1520 = arith.constant 128 : i32
        %mul3A_1521 = arith.muli %scan3A_325, %mul3A_1520 : i32
        %add3A_1522 = arith.constant 12288 : i32
        %add3A_1523 = arith.addi %add3A_1522, %mul3A_1521 : i32
        %add3A_1524 = arith.constant 112 : i32
        %add3A_1525 = arith.addi %add3A_1523, %add3A_1524 : i32
        %get3A_1526 = arith.index_cast %add3A_1525 : i32 to index
        %get3A_1527 = tpu.vector_load %arg9[%get3A_1526] {strides = array<i32>} : memref<16384xf32, #tpu.memory_space<vmem>>, vector<16xf32>,
        %get3A_1528 = vector.shape_cast %get3A_1527 : vector<16xf32> to vector<16xf32>
        %mul3A_1529 = arith.mulf %get3A_1519, %get3A_1528 : vector<16xf32>
        %add3A_1530 = arith.addf %add3A_1512, %mul3A_1529 : vector<16xf32>
        %add3A_1531 = arith.constant 896 : i32
        %add3A_1532 = arith.addi %mul3A_327, %add3A_1531 : i32
        %add3A_1533 = arith.constant 112 : i32
        %add3A_1534 = arith.addi %add3A_1532, %add3A_1533 : i32
        %get3A_1535 = arith.index_cast %add3A_1534 : i32 to index
        %get3A_1536 = tpu.vector_load %arg11[%get3A_1535] {strides = array<i32>} : memref<16384xf32, #tpu.memory_space<vmem>>, vector<16xf32>,
        %get3A_1537 = vector.shape_cast %get3A_1536 : vector<16xf32> to vector<16xf32>
        %mul3A_1538 = arith.constant 128 : i32
        %mul3A_1539 = arith.muli %scan3A_325, %mul3A_1538 : i32
        %add3A_1540 = arith.constant 14336 : i32
        %add3A_1541 = arith.addi %add3A_1540, %mul3A_1539 : i32
        %add3A_1542 = arith.constant 112 : i32
        %add3A_1543 = arith.addi %add3A_1541, %add3A_1542 : i32
        %get3A_1544 = arith.index_cast %add3A_1543 : i32 to index
        %get3A_1545 = tpu.vector_load %arg9[%get3A_1544] {strides = array<i32>} : memref<16384xf32, #tpu.memory_space<vmem>>, vector<16xf32>,
        %get3A_1546 = vector.shape_cast %get3A_1545 : vector<16xf32> to vector<16xf32>
        %mul3A_1547 = arith.mulf %get3A_1537, %get3A_1546 : vector<16xf32>
        %add3A_1548 = arith.addf %add3A_1530, %mul3A_1547 : vector<16xf32>
        %mul3A_1549 = arith.constant 128 : i32
        %mul3A_1550 = arith.muli %scan3A_325, %mul3A_1549 : i32
        %add3A_1551 = arith.constant 112 : i32
        %add3A_1552 = arith.addi %mul3A_1550, %add3A_1551 : i32
        %swap3A_1553 = arith.index_cast %add3A_1552 : i32 to index
        %swap3A_1554 = tpu.vector_load %arg13[%swap3A_1553] {strides = array<i32>} : memref<2048xf32, #tpu.memory_space<vmem>>, vector<16xf32>,
        %swap3A_1555 = vector.shape_cast %swap3A_1554 : vector<16xf32> to vector<16xf32>
        %swap3A_1556 = vector.shape_cast %add3A_1548 : vector<16xf32> to vector<16xf32>
        tpu.vector_store %arg13[%swap3A_1553], %swap3A_1556 {strides = array<i32>} : memref<2048xf32, #tpu.memory_space<vmem>>, vector<16xf32>,
      }
      %scan3A_308 = arith.constant 16 : i32
      %mul3A_309 = arith.constant 64 : i32
      %mul3A_310 = arith.muli %add3A, %mul3A_309 : i32
      %add3A_311 = arith.addi %mul3A_310, %add3A_281 : i32
      %dma_start3A_312 = arith.constant 0 : i32
      %dma_start3A_313 = tpu.memref_slice %arg5[%add3A_311, %dma_start3A_312] : memref<2048x2048xf32, #tpu.memory_space<hbm>> -> memref<1x2048xf32, #tpu.memory_space<hbm>>
      %dma_start3A_314 = tpu.memref_squeeze %dma_start3A_313 : memref<1x2048xf32, #tpu.memory_space<hbm>> -> memref<2048xf32, #tpu.memory_space<hbm>>
      %dma_start3A_315 = arith.constant 0 : i32
      %dma_start3A_316 = tpu.memref_slice %arg5[%add3A_311, %dma_start3A_315] : memref<2048x2048xf32, #tpu.memory_space<hbm>> -> memref<1x2048xf32, #tpu.memory_space<hbm>>
      %dma_start3A_317 = tpu.memref_squeeze %dma_start3A_316 : memref<1x2048xf32, #tpu.memory_space<hbm>> -> memref<2048xf32, #tpu.memory_space<hbm>>
      tpu.enqueue_dma source(%arg13 : memref<2048xf32, #tpu.memory_space<vmem>>) target(%dma_start3A_317 : memref<2048xf32, #tpu.memory_space<hbm>>) target_semaphore(%arg19 : memref<!tpu.dma_semaphore, #tpu.memory_space<semaphore_mem>>)
      %add3A_318 = arith.constant 2 : i32
      %add3A_319 = arith.addi %add3A_281, %add3A_318 : i32
      %lt3A_320 = arith.constant 64 : i32
      %lt3A_321 = arith.cmpi slt, %add3A_319, %lt3A_320 : i32
      %convert_element_type3A_322 = arith.extui %lt3A_321 : i1 to i32
      %cond3A_323 = arith.constant 0 : i32
      %cond3A_324 = arith.cmpi ne, %convert_element_type3A_322, %cond3A_323 : i32
      scf.if %cond3A_324 {
        %add3A_325 = arith.constant 2 : i32
        %add3A_326 = arith.addi %add3A_281, %add3A_325 : i32
        %mul3A_327 = arith.constant 2048 : i32
        %mul3A_328 = arith.muli %add3A_326, %mul3A_327 : i32
        %add3A_329 = arith.addi %mul3A_2, %mul3A_328 : i32
        %add3A_330 = arith.constant 0 : i32
        %add3A_331 = arith.addi %add3A_330, %add3A_329 : i32
        %dma_start3A_332 = arith.constant 0 : i32
        %dma_start3A_333 = tpu.memref_slice %arg9[%dma_start3A_332] : memref<16384xf32, #tpu.memory_space<vmem>> -> memref<2048xf32, #tpu.memory_space<vmem>>
        %dma_start3A_334 = tpu.memref_slice %arg4[%add3A_331] : memref<33554432xf32, #tpu.memory_space<hbm>> -> memref<2048xf32, #tpu.memory_space<hbm>>
        %dma_start3A_335 = arith.constant 0 : i32
        %dma_start3A_336 = tpu.memref_slice %arg9[%dma_start3A_335] : memref<16384xf32, #tpu.memory_space<vmem>> -> memref<2048xf32, #tpu.memory_space<vmem>>
        %dma_start3A_337 = tpu.memref_slice %arg4[%add3A_331] : memref<33554432xf32, #tpu.memory_space<hbm>> -> memref<2048xf32, #tpu.memory_space<hbm>>
        tpu.enqueue_dma source(%dma_start3A_337 : memref<2048xf32, #tpu.memory_space<hbm>>) target(%dma_start3A_336 : memref<2048xf32, #tpu.memory_space<vmem>>) target_semaphore(%arg15 : memref<!tpu.dma_semaphore, #tpu.memory_space<semaphore_mem>>)
        %add3A_338 = arith.constant 4194304 : i32
        %add3A_339 = arith.addi %add3A_338, %add3A_329 : i32
        %dma_start3A_340 = arith.constant 2048 : i32
        %dma_start3A_341 = tpu.memref_slice %arg9[%dma_start3A_340] : memref<16384xf32, #tpu.memory_space<vmem>> -> memref<2048xf32, #tpu.memory_space<vmem>>
        %dma_start3A_342 = tpu.memref_slice %arg4[%add3A_339] : memref<33554432xf32, #tpu.memory_space<hbm>> -> memref<2048xf32, #tpu.memory_space<hbm>>
        %dma_start3A_343 = arith.constant 2048 : i32
        %dma_start3A_344 = tpu.memref_slice %arg9[%dma_start3A_343] : memref<16384xf32, #tpu.memory_space<vmem>> -> memref<2048xf32, #tpu.memory_space<vmem>>
        %dma_start3A_345 = tpu.memref_slice %arg4[%add3A_339] : memref<33554432xf32, #tpu.memory_space<hbm>> -> memref<2048xf32, #tpu.memory_space<hbm>>
        tpu.enqueue_dma source(%dma_start3A_345 : memref<2048xf32, #tpu.memory_space<hbm>>) target(%dma_start3A_344 : memref<2048xf32, #tpu.memory_space<vmem>>) target_semaphore(%arg15 : memref<!tpu.dma_semaphore, #tpu.memory_space<semaphore_mem>>)
        %add3A_346 = arith.constant 8388608 : i32
        %add3A_347 = arith.addi %add3A_346, %add3A_329 : i32
        %dma_start3A_348 = arith.constant 4096 : i32
        %dma_start3A_349 = tpu.memref_slice %arg9[%dma_start3A_348] : memref<16384xf32, #tpu.memory_space<vmem>> -> memref<2048xf32, #tpu.memory_space<vmem>>
        %dma_start3A_350 = tpu.memref_slice %arg4[%add3A_347] : memref<33554432xf32, #tpu.memory_space<hbm>> -> memref<2048xf32, #tpu.memory_space<hbm>>
        %dma_start3A_351 = arith.constant 4096 : i32
        %dma_start3A_352 = tpu.memref_slice %arg9[%dma_start3A_351] : memref<16384xf32, #tpu.memory_space<vmem>> -> memref<2048xf32, #tpu.memory_space<vmem>>
        %dma_start3A_353 = tpu.memref_slice %arg4[%add3A_347] : memref<33554432xf32, #tpu.memory_space<hbm>> -> memref<2048xf32, #tpu.memory_space<hbm>>
        tpu.enqueue_dma source(%dma_start3A_353 : memref<2048xf32, #tpu.memory_space<hbm>>) target(%dma_start3A_352 : memref<2048xf32, #tpu.memory_space<vmem>>) target_semaphore(%arg15 : memref<!tpu.dma_semaphore, #tpu.memory_space<semaphore_mem>>)
        %add3A_354 = arith.constant 12582912 : i32
        %add3A_355 = arith.addi %add3A_354, %add3A_329 : i32
        %dma_start3A_356 = arith.constant 6144 : i32
        %dma_start3A_357 = tpu.memref_slice %arg9[%dma_start3A_356] : memref<16384xf32, #tpu.memory_space<vmem>> -> memref<2048xf32, #tpu.memory_space<vmem>>
        %dma_start3A_358 = tpu.memref_slice %arg4[%add3A_355] : memref<33554432xf32, #tpu.memory_space<hbm>> -> memref<2048xf32, #tpu.memory_space<hbm>>
        %dma_start3A_359 = arith.constant 6144 : i32
        %dma_start3A_360 = tpu.memref_slice %arg9[%dma_start3A_359] : memref<16384xf32, #tpu.memory_space<vmem>> -> memref<2048xf32, #tpu.memory_space<vmem>>
        %dma_start3A_361 = tpu.memref_slice %arg4[%add3A_355] : memref<33554432xf32, #tpu.memory_space<hbm>> -> memref<2048xf32, #tpu.memory_space<hbm>>
        tpu.enqueue_dma source(%dma_start3A_361 : memref<2048xf32, #tpu.memory_space<hbm>>) target(%dma_start3A_360 : memref<2048xf32, #tpu.memory_space<vmem>>) target_semaphore(%arg15 : memref<!tpu.dma_semaphore, #tpu.memory_space<semaphore_mem>>)
        %add3A_362 = arith.constant 16777216 : i32
        %add3A_363 = arith.addi %add3A_362, %add3A_329 : i32
        %dma_start3A_364 = arith.constant 8192 : i32
        %dma_start3A_365 = tpu.memref_slice %arg9[%dma_start3A_364] : memref<16384xf32, #tpu.memory_space<vmem>> -> memref<2048xf32, #tpu.memory_space<vmem>>
        %dma_start3A_366 = tpu.memref_slice %arg4[%add3A_363] : memref<33554432xf32, #tpu.memory_space<hbm>> -> memref<2048xf32, #tpu.memory_space<hbm>>
        %dma_start3A_367 = arith.constant 8192 : i32
        %dma_start3A_368 = tpu.memref_slice %arg9[%dma_start3A_367] : memref<16384xf32, #tpu.memory_space<vmem>> -> memref<2048xf32, #tpu.memory_space<vmem>>
        %dma_start3A_369 = tpu.memref_slice %arg4[%add3A_363] : memref<33554432xf32, #tpu.memory_space<hbm>> -> memref<2048xf32, #tpu.memory_space<hbm>>
        tpu.enqueue_dma source(%dma_start3A_369 : memref<2048xf32, #tpu.memory_space<hbm>>) target(%dma_start3A_368 : memref<2048xf32, #tpu.memory_space<vmem>>) target_semaphore(%arg15 : memref<!tpu.dma_semaphore, #tpu.memory_space<semaphore_mem>>)
        %add3A_370 = arith.constant 20971520 : i32
        %add3A_371 = arith.addi %add3A_370, %add3A_329 : i32
        %dma_start3A_372 = arith.constant 10240 : i32
        %dma_start3A_373 = tpu.memref_slice %arg9[%dma_start3A_372] : memref<16384xf32, #tpu.memory_space<vmem>> -> memref<2048xf32, #tpu.memory_space<vmem>>
        %dma_start3A_374 = tpu.memref_slice %arg4[%add3A_371] : memref<33554432xf32, #tpu.memory_space<hbm>> -> memref<2048xf32, #tpu.memory_space<hbm>>
        %dma_start3A_375 = arith.constant 10240 : i32
        %dma_start3A_376 = tpu.memref_slice %arg9[%dma_start3A_375] : memref<16384xf32, #tpu.memory_space<vmem>> -> memref<2048xf32, #tpu.memory_space<vmem>>
        %dma_start3A_377 = tpu.memref_slice %arg4[%add3A_371] : memref<33554432xf32, #tpu.memory_space<hbm>> -> memref<2048xf32, #tpu.memory_space<hbm>>
        tpu.enqueue_dma source(%dma_start3A_377 : memref<2048xf32, #tpu.memory_space<hbm>>) target(%dma_start3A_376 : memref<2048xf32, #tpu.memory_space<vmem>>) target_semaphore(%arg15 : memref<!tpu.dma_semaphore, #tpu.memory_space<semaphore_mem>>)
        %add3A_378 = arith.constant 25165824 : i32
        %add3A_379 = arith.addi %add3A_378, %add3A_329 : i32
        %dma_start3A_380 = arith.constant 12288 : i32
        %dma_start3A_381 = tpu.memref_slice %arg9[%dma_start3A_380] : memref<16384xf32, #tpu.memory_space<vmem>> -> memref<2048xf32, #tpu.memory_space<vmem>>
        %dma_start3A_382 = tpu.memref_slice %arg4[%add3A_379] : memref<33554432xf32, #tpu.memory_space<hbm>> -> memref<2048xf32, #tpu.memory_space<hbm>>
        %dma_start3A_383 = arith.constant 12288 : i32
        %dma_start3A_384 = tpu.memref_slice %arg9[%dma_start3A_383] : memref<16384xf32, #tpu.memory_space<vmem>> -> memref<2048xf32, #tpu.memory_space<vmem>>
        %dma_start3A_385 = tpu.memref_slice %arg4[%add3A_379] : memref<33554432xf32, #tpu.memory_space<hbm>> -> memref<2048xf32, #tpu.memory_space<hbm>>
        tpu.enqueue_dma source(%dma_start3A_385 : memref<2048xf32, #tpu.memory_space<hbm>>) target(%dma_start3A_384 : memref<2048xf32, #tpu.memory_space<vmem>>) target_semaphore(%arg15 : memref<!tpu.dma_semaphore, #tpu.memory_space<semaphore_mem>>)
        %add3A_386 = arith.constant 29360128 : i32
        %add3A_387 = arith.addi %add3A_386, %add3A_329 : i32
        %dma_start3A_388 = arith.constant 14336 : i32
        %dma_start3A_389 = tpu.memref_slice %arg9[%dma_start3A_388] : memref<16384xf32, #tpu.memory_space<vmem>> -> memref<2048xf32, #tpu.memory_space<vmem>>
        %dma_start3A_390 = tpu.memref_slice %arg4[%add3A_387] : memref<33554432xf32, #tpu.memory_space<hbm>> -> memref<2048xf32, #tpu.memory_space<hbm>>
        %dma_start3A_391 = arith.constant 14336 : i32
        %dma_start3A_392 = tpu.memref_slice %arg9[%dma_start3A_391] : memref<16384xf32, #tpu.memory_space<vmem>> -> memref<2048xf32, #tpu.memory_space<vmem>>
        %dma_start3A_393 = tpu.memref_slice %arg4[%add3A_387] : memref<33554432xf32, #tpu.memory_space<hbm>> -> memref<2048xf32, #tpu.memory_space<hbm>>
        tpu.enqueue_dma source(%dma_start3A_393 : memref<2048xf32, #tpu.memory_space<hbm>>) target(%dma_start3A_392 : memref<2048xf32, #tpu.memory_space<vmem>>) target_semaphore(%arg15 : memref<!tpu.dma_semaphore, #tpu.memory_space<semaphore_mem>>)
      } else {
      }
    }
    %scan3A_219 = arith.constant 32 : i32
    %dma_wait3A_220 = arith.constant 0 : i32
    %dma_wait3A_221 = arith.constant 0 : i32
    %dma_wait3A_222 = tpu.memref_slice %arg5[%dma_wait3A_220, %dma_wait3A_221] : memref<2048x2048xf32, #tpu.memory_space<hbm>> -> memref<1x2048xf32, #tpu.memory_space<hbm>>
    %dma_wait3A_223 = tpu.memref_squeeze %dma_wait3A_222 : memref<1x2048xf32, #tpu.memory_space<hbm>> -> memref<2048xf32, #tpu.memory_space<hbm>>
    %dma_wait3A_224 = arith.constant 0 : i32
    %dma_wait3A_225 = tpu.memref_slice %arg5[%dma_wait3A_220, %dma_wait3A_224] : memref<2048x2048xf32, #tpu.memory_space<hbm>> -> memref<1x2048xf32, #tpu.memory_space<hbm>>
    %dma_wait3A_226 = tpu.memref_squeeze %dma_wait3A_225 : memref<1x2048xf32, #tpu.memory_space<hbm>> -> memref<2048xf32, #tpu.memory_space<hbm>>
    tpu.wait_dma2 semaphore(%arg18 : memref<!tpu.dma_semaphore, #tpu.memory_space<semaphore_mem>>) src(%arg12 : memref<2048xf32, #tpu.memory_space<vmem>>) dst(%dma_wait3A_226 : memref<2048xf32, #tpu.memory_space<hbm>>)
    %dma_wait3A_227 = arith.constant 0 : i32
    %dma_wait3A_228 = arith.constant 0 : i32
    %dma_wait3A_229 = tpu.memref_slice %arg5[%dma_wait3A_227, %dma_wait3A_228] : memref<2048x2048xf32, #tpu.memory_space<hbm>> -> memref<1x2048xf32, #tpu.memory_space<hbm>>
    %dma_wait3A_230 = tpu.memref_squeeze %dma_wait3A_229 : memref<1x2048xf32, #tpu.memory_space<hbm>> -> memref<2048xf32, #tpu.memory_space<hbm>>
    %dma_wait3A_231 = arith.constant 0 : i32
    %dma_wait3A_232 = tpu.memref_slice %arg5[%dma_wait3A_227, %dma_wait3A_231] : memref<2048x2048xf32, #tpu.memory_space<hbm>> -> memref<1x2048xf32, #tpu.memory_space<hbm>>
    %dma_wait3A_233 = tpu.memref_squeeze %dma_wait3A_232 : memref<1x2048xf32, #tpu.memory_space<hbm>> -> memref<2048xf32, #tpu.memory_space<hbm>>
    tpu.wait_dma2 semaphore(%arg19 : memref<!tpu.dma_semaphore, #tpu.memory_space<semaphore_mem>>) src(%arg13 : memref<2048xf32, #tpu.memory_space<vmem>>) dst(%dma_wait3A_233 : memref<2048xf32, #tpu.memory_space<hbm>>)
    return
  }
}

module attributes {stable_mosaic.version = 14 : i64} {
  func.func @_mm_body(%arg0: memref<2048x128xf32, #tpu.memory_space<vmem>>, %arg1: memref<128x128xf32, #tpu.memory_space<vmem>>, %arg2: memref<128x2048xf32, #tpu.memory_space<vmem>>, %arg3: memref<2048x2048xf32, #tpu.memory_space<vmem>>) attributes {dimension_semantics = [], scalar_prefetch = 0 : i64, scratch_operands = 0 : i64, tpu.core_type = #tpu.core_type<tc>} {
    %get3A = arith.constant 0 : index
    %get3A_0 = arith.constant 0 : index
    %get3A_1 = vector.load %arg1[%get3A, %get3A_0] : memref<128x128xf32, #tpu.memory_space<vmem>>, vector<128x128xf32>
    %get3A_2 = arith.constant 0 : index
    %get3A_3 = arith.constant 0 : index
    %get3A_4 = vector.load %arg2[%get3A_2, %get3A_3] : memref<128x2048xf32, #tpu.memory_space<vmem>>, vector<128x2048xf32>
    %dot_general3A = arith.constant dense<0.000000e+00> : vector<128x2048xf32>
    %dot_general3A_5 = tpu.matmul %get3A_1, %get3A_4, %dot_general3A {dimension_numbers = #tpu.dot_dimension_numbers<[1], [0], [0], [1], [0, 0, 1, 1], [], []>, transpose_lhs_hint = false} : vector<128x128xf32>, vector<128x2048xf32>, vector<128x2048xf32> -> vector<128x2048xf32>
    %get3A_6 = arith.constant 0 : index
    %get3A_7 = arith.constant 0 : index
    %get3A_8 = vector.load %arg0[%get3A_6, %get3A_7] : memref<2048x128xf32, #tpu.memory_space<vmem>>, vector<2048x128xf32>
    %dot_general3A_9 = arith.constant dense<0.000000e+00> : vector<2048x2048xf32>
    %dot_general3A_10 = tpu.matmul %get3A_8, %dot_general3A_5, %dot_general3A_9 {dimension_numbers = #tpu.dot_dimension_numbers<[1], [0], [0], [1], [0, 0, 1, 1], [], []>, transpose_lhs_hint = false} : vector<2048x128xf32>, vector<128x2048xf32>, vector<2048x2048xf32> -> vector<2048x2048xf32>
    %swap3A = arith.constant 0 : index
    %swap3A_11 = arith.constant 0 : index
    %swap3A_12 = vector.load %arg3[%swap3A, %swap3A_11] : memref<2048x2048xf32, #tpu.memory_space<vmem>>, vector<2048x2048xf32>
    tpu.vector_store %arg3[%swap3A, %swap3A_11], %dot_general3A_10 {strides = array<i32>} : memref<2048x2048xf32, #tpu.memory_space<vmem>>, vector<2048x2048xf32>,
    return
  }
}

</mosaic_0001>

<sc_bundles>
// kernel: _run.4.cloned.1.call-start
scs
__scs_entry_jumppad:
0x0: {  	(pc) =	sbr.rel $0x88, $3  }
0x1: {  	(tag) =	ssettag $0x0;
	lr =	simm.s32 $0x1  }
0x2: {  	[smem:$0x3F9C] =	sst lr;
	_ =	strace $0xD0000000  }
0x3: {  	_ = 	snop  }
0x4: {  	_ = 	snop  }
0x5: {  	_ = 	snop  }
0x6: {  	_ = 	snop  }
0x7: {  	_ = 	snop  }
__scs_overlays_trampoline_lowered:
0x8: {  	[smem:$0x3FAB] =	sst s0  }
0x9: {  	[smem:$0x3FAC] =	sst s1  }
0xa: {  	[smem:$0x3FAD] =	sst s2  }
0xb: {  	[smem:$0x3FAE] =	sst s3  }
0xc: {  	[smem:$0x3FAF] =	sst s4  }
0xd: {  	[smem:$0x3FB0] =	sst s5  }
0xe: {  	[smem:$0x3FB1] =	sst s6  }
0xf: {  	[smem:$0x3FB2] =	sst s7  }
0x10: {  	[smem:$0x3FB3] =	sst s8  }
0x11: {  	[smem:$0x3FB4] =	sst s9;
	s0 =	simm.s32 @!p0 $0x0  }
0x12: {  	s1 =	sld [smem:$0x3F9A];
	s0 =	simm.s32 @p0 $0x1  }
0x13: {  	[smem:$0x3FB5] =	sst s0;
	s0 =	simm.s32 @!p1 $0x0  }
0x14: {  	s2 =	sld [smem:$0x3F99];
	s0 =	simm.s32 @p1 $0x1  }
0x15: {  	[smem:$0x3FB6] =	sst s0;
	s0 =	simm.s32 @!p2 $0x0  }
0x16: {  	s3 =	sld [smem:$0x3FDB];
	s0 =	simm.s32 @p2 $0x1  }
0x17: {  	s4 =	simm.s32 $0x1BF5;
	[smem:$0x3FB8] =	sst s0  }
0x18: {  	s0 =	sld [smem:$0x3F9B];
	_ =	swait.ge [sflag:s4], $0x0  }
0x19: {  	s7 =	sld [smem:$0x3F9C]  }
0x1a: {  	s8 =	sadd.s32 $0xFFFFE003, lr  }
0x1b: {  	s9 =	sadd.s32 $0xFFFFFEF7, lr;
	s5 =	simm.s32 $0xFFFFFFFF;
	p2 =	slt.u32 s8, $0xFFFFF086  }
0x1c: {  	p1 =	slt.u32 s9, $0xF7A;
	s5 =	simm.s32 @!p2 $0x0  }
0x1d: {  	s5 =	simm.s32 @p1 $0x1;
	p0 =	seq.s32 s7, s2  }
0x1e: {  	s7 =	smul.u32 @!p0 $0xF7A, s2;
	p2 =	seq.s32 @!p0 s5, $0x0  }
0x1f: {  	s9 =	smul.u32 $0xF7A, s1;
	s8 =	simm.s32 @!p0 $0x1BF5;
	p2 =	por !p2, p0  }
0x20: {  	[sflag:s8] =	ssyncset.s32 @!p0 $0xFFFFF086;
	s6 =	sadd.s32 @!p0 s3, s7;
	s7 =	simm.s32 @!p0 $0x108  }
0x21: {  	s3 =	sadd.s32 s3, s9;
	s6 =	sadd.s32 @!p0 $0x88, s6;
	s7 =	simm.s32 @p2 $0x1082  }
0x22: {  	[simem:s7], [sflag:s8] =	dma.local @!p0 [hbm:s6], $0xF7A  }
0x23: {  	s9 =	sor.u32 $0xD0000000, s2;
	s6 =	simm.s32 $0x108;
	_ =	swait.ge @!p0 [sflag:s8], $0x0  }
0x24: {  	s3 =	sadd.s32 $0x88, s3;
	s6 =	simm.s32 @!p1 $0x1082;
	[sflag:s4] =	ssyncset.s32 $0xFFFFF086  }
0x25: {  	[simem:s6], [sflag:s4] =	dma.local [hbm:s3], $0xF7A  }
0x26: {  	[smem:$0x3F9C] =	sst s1;
	(tag) =	ssettag s2;
	_ =	strace s9  }
0x27: {  	s1 =	sld [smem:$0x3FAC]  }
0x28: {  	s2 =	sld [smem:$0x3FAD]  }
0x29: {  	s4 =	sld [smem:$0x3FAF]  }
0x2a: {  	p0 =	seq.s32 s5, $0x0;
	s5 =	sld [smem:$0x3FB0]  }
0x2b: {  	s6 =	sld [smem:$0x3FB1]  }
0x2c: {  	s7 =	sld [smem:$0x3FB2]  }
0x2d: {  	s3 =	simm.s32 $0x108;
	s8 =	sld [smem:$0x3FB3]  }
0x2e: {  	s3 =	simm.s32 @!p0 $0x1082;
	s9 =	sld [smem:$0x3FB4]  }
0x2f: {  	lr =	sadd.s32 s0, s3;
	s0 =	sld [smem:$0x3FAB]  }
0x30: {  	s3 =	sld [smem:$0x3FAE]  }
0x31: {  	[smem:$0x3FB7] =	sst s10  }
0x32: {  	s10 =	sld [smem:$0x3FB5];
	_ =	sdelay $0x3  }
0x33: {  	p0 =	seq.s32 s10, $0x1;
	s10 =	sld [smem:$0x3FB7];
	_ =	sdelay $0x3  }
0x34: {  	[smem:$0x3FB7] =	sst s10  }
0x35: {  	s10 =	sld [smem:$0x3FB6];
	_ =	sdelay $0x3  }
0x36: {  	p1 =	seq.s32 s10, $0x1;
	s10 =	sld [smem:$0x3FB7];
	_ =	sdelay $0x3  }
0x37: {  	[smem:$0x3FB7] =	sst s10  }
0x38: {  	s10 =	sld [smem:$0x3FB8]  }
0x39: {  	_ = 	snop;
	(pc) =	sbr.ind lr, $3  }
0x3a: {  	_ = 	snop  }
0x3b: {  	_ = 	snop  }
0x3c: {  	p2 =	seq.s32 s10, $0x1;
	s10 =	sld [smem:$0x3FB7]  }
0x3d: {  	_ =	shalt  }
0x3e: {  	_ =	shalt  }
0x3f: {  	_ =	shalt  }
0x40: {  	_ =	shalt  }
0x41: {  	_ =	shalt  }
0x42: {  	_ =	shalt  }
0x43: {  	_ =	shalt  }
0x44: {  	_ =	shalt  }
0x45: {  	_ =	shalt  }
0x46: {  	_ =	shalt  }
0x47: {  	_ =	shalt  }
0x48: {  	_ =	shalt  }
0x49: {  	_ =	shalt  }
0x4a: {  	_ =	shalt  }
0x4b: {  	_ =	shalt  }
0x4c: {  	_ =	shalt  }
0x4d: {  	_ =	shalt  }
0x4e: {  	_ =	shalt  }
0x4f: {  	_ =	shalt  }
0x50: {  	_ =	shalt  }
0x51: {  	_ =	shalt  }
0x52: {  	_ =	shalt  }
0x53: {  	_ =	shalt  }
0x54: {  	_ =	shalt  }
0x55: {  	_ =	shalt  }
0x56: {  	_ =	shalt  }
0x57: {  	_ =	shalt  }
0x58: {  	_ =	shalt  }
0x59: {  	_ =	shalt  }
0x5a: {  	_ =	shalt  }
0x5b: {  	_ =	shalt  }
0x5c: {  	_ =	shalt  }
0x5d: {  	_ =	shalt  }
0x5e: {  	_ =	shalt  }
0x5f: {  	_ =	shalt  }
0x60: {  	_ =	shalt  }
0x61: {  	_ =	shalt  }
0x62: {  	_ =	shalt  }
0x63: {  	_ =	shalt  }
0x64: {  	_ =	shalt  }
0x65: {  	_ =	shalt  }
0x66: {  	_ =	shalt  }
0x67: {  	_ =	shalt  }
0x68: {  	_ =	shalt  }
0x69: {  	_ =	shalt  }
0x6a: {  	_ =	shalt  }
0x6b: {  	_ =	shalt  }
0x6c: {  	_ =	shalt  }
0x6d: {  	_ =	shalt  }
0x6e: {  	_ =	shalt  }
0x6f: {  	_ =	shalt  }
0x70: {  	_ =	shalt  }
0x71: {  	_ =	shalt  }
0x72: {  	_ =	shalt  }
0x73: {  	_ =	shalt  }
0x74: {  	_ =	shalt  }
0x75: {  	_ =	shalt  }
0x76: {  	_ =	shalt  }
0x77: {  	_ =	shalt  }
0x78: {  	_ =	shalt  }
0x79: {  	_ =	shalt  }
0x7a: {  	_ =	shalt  }
0x7b: {  	_ =	shalt  }
0x7c: {  	_ =	shalt  }
0x7d: {  	_ =	shalt  }
0x7e: {  	_ =	shalt  }
0x7f: {  	_ =	shalt  }
0x80: {  	_ =	shalt  }
0x81: {  	_ =	shalt  }
0x82: {  	_ =	shalt  }
0x83: {  	_ =	shalt  }
0x84: {  	_ =	shalt  }
0x85: {  	_ =	shalt  }
0x86: {  	_ =	shalt  }
0x87: {  	_ =	shalt  }
.Lfunc_end0:
.L_simem_size_0:
called_computation_lowered:
.L_overlay_start_0:
0x88: {  	s2 =	sld [smem:$0x3FD9]  }
0x89: {  	s3 =	sld [smem:$0x3FFE];
	_ =	sdelay $0x1  }
0x8a: {  	s1 =	srdreg.scid  }
0x8b: {  	s0 =	sand.u32 $0x1, s1  }
0x8c: {  	s17 =	sshll.u32 s0, $0xA;
	s2 =	sadd.s32 s3, s2  }
0x8d: {  	s2 =	sadd.s32 s2, s17  }
0x8e: {  	[smem:$0x3FC3] =	sst s2  }
0x8f: {  	_ = 	snop  }
0x90: {  	s2 =	sld [smem:$0x3FC6]  }
0x91: {  	s18 =	sld [smem:$0x3FC5]  }
0x92: {  	s4 =	sld [smem:$0x3FD0];
	(tm) =	ssettm $0x1  }
0x93: {  	s5 =	sld [smem:$0x3FFB];
	_ =	sdelay $0x3  }
0x94: {  	_ =	strace s5  }
0x95: {  	s5 =	sld [smem:$0x3FFC];
	_ =	sdelay $0x3  }
0x96: {  	_ =	strace s5  }
0x97: {  	s5 =	sld [smem:$0x3FFD];
	_ =	sdelay $0x3  }
0x98: {  	_ =	strace s5  }
0x99: {  	_ =	strace $0x8FFFFFFF  }
0x9a: {  	s19 =	sld [smem:$0x3FDB];
	_ =	sdelay $0x1  }
0x9b: {  	s6 =	simm.s32 $_scs_section_size  }
0x9c: {  	s7 =	simm.s32 $_size__tile_overlayer_lowered;
	s8 =	simm.s32 $_tile_overlayer_lowered  }
0x9d: {  	s22 =	simm.s32 $0x1BFF;
	s21 =	sshll.u32 s8, $0x1;
	s5 =	sadd.s32 s6, s19  }
0x9e: {  	s9 =	simm.s32 $0x0;
	s20 =	sshll.u32 s7, $0x1;
	s7 =	sadd.s32 s21, s5  }
0x9f: {  	[timem:s9], [sflag:s22] =	dma.local [hbm:s7], s20  }
0xa0: {  	_ =	swait.ge [sflag:s22], s20  }
0xa1: {  	s6 =	ssub.s32 $0x0, s20;
	[sflag:s22] =	ssyncset.done $0x0  }
0xa2: {  	[sflag:s22] =	ssyncadd.s32 s6;
	_ =	sdelay $0x1  }
0xa3: {  	s23 =	simm.s32 $0x1B8B  }
0xa4: {  	_ =	swait.ge [sflag:s23], $0x1  }
0xa5: {  	[sflag:s23] =	ssyncset.done $0x0  }
0xa6: {  	s25 =	simm.s32 $0x1B8E;
	s24 =	sld [smem:$0x3FFE];
	[sflag:s23] =	ssyncadd.s32 $0xFFFFFFFF  }
0xa7: {  	s26 =	simm.s32 $execute0_lowered;
	[smem:$0x3FD2] =	sst s25  }
0xa8: {  	s7 =	sshll.u32 s26, $0x1;
	_ =	strace $0x80000046;
	[dreg:$0x1] =	wrdreg $0xFFFFFFFF  }
0xa9: {  	s28 =	simm.s32 $_size_execute0_lowered;
	s5 =	sadd.s32 s5, s7;
	[dreg:$0x0] =	wrdreg $0x0  }
0xaa: {  	s7 =	sshll.u32 s28, $0x1;
	[dreg:$0x2] =	wrdreg s5  }
0xab: {  	[dreg:$0x3] =	wrdreg s7  }
0xac: {  	[dreg:$0x4] =	wrdreg $0xC0  }
0xad: {  	_ =	task [dreg:s9], $0x5FFFF  }
0xae: {  	[dreg:$0x1] =	wrdreg $0xFFFFFFFF  }
0xaf: {  	[dreg:$0x0] =	wrdreg $0x60  }
0xb0: {  	[dreg:$0x2] =	wrdreg s24  }
0xb1: {  	[dreg:$0x3] =	wrdreg s2  }
0xb2: {  	[dreg:$0x4] =	wrdreg s18  }
0xb3: {  	[dreg:$0x5] =	wrdreg s4  }
0xb4: {  	[dreg:$0x6] =	wrdreg $0x9  }
0xb5: {  	_ =	task.clear_ibuf [dreg:s9], $0x7FFFF;
	_ =	strace $0x90000046  }
0xb6: {  	s29 =	simm.s32 $0x9;
	_ =	strace $0x80000048  }
0xb7: {  	_ =	swait.ge [sflag:s29], $0x1  }
0xb8: {  	[sflag:s29] =	ssyncadd.s32 $0xFFFFFFFF  }
0xb9: {  	_ =	strace $0x90000048  }
0xba: {  	_ =	sfence  }
0xbb: {  	s30 =	sld [smem:$0x0];
	_ =	sdelay $0x2  }
0xbc: {  	s31 =	sshll.u32 s1, $0xD;
	s1 =	sshrl.u32 s1, $0x2  }
0xbd: {  	s3 =	sand.u32 $0x4000, s31;
	s1 =	sadd.s32 s1, s30  }
0xbe: {  	s0 =	sor.u32 s3, s0;
	s1 =	sshll.u32 s1, $0x11  }
0xbf: {  	s0 =	sor.u32 s1, s0  }
0xc0: {  	s0 =	sadd.s32 $0x8F2B, s0  }
0xc1: {  	[sflag:s0] =	ssyncadd.remote.s32 $0x1  }
0xc2: {  	_ =	sfence.sel $0xFFFF  }
0xc3: {  	[dreg:$0x0] =	wrdreg $0xFFFFFFFF;
	(pc) =	sbr.abs _section_cstart, $3  }
0xc4: {  	[dreg:$0x1] =	wrdreg $0xFFFFFFFF  }
0xc5: {  	_ =	task.clear_ibuf [dreg:s9], $0x2FFFF;
	_ =	strace $0x9FFFFFFF  }
0xc6: {  	(tm) =	ssettm $0x7FFFFFFF  }
0xc7: {  	_ =	shalt  }
tec
execute0_lowered:
.L_overlay_start_1:
0x0: {  	(tag) =	ssettag $0x1  }
0x1: {  	s0 =	rddreg [dreg:$0x0]  }
0x2: {  	s2 =	rddreg [dreg:$0x1]  }
0x3: {  	s5 =	srdreg.scid;
	s7 =	stileid.u32  }
0x4: {  	s1 =	rddreg [dreg:$0x2];
	s6 =	sand.u32 $0x1, s5;
	s12 =	sshll.u32 s7, $0x1  }
0x5: {  	s3 =	rddreg [dreg:$0x3];
	s7 =	sor.u32 s6, s12  }
0x6: {  	s4 =	simm.s32 $0x0;
	s13 =	ssub.s32 $0x2, s6;
	s6 =	sshll.u32 s7, $0xE  }
0x7: {  	[smem:$0x7FF] =	sst s4;
	s10 =	sadd.s32 s1, s6  }
0x8: {  	_ =	strace $0x80000047;
	s14 =	sadd.s32 $0x80000, s10;
	[dreg:$0x5] =	wrdreg s10  }
0x9: {  	s15 =	sadd.s32 $0x100000, s10;
	[dreg:$0x6] =	wrdreg s14  }
0xa: {  	s30 =	simm.s32 $0x4000;
	s16 =	sadd.s32 $0x180000, s10;
	[dreg:$0x7] =	wrdreg s15  }
0xb: {  	s29 =	simm.s32 $0xE000;
	s17 =	sadd.s32 $0x200000, s10;
	[dreg:$0x8] =	wrdreg s16  }
0xc: {  	s5 =	sadd.s32 $0xA00, s0;
	s18 =	sadd.s32 $0x280000, s10;
	[dreg:$0x9] =	wrdreg s17  }
0xd: {  	s7 =	sshll.u32 s7, $0x11;
	s19 =	sadd.s32 $0x300000, s10;
	[dreg:$0xa] =	wrdreg s18  }
0xe: {  	s20 =	sor.u32 $0x800, s7;
	s11 =	sadd.s32 $0x380000, s10;
	[dreg:$0xb] =	wrdreg s19  }
0xf: {  	s9 =	sadd.s32 s2, s7;
	s2 =	sadd.s32 s2, s20;
	[dreg:$0xc] =	wrdreg s11  }
0x10: {  	s12 =	simm.s32 $0xF800;
	s21 =	sadd.s32 $0x80100, s10;
	[dreg:$0xd] =	wrdreg s2  }
0x11: {  	s8 =	sshrl.u32 s13, $0x1;
	s23 =	sadd.s32 $0x100100, s10;
	[dreg:$0xe] =	wrdreg s21  }
0x12: {  	s0 =	ssub.s32 s13, s8;
	s24 =	sadd.s32 $0x180100, s10;
	[dreg:$0xf] =	wrdreg s23  }
0x13: {  	s8 =	simm.s32 $0x0;
	s25 =	sadd.s32 $0x200100, s10;
	[dreg:$0x10] =	wrdreg s24  }
0x14: {  	s22 =	sshrl.u32 s20, $0x3;
	s26 =	sadd.s32 $0x280100, s10;
	[dreg:$0x12] =	wrdreg s25  }
0x15: {  	s28 =	sadd.s32 $0x300100, s10;
	s0 =	smax.u32 s0, $0x1;
	[dreg:$0x13] =	wrdreg s26  }
0x16: {  	s31 =	sadd.s32 $0x380100, s10;
	s10 =	simm.s32 $0xE800;
	[dreg:$0x14] =	wrdreg s28  }
.Ltmp0:
0x17: {  	s20 =	simm.s32 $0x4;
	[dreg:$0x15] =	wrdreg s0;
	(pc) =	sbr.rel .LBB2_1-.Ltmp0, $4  }
0x18: {  	s2 =	sadd.s32 s1, s22;
	[dreg:$0x16] =	wrdreg s31;
	s11 =	simm.s32 $0xF000  }
0x19: {  	s14 =	simm.s32 $0x2;
	s15 =	simm.s32 $0x14000;
	s16 =	simm.s32 $0x3  }
0x1a: {  	s17 =	simm.s32 $0x80;
	s18 =	simm.s32 $0x400;
	s19 =	simm.s32 $0x18000  }
0x1b: {  	s21 =	simm.s32 $0x18800;
	s22 =	simm.s32 $0x5;
	[dreg:$0x11] =	wrdreg s2  }
.LBB2_11:
0x1c: {  	_ =	swait.ge [sflag:s22], $0x800  }
0x1d: {  	[sflag:s22] =	ssyncset.done $0x0  }
0x1e: {  	s2 =	simm.s32 $0x6;
	[sflag:s22] =	ssyncadd.s32 $0xFFFFF800  }
0x1f: {  	_ =	swait.ge [sflag:s2], $0x800  }
0x20: {  	s8 =	rddreg [dreg:$0x17]  }
0x21: {  	s0 =	rddreg [dreg:$0x15];
	s8 =	sadd.s32 $0x1, s8  }
0x22: {  	p0 =	sne.s32 s8, s0  }
.Ltmp1:
0x23: {  	_ = 	snop;
	(pc) =	sbr.rel @!p0 .LBB2_12-.Ltmp1, $3  }
0x24: {  	_ =	sdelay $0x1  }
0x25: {  	[sflag:s2] =	ssyncset.done $0x0  }
0x26: {  	[sflag:s2] =	ssyncadd.s32 $0xFFFFF800  }
.LBB2_1:
0x27: {  	[dreg:$0x17] =	wrdreg s8  }
0x28: {  	[tilespmem:s4], [sflag:$0x1] =	stream.linear.gather [hbm4b:s9+s4], $0x4000, $0x38;
	[tilespmem:$0x19000] =	vst v63  }
0x29: {  	s0 =	rddreg [dreg:$0x5];
	s2 =	simm.s32 $0x8000  }
0x2a: {  	[tilespmem:s2], [sflag:$0x1] =	stream.linear.gather [hbm4b:s0+s4], $0x800, $0x38;
	[tilespmem:$0x19000] =	vst v63  }
0x2b: {  	s25 =	rddreg [dreg:$0x6];
	s26 =	simm.s32 $0x8800  }
0x2c: {  	[tilespmem:s26], [sflag:$0x1] =	stream.linear.gather [hbm4b:s25+s4], $0x800, $0x38;
	[tilespmem:$0x19000] =	vst v63  }
0x2d: {  	s28 =	rddreg [dreg:$0x7];
	s31 =	simm.s32 $0x9000  }
0x2e: {  	[tilespmem:s31], [sflag:$0x1] =	stream.linear.gather [hbm4b:s28+s4], $0x800, $0x38;
	[tilespmem:$0x19000] =	vst v63  }
0x2f: {  	s8 =	rddreg [dreg:$0x8];
	s13 =	simm.s32 $0x9800  }
0x30: {  	[tilespmem:s13], [sflag:$0x1] =	stream.linear.gather [hbm4b:s8+s4], $0x800, $0x38;
	[tilespmem:$0x19000] =	vst v63  }
0x31: {  	s23 =	rddreg [dreg:$0x9];
	s24 =	simm.s32 $0xA000  }
0x32: {  	[tilespmem:s24], [sflag:$0x1] =	stream.linear.gather [hbm4b:s23+s4], $0x800, $0x38;
	[tilespmem:$0x19000] =	vst v63  }
0x33: {  	s25 =	rddreg [dreg:$0xa];
	s26 =	simm.s32 $0xA800  }
0x34: {  	[tilespmem:s26], [sflag:$0x1] =	stream.linear.gather [hbm4b:s25+s4], $0x800, $0x38;
	[tilespmem:$0x19000] =	vst v63  }
0x35: {  	s28 =	rddreg [dreg:$0xb];
	s31 =	simm.s32 $0xB000  }
0x36: {  	[tilespmem:s31], [sflag:$0x1] =	stream.linear.gather [hbm4b:s28+s4], $0x800, $0x38;
	[tilespmem:$0x19000] =	vst v63  }
0x37: {  	s2 =	rddreg [dreg:$0xc];
	s8 =	simm.s32 $0xB800  }
0x38: {  	[tilespmem:s8], [sflag:$0x1] =	stream.linear.gather [hbm4b:s2+s4], $0x800, $0x38;
	[tilespmem:$0x19000] =	vst v63  }
0x39: {  	s13 =	rddreg [dreg:$0xd]  }
0x3a: {  	[tilespmem:s30], [sflag:$0x2] =	stream.linear.gather [hbm4b:s13+s4], $0x4000, $0x38;
	[tilespmem:$0x19000] =	vst v63  }
0x3b: {  	s23 =	rddreg [dreg:$0x11];
	s24 =	simm.s32 $0xC000  }
0x3c: {  	[tilespmem:s24], [sflag:$0x2] =	stream.linear.gather [hbm4b:s23+s4], $0x800, $0x38;
	[tilespmem:$0x19000] =	vst v63  }
0x3d: {  	s25 =	rddreg [dreg:$0xe];
	s26 =	simm.s32 $0xC800  }
0x3e: {  	[tilespmem:s26], [sflag:$0x2] =	stream.linear.gather [hbm4b:s25+s4], $0x800, $0x38;
	[tilespmem:$0x19000] =	vst v63  }
0x3f: {  	s28 =	rddreg [dreg:$0xf];
	s31 =	simm.s32 $0xD000  }
0x40: {  	[tilespmem:s31], [sflag:$0x2] =	stream.linear.gather [hbm4b:s28+s4], $0x800, $0x38;
	[tilespmem:$0x19000] =	vst v63  }
0x41: {  	s8 =	rddreg [dreg:$0x10];
	s13 =	simm.s32 $0xD800  }
0x42: {  	[tilespmem:s13], [sflag:$0x2] =	stream.linear.gather [hbm4b:s8+s4], $0x800, $0x38;
	[tilespmem:$0x19000] =	vst v63  }
0x43: {  	s23 =	rddreg [dreg:$0x12]  }
0x44: {  	[tilespmem:s29], [sflag:$0x2] =	stream.linear.gather [hbm4b:s23+s4], $0x800, $0x38;
	[tilespmem:$0x19000] =	vst v63  }
0x45: {  	s24 =	rddreg [dreg:$0x13]  }
0x46: {  	[tilespmem:s10], [sflag:$0x2] =	stream.linear.gather [hbm4b:s24+s4], $0x800, $0x38;
	[tilespmem:$0x19000] =	vst v63  }
0x47: {  	s25 =	rddreg [dreg:$0x14]  }
0x48: {  	[tilespmem:s11], [sflag:$0x2] =	stream.linear.gather [hbm4b:s25+s4], $0x800, $0x38;
	[tilespmem:$0x19000] =	vst v63  }
0x49: {  	s26 =	rddreg [dreg:$0x16];
	s28 =	simm.s32 $0x1  }
0x4a: {  	[tilespmem:s12], [sflag:$0x2] =	stream.linear.gather [hbm4b:s26+s4], $0x800, $0x38;
	[tilespmem:$0x19000] =	vst v63  }
0x4b: {  	_ =	swait.ge [sflag:s28], $0x4000  }
0x4c: {  	[sflag:s28] =	ssyncset.done $0x0  }
0x4d: {  	[sflag:s28] =	ssyncadd.s32 $0xFFFFC000  }
0x4e: {  	_ =	swait.ge [sflag:s28], $0x800  }
0x4f: {  	[sflag:s28] =	ssyncset.done $0x0  }
0x50: {  	[sflag:s28] =	ssyncadd.s32 $0xFFFFF800  }
0x51: {  	_ =	swait.ge [sflag:s28], $0x800  }
0x52: {  	[sflag:s28] =	ssyncset.done $0x0  }
0x53: {  	[sflag:s28] =	ssyncadd.s32 $0xFFFFF800  }
0x54: {  	_ =	swait.ge [sflag:s28], $0x800  }
0x55: {  	[sflag:s28] =	ssyncset.done $0x0  }
0x56: {  	[sflag:s28] =	ssyncadd.s32 $0xFFFFF800  }
0x57: {  	_ =	swait.ge [sflag:s28], $0x800  }
0x58: {  	[sflag:s28] =	ssyncset.done $0x0  }
0x59: {  	[sflag:s28] =	ssyncadd.s32 $0xFFFFF800  }
0x5a: {  	_ =	swait.ge [sflag:s28], $0x800  }
0x5b: {  	[sflag:s28] =	ssyncset.done $0x0  }
0x5c: {  	[sflag:s28] =	ssyncadd.s32 $0xFFFFF800  }
0x5d: {  	_ =	swait.ge [sflag:s28], $0x800  }
0x5e: {  	[sflag:s28] =	ssyncset.done $0x0  }
0x5f: {  	[sflag:s28] =	ssyncadd.s32 $0xFFFFF800  }
0x60: {  	_ =	swait.ge [sflag:s28], $0x800  }
0x61: {  	[sflag:s28] =	ssyncset.done $0x0  }
0x62: {  	[sflag:s28] =	ssyncadd.s32 $0xFFFFF800  }
0x63: {  	_ =	swait.ge [sflag:s28], $0x800  }
0x64: {  	[sflag:s28] =	ssyncset.done $0x0  }
0x65: {  	s31 =	simm.s32 $0x10000;
	s25 =	simm.s32 $0x0;
	[sflag:s28] =	ssyncadd.s32 $0xFFFFF800  }
0x66: {  	[tilespmem:s31], [sflag:$0x3] =	stream.indirect.gather [hbm4b:s5+s30], $0x1, s4, s30, $0xb8;
	[tilespmem:$0x19000] =	vst v63  }
.LBB2_2:
0x67: {  	_ =	swait.ge [sflag:s14], $0x4000  }
0x68: {  	[sflag:s14] =	ssyncset.done $0x0  }
0x69: {  	[sflag:s14] =	ssyncadd.s32 $0xFFFFC000  }
0x6a: {  	_ =	swait.ge [sflag:s14], $0x800  }
0x6b: {  	[sflag:s14] =	ssyncset.done $0x0  }
0x6c: {  	[sflag:s14] =	ssyncadd.s32 $0xFFFFF800  }
0x6d: {  	_ =	swait.ge [sflag:s14], $0x800  }
0x6e: {  	[sflag:s14] =	ssyncset.done $0x0  }
0x6f: {  	[sflag:s14] =	ssyncadd.s32 $0xFFFFF800  }
0x70: {  	_ =	swait.ge [sflag:s14], $0x800  }
0x71: {  	[sflag:s14] =	ssyncset.done $0x0  }
0x72: {  	[sflag:s14] =	ssyncadd.s32 $0xFFFFF800  }
0x73: {  	_ =	swait.ge [sflag:s14], $0x800  }
0x74: {  	[sflag:s14] =	ssyncset.done $0x0  }
0x75: {  	[sflag:s14] =	ssyncadd.s32 $0xFFFFF800  }
0x76: {  	_ =	swait.ge [sflag:s14], $0x800  }
0x77: {  	[sflag:s14] =	ssyncset.done $0x0  }
0x78: {  	[sflag:s14] =	ssyncadd.s32 $0xFFFFF800  }
0x79: {  	_ =	swait.ge [sflag:s14], $0x800  }
0x7a: {  	[sflag:s14] =	ssyncset.done $0x0  }
0x7b: {  	[sflag:s14] =	ssyncadd.s32 $0xFFFFF800  }
0x7c: {  	_ =	swait.ge [sflag:s14], $0x800  }
0x7d: {  	[sflag:s14] =	ssyncset.done $0x0  }
0x7e: {  	[sflag:s14] =	ssyncadd.s32 $0xFFFFF800  }
0x7f: {  	p0 =	seq.s32 s25, $0x1F;
	_ =	swait.ge [sflag:s14], $0x800  }
0x80: {  	p1 =	seq.s32 @!p0 s25, $0x0;
	[sflag:s14] =	ssyncset.done $0x0  }
0x81: {  	p1 =	por p0, !p1;
	[sflag:s14] =	ssyncadd.s32 $0xFFFFF800  }
0x82: {  	[tilespmem:s15], [sflag:$0x4] =	stream.indirect.gather [hbm4b:s5+s30], $0x1, s30, s30, $0xb8;
	[tilespmem:$0x19000] =	vst v63  }
.Ltmp2:
0x83: {  	s26 =	sshll.u32 s25, $0x1;
	(pc) =	sbr.rel @!p1 .LBB2_3-.Ltmp2, $4  }
0x84: {  	s0 =	sadd.s32 $0x2, s26;
	_ =	swait.ge [sflag:s16], $0x4000  }
0x85: {  	s24 =	sshll.u32 @!p0 s0, $0xB;
	[sflag:s16] =	ssyncset.done $0x0  }
0x86: {  	s2 =	simm.s32 @!p0 $0x0;
	s0 =	sadd.s32 @!p0 s24, s9;
	[sflag:s16] =	ssyncadd.s32 $0xFFFFC000  }
0x87: {  	[tilespmem:s2], [sflag:$0x1] =	stream.linear.gather @!p0 [hbm4b:s0+s2], $0x4000, $0x38;
	[tilespmem:$0x19000] =	vst v63  }
.Ltmp3:
0x88: {  	(pc) =	sbr.rel .LBB2_5-.Ltmp3, $4  }
0x89: {  	_ = 	snop  }
0x8a: {  	_ =	swait.ge [sflag:s22], $0x800  }
0x8b: {  	[sflag:s22] =	ssyncset.done $0x0  }
0x8c: {  	p1 =	por $0x0, $0x0;
	[sflag:s22] =	ssyncadd.s32 $0xFFFFF800  }
.LBB2_3:
0x8d: {  	p1 =	por @!p0 $0x1, $0x1  }
.LBB2_5:
0x8e: {  	s8 =	simm.s32 $0x0  }
0x8f: {  	s23 =	simm.s32 $0x10200;
	v0 =	vld [tilespmem:s8+$0x8000]  }
0x90: {  	v1 =	vld [tilespmem:s23+$0xFFFFFE00]  }
0x91: {  	v2 =	vld [tilespmem:s8+$0x8800]  }
0x92: {  	v3 =	vld [tilespmem:s23+$0xFFFFFE80]  }
0x93: {  	v4 =	vld [tilespmem:s8+$0x9000]  }
0x94: {  	v5 =	vld [tilespmem:s23+$0xFFFFFF00]  }
0x95: {  	v6 =	vld [tilespmem:s8+$0x9800];
	v0 =	vmul.f32 v0, v1  }
0x96: {  	v1 =	vld [tilespmem:s23+$0xFFFFFF80]  }
0x97: {  	v7 =	vld [tilespmem:s23+$0x0];
	v2 =	vmul.f32 v2, v3;
	v0 =	vadd.f32 $0.0e+00, v0  }
0x98: {  	v3 =	vld [tilespmem:s8+$0xA000]  }
0x99: {  	v54 =	vld [tilespmem:s8+$0xA800];
	v4 =	vmul.f32 v4, v5;
	v0 =	vadd.f32 v2, v0  }
0x9a: {  	v2 =	vld [tilespmem:s23+$0x80]  }
0x9b: {  	v55 =	vld [tilespmem:s8+$0xB000];
	v1 =	vmul.f32 v6, v1;
	v0 =	vadd.f32 v4, v0  }
0x9c: {  	v56 =	vld [tilespmem:s23+$0x100]  }
0x9d: {  	v57 =	vld [tilespmem:s8+$0xB800];
	v3 =	vmul.f32 v3, v7;
	v0 =	vadd.f32 v1, v0  }
0x9e: {  	v1 =	vld [tilespmem:s23+$0x180]  }
0x9f: {  	v2 =	vmul.f32 v54, v2;
	v0 =	vadd.f32 v3, v0;
	_ =	sdelay $0x1  }
0xa0: {  	v3 =	vmul.f32 v55, v56;
	v0 =	vadd.f32 v2, v0;
	_ =	sdelay $0x1  }
0xa1: {  	v1 =	vmul.f32 v57, v1;
	v0 =	vadd.f32 v3, v0;
	_ =	sdelay $0x1  }
0xa2: {  	v0 =	vadd.f32 v1, v0;
	_ =	sdelay $0x1  }
0xa3: {  	[tilespmem:s8+$0x18000] =	vst v0;
	v0 =	vld [tilespmem:s8+$0x8010]  }
0xa4: {  	v2 =	vld [tilespmem:s23+$0xFFFFFE10]  }
0xa5: {  	v1 =	vld [tilespmem:s8+$0x8810]  }
0xa6: {  	v3 =	vld [tilespmem:s23+$0xFFFFFE90]  }
0xa7: {  	v58 =	vld [tilespmem:s8+$0x9010]  }
0xa8: {  	v59 =	vld [tilespmem:s23+$0xFFFFFF10]  }
0xa9: {  	v60 =	vld [tilespmem:s8+$0x9810];
	v0 =	vmul.f32 v0, v2  }
0xaa: {  	v2 =	vld [tilespmem:s23+$0xFFFFFF90]  }
0xab: {  	v61 =	vld [tilespmem:s23+$0x10];
	v1 =	vmul.f32 v1, v3;
	v0 =	vadd.f32 $0.0e+00, v0  }
0xac: {  	v3 =	vld [tilespmem:s8+$0xA010]  }
0xad: {  	v62 =	vld [tilespmem:s8+$0xA810];
	v4 =	vmul.f32 v58, v59;
	v0 =	vadd.f32 v1, v0  }
0xae: {  	v1 =	vld [tilespmem:s23+$0x90]  }
0xaf: {  	v63 =	vld [tilespmem:s8+$0xB010];
	v2 =	vmul.f32 v60, v2;
	v0 =	vadd.f32 v4, v0  }
0xb0: {  	v9 =	vld [tilespmem:s23+$0x110]  }
0xb1: {  	v10 =	vld [tilespmem:s8+$0xB810];
	v3 =	vmul.f32 v3, v61;
	v0 =	vadd.f32 v2, v0  }
0xb2: {  	v2 =	vld [tilespmem:s23+$0x190]  }
0xb3: {  	v1 =	vmul.f32 v62, v1;
	v0 =	vadd.f32 v3, v0;
	_ =	sdelay $0x1  }
0xb4: {  	v3 =	vmul.f32 v63, v9;
	v0 =	vadd.f32 v1, v0;
	_ =	sdelay $0x1  }
0xb5: {  	v1 =	vmul.f32 v10, v2;
	v0 =	vadd.f32 v3, v0;
	_ =	sdelay $0x1  }
0xb6: {  	v0 =	vadd.f32 v1, v0;
	_ =	sdelay $0x1  }
0xb7: {  	[tilespmem:s8+$0x18010] =	vst v0;
	v0 =	vld [tilespmem:s8+$0x8020]  }
0xb8: {  	v2 =	vld [tilespmem:s23+$0xFFFFFE20]  }
0xb9: {  	v1 =	vld [tilespmem:s8+$0x8820]  }
0xba: {  	v3 =	vld [tilespmem:s23+$0xFFFFFEA0]  }
0xbb: {  	v11 =	vld [tilespmem:s8+$0x9020]  }
0xbc: {  	v12 =	vld [tilespmem:s23+$0xFFFFFF20]  }
0xbd: {  	v13 =	vld [tilespmem:s8+$0x9820];
	v0 =	vmul.f32 v0, v2  }
0xbe: {  	v2 =	vld [tilespmem:s23+$0xFFFFFFA0]  }
0xbf: {  	v14 =	vld [tilespmem:s23+$0x20];
	v1 =	vmul.f32 v1, v3;
	v0 =	vadd.f32 $0.0e+00, v0  }
0xc0: {  	v3 =	vld [tilespmem:s8+$0xA020]  }
0xc1: {  	v15 =	vld [tilespmem:s8+$0xA820];
	v4 =	vmul.f32 v11, v12;
	v0 =	vadd.f32 v1, v0  }
0xc2: {  	v1 =	vld [tilespmem:s23+$0xA0]  }
0xc3: {  	v16 =	vld [tilespmem:s8+$0xB020];
	v2 =	vmul.f32 v13, v2;
	v0 =	vadd.f32 v4, v0  }
0xc4: {  	v17 =	vld [tilespmem:s23+$0x120]  }
0xc5: {  	v18 =	vld [tilespmem:s8+$0xB820];
	v3 =	vmul.f32 v3, v14;
	v0 =	vadd.f32 v2, v0  }
0xc6: {  	v2 =	vld [tilespmem:s23+$0x1A0]  }
0xc7: {  	v1 =	vmul.f32 v15, v1;
	v0 =	vadd.f32 v3, v0;
	_ =	sdelay $0x1  }
0xc8: {  	v3 =	vmul.f32 v16, v17;
	v0 =	vadd.f32 v1, v0;
	_ =	sdelay $0x1  }
0xc9: {  	v1 =	vmul.f32 v18, v2;
	v0 =	vadd.f32 v3, v0;
	_ =	sdelay $0x1  }
0xca: {  	v0 =	vadd.f32 v1, v0;
	_ =	sdelay $0x1  }
0xcb: {  	[tilespmem:s8+$0x18020] =	vst v0;
	v0 =	vld [tilespmem:s8+$0x8030]  }
0xcc: {  	v2 =	vld [tilespmem:s23+$0xFFFFFE30]  }
0xcd: {  	v1 =	vld [tilespmem:s8+$0x8830]  }
0xce: {  	v3 =	vld [tilespmem:s23+$0xFFFFFEB0]  }
0xcf: {  	v19 =	vld [tilespmem:s8+$0x9030]  }
0xd0: {  	v20 =	vld [tilespmem:s23+$0xFFFFFF30]  }
0xd1: {  	v21 =	vld [tilespmem:s8+$0x9830];
	v0 =	vmul.f32 v0, v2  }
0xd2: {  	v2 =	vld [tilespmem:s23+$0xFFFFFFB0]  }
0xd3: {  	v22 =	vld [tilespmem:s23+$0x30];
	v1 =	vmul.f32 v1, v3;
	v0 =	vadd.f32 $0.0e+00, v0  }
0xd4: {  	v3 =	vld [tilespmem:s8+$0xA030]  }
0xd5: {  	v23 =	vld [tilespmem:s8+$0xA830];
	v4 =	vmul.f32 v19, v20;
	v0 =	vadd.f32 v1, v0  }
0xd6: {  	v1 =	vld [tilespmem:s23+$0xB0]  }
0xd7: {  	v24 =	vld [tilespmem:s8+$0xB030];
	v2 =	vmul.f32 v21, v2;
	v0 =	vadd.f32 v4, v0  }
0xd8: {  	v25 =	vld [tilespmem:s23+$0x130]  }
0xd9: {  	v26 =	vld [tilespmem:s8+$0xB830];
	v3 =	vmul.f32 v3, v22;
	v0 =	vadd.f32 v2, v0  }
0xda: {  	v2 =	vld [tilespmem:s23+$0x1B0]  }
0xdb: {  	v1 =	vmul.f32 v23, v1;
	v0 =	vadd.f32 v3, v0;
	_ =	sdelay $0x1  }
0xdc: {  	v3 =	vmul.f32 v24, v25;
	v0 =	vadd.f32 v1, v0;
	_ =	sdelay $0x1  }
0xdd: {  	v1 =	vmul.f32 v26, v2;
	v0 =	vadd.f32 v3, v0;
	_ =	sdelay $0x1  }
0xde: {  	v0 =	vadd.f32 v1, v0;
	_ =	sdelay $0x1  }
0xdf: {  	[tilespmem:s8+$0x18030] =	vst v0;
	v0 =	vld [tilespmem:s8+$0x8040]  }
0xe0: {  	v2 =	vld [tilespmem:s23+$0xFFFFFE40]  }
0xe1: {  	v1 =	vld [tilespmem:s8+$0x8840]  }
0xe2: {  	v3 =	vld [tilespmem:s23+$0xFFFFFEC0]  }
0xe3: {  	v27 =	vld [tilespmem:s8+$0x9040]  }
0xe4: {  	v28 =	vld [tilespmem:s23+$0xFFFFFF40]  }
0xe5: {  	v29 =	vld [tilespmem:s8+$0x9840];
	v0 =	vmul.f32 v0, v2  }
0xe6: {  	v2 =	vld [tilespmem:s23+$0xFFFFFFC0]  }
0xe7: {  	v30 =	vld [tilespmem:s23+$0x40];
	v1 =	vmul.f32 v1, v3;
	v0 =	vadd.f32 $0.0e+00, v0  }
0xe8: {  	v3 =	vld [tilespmem:s8+$0xA040]  }
0xe9: {  	v31 =	vld [tilespmem:s8+$0xA840];
	v4 =	vmul.f32 v27, v28;
	v0 =	vadd.f32 v1, v0  }
0xea: {  	v1 =	vld [tilespmem:s23+$0xC0]  }
0xeb: {  	v32 =	vld [tilespmem:s8+$0xB040];
	v2 =	vmul.f32 v29, v2;
	v0 =	vadd.f32 v4, v0  }
0xec: {  	v33 =	vld [tilespmem:s23+$0x140]  }
0xed: {  	v34 =	vld [tilespmem:s8+$0xB840];
	v3 =	vmul.f32 v3, v30;
	v0 =	vadd.f32 v2, v0  }
0xee: {  	v2 =	vld [tilespmem:s23+$0x1C0]  }
0xef: {  	v1 =	vmul.f32 v31, v1;
	v0 =	vadd.f32 v3, v0;
	_ =	sdelay $0x1  }
0xf0: {  	v3 =	vmul.f32 v32, v33;
	v0 =	vadd.f32 v1, v0;
	_ =	sdelay $0x1  }
0xf1: {  	v1 =	vmul.f32 v34, v2;
	v0 =	vadd.f32 v3, v0;
	_ =	sdelay $0x1  }
0xf2: {  	v0 =	vadd.f32 v1, v0;
	_ =	sdelay $0x1  }
0xf3: {  	[tilespmem:s8+$0x18040] =	vst v0;
	v0 =	vld [tilespmem:s8+$0x8050]  }
0xf4: {  	v36 =	vld [tilespmem:s23+$0xFFFFFE50]  }
0xf5: {  	v35 =	vld [tilespmem:s8+$0x8850]  }
0xf6: {  	v37 =	vld [tilespmem:s23+$0xFFFFFED0]  }
0xf7: {  	v1 =	vld [tilespmem:s8+$0x9050]  }
0xf8: {  	v38 =	vld [tilespmem:s23+$0xFFFFFF50]  }
0xf9: {  	v3 =	vld [tilespmem:s8+$0x9850];
	v0 =	vmul.f32 v0, v36  }
0xfa: {  	v39 =	vld [tilespmem:s23+$0xFFFFFFD0]  }
0xfb: {  	v2 =	vld [tilespmem:s8+$0xA050];
	v4 =	vmul.f32 v35, v37;
	v0 =	vadd.f32 $0.0e+00, v0  }
0xfc: {  	v40 =	vld [tilespmem:s23+$0x50]  }
0xfd: {  	v41 =	vld [tilespmem:s8+$0xA850];
	v1 =	vmul.f32 v1, v38;
	v0 =	vadd.f32 v4, v0  }
0xfe: {  	v8 =	vld [tilespmem:s23+$0xD0]  }
0xff: {  	v42 =	vld [tilespmem:s23+$0x150];
	v3 =	vmul.f32 v3, v39;
	v0 =	vadd.f32 v1, v0  }
0x100: {  	v1 =	vld [tilespmem:s8+$0xB050]  }
0x101: {  	v43 =	vld [tilespmem:s23+$0x1D0];
	v2 =	vmul.f32 v2, v40;
	v0 =	vadd.f32 v3, v0  }
0x102: {  	v3 =	vld [tilespmem:s8+$0xB850]  }
0x103: {  	v4 =	vmul.f32 v41, v8;
	v0 =	vadd.f32 v2, v0;
	_ =	sdelay $0x1  }
0x104: {  	v1 =	vmul.f32 v1, v42;
	v0 =	vadd.f32 v4, v0;
	_ =	sdelay $0x1  }
0x105: {  	v2 =	vmul.f32 v3, v43;
	v0 =	vadd.f32 v1, v0;
	_ =	sdelay $0x1  }
0x106: {  	v0 =	vadd.f32 v2, v0;
	_ =	sdelay $0x1  }
0x107: {  	[tilespmem:s8+$0x18050] =	vst v0;
	v0 =	vld [tilespmem:s8+$0x8060]  }
0x108: {  	v45 =	vld [tilespmem:s23+$0xFFFFFE60]  }
0x109: {  	v44 =	vld [tilespmem:s8+$0x8860]  }
0x10a: {  	v46 =	vld [tilespmem:s23+$0xFFFFFEE0]  }
0x10b: {  	v2 =	vld [tilespmem:s8+$0x9060]  }
0x10c: {  	v47 =	vld [tilespmem:s23+$0xFFFFFF60]  }
0x10d: {  	v3 =	vld [tilespmem:s8+$0x9860];
	v0 =	vmul.f32 v0, v45  }
0x10e: {  	v48 =	vld [tilespmem:s23+$0xFFFFFFE0]  }
0x10f: {  	v1 =	vld [tilespmem:s8+$0xA060];
	v4 =	vmul.f32 v44, v46;
	v0 =	vadd.f32 $0.0e+00, v0  }
0x110: {  	v49 =	vld [tilespmem:s23+$0x60]  }
0x111: {  	v51 =	vld [tilespmem:s8+$0xA860];
	v2 =	vmul.f32 v2, v47;
	v0 =	vadd.f32 v4, v0  }
0x112: {  	v50 =	vld [tilespmem:s23+$0xE0]  }
0x113: {  	v52 =	vld [tilespmem:s23+$0x160];
	v3 =	vmul.f32 v3, v48;
	v0 =	vadd.f32 v2, v0  }
0x114: {  	v2 =	vld [tilespmem:s8+$0xB060]  }
0x115: {  	v53 =	vld [tilespmem:s23+$0x1E0];
	v1 =	vmul.f32 v1, v49;
	v0 =	vadd.f32 v3, v0  }
0x116: {  	v3 =	vld [tilespmem:s8+$0xB860]  }
0x117: {  	v4 =	vmul.f32 v51, v50;
	v0 =	vadd.f32 v1, v0;
	_ =	sdelay $0x1  }
0x118: {  	v1 =	vmul.f32 v2, v52;
	v0 =	vadd.f32 v4, v0;
	_ =	sdelay $0x1  }
0x119: {  	v2 =	vmul.f32 v3, v53;
	v0 =	vadd.f32 v1, v0;
	_ =	sdelay $0x1  }
0x11a: {  	v0 =	vadd.f32 v2, v0;
	_ =	sdelay $0x1  }
0x11b: {  	[tilespmem:s8+$0x18060] =	vst v0;
	v0 =	vld [tilespmem:s8+$0x8070]  }
0x11c: {  	v55 =	vld [tilespmem:s23+$0xFFFFFE70]  }
0x11d: {  	v54 =	vld [tilespmem:s8+$0x8870]  }
0x11e: {  	v56 =	vld [tilespmem:s23+$0xFFFFFEF0]  }
0x11f: {  	v2 =	vld [tilespmem:s8+$0x9070]  }
0x120: {  	v57 =	vld [tilespmem:s23+$0xFFFFFF70]  }
0x121: {  	v3 =	vld [tilespmem:s8+$0x9870];
	v0 =	vmul.f32 v0, v55  }
0x122: {  	v58 =	vld [tilespmem:s23+$0xFFFFFFF0]  }
0x123: {  	v1 =	vld [tilespmem:s8+$0xA070];
	v4 =	vmul.f32 v54, v56;
	v0 =	vadd.f32 $0.0e+00, v0  }
0x124: {  	v59 =	vld [tilespmem:s23+$0x70]  }
0x125: {  	v61 =	vld [tilespmem:s8+$0xA870];
	v2 =	vmul.f32 v2, v57;
	v0 =	vadd.f32 v4, v0  }
0x126: {  	v60 =	vld [tilespmem:s23+$0xF0]  }
0x127: {  	v62 =	vld [tilespmem:s23+$0x170];
	v3 =	vmul.f32 v3, v58;
	v0 =	vadd.f32 v2, v0  }
0x128: {  	v2 =	vld [tilespmem:s8+$0xB070]  }
0x129: {  	v63 =	vld [tilespmem:s23+$0x1F0];
	v1 =	vmul.f32 v1, v59;
	v0 =	vadd.f32 v3, v0  }
0x12a: {  	v3 =	vld [tilespmem:s8+$0xB870]  }
0x12b: {  	v4 =	vmul.f32 v61, v60;
	v0 =	vadd.f32 v1, v0;
	_ =	sdelay $0x1  }
0x12c: {  	v1 =	vmul.f32 v2, v62;
	v2 =	vadd.f32 v4, v0;
	_ =	sdelay $0x1  }
0x12d: {  	s13 =	simm.s32 $0x200;
	s0 =	simm.s32 $0x400;
	v0 =	vmul.f32 v3, v63;
	v1 =	vadd.f32 v1, v2  }
.LBB2_6:
0x12e: {  	s2 =	sshra.s32 s13, $0x2  }
0x12f: {  	s23 =	sadd.s32 $0x400, s23;
	s13 =	smov.u32 s0;
	s31 =	sadd.s32 $0x200, s0;
	v0 =	vadd.f32 v0, v1  }
0x130: {  	p2 =	sne.s32 s0, $0x1E00;
	v1 =	vld [tilespmem:s2+$0x8800]  }
0x131: {  	v2 =	vld [tilespmem:s2+$0x8000];
	[tilespmem:s8+$0x18070] =	vst v0;
	s8 =	smov.u32 s2  }
0x132: {  	v0 =	vld [tilespmem:s23+$0xFFFFFE00]  }
0x133: {  	v3 =	vld [tilespmem:s23+$0xFFFFFE80]  }
0x134: {  	v4 =	vld [tilespmem:s8+$0x9000]  }
0x135: {  	v5 =	vld [tilespmem:s23+$0xFFFFFF00]  }
0x136: {  	v6 =	vld [tilespmem:s8+$0x9800]  }
0x137: {  	v0 =	vmul.f32 v2, v0;
	v2 =	vld [tilespmem:s23+$0xFFFFFF80]  }
0x138: {  	v1 =	vmul.f32 v1, v3;
	v3 =	vld [tilespmem:s8+$0xA000]  }
0x139: {  	v0 =	vadd.f32 $0.0e+00, v0;
	v7 =	vld [tilespmem:s23+$0x0]  }
0x13a: {  	v4 =	vmul.f32 v4, v5;
	v5 =	vld [tilespmem:s8+$0xA800]  }
0x13b: {  	v0 =	vadd.f32 v1, v0;
	v1 =	vld [tilespmem:s23+$0x80]  }
0x13c: {  	v2 =	vmul.f32 v6, v2;
	v6 =	vld [tilespmem:s8+$0xB000]  }
0x13d: {  	v0 =	vadd.f32 v4, v0;
	v4 =	vld [tilespmem:s23+$0x100]  }
0x13e: {  	v3 =	vmul.f32 v3, v7;
	v7 =	vld [tilespmem:s8+$0xB800]  }
0x13f: {  	v0 =	vadd.f32 v2, v0;
	v2 =	vld [tilespmem:s23+$0x180]  }
0x140: {  	v1 =	vmul.f32 v5, v1  }
0x141: {  	v0 =	vadd.f32 v3, v0  }
0x142: {  	v3 =	vmul.f32 v6, v4  }
0x143: {  	v0 =	vadd.f32 v1, v0  }
0x144: {  	v1 =	vmul.f32 v7, v2  }
0x145: {  	v0 =	vadd.f32 v3, v0;
	_ =	sdelay $0x1  }
0x146: {  	v0 =	vadd.f32 v1, v0  }
0x147: {  	v1 =	vld [tilespmem:s8+$0x8810]  }
0x148: {  	[tilespmem:s8+$0x18000] =	vst v0;
	v0 =	vld [tilespmem:s8+$0x8010]  }
0x149: {  	v2 =	vld [tilespmem:s23+$0xFFFFFE10]  }
0x14a: {  	v3 =	vld [tilespmem:s23+$0xFFFFFE90]  }
0x14b: {  	v4 =	vld [tilespmem:s8+$0x9010]  }
0x14c: {  	v5 =	vld [tilespmem:s23+$0xFFFFFF10]  }
0x14d: {  	v6 =	vld [tilespmem:s8+$0x9810]  }
0x14e: {  	v0 =	vmul.f32 v0, v2;
	v2 =	vld [tilespmem:s23+$0xFFFFFF90]  }
0x14f: {  	v1 =	vmul.f32 v1, v3;
	v3 =	vld [tilespmem:s8+$0xA010]  }
0x150: {  	v0 =	vadd.f32 $0.0e+00, v0;
	v7 =	vld [tilespmem:s23+$0x10]  }
0x151: {  	v4 =	vmul.f32 v4, v5;
	v5 =	vld [tilespmem:s8+$0xA810]  }
0x152: {  	v0 =	vadd.f32 v1, v0;
	v1 =	vld [tilespmem:s23+$0x90]  }
0x153: {  	v2 =	vmul.f32 v6, v2;
	v6 =	vld [tilespmem:s8+$0xB010]  }
0x154: {  	v0 =	vadd.f32 v4, v0;
	v4 =	vld [tilespmem:s23+$0x110]  }
0x155: {  	v3 =	vmul.f32 v3, v7;
	v7 =	vld [tilespmem:s8+$0xB810]  }
0x156: {  	v0 =	vadd.f32 v2, v0;
	v2 =	vld [tilespmem:s23+$0x190]  }
0x157: {  	v1 =	vmul.f32 v5, v1  }
0x158: {  	v0 =	vadd.f32 v3, v0  }
0x159: {  	v3 =	vmul.f32 v6, v4  }
0x15a: {  	v0 =	vadd.f32 v1, v0  }
0x15b: {  	v1 =	vmul.f32 v7, v2  }
0x15c: {  	v0 =	vadd.f32 v3, v0;
	_ =	sdelay $0x1  }
0x15d: {  	v0 =	vadd.f32 v1, v0  }
0x15e: {  	v1 =	vld [tilespmem:s8+$0x8820]  }
0x15f: {  	[tilespmem:s8+$0x18010] =	vst v0;
	v0 =	vld [tilespmem:s8+$0x8020]  }
0x160: {  	v2 =	vld [tilespmem:s23+$0xFFFFFE20]  }
0x161: {  	v3 =	vld [tilespmem:s23+$0xFFFFFEA0]  }
0x162: {  	v4 =	vld [tilespmem:s8+$0x9020]  }
0x163: {  	v5 =	vld [tilespmem:s23+$0xFFFFFF20]  }
0x164: {  	v6 =	vld [tilespmem:s8+$0x9820]  }
0x165: {  	v0 =	vmul.f32 v0, v2;
	v2 =	vld [tilespmem:s23+$0xFFFFFFA0]  }
0x166: {  	v1 =	vmul.f32 v1, v3;
	v3 =	vld [tilespmem:s8+$0xA020]  }
0x167: {  	v0 =	vadd.f32 $0.0e+00, v0;
	v7 =	vld [tilespmem:s23+$0x20]  }
0x168: {  	v4 =	vmul.f32 v4, v5;
	v5 =	vld [tilespmem:s8+$0xA820]  }
0x169: {  	v0 =	vadd.f32 v1, v0;
	v1 =	vld [tilespmem:s23+$0xA0]  }
0x16a: {  	v2 =	vmul.f32 v6, v2;
	v6 =	vld [tilespmem:s8+$0xB020]  }
0x16b: {  	v0 =	vadd.f32 v4, v0;
	v4 =	vld [tilespmem:s23+$0x120]  }
0x16c: {  	v3 =	vmul.f32 v3, v7;
	v7 =	vld [tilespmem:s8+$0xB820]  }
0x16d: {  	v0 =	vadd.f32 v2, v0;
	v2 =	vld [tilespmem:s23+$0x1A0]  }
0x16e: {  	v1 =	vmul.f32 v5, v1  }
0x16f: {  	v0 =	vadd.f32 v3, v0  }
0x170: {  	v3 =	vmul.f32 v6, v4  }
0x171: {  	v0 =	vadd.f32 v1, v0  }
0x172: {  	v1 =	vmul.f32 v7, v2  }
0x173: {  	v0 =	vadd.f32 v3, v0;
	_ =	sdelay $0x1  }
0x174: {  	v0 =	vadd.f32 v1, v0  }
0x175: {  	v1 =	vld [tilespmem:s8+$0x8830]  }
0x176: {  	[tilespmem:s8+$0x18020] =	vst v0;
	v0 =	vld [tilespmem:s8+$0x8030]  }
0x177: {  	v2 =	vld [tilespmem:s23+$0xFFFFFE30]  }
0x178: {  	v3 =	vld [tilespmem:s23+$0xFFFFFEB0]  }
0x179: {  	v4 =	vld [tilespmem:s8+$0x9030]  }
0x17a: {  	v5 =	vld [tilespmem:s23+$0xFFFFFF30]  }
0x17b: {  	v6 =	vld [tilespmem:s8+$0x9830]  }
0x17c: {  	v0 =	vmul.f32 v0, v2;
	v2 =	vld [tilespmem:s23+$0xFFFFFFB0]  }
0x17d: {  	v1 =	vmul.f32 v1, v3;
	v3 =	vld [tilespmem:s8+$0xA030]  }
0x17e: {  	v0 =	vadd.f32 $0.0e+00, v0;
	v7 =	vld [tilespmem:s23+$0x30]  }
0x17f: {  	v4 =	vmul.f32 v4, v5;
	v5 =	vld [tilespmem:s8+$0xA830]  }
0x180: {  	v0 =	vadd.f32 v1, v0;
	v1 =	vld [tilespmem:s23+$0xB0]  }
0x181: {  	v2 =	vmul.f32 v6, v2;
	v6 =	vld [tilespmem:s8+$0xB030]  }
0x182: {  	v0 =	vadd.f32 v4, v0;
	v4 =	vld [tilespmem:s23+$0x130]  }
0x183: {  	v3 =	vmul.f32 v3, v7;
	v7 =	vld [tilespmem:s8+$0xB830]  }
0x184: {  	v0 =	vadd.f32 v2, v0;
	v2 =	vld [tilespmem:s23+$0x1B0]  }
0x185: {  	v1 =	vmul.f32 v5, v1  }
0x186: {  	v0 =	vadd.f32 v3, v0  }
0x187: {  	v3 =	vmul.f32 v6, v4  }
0x188: {  	v0 =	vadd.f32 v1, v0  }
0x189: {  	v1 =	vmul.f32 v7, v2  }
0x18a: {  	v0 =	vadd.f32 v3, v0;
	_ =	sdelay $0x1  }
0x18b: {  	v0 =	vadd.f32 v1, v0  }
0x18c: {  	v1 =	vld [tilespmem:s8+$0x8840]  }
0x18d: {  	[tilespmem:s8+$0x18030] =	vst v0;
	v0 =	vld [tilespmem:s8+$0x8040]  }
0x18e: {  	v2 =	vld [tilespmem:s23+$0xFFFFFE40]  }
0x18f: {  	v3 =	vld [tilespmem:s23+$0xFFFFFEC0]  }
0x190: {  	v4 =	vld [tilespmem:s8+$0x9040]  }
0x191: {  	v5 =	vld [tilespmem:s23+$0xFFFFFF40]  }
0x192: {  	v6 =	vld [tilespmem:s8+$0x9840]  }
0x193: {  	v0 =	vmul.f32 v0, v2;
	v2 =	vld [tilespmem:s23+$0xFFFFFFC0]  }
0x194: {  	v1 =	vmul.f32 v1, v3;
	v3 =	vld [tilespmem:s8+$0xA040]  }
0x195: {  	v0 =	vadd.f32 $0.0e+00, v0;
	v7 =	vld [tilespmem:s23+$0x40]  }
0x196: {  	v4 =	vmul.f32 v4, v5;
	v5 =	vld [tilespmem:s8+$0xA840]  }
0x197: {  	v0 =	vadd.f32 v1, v0;
	v1 =	vld [tilespmem:s23+$0xC0]  }
0x198: {  	v2 =	vmul.f32 v6, v2;
	v6 =	vld [tilespmem:s8+$0xB040]  }
0x199: {  	v0 =	vadd.f32 v4, v0;
	v4 =	vld [tilespmem:s23+$0x140]  }
0x19a: {  	v3 =	vmul.f32 v3, v7;
	v7 =	vld [tilespmem:s8+$0xB840]  }
0x19b: {  	v0 =	vadd.f32 v2, v0;
	v2 =	vld [tilespmem:s23+$0x1C0]  }
0x19c: {  	v1 =	vmul.f32 v5, v1  }
0x19d: {  	v0 =	vadd.f32 v3, v0  }
0x19e: {  	v3 =	vmul.f32 v6, v4  }
0x19f: {  	v0 =	vadd.f32 v1, v0  }
0x1a0: {  	v1 =	vmul.f32 v7, v2  }
0x1a1: {  	v0 =	vadd.f32 v3, v0;
	v2 =	vld [tilespmem:s8+$0xA050]  }
0x1a2: {  	v3 =	vld [tilespmem:s8+$0x9850]  }
0x1a3: {  	v0 =	vadd.f32 v1, v0;
	v1 =	vld [tilespmem:s8+$0x9050]  }
0x1a4: {  	v4 =	vld [tilespmem:s8+$0x8850]  }
0x1a5: {  	[tilespmem:s8+$0x18040] =	vst v0;
	v0 =	vld [tilespmem:s8+$0x8050]  }
0x1a6: {  	v5 =	vld [tilespmem:s23+$0xFFFFFE50]  }
0x1a7: {  	v6 =	vld [tilespmem:s23+$0xFFFFFED0]  }
0x1a8: {  	v7 =	vld [tilespmem:s23+$0xFFFFFF50]  }
0x1a9: {  	v8 =	vld [tilespmem:s23+$0xFFFFFFD0]  }
0x1aa: {  	v9 =	vld [tilespmem:s23+$0x50]  }
0x1ab: {  	v0 =	vmul.f32 v0, v5;
	v5 =	vld [tilespmem:s23+$0xD0]  }
0x1ac: {  	v4 =	vmul.f32 v4, v6;
	v6 =	vld [tilespmem:s23+$0x150]  }
0x1ad: {  	v0 =	vadd.f32 $0.0e+00, v0;
	v10 =	vld [tilespmem:s23+$0x1D0]  }
0x1ae: {  	v1 =	vmul.f32 v1, v7  }
0x1af: {  	v0 =	vadd.f32 v4, v0;
	v4 =	vld [tilespmem:s8+$0xA850]  }
0x1b0: {  	v3 =	vmul.f32 v3, v8  }
0x1b1: {  	v0 =	vadd.f32 v1, v0;
	v1 =	vld [tilespmem:s8+$0xB050]  }
0x1b2: {  	v2 =	vmul.f32 v2, v9  }
0x1b3: {  	v0 =	vadd.f32 v3, v0;
	v3 =	vld [tilespmem:s8+$0xB850]  }
0x1b4: {  	v4 =	vmul.f32 v4, v5  }
0x1b5: {  	v0 =	vadd.f32 v2, v0  }
0x1b6: {  	v1 =	vmul.f32 v1, v6  }
0x1b7: {  	v0 =	vadd.f32 v4, v0  }
0x1b8: {  	v2 =	vmul.f32 v3, v10  }
0x1b9: {  	v0 =	vadd.f32 v1, v0;
	v1 =	vld [tilespmem:s8+$0xA060]  }
0x1ba: {  	v3 =	vld [tilespmem:s8+$0x9860]  }
0x1bb: {  	v0 =	vadd.f32 v2, v0;
	v2 =	vld [tilespmem:s8+$0x9060]  }
0x1bc: {  	v4 =	vld [tilespmem:s8+$0x8860]  }
0x1bd: {  	[tilespmem:s8+$0x18050] =	vst v0;
	v0 =	vld [tilespmem:s8+$0x8060]  }
0x1be: {  	v5 =	vld [tilespmem:s23+$0xFFFFFE60]  }
0x1bf: {  	v6 =	vld [tilespmem:s23+$0xFFFFFEE0]  }
0x1c0: {  	v7 =	vld [tilespmem:s23+$0xFFFFFF60]  }
0x1c1: {  	v8 =	vld [tilespmem:s23+$0xFFFFFFE0]  }
0x1c2: {  	v9 =	vld [tilespmem:s23+$0x60]  }
0x1c3: {  	v0 =	vmul.f32 v0, v5;
	v5 =	vld [tilespmem:s23+$0xE0]  }
0x1c4: {  	v4 =	vmul.f32 v4, v6;
	v6 =	vld [tilespmem:s23+$0x160]  }
0x1c5: {  	v0 =	vadd.f32 $0.0e+00, v0;
	v10 =	vld [tilespmem:s23+$0x1E0]  }
0x1c6: {  	v2 =	vmul.f32 v2, v7  }
0x1c7: {  	v0 =	vadd.f32 v4, v0;
	v4 =	vld [tilespmem:s8+$0xA860]  }
0x1c8: {  	v3 =	vmul.f32 v3, v8  }
0x1c9: {  	v0 =	vadd.f32 v2, v0;
	v2 =	vld [tilespmem:s8+$0xB060]  }
0x1ca: {  	v1 =	vmul.f32 v1, v9  }
0x1cb: {  	v0 =	vadd.f32 v3, v0;
	v3 =	vld [tilespmem:s8+$0xB860]  }
0x1cc: {  	v4 =	vmul.f32 v4, v5  }
0x1cd: {  	v0 =	vadd.f32 v1, v0  }
0x1ce: {  	v1 =	vmul.f32 v2, v6  }
0x1cf: {  	v0 =	vadd.f32 v4, v0  }
0x1d0: {  	v2 =	vmul.f32 v3, v10  }
0x1d1: {  	v0 =	vadd.f32 v1, v0;
	v1 =	vld [tilespmem:s8+$0xA070]  }
0x1d2: {  	v3 =	vld [tilespmem:s8+$0x9870]  }
0x1d3: {  	v0 =	vadd.f32 v2, v0;
	v2 =	vld [tilespmem:s8+$0x9070]  }
0x1d4: {  	v4 =	vld [tilespmem:s8+$0x8870]  }
0x1d5: {  	[tilespmem:s8+$0x18060] =	vst v0;
	v0 =	vld [tilespmem:s8+$0x8070]  }
0x1d6: {  	v5 =	vld [tilespmem:s23+$0xFFFFFE70]  }
0x1d7: {  	v6 =	vld [tilespmem:s23+$0xFFFFFEF0]  }
0x1d8: {  	v7 =	vld [tilespmem:s23+$0xFFFFFF70]  }
0x1d9: {  	v8 =	vld [tilespmem:s23+$0xFFFFFFF0]  }
0x1da: {  	v9 =	vld [tilespmem:s23+$0x70]  }
0x1db: {  	v0 =	vmul.f32 v0, v5;
	v5 =	vld [tilespmem:s23+$0xF0]  }
0x1dc: {  	v4 =	vmul.f32 v4, v6;
	v6 =	vld [tilespmem:s23+$0x170]  }
0x1dd: {  	v0 =	vadd.f32 $0.0e+00, v0;
	v10 =	vld [tilespmem:s23+$0x1F0]  }
0x1de: {  	v2 =	vmul.f32 v2, v7  }
0x1df: {  	v0 =	vadd.f32 v4, v0;
	v4 =	vld [tilespmem:s8+$0xA870]  }
0x1e0: {  	v3 =	vmul.f32 v3, v8  }
0x1e1: {  	v0 =	vadd.f32 v2, v0;
	v2 =	vld [tilespmem:s8+$0xB070]  }
0x1e2: {  	v1 =	vmul.f32 v1, v9  }
0x1e3: {  	v0 =	vadd.f32 v3, v0;
	v3 =	vld [tilespmem:s8+$0xB870]  }
0x1e4: {  	v4 =	vmul.f32 v4, v5  }
.Ltmp4:
0x1e5: {  	v0 =	vadd.f32 v1, v0;
	(pc) =	sbr.rel @p2 .LBB2_6-.Ltmp4, $4  }
0x1e6: {  	v1 =	vmul.f32 v2, v6  }
0x1e7: {  	v2 =	vadd.f32 v4, v0  }
0x1e8: {  	v0 =	vmul.f32 v3, v10  }
0x1e9: {  	s0 =	smov.u32 s31;
	v1 =	vadd.f32 v1, v2  }
0x1ea: {  	_ = 	snop  }
0x1eb: {  	s0 =	sshra.s32 s13, $0x2;
	v0 =	vadd.f32 v0, v1  }
0x1ec: {  	v1 =	vld [tilespmem:s0+$0x8800]  }
0x1ed: {  	s23 =	sadd.s32 $0x400, s23;
	v2 =	vld [tilespmem:s0+$0x8000];
	[tilespmem:s8+$0x18070] =	vst v0  }
0x1ee: {  	v0 =	vld [tilespmem:s23+$0xFFFFFE00];
	_ =	sdelay $0x1  }
0x1ef: {  	v3 =	vld [tilespmem:s23+$0xFFFFFE80]  }
0x1f0: {  	v4 =	vld [tilespmem:s0+$0x9000]  }
0x1f1: {  	v5 =	vld [tilespmem:s23+$0xFFFFFF00]  }
0x1f2: {  	v6 =	vld [tilespmem:s0+$0x9800];
	v0 =	vmul.f32 v2, v0  }
0x1f3: {  	v2 =	vld [tilespmem:s23+$0xFFFFFF80]  }
0x1f4: {  	v7 =	vld [tilespmem:s23+$0x0];
	v1 =	vmul.f32 v1, v3;
	v0 =	vadd.f32 $0.0e+00, v0  }
0x1f5: {  	v3 =	vld [tilespmem:s0+$0xA000]  }
0x1f6: {  	v45 =	vld [tilespmem:s0+$0xA800];
	v4 =	vmul.f32 v4, v5;
	v0 =	vadd.f32 v1, v0  }
0x1f7: {  	v1 =	vld [tilespmem:s23+$0x80]  }
0x1f8: {  	v46 =	vld [tilespmem:s0+$0xB000];
	v2 =	vmul.f32 v6, v2;
	v0 =	vadd.f32 v4, v0  }
0x1f9: {  	v47 =	vld [tilespmem:s23+$0x100]  }
0x1fa: {  	v48 =	vld [tilespmem:s0+$0xB800];
	v3 =	vmul.f32 v3, v7;
	v0 =	vadd.f32 v2, v0  }
0x1fb: {  	v2 =	vld [tilespmem:s23+$0x180]  }
0x1fc: {  	v1 =	vmul.f32 v45, v1;
	v0 =	vadd.f32 v3, v0;
	_ =	sdelay $0x1  }
0x1fd: {  	v3 =	vmul.f32 v46, v47;
	v0 =	vadd.f32 v1, v0;
	_ =	sdelay $0x1  }
0x1fe: {  	v1 =	vmul.f32 v48, v2;
	v0 =	vadd.f32 v3, v0;
	_ =	sdelay $0x1  }
0x1ff: {  	v0 =	vadd.f32 v1, v0;
	_ =	sdelay $0x1  }
0x200: {  	[tilespmem:s0+$0x18000] =	vst v0;
	v0 =	vld [tilespmem:s0+$0x8010]  }
0x201: {  	v1 =	vld [tilespmem:s23+$0xFFFFFE10]  }
0x202: {  	v2 =	vld [tilespmem:s0+$0x8810]  }
0x203: {  	v3 =	vld [tilespmem:s23+$0xFFFFFE90]  }
0x204: {  	v49 =	vld [tilespmem:s0+$0x9010]  }
0x205: {  	v50 =	vld [tilespmem:s23+$0xFFFFFF10]  }
0x206: {  	v51 =	vld [tilespmem:s0+$0x9810];
	v0 =	vmul.f32 v0, v1  }
0x207: {  	v1 =	vld [tilespmem:s23+$0xFFFFFF90]  }
0x208: {  	v52 =	vld [tilespmem:s23+$0x10];
	v2 =	vmul.f32 v2, v3;
	v0 =	vadd.f32 $0.0e+00, v0  }
0x209: {  	v3 =	vld [tilespmem:s0+$0xA010]  }
0x20a: {  	v53 =	vld [tilespmem:s0+$0xA810];
	v4 =	vmul.f32 v49, v50;
	v0 =	vadd.f32 v2, v0  }
0x20b: {  	v2 =	vld [tilespmem:s23+$0x90]  }
0x20c: {  	v54 =	vld [tilespmem:s0+$0xB010];
	v1 =	vmul.f32 v51, v1;
	v0 =	vadd.f32 v4, v0  }
0x20d: {  	v55 =	vld [tilespmem:s23+$0x110]  }
0x20e: {  	v56 =	vld [tilespmem:s0+$0xB810];
	v3 =	vmul.f32 v3, v52;
	v0 =	vadd.f32 v1, v0  }
0x20f: {  	v1 =	vld [tilespmem:s23+$0x190]  }
0x210: {  	v2 =	vmul.f32 v53, v2;
	v0 =	vadd.f32 v3, v0;
	_ =	sdelay $0x1  }
0x211: {  	v3 =	vmul.f32 v54, v55;
	v0 =	vadd.f32 v2, v0;
	_ =	sdelay $0x1  }
0x212: {  	v1 =	vmul.f32 v56, v1;
	v0 =	vadd.f32 v3, v0;
	_ =	sdelay $0x1  }
0x213: {  	v0 =	vadd.f32 v1, v0;
	_ =	sdelay $0x1  }
0x214: {  	[tilespmem:s0+$0x18010] =	vst v0;
	v0 =	vld [tilespmem:s0+$0x8020]  }
0x215: {  	v1 =	vld [tilespmem:s23+$0xFFFFFE20]  }
0x216: {  	v2 =	vld [tilespmem:s0+$0x8820]  }
0x217: {  	v3 =	vld [tilespmem:s23+$0xFFFFFEA0]  }
0x218: {  	v57 =	vld [tilespmem:s0+$0x9020]  }
0x219: {  	v58 =	vld [tilespmem:s23+$0xFFFFFF20]  }
0x21a: {  	v59 =	vld [tilespmem:s0+$0x9820];
	v0 =	vmul.f32 v0, v1  }
0x21b: {  	v1 =	vld [tilespmem:s23+$0xFFFFFFA0]  }
0x21c: {  	v60 =	vld [tilespmem:s23+$0x20];
	v2 =	vmul.f32 v2, v3;
	v0 =	vadd.f32 $0.0e+00, v0  }
0x21d: {  	v3 =	vld [tilespmem:s0+$0xA020]  }
0x21e: {  	v61 =	vld [tilespmem:s0+$0xA820];
	v4 =	vmul.f32 v57, v58;
	v0 =	vadd.f32 v2, v0  }
0x21f: {  	v2 =	vld [tilespmem:s23+$0xA0]  }
0x220: {  	v62 =	vld [tilespmem:s0+$0xB020];
	v1 =	vmul.f32 v59, v1;
	v0 =	vadd.f32 v4, v0  }
0x221: {  	v63 =	vld [tilespmem:s23+$0x120]  }
0x222: {  	v9 =	vld [tilespmem:s0+$0xB820];
	v3 =	vmul.f32 v3, v60;
	v0 =	vadd.f32 v1, v0  }
0x223: {  	v1 =	vld [tilespmem:s23+$0x1A0]  }
0x224: {  	v2 =	vmul.f32 v61, v2;
	v0 =	vadd.f32 v3, v0;
	_ =	sdelay $0x1  }
0x225: {  	v3 =	vmul.f32 v62, v63;
	v0 =	vadd.f32 v2, v0;
	_ =	sdelay $0x1  }
0x226: {  	v1 =	vmul.f32 v9, v1;
	v0 =	vadd.f32 v3, v0;
	_ =	sdelay $0x1  }
0x227: {  	v0 =	vadd.f32 v1, v0;
	_ =	sdelay $0x1  }
0x228: {  	[tilespmem:s0+$0x18020] =	vst v0;
	v0 =	vld [tilespmem:s0+$0x8030]  }
0x229: {  	v1 =	vld [tilespmem:s23+$0xFFFFFE30]  }
0x22a: {  	v2 =	vld [tilespmem:s0+$0x8830]  }
0x22b: {  	v3 =	vld [tilespmem:s23+$0xFFFFFEB0]  }
0x22c: {  	v10 =	vld [tilespmem:s0+$0x9030]  }
0x22d: {  	v11 =	vld [tilespmem:s23+$0xFFFFFF30]  }
0x22e: {  	v12 =	vld [tilespmem:s0+$0x9830];
	v0 =	vmul.f32 v0, v1  }
0x22f: {  	v1 =	vld [tilespmem:s23+$0xFFFFFFB0]  }
0x230: {  	v13 =	vld [tilespmem:s23+$0x30];
	v2 =	vmul.f32 v2, v3;
	v0 =	vadd.f32 $0.0e+00, v0  }
0x231: {  	v3 =	vld [tilespmem:s0+$0xA030]  }
0x232: {  	v14 =	vld [tilespmem:s0+$0xA830];
	v4 =	vmul.f32 v10, v11;
	v0 =	vadd.f32 v2, v0  }
0x233: {  	v2 =	vld [tilespmem:s23+$0xB0]  }
0x234: {  	v15 =	vld [tilespmem:s0+$0xB030];
	v1 =	vmul.f32 v12, v1;
	v0 =	vadd.f32 v4, v0  }
0x235: {  	v16 =	vld [tilespmem:s23+$0x130]  }
0x236: {  	v17 =	vld [tilespmem:s0+$0xB830];
	v3 =	vmul.f32 v3, v13;
	v0 =	vadd.f32 v1, v0  }
0x237: {  	v1 =	vld [tilespmem:s23+$0x1B0]  }
0x238: {  	v2 =	vmul.f32 v14, v2;
	v0 =	vadd.f32 v3, v0;
	_ =	sdelay $0x1  }
0x239: {  	v3 =	vmul.f32 v15, v16;
	v0 =	vadd.f32 v2, v0;
	_ =	sdelay $0x1  }
0x23a: {  	v1 =	vmul.f32 v17, v1;
	v0 =	vadd.f32 v3, v0;
	_ =	sdelay $0x1  }
0x23b: {  	v0 =	vadd.f32 v1, v0;
	_ =	sdelay $0x1  }
0x23c: {  	[tilespmem:s0+$0x18030] =	vst v0;
	v0 =	vld [tilespmem:s0+$0x8040]  }
0x23d: {  	v1 =	vld [tilespmem:s23+$0xFFFFFE40]  }
0x23e: {  	v2 =	vld [tilespmem:s0+$0x8840]  }
0x23f: {  	v3 =	vld [tilespmem:s23+$0xFFFFFEC0]  }
0x240: {  	v18 =	vld [tilespmem:s0+$0x9040]  }
0x241: {  	v19 =	vld [tilespmem:s23+$0xFFFFFF40]  }
0x242: {  	v20 =	vld [tilespmem:s0+$0x9840];
	v0 =	vmul.f32 v0, v1  }
0x243: {  	v1 =	vld [tilespmem:s23+$0xFFFFFFC0]  }
0x244: {  	v21 =	vld [tilespmem:s23+$0x40];
	v2 =	vmul.f32 v2, v3;
	v0 =	vadd.f32 $0.0e+00, v0  }
0x245: {  	v3 =	vld [tilespmem:s0+$0xA040]  }
0x246: {  	v22 =	vld [tilespmem:s0+$0xA840];
	v4 =	vmul.f32 v18, v19;
	v0 =	vadd.f32 v2, v0  }
0x247: {  	v2 =	vld [tilespmem:s23+$0xC0]  }
0x248: {  	v23 =	vld [tilespmem:s0+$0xB040];
	v1 =	vmul.f32 v20, v1;
	v0 =	vadd.f32 v4, v0  }
0x249: {  	v24 =	vld [tilespmem:s23+$0x140]  }
0x24a: {  	v25 =	vld [tilespmem:s0+$0xB840];
	v3 =	vmul.f32 v3, v21;
	v0 =	vadd.f32 v1, v0  }
0x24b: {  	v1 =	vld [tilespmem:s23+$0x1C0]  }
0x24c: {  	v2 =	vmul.f32 v22, v2;
	v0 =	vadd.f32 v3, v0;
	_ =	sdelay $0x1  }
0x24d: {  	v3 =	vmul.f32 v23, v24;
	v0 =	vadd.f32 v2, v0;
	_ =	sdelay $0x1  }
0x24e: {  	v1 =	vmul.f32 v25, v1;
	v0 =	vadd.f32 v3, v0;
	_ =	sdelay $0x1  }
0x24f: {  	v0 =	vadd.f32 v1, v0;
	_ =	sdelay $0x1  }
0x250: {  	[tilespmem:s0+$0x18040] =	vst v0;
	v0 =	vld [tilespmem:s0+$0x8050]  }
0x251: {  	v1 =	vld [tilespmem:s23+$0xFFFFFE50]  }
0x252: {  	v2 =	vld [tilespmem:s0+$0x8850]  }
0x253: {  	v3 =	vld [tilespmem:s23+$0xFFFFFED0]  }
0x254: {  	v26 =	vld [tilespmem:s0+$0x9050]  }
0x255: {  	v27 =	vld [tilespmem:s23+$0xFFFFFF50]  }
0x256: {  	v28 =	vld [tilespmem:s0+$0x9850];
	v0 =	vmul.f32 v0, v1  }
0x257: {  	v1 =	vld [tilespmem:s23+$0xFFFFFFD0]  }
0x258: {  	v29 =	vld [tilespmem:s0+$0xA050];
	v2 =	vmul.f32 v2, v3;
	v0 =	vadd.f32 $0.0e+00, v0  }
0x259: {  	v3 =	vld [tilespmem:s23+$0x50]  }
0x25a: {  	v8 =	vld [tilespmem:s23+$0xD0];
	v4 =	vmul.f32 v26, v27;
	v0 =	vadd.f32 v2, v0  }
0x25b: {  	v2 =	vld [tilespmem:s0+$0xA850]  }
0x25c: {  	v31 =	vld [tilespmem:s0+$0xB050];
	v1 =	vmul.f32 v28, v1;
	v0 =	vadd.f32 v4, v0  }
0x25d: {  	v30 =	vld [tilespmem:s23+$0x150]  }
0x25e: {  	v32 =	vld [tilespmem:s23+$0x1D0];
	v3 =	vmul.f32 v29, v3;
	v0 =	vadd.f32 v1, v0  }
0x25f: {  	v1 =	vld [tilespmem:s0+$0xB850]  }
0x260: {  	v2 =	vmul.f32 v2, v8;
	v0 =	vadd.f32 v3, v0;
	_ =	sdelay $0x1  }
0x261: {  	v3 =	vmul.f32 v31, v30;
	v0 =	vadd.f32 v2, v0;
	_ =	sdelay $0x1  }
0x262: {  	v1 =	vmul.f32 v1, v32;
	v0 =	vadd.f32 v3, v0;
	_ =	sdelay $0x1  }
0x263: {  	v0 =	vadd.f32 v1, v0;
	_ =	sdelay $0x1  }
0x264: {  	[tilespmem:s0+$0x18050] =	vst v0;
	v0 =	vld [tilespmem:s0+$0x8060]  }
0x265: {  	v1 =	vld [tilespmem:s23+$0xFFFFFE60]  }
0x266: {  	v2 =	vld [tilespmem:s0+$0x8860]  }
0x267: {  	v3 =	vld [tilespmem:s23+$0xFFFFFEE0]  }
0x268: {  	v33 =	vld [tilespmem:s0+$0x9060]  }
0x269: {  	v34 =	vld [tilespmem:s23+$0xFFFFFF60]  }
0x26a: {  	v35 =	vld [tilespmem:s0+$0x9860];
	v0 =	vmul.f32 v0, v1  }
0x26b: {  	v1 =	vld [tilespmem:s23+$0xFFFFFFE0]  }
0x26c: {  	v36 =	vld [tilespmem:s0+$0xA060];
	v2 =	vmul.f32 v2, v3;
	v0 =	vadd.f32 $0.0e+00, v0  }
0x26d: {  	v3 =	vld [tilespmem:s23+$0x60]  }
0x26e: {  	v37 =	vld [tilespmem:s23+$0xE0];
	v4 =	vmul.f32 v33, v34;
	v0 =	vadd.f32 v2, v0  }
0x26f: {  	v2 =	vld [tilespmem:s0+$0xA860]  }
0x270: {  	v39 =	vld [tilespmem:s0+$0xB060];
	v1 =	vmul.f32 v35, v1;
	v0 =	vadd.f32 v4, v0  }
0x271: {  	v38 =	vld [tilespmem:s23+$0x160]  }
0x272: {  	v40 =	vld [tilespmem:s23+$0x1E0];
	v3 =	vmul.f32 v36, v3;
	v0 =	vadd.f32 v1, v0  }
0x273: {  	v1 =	vld [tilespmem:s0+$0xB860]  }
0x274: {  	v2 =	vmul.f32 v2, v37;
	v0 =	vadd.f32 v3, v0;
	_ =	sdelay $0x1  }
0x275: {  	v3 =	vmul.f32 v39, v38;
	v0 =	vadd.f32 v2, v0;
	_ =	sdelay $0x1  }
0x276: {  	v1 =	vmul.f32 v1, v40;
	v0 =	vadd.f32 v3, v0;
	_ =	sdelay $0x1  }
0x277: {  	v0 =	vadd.f32 v1, v0;
	_ =	sdelay $0x1  }
0x278: {  	[tilespmem:s0+$0x18060] =	vst v0;
	v0 =	vld [tilespmem:s0+$0x8070]  }
0x279: {  	v1 =	vld [tilespmem:s23+$0xFFFFFE70]  }
0x27a: {  	v2 =	vld [tilespmem:s0+$0x8870]  }
0x27b: {  	v3 =	vld [tilespmem:s23+$0xFFFFFEF0]  }
0x27c: {  	v41 =	vld [tilespmem:s0+$0x9070]  }
0x27d: {  	v42 =	vld [tilespmem:s23+$0xFFFFFF70]  }
0x27e: {  	v43 =	vld [tilespmem:s0+$0x9870];
	v0 =	vmul.f32 v0, v1  }
0x27f: {  	v1 =	vld [tilespmem:s23+$0xFFFFFFF0]  }
0x280: {  	v44 =	vld [tilespmem:s0+$0xA070];
	v2 =	vmul.f32 v2, v3;
	v0 =	vadd.f32 $0.0e+00, v0  }
0x281: {  	v3 =	vld [tilespmem:s23+$0x70]  }
0x282: {  	v45 =	vld [tilespmem:s23+$0xF0];
	v4 =	vmul.f32 v41, v42;
	v0 =	vadd.f32 v2, v0  }
0x283: {  	v2 =	vld [tilespmem:s0+$0xA870]  }
0x284: {  	v47 =	vld [tilespmem:s0+$0xB070];
	v1 =	vmul.f32 v43, v1;
	v0 =	vadd.f32 v4, v0  }
0x285: {  	v46 =	vld [tilespmem:s23+$0x170]  }
0x286: {  	v48 =	vld [tilespmem:s23+$0x1F0];
	v3 =	vmul.f32 v44, v3;
	v0 =	vadd.f32 v1, v0  }
0x287: {  	v1 =	vld [tilespmem:s0+$0xB870]  }
0x288: {  	v2 =	vmul.f32 v2, v45;
	v0 =	vadd.f32 v3, v0;
	_ =	sdelay $0x1  }
0x289: {  	v3 =	vmul.f32 v47, v46;
	v0 =	vadd.f32 v2, v0;
	_ =	sdelay $0x1  }
0x28a: {  	v1 =	vmul.f32 v1, v48;
	v0 =	vadd.f32 v3, v0  }
0x28b: {  	s2 =	sshll.u32 s25, $0x9;
	s28 =	sshll.u32 s25, $0x5  }
0x28c: {  	s2 =	sand.u32 $0x3800, s2;
	s23 =	sand.u32 $0x60, s28;
	v0 =	vadd.f32 v1, v0  }
0x28d: {  	s8 =	sor.u32 s6, s2;
	s13 =	sadd.s32 s3, s23  }
0x28e: {  	s28 =	sadd.s32 s8, s13;
	[tilespmem:s0+$0x18070] =	vst v0;
	s0 =	sadd.s32 @!p0 s7, s24  }
0x28f: {  	[hbm4b:s28+s17] =	stream.strided.scatter [tilespmem:s19], [sflag:$0x5], $0x800, s18, s17, $0x38;
	[tilespmem:$0x19000] =	vst v63  }
0x290: {  	s2 =	sshrl.u32 @!p0 s0, $0x3  }
0x291: {  	s24 =	simm.s32 @!p0 $0x8000;
	s0 =	simm.s32 @!p0 $0x0;
	s13 =	sadd.s32 @!p0 s1, s2  }
0x292: {  	[tilespmem:s24], [sflag:$0x1] =	stream.linear.gather @!p0 [hbm4b:s13+s0], $0x800, $0x38;
	[tilespmem:$0x19000] =	vst v63  }
0x293: {  	s31 =	simm.s32 @!p0 $0x8800;
	s24 =	sadd.s32 @!p0 $0x80000, s13  }
0x294: {  	[tilespmem:s31], [sflag:$0x1] =	stream.linear.gather @!p0 [hbm4b:s24+s0], $0x800, $0x38;
	[tilespmem:$0x19000] =	vst v63  }
0x295: {  	s24 =	sor.u32 @!p0 $0x100000, s2  }
0x296: {  	s31 =	simm.s32 @!p0 $0x9000;
	s24 =	sadd.s32 @!p0 s1, s24  }
0x297: {  	[tilespmem:s31], [sflag:$0x1] =	stream.linear.gather @!p0 [hbm4b:s24+s0], $0x800, $0x38;
	[tilespmem:$0x19000] =	vst v63  }
0x298: {  	s24 =	sadd.s32 @!p0 $0x180000, s13;
	s31 =	simm.s32 @!p0 $0x9800  }
0x299: {  	[tilespmem:s31], [sflag:$0x1] =	stream.linear.gather @!p0 [hbm4b:s24+s0], $0x800, $0x38;
	[tilespmem:$0x19000] =	vst v63  }
0x29a: {  	s24 =	sor.u32 @!p0 $0x200000, s2  }
0x29b: {  	s31 =	simm.s32 @!p0 $0xA000;
	s24 =	sadd.s32 @!p0 s1, s24  }
0x29c: {  	[tilespmem:s31], [sflag:$0x1] =	stream.linear.gather @!p0 [hbm4b:s24+s0], $0x800, $0x38;
	[tilespmem:$0x19000] =	vst v63  }
0x29d: {  	s2 =	sor.u32 @!p0 $0x300000, s2;
	s24 =	sadd.s32 @!p0 $0x280000, s13;
	s31 =	simm.s32 @!p0 $0xA800  }
0x29e: {  	[tilespmem:s31], [sflag:$0x1] =	stream.linear.gather @!p0 [hbm4b:s24+s0], $0x800, $0x38;
	[tilespmem:$0x19000] =	vst v63  }
0x29f: {  	s2 =	sadd.s32 @!p0 s1, s2;
	s24 =	simm.s32 @!p0 $0xB000  }
0x2a0: {  	[tilespmem:s24], [sflag:$0x1] =	stream.linear.gather @!p0 [hbm4b:s2+s0], $0x800, $0x38;
	[tilespmem:$0x19000] =	vst v63  }
0x2a1: {  	s2 =	sadd.s32 @!p0 $0x380000, s13;
	s13 =	simm.s32 @!p0 $0xB800  }
0x2a2: {  	[tilespmem:s13], [sflag:$0x1] =	stream.linear.gather @!p0 [hbm4b:s2+s0], $0x800, $0x38;
	[tilespmem:$0x19000] =	vst v63  }
0x2a3: {  	s2 =	simm.s32 @!p0 $0x1  }
0x2a4: {  	_ =	swait.ge @!p0 [sflag:s2], $0x4000  }
0x2a5: {  	[sflag:s2] =	ssyncset.done @!p0 $0x0  }
0x2a6: {  	[sflag:s2] =	ssyncadd.s32 @!p0 $0xFFFFC000  }
0x2a7: {  	_ =	swait.ge @!p0 [sflag:s2], $0x800  }
0x2a8: {  	[sflag:s2] =	ssyncset.done @!p0 $0x0  }
0x2a9: {  	[sflag:s2] =	ssyncadd.s32 @!p0 $0xFFFFF800  }
0x2aa: {  	_ =	swait.ge @!p0 [sflag:s2], $0x800  }
0x2ab: {  	[sflag:s2] =	ssyncset.done @!p0 $0x0  }
0x2ac: {  	[sflag:s2] =	ssyncadd.s32 @!p0 $0xFFFFF800  }
0x2ad: {  	_ =	swait.ge @!p0 [sflag:s2], $0x800  }
0x2ae: {  	[sflag:s2] =	ssyncset.done @!p0 $0x0  }
0x2af: {  	[sflag:s2] =	ssyncadd.s32 @!p0 $0xFFFFF800  }
0x2b0: {  	_ =	swait.ge @!p0 [sflag:s2], $0x800  }
0x2b1: {  	[sflag:s2] =	ssyncset.done @!p0 $0x0  }
0x2b2: {  	[sflag:s2] =	ssyncadd.s32 @!p0 $0xFFFFF800  }
0x2b3: {  	_ =	swait.ge @!p0 [sflag:s2], $0x800  }
0x2b4: {  	[sflag:s2] =	ssyncset.done @!p0 $0x0  }
0x2b5: {  	[sflag:s2] =	ssyncadd.s32 @!p0 $0xFFFFF800  }
0x2b6: {  	_ =	swait.ge @!p0 [sflag:s2], $0x800  }
0x2b7: {  	[sflag:s2] =	ssyncset.done @!p0 $0x0  }
0x2b8: {  	[sflag:s2] =	ssyncadd.s32 @!p0 $0xFFFFF800  }
0x2b9: {  	_ =	swait.ge @!p0 [sflag:s2], $0x800  }
0x2ba: {  	[sflag:s2] =	ssyncset.done @!p0 $0x0  }
0x2bb: {  	[sflag:s2] =	ssyncadd.s32 @!p0 $0xFFFFF800  }
0x2bc: {  	_ =	swait.ge @!p0 [sflag:s2], $0x800  }
0x2bd: {  	[sflag:s2] =	ssyncset.done @!p0 $0x0  }
0x2be: {  	s13 =	simm.s32 @!p0 $0x10000;
	[sflag:s2] =	ssyncadd.s32 @!p0 $0xFFFFF800;
	s2 =	simm.s32 @!p0 $0x4000  }
0x2bf: {  	[tilespmem:s13], [sflag:$0x3] =	stream.indirect.gather @!p0 [hbm4b:s5+s2], $0x1, s0, s2, $0xb8;
	[tilespmem:$0x19000] =	vst v63  }
0x2c0: {  	s24 =	sadd.s32 $0x3, s26;
	_ =	swait.ge [sflag:s20], $0x4000  }
0x2c1: {  	s13 =	sshll.u32 @!p0 s24, $0xB;
	[sflag:s20] =	ssyncset.done $0x0  }
0x2c2: {  	s13 =	sadd.s32 @!p0 s13, s9;
	[sflag:s20] =	ssyncadd.s32 $0xFFFFC000  }
0x2c3: {  	[tilespmem:s2], [sflag:$0x2] =	stream.linear.gather @!p0 [hbm4b:s13+s0], $0x4000, $0x38;
	[tilespmem:$0x19000] =	vst v63  }
0x2c4: {  	s0 =	simm.s32 @!p1 $0x6  }
0x2c5: {  	_ =	swait.ge @!p1 [sflag:s0], $0x800  }
0x2c6: {  	[sflag:s0] =	ssyncset.done @!p1 $0x0  }
0x2c7: {  	s26 =	simm.s32 $0x0;
	[sflag:s0] =	ssyncadd.s32 @!p1 $0xFFFFF800  }
0x2c8: {  	s13 =	simm.s32 $0x14200;
	v0 =	vld [tilespmem:s26+$0xC000]  }
0x2c9: {  	v1 =	vld [tilespmem:s13+$0xFFFFFE00]  }
0x2ca: {  	v2 =	vld [tilespmem:s26+$0xC800]  }
0x2cb: {  	v3 =	vld [tilespmem:s13+$0xFFFFFE80]  }
0x2cc: {  	v49 =	vld [tilespmem:s26+$0xD000]  }
0x2cd: {  	v50 =	vld [tilespmem:s13+$0xFFFFFF00]  }
0x2ce: {  	v51 =	vld [tilespmem:s26+$0xD800];
	v0 =	vmul.f32 v0, v1  }
0x2cf: {  	v1 =	vld [tilespmem:s13+$0xFFFFFF80]  }
0x2d0: {  	v52 =	vld [tilespmem:s13+$0x0];
	v2 =	vmul.f32 v2, v3;
	v0 =	vadd.f32 $0.0e+00, v0  }
0x2d1: {  	v3 =	vld [tilespmem:s26+$0xE000]  }
0x2d2: {  	v53 =	vld [tilespmem:s26+$0xE800];
	v4 =	vmul.f32 v49, v50;
	v0 =	vadd.f32 v2, v0  }
0x2d3: {  	v2 =	vld [tilespmem:s13+$0x80]  }
0x2d4: {  	v54 =	vld [tilespmem:s26+$0xF000];
	v1 =	vmul.f32 v51, v1;
	v0 =	vadd.f32 v4, v0  }
0x2d5: {  	v55 =	vld [tilespmem:s13+$0x100]  }
0x2d6: {  	v56 =	vld [tilespmem:s26+$0xF800];
	v3 =	vmul.f32 v3, v52;
	v0 =	vadd.f32 v1, v0  }
0x2d7: {  	v1 =	vld [tilespmem:s13+$0x180]  }
0x2d8: {  	v2 =	vmul.f32 v53, v2;
	v0 =	vadd.f32 v3, v0;
	_ =	sdelay $0x1  }
0x2d9: {  	v3 =	vmul.f32 v54, v55;
	v0 =	vadd.f32 v2, v0;
	_ =	sdelay $0x1  }
0x2da: {  	v1 =	vmul.f32 v56, v1;
	v0 =	vadd.f32 v3, v0;
	_ =	sdelay $0x1  }
0x2db: {  	v0 =	vadd.f32 v1, v0;
	_ =	sdelay $0x1  }
0x2dc: {  	[tilespmem:s26+$0x18800] =	vst v0;
	v0 =	vld [tilespmem:s26+$0xC010]  }
0x2dd: {  	v2 =	vld [tilespmem:s13+$0xFFFFFE10]  }
0x2de: {  	v1 =	vld [tilespmem:s26+$0xC810]  }
0x2df: {  	v3 =	vld [tilespmem:s13+$0xFFFFFE90]  }
0x2e0: {  	v57 =	vld [tilespmem:s26+$0xD010]  }
0x2e1: {  	v58 =	vld [tilespmem:s13+$0xFFFFFF10]  }
0x2e2: {  	v59 =	vld [tilespmem:s26+$0xD810];
	v0 =	vmul.f32 v0, v2  }
0x2e3: {  	v2 =	vld [tilespmem:s13+$0xFFFFFF90]  }
0x2e4: {  	v60 =	vld [tilespmem:s13+$0x10];
	v1 =	vmul.f32 v1, v3;
	v0 =	vadd.f32 $0.0e+00, v0  }
0x2e5: {  	v3 =	vld [tilespmem:s26+$0xE010]  }
0x2e6: {  	v61 =	vld [tilespmem:s26+$0xE810];
	v4 =	vmul.f32 v57, v58;
	v0 =	vadd.f32 v1, v0  }
0x2e7: {  	v1 =	vld [tilespmem:s13+$0x90]  }
0x2e8: {  	v62 =	vld [tilespmem:s26+$0xF010];
	v2 =	vmul.f32 v59, v2;
	v0 =	vadd.f32 v4, v0  }
0x2e9: {  	v63 =	vld [tilespmem:s13+$0x110]  }
0x2ea: {  	v9 =	vld [tilespmem:s26+$0xF810];
	v3 =	vmul.f32 v3, v60;
	v0 =	vadd.f32 v2, v0  }
0x2eb: {  	v2 =	vld [tilespmem:s13+$0x190]  }
0x2ec: {  	v1 =	vmul.f32 v61, v1;
	v0 =	vadd.f32 v3, v0;
	_ =	sdelay $0x1  }
0x2ed: {  	v3 =	vmul.f32 v62, v63;
	v0 =	vadd.f32 v1, v0;
	_ =	sdelay $0x1  }
0x2ee: {  	v1 =	vmul.f32 v9, v2;
	v0 =	vadd.f32 v3, v0;
	_ =	sdelay $0x1  }
0x2ef: {  	v0 =	vadd.f32 v1, v0;
	_ =	sdelay $0x1  }
0x2f0: {  	[tilespmem:s26+$0x18810] =	vst v0;
	v0 =	vld [tilespmem:s26+$0xC020]  }
0x2f1: {  	v2 =	vld [tilespmem:s13+$0xFFFFFE20]  }
0x2f2: {  	v1 =	vld [tilespmem:s26+$0xC820]  }
0x2f3: {  	v3 =	vld [tilespmem:s13+$0xFFFFFEA0]  }
0x2f4: {  	v10 =	vld [tilespmem:s26+$0xD020]  }
0x2f5: {  	v11 =	vld [tilespmem:s13+$0xFFFFFF20]  }
0x2f6: {  	v12 =	vld [tilespmem:s26+$0xD820];
	v0 =	vmul.f32 v0, v2  }
0x2f7: {  	v2 =	vld [tilespmem:s13+$0xFFFFFFA0]  }
0x2f8: {  	v13 =	vld [tilespmem:s13+$0x20];
	v1 =	vmul.f32 v1, v3;
	v0 =	vadd.f32 $0.0e+00, v0  }
0x2f9: {  	v3 =	vld [tilespmem:s26+$0xE020]  }
0x2fa: {  	v14 =	vld [tilespmem:s26+$0xE820];
	v4 =	vmul.f32 v10, v11;
	v0 =	vadd.f32 v1, v0  }
0x2fb: {  	v1 =	vld [tilespmem:s13+$0xA0]  }
0x2fc: {  	v15 =	vld [tilespmem:s26+$0xF020];
	v2 =	vmul.f32 v12, v2;
	v0 =	vadd.f32 v4, v0  }
0x2fd: {  	v16 =	vld [tilespmem:s13+$0x120]  }
0x2fe: {  	v17 =	vld [tilespmem:s26+$0xF820];
	v3 =	vmul.f32 v3, v13;
	v0 =	vadd.f32 v2, v0  }
0x2ff: {  	v2 =	vld [tilespmem:s13+$0x1A0]  }
0x300: {  	v1 =	vmul.f32 v14, v1;
	v0 =	vadd.f32 v3, v0;
	_ =	sdelay $0x1  }
0x301: {  	v3 =	vmul.f32 v15, v16;
	v0 =	vadd.f32 v1, v0;
	_ =	sdelay $0x1  }
0x302: {  	v1 =	vmul.f32 v17, v2;
	v0 =	vadd.f32 v3, v0;
	_ =	sdelay $0x1  }
0x303: {  	v0 =	vadd.f32 v1, v0;
	_ =	sdelay $0x1  }
0x304: {  	[tilespmem:s26+$0x18820] =	vst v0;
	v0 =	vld [tilespmem:s26+$0xC030]  }
0x305: {  	v2 =	vld [tilespmem:s13+$0xFFFFFE30]  }
0x306: {  	v1 =	vld [tilespmem:s26+$0xC830]  }
0x307: {  	v3 =	vld [tilespmem:s13+$0xFFFFFEB0]  }
0x308: {  	v18 =	vld [tilespmem:s26+$0xD030]  }
0x309: {  	v19 =	vld [tilespmem:s13+$0xFFFFFF30]  }
0x30a: {  	v20 =	vld [tilespmem:s26+$0xD830];
	v0 =	vmul.f32 v0, v2  }
0x30b: {  	v2 =	vld [tilespmem:s13+$0xFFFFFFB0]  }
0x30c: {  	v21 =	vld [tilespmem:s13+$0x30];
	v1 =	vmul.f32 v1, v3;
	v0 =	vadd.f32 $0.0e+00, v0  }
0x30d: {  	v3 =	vld [tilespmem:s26+$0xE030]  }
0x30e: {  	v22 =	vld [tilespmem:s26+$0xE830];
	v4 =	vmul.f32 v18, v19;
	v0 =	vadd.f32 v1, v0  }
0x30f: {  	v1 =	vld [tilespmem:s13+$0xB0]  }
0x310: {  	v23 =	vld [tilespmem:s26+$0xF030];
	v2 =	vmul.f32 v20, v2;
	v0 =	vadd.f32 v4, v0  }
0x311: {  	v24 =	vld [tilespmem:s13+$0x130]  }
0x312: {  	v25 =	vld [tilespmem:s26+$0xF830];
	v3 =	vmul.f32 v3, v21;
	v0 =	vadd.f32 v2, v0  }
0x313: {  	v2 =	vld [tilespmem:s13+$0x1B0]  }
0x314: {  	v1 =	vmul.f32 v22, v1;
	v0 =	vadd.f32 v3, v0;
	_ =	sdelay $0x1  }
0x315: {  	v3 =	vmul.f32 v23, v24;
	v0 =	vadd.f32 v1, v0;
	_ =	sdelay $0x1  }
0x316: {  	v1 =	vmul.f32 v25, v2;
	v0 =	vadd.f32 v3, v0;
	_ =	sdelay $0x1  }
0x317: {  	v0 =	vadd.f32 v1, v0;
	_ =	sdelay $0x1  }
0x318: {  	[tilespmem:s26+$0x18830] =	vst v0;
	v0 =	vld [tilespmem:s26+$0xC040]  }
0x319: {  	v2 =	vld [tilespmem:s13+$0xFFFFFE40]  }
0x31a: {  	v1 =	vld [tilespmem:s26+$0xC840]  }
0x31b: {  	v3 =	vld [tilespmem:s13+$0xFFFFFEC0]  }
0x31c: {  	v26 =	vld [tilespmem:s26+$0xD040]  }
0x31d: {  	v27 =	vld [tilespmem:s13+$0xFFFFFF40]  }
0x31e: {  	v28 =	vld [tilespmem:s26+$0xD840];
	v0 =	vmul.f32 v0, v2  }
0x31f: {  	v2 =	vld [tilespmem:s13+$0xFFFFFFC0]  }
0x320: {  	v29 =	vld [tilespmem:s13+$0x40];
	v1 =	vmul.f32 v1, v3;
	v0 =	vadd.f32 $0.0e+00, v0  }
0x321: {  	v3 =	vld [tilespmem:s26+$0xE040]  }
0x322: {  	v30 =	vld [tilespmem:s26+$0xE840];
	v4 =	vmul.f32 v26, v27;
	v0 =	vadd.f32 v1, v0  }
0x323: {  	v1 =	vld [tilespmem:s13+$0xC0]  }
0x324: {  	v31 =	vld [tilespmem:s26+$0xF040];
	v2 =	vmul.f32 v28, v2;
	v0 =	vadd.f32 v4, v0  }
0x325: {  	v32 =	vld [tilespmem:s13+$0x140]  }
0x326: {  	v33 =	vld [tilespmem:s26+$0xF840];
	v3 =	vmul.f32 v3, v29;
	v0 =	vadd.f32 v2, v0  }
0x327: {  	v2 =	vld [tilespmem:s13+$0x1C0]  }
0x328: {  	v1 =	vmul.f32 v30, v1;
	v0 =	vadd.f32 v3, v0;
	_ =	sdelay $0x1  }
0x329: {  	v3 =	vmul.f32 v31, v32;
	v0 =	vadd.f32 v1, v0;
	_ =	sdelay $0x1  }
0x32a: {  	v1 =	vmul.f32 v33, v2;
	v0 =	vadd.f32 v3, v0;
	_ =	sdelay $0x1  }
0x32b: {  	v0 =	vadd.f32 v1, v0;
	_ =	sdelay $0x1  }
0x32c: {  	[tilespmem:s26+$0x18840] =	vst v0;
	v0 =	vld [tilespmem:s26+$0xC050]  }
0x32d: {  	v35 =	vld [tilespmem:s13+$0xFFFFFE50]  }
0x32e: {  	v34 =	vld [tilespmem:s26+$0xC850]  }
0x32f: {  	v36 =	vld [tilespmem:s13+$0xFFFFFED0]  }
0x330: {  	v1 =	vld [tilespmem:s26+$0xD050]  }
0x331: {  	v37 =	vld [tilespmem:s13+$0xFFFFFF50]  }
0x332: {  	v3 =	vld [tilespmem:s26+$0xD850];
	v0 =	vmul.f32 v0, v35  }
0x333: {  	v38 =	vld [tilespmem:s13+$0xFFFFFFD0]  }
0x334: {  	v2 =	vld [tilespmem:s26+$0xE050];
	v4 =	vmul.f32 v34, v36;
	v0 =	vadd.f32 $0.0e+00, v0  }
0x335: {  	v39 =	vld [tilespmem:s13+$0x50]  }
0x336: {  	v41 =	vld [tilespmem:s26+$0xE850];
	v1 =	vmul.f32 v1, v37;
	v0 =	vadd.f32 v4, v0  }
0x337: {  	v40 =	vld [tilespmem:s13+$0xD0]  }
0x338: {  	v42 =	vld [tilespmem:s13+$0x150];
	v3 =	vmul.f32 v3, v38;
	v0 =	vadd.f32 v1, v0  }
0x339: {  	v1 =	vld [tilespmem:s26+$0xF050]  }
0x33a: {  	v43 =	vld [tilespmem:s13+$0x1D0];
	v2 =	vmul.f32 v2, v39;
	v0 =	vadd.f32 v3, v0  }
0x33b: {  	v3 =	vld [tilespmem:s26+$0xF850]  }
0x33c: {  	v4 =	vmul.f32 v41, v40;
	v0 =	vadd.f32 v2, v0;
	_ =	sdelay $0x1  }
0x33d: {  	v1 =	vmul.f32 v1, v42;
	v0 =	vadd.f32 v4, v0;
	_ =	sdelay $0x1  }
0x33e: {  	v2 =	vmul.f32 v3, v43;
	v0 =	vadd.f32 v1, v0;
	_ =	sdelay $0x1  }
0x33f: {  	v0 =	vadd.f32 v2, v0;
	_ =	sdelay $0x1  }
0x340: {  	[tilespmem:s26+$0x18850] =	vst v0;
	v0 =	vld [tilespmem:s26+$0xC060]  }
0x341: {  	v45 =	vld [tilespmem:s13+$0xFFFFFE60]  }
0x342: {  	v44 =	vld [tilespmem:s26+$0xC860]  }
0x343: {  	v46 =	vld [tilespmem:s13+$0xFFFFFEE0]  }
0x344: {  	v2 =	vld [tilespmem:s26+$0xD060]  }
0x345: {  	v47 =	vld [tilespmem:s13+$0xFFFFFF60]  }
0x346: {  	v3 =	vld [tilespmem:s26+$0xD860];
	v0 =	vmul.f32 v0, v45  }
0x347: {  	v48 =	vld [tilespmem:s13+$0xFFFFFFE0]  }
0x348: {  	v1 =	vld [tilespmem:s26+$0xE060];
	v4 =	vmul.f32 v44, v46;
	v0 =	vadd.f32 $0.0e+00, v0  }
0x349: {  	v49 =	vld [tilespmem:s13+$0x60]  }
0x34a: {  	v51 =	vld [tilespmem:s26+$0xE860];
	v2 =	vmul.f32 v2, v47;
	v0 =	vadd.f32 v4, v0  }
0x34b: {  	v50 =	vld [tilespmem:s13+$0xE0]  }
0x34c: {  	v52 =	vld [tilespmem:s13+$0x160];
	v3 =	vmul.f32 v3, v48;
	v0 =	vadd.f32 v2, v0  }
0x34d: {  	v2 =	vld [tilespmem:s26+$0xF060]  }
0x34e: {  	v53 =	vld [tilespmem:s13+$0x1E0];
	v1 =	vmul.f32 v1, v49;
	v0 =	vadd.f32 v3, v0  }
0x34f: {  	v3 =	vld [tilespmem:s26+$0xF860]  }
0x350: {  	v4 =	vmul.f32 v51, v50;
	v0 =	vadd.f32 v1, v0;
	_ =	sdelay $0x1  }
0x351: {  	v1 =	vmul.f32 v2, v52;
	v0 =	vadd.f32 v4, v0;
	_ =	sdelay $0x1  }
0x352: {  	v2 =	vmul.f32 v3, v53;
	v0 =	vadd.f32 v1, v0;
	_ =	sdelay $0x1  }
0x353: {  	v0 =	vadd.f32 v2, v0;
	_ =	sdelay $0x1  }
0x354: {  	[tilespmem:s26+$0x18860] =	vst v0;
	v0 =	vld [tilespmem:s26+$0xC070]  }
0x355: {  	v55 =	vld [tilespmem:s13+$0xFFFFFE70]  }
0x356: {  	v54 =	vld [tilespmem:s26+$0xC870]  }
0x357: {  	v56 =	vld [tilespmem:s13+$0xFFFFFEF0]  }
0x358: {  	v2 =	vld [tilespmem:s26+$0xD070]  }
0x359: {  	v57 =	vld [tilespmem:s13+$0xFFFFFF70]  }
0x35a: {  	v3 =	vld [tilespmem:s26+$0xD870];
	v0 =	vmul.f32 v0, v55  }
0x35b: {  	v58 =	vld [tilespmem:s13+$0xFFFFFFF0]  }
0x35c: {  	v1 =	vld [tilespmem:s26+$0xE070];
	v4 =	vmul.f32 v54, v56;
	v0 =	vadd.f32 $0.0e+00, v0  }
0x35d: {  	v59 =	vld [tilespmem:s13+$0x70]  }
0x35e: {  	v61 =	vld [tilespmem:s26+$0xE870];
	v2 =	vmul.f32 v2, v57;
	v0 =	vadd.f32 v4, v0  }
0x35f: {  	v60 =	vld [tilespmem:s13+$0xF0]  }
0x360: {  	v62 =	vld [tilespmem:s13+$0x170];
	v3 =	vmul.f32 v3, v58;
	v0 =	vadd.f32 v2, v0  }
0x361: {  	v2 =	vld [tilespmem:s26+$0xF070]  }
0x362: {  	v63 =	vld [tilespmem:s13+$0x1F0];
	v1 =	vmul.f32 v1, v59;
	v0 =	vadd.f32 v3, v0  }
0x363: {  	v3 =	vld [tilespmem:s26+$0xF870]  }
0x364: {  	v4 =	vmul.f32 v61, v60;
	v0 =	vadd.f32 v1, v0;
	_ =	sdelay $0x1  }
0x365: {  	v1 =	vmul.f32 v2, v62;
	v2 =	vadd.f32 v4, v0;
	_ =	sdelay $0x1  }
0x366: {  	s31 =	simm.s32 $0x200;
	s0 =	simm.s32 $0x400;
	v0 =	vmul.f32 v3, v63;
	v1 =	vadd.f32 v1, v2  }
.LBB2_8:
0x367: {  	s28 =	sshra.s32 s31, $0x2  }
0x368: {  	s13 =	sadd.s32 $0x400, s13;
	s31 =	smov.u32 s0;
	s2 =	sadd.s32 $0x200, s0;
	v0 =	vadd.f32 v0, v1  }
0x369: {  	p1 =	sne.s32 s0, $0x1E00;
	v1 =	vld [tilespmem:s28+$0xC800]  }
0x36a: {  	v2 =	vld [tilespmem:s28+$0xC000];
	[tilespmem:s26+$0x18870] =	vst v0;
	s26 =	smov.u32 s28  }
0x36b: {  	v0 =	vld [tilespmem:s13+$0xFFFFFE00]  }
0x36c: {  	v3 =	vld [tilespmem:s13+$0xFFFFFE80]  }
0x36d: {  	v4 =	vld [tilespmem:s26+$0xD000]  }
0x36e: {  	v5 =	vld [tilespmem:s13+$0xFFFFFF00]  }
0x36f: {  	v6 =	vld [tilespmem:s26+$0xD800]  }
0x370: {  	v0 =	vmul.f32 v2, v0;
	v2 =	vld [tilespmem:s13+$0xFFFFFF80]  }
0x371: {  	v1 =	vmul.f32 v1, v3;
	v3 =	vld [tilespmem:s26+$0xE000]  }
0x372: {  	v0 =	vadd.f32 $0.0e+00, v0;
	v7 =	vld [tilespmem:s13+$0x0]  }
0x373: {  	v4 =	vmul.f32 v4, v5;
	v5 =	vld [tilespmem:s26+$0xE800]  }
0x374: {  	v0 =	vadd.f32 v1, v0;
	v1 =	vld [tilespmem:s13+$0x80]  }
0x375: {  	v2 =	vmul.f32 v6, v2;
	v6 =	vld [tilespmem:s26+$0xF000]  }
0x376: {  	v0 =	vadd.f32 v4, v0;
	v4 =	vld [tilespmem:s13+$0x100]  }
0x377: {  	v3 =	vmul.f32 v3, v7;
	v7 =	vld [tilespmem:s26+$0xF800]  }
0x378: {  	v0 =	vadd.f32 v2, v0;
	v2 =	vld [tilespmem:s13+$0x180]  }
0x379: {  	v1 =	vmul.f32 v5, v1  }
0x37a: {  	v0 =	vadd.f32 v3, v0  }
0x37b: {  	v3 =	vmul.f32 v6, v4  }
0x37c: {  	v0 =	vadd.f32 v1, v0  }
0x37d: {  	v1 =	vmul.f32 v7, v2  }
0x37e: {  	v0 =	vadd.f32 v3, v0;
	_ =	sdelay $0x1  }
0x37f: {  	v0 =	vadd.f32 v1, v0  }
0x380: {  	v1 =	vld [tilespmem:s26+$0xC810]  }
0x381: {  	[tilespmem:s26+$0x18800] =	vst v0;
	v0 =	vld [tilespmem:s26+$0xC010]  }
0x382: {  	v2 =	vld [tilespmem:s13+$0xFFFFFE10]  }
0x383: {  	v3 =	vld [tilespmem:s13+$0xFFFFFE90]  }
0x384: {  	v4 =	vld [tilespmem:s26+$0xD010]  }
0x385: {  	v5 =	vld [tilespmem:s13+$0xFFFFFF10]  }
0x386: {  	v6 =	vld [tilespmem:s26+$0xD810]  }
0x387: {  	v0 =	vmul.f32 v0, v2;
	v2 =	vld [tilespmem:s13+$0xFFFFFF90]  }
0x388: {  	v1 =	vmul.f32 v1, v3;
	v3 =	vld [tilespmem:s26+$0xE010]  }
0x389: {  	v0 =	vadd.f32 $0.0e+00, v0;
	v7 =	vld [tilespmem:s13+$0x10]  }
0x38a: {  	v4 =	vmul.f32 v4, v5;
	v5 =	vld [tilespmem:s26+$0xE810]  }
0x38b: {  	v0 =	vadd.f32 v1, v0;
	v1 =	vld [tilespmem:s13+$0x90]  }
0x38c: {  	v2 =	vmul.f32 v6, v2;
	v6 =	vld [tilespmem:s26+$0xF010]  }
0x38d: {  	v0 =	vadd.f32 v4, v0;
	v4 =	vld [tilespmem:s13+$0x110]  }
0x38e: {  	v3 =	vmul.f32 v3, v7;
	v7 =	vld [tilespmem:s26+$0xF810]  }
0x38f: {  	v0 =	vadd.f32 v2, v0;
	v2 =	vld [tilespmem:s13+$0x190]  }
0x390: {  	v1 =	vmul.f32 v5, v1  }
0x391: {  	v0 =	vadd.f32 v3, v0  }
0x392: {  	v3 =	vmul.f32 v6, v4  }
0x393: {  	v0 =	vadd.f32 v1, v0  }
0x394: {  	v1 =	vmul.f32 v7, v2  }
0x395: {  	v0 =	vadd.f32 v3, v0;
	_ =	sdelay $0x1  }
0x396: {  	v0 =	vadd.f32 v1, v0  }
0x397: {  	v1 =	vld [tilespmem:s26+$0xC820]  }
0x398: {  	[tilespmem:s26+$0x18810] =	vst v0;
	v0 =	vld [tilespmem:s26+$0xC020]  }
0x399: {  	v2 =	vld [tilespmem:s13+$0xFFFFFE20]  }
0x39a: {  	v3 =	vld [tilespmem:s13+$0xFFFFFEA0]  }
0x39b: {  	v4 =	vld [tilespmem:s26+$0xD020]  }
0x39c: {  	v5 =	vld [tilespmem:s13+$0xFFFFFF20]  }
0x39d: {  	v6 =	vld [tilespmem:s26+$0xD820]  }
0x39e: {  	v0 =	vmul.f32 v0, v2;
	v2 =	vld [tilespmem:s13+$0xFFFFFFA0]  }
0x39f: {  	v1 =	vmul.f32 v1, v3;
	v3 =	vld [tilespmem:s26+$0xE020]  }
0x3a0: {  	v0 =	vadd.f32 $0.0e+00, v0;
	v7 =	vld [tilespmem:s13+$0x20]  }
0x3a1: {  	v4 =	vmul.f32 v4, v5;
	v5 =	vld [tilespmem:s26+$0xE820]  }
0x3a2: {  	v0 =	vadd.f32 v1, v0;
	v1 =	vld [tilespmem:s13+$0xA0]  }
0x3a3: {  	v2 =	vmul.f32 v6, v2;
	v6 =	vld [tilespmem:s26+$0xF020]  }
0x3a4: {  	v0 =	vadd.f32 v4, v0;
	v4 =	vld [tilespmem:s13+$0x120]  }
0x3a5: {  	v3 =	vmul.f32 v3, v7;
	v7 =	vld [tilespmem:s26+$0xF820]  }
0x3a6: {  	v0 =	vadd.f32 v2, v0;
	v2 =	vld [tilespmem:s13+$0x1A0]  }
0x3a7: {  	v1 =	vmul.f32 v5, v1  }
0x3a8: {  	v0 =	vadd.f32 v3, v0  }
0x3a9: {  	v3 =	vmul.f32 v6, v4  }
0x3aa: {  	v0 =	vadd.f32 v1, v0  }
0x3ab: {  	v1 =	vmul.f32 v7, v2  }
0x3ac: {  	v0 =	vadd.f32 v3, v0;
	_ =	sdelay $0x1  }
0x3ad: {  	v0 =	vadd.f32 v1, v0  }
0x3ae: {  	v1 =	vld [tilespmem:s26+$0xC830]  }
0x3af: {  	[tilespmem:s26+$0x18820] =	vst v0;
	v0 =	vld [tilespmem:s26+$0xC030]  }
0x3b0: {  	v2 =	vld [tilespmem:s13+$0xFFFFFE30]  }
0x3b1: {  	v3 =	vld [tilespmem:s13+$0xFFFFFEB0]  }
0x3b2: {  	v4 =	vld [tilespmem:s26+$0xD030]  }
0x3b3: {  	v5 =	vld [tilespmem:s13+$0xFFFFFF30]  }
0x3b4: {  	v6 =	vld [tilespmem:s26+$0xD830]  }
0x3b5: {  	v0 =	vmul.f32 v0, v2;
	v2 =	vld [tilespmem:s13+$0xFFFFFFB0]  }
0x3b6: {  	v1 =	vmul.f32 v1, v3;
	v3 =	vld [tilespmem:s26+$0xE030]  }
0x3b7: {  	v0 =	vadd.f32 $0.0e+00, v0;
	v7 =	vld [tilespmem:s13+$0x30]  }
0x3b8: {  	v4 =	vmul.f32 v4, v5;
	v5 =	vld [tilespmem:s26+$0xE830]  }
0x3b9: {  	v0 =	vadd.f32 v1, v0;
	v1 =	vld [tilespmem:s13+$0xB0]  }
0x3ba: {  	v2 =	vmul.f32 v6, v2;
	v6 =	vld [tilespmem:s26+$0xF030]  }
0x3bb: {  	v0 =	vadd.f32 v4, v0;
	v4 =	vld [tilespmem:s13+$0x130]  }
0x3bc: {  	v3 =	vmul.f32 v3, v7;
	v7 =	vld [tilespmem:s26+$0xF830]  }
0x3bd: {  	v0 =	vadd.f32 v2, v0;
	v2 =	vld [tilespmem:s13+$0x1B0]  }
0x3be: {  	v1 =	vmul.f32 v5, v1  }
0x3bf: {  	v0 =	vadd.f32 v3, v0  }
0x3c0: {  	v3 =	vmul.f32 v6, v4  }
0x3c1: {  	v0 =	vadd.f32 v1, v0  }
0x3c2: {  	v1 =	vmul.f32 v7, v2  }
0x3c3: {  	v0 =	vadd.f32 v3, v0;
	_ =	sdelay $0x1  }
0x3c4: {  	v0 =	vadd.f32 v1, v0  }
0x3c5: {  	v1 =	vld [tilespmem:s26+$0xC840]  }
0x3c6: {  	[tilespmem:s26+$0x18830] =	vst v0;
	v0 =	vld [tilespmem:s26+$0xC040]  }
0x3c7: {  	v2 =	vld [tilespmem:s13+$0xFFFFFE40]  }
0x3c8: {  	v3 =	vld [tilespmem:s13+$0xFFFFFEC0]  }
0x3c9: {  	v4 =	vld [tilespmem:s26+$0xD040]  }
0x3ca: {  	v5 =	vld [tilespmem:s13+$0xFFFFFF40]  }
0x3cb: {  	v6 =	vld [tilespmem:s26+$0xD840]  }
0x3cc: {  	v0 =	vmul.f32 v0, v2;
	v2 =	vld [tilespmem:s13+$0xFFFFFFC0]  }
0x3cd: {  	v1 =	vmul.f32 v1, v3;
	v3 =	vld [tilespmem:s26+$0xE040]  }
0x3ce: {  	v0 =	vadd.f32 $0.0e+00, v0;
	v7 =	vld [tilespmem:s13+$0x40]  }
0x3cf: {  	v4 =	vmul.f32 v4, v5;
	v5 =	vld [tilespmem:s26+$0xE840]  }
0x3d0: {  	v0 =	vadd.f32 v1, v0;
	v1 =	vld [tilespmem:s13+$0xC0]  }
0x3d1: {  	v2 =	vmul.f32 v6, v2;
	v6 =	vld [tilespmem:s26+$0xF040]  }
0x3d2: {  	v0 =	vadd.f32 v4, v0;
	v4 =	vld [tilespmem:s13+$0x140]  }
0x3d3: {  	v3 =	vmul.f32 v3, v7;
	v7 =	vld [tilespmem:s26+$0xF840]  }
0x3d4: {  	v0 =	vadd.f32 v2, v0;
	v2 =	vld [tilespmem:s13+$0x1C0]  }
0x3d5: {  	v1 =	vmul.f32 v5, v1  }
0x3d6: {  	v0 =	vadd.f32 v3, v0  }
0x3d7: {  	v3 =	vmul.f32 v6, v4  }
0x3d8: {  	v0 =	vadd.f32 v1, v0  }
0x3d9: {  	v1 =	vmul.f32 v7, v2  }
0x3da: {  	v0 =	vadd.f32 v3, v0;
	v2 =	vld [tilespmem:s26+$0xE050]  }
0x3db: {  	v3 =	vld [tilespmem:s26+$0xD850]  }
0x3dc: {  	v0 =	vadd.f32 v1, v0;
	v1 =	vld [tilespmem:s26+$0xD050]  }
0x3dd: {  	v4 =	vld [tilespmem:s26+$0xC850]  }
0x3de: {  	[tilespmem:s26+$0x18840] =	vst v0;
	v0 =	vld [tilespmem:s26+$0xC050]  }
0x3df: {  	v5 =	vld [tilespmem:s13+$0xFFFFFE50]  }
0x3e0: {  	v6 =	vld [tilespmem:s13+$0xFFFFFED0]  }
0x3e1: {  	v7 =	vld [tilespmem:s13+$0xFFFFFF50]  }
0x3e2: {  	v8 =	vld [tilespmem:s13+$0xFFFFFFD0]  }
0x3e3: {  	v9 =	vld [tilespmem:s13+$0x50]  }
0x3e4: {  	v0 =	vmul.f32 v0, v5;
	v5 =	vld [tilespmem:s13+$0xD0]  }
0x3e5: {  	v4 =	vmul.f32 v4, v6;
	v6 =	vld [tilespmem:s13+$0x150]  }
0x3e6: {  	v0 =	vadd.f32 $0.0e+00, v0;
	v10 =	vld [tilespmem:s13+$0x1D0]  }
0x3e7: {  	v1 =	vmul.f32 v1, v7  }
0x3e8: {  	v0 =	vadd.f32 v4, v0;
	v4 =	vld [tilespmem:s26+$0xE850]  }
0x3e9: {  	v3 =	vmul.f32 v3, v8  }
0x3ea: {  	v0 =	vadd.f32 v1, v0;
	v1 =	vld [tilespmem:s26+$0xF050]  }
0x3eb: {  	v2 =	vmul.f32 v2, v9  }
0x3ec: {  	v0 =	vadd.f32 v3, v0;
	v3 =	vld [tilespmem:s26+$0xF850]  }
0x3ed: {  	v4 =	vmul.f32 v4, v5  }
0x3ee: {  	v0 =	vadd.f32 v2, v0  }
0x3ef: {  	v1 =	vmul.f32 v1, v6  }
0x3f0: {  	v0 =	vadd.f32 v4, v0  }
0x3f1: {  	v2 =	vmul.f32 v3, v10  }
0x3f2: {  	v0 =	vadd.f32 v1, v0;
	v1 =	vld [tilespmem:s26+$0xE060]  }
0x3f3: {  	v3 =	vld [tilespmem:s26+$0xD860]  }
0x3f4: {  	v0 =	vadd.f32 v2, v0;
	v2 =	vld [tilespmem:s26+$0xD060]  }
0x3f5: {  	v4 =	vld [tilespmem:s26+$0xC860]  }
0x3f6: {  	[tilespmem:s26+$0x18850] =	vst v0;
	v0 =	vld [tilespmem:s26+$0xC060]  }
0x3f7: {  	v5 =	vld [tilespmem:s13+$0xFFFFFE60]  }
0x3f8: {  	v6 =	vld [tilespmem:s13+$0xFFFFFEE0]  }
0x3f9: {  	v7 =	vld [tilespmem:s13+$0xFFFFFF60]  }
0x3fa: {  	v8 =	vld [tilespmem:s13+$0xFFFFFFE0]  }
0x3fb: {  	v9 =	vld [tilespmem:s13+$0x60]  }
0x3fc: {  	v0 =	vmul.f32 v0, v5;
	v5 =	vld [tilespmem:s13+$0xE0]  }
0x3fd: {  	v4 =	vmul.f32 v4, v6;
	v6 =	vld [tilespmem:s13+$0x160]  }
0x3fe: {  	v0 =	vadd.f32 $0.0e+00, v0;
	v10 =	vld [tilespmem:s13+$0x1E0]  }
0x3ff: {  	v2 =	vmul.f32 v2, v7  }
0x400: {  	v0 =	vadd.f32 v4, v0;
	v4 =	vld [tilespmem:s26+$0xE860]  }
0x401: {  	v3 =	vmul.f32 v3, v8  }
0x402: {  	v0 =	vadd.f32 v2, v0;
	v2 =	vld [tilespmem:s26+$0xF060]  }
0x403: {  	v1 =	vmul.f32 v1, v9  }
0x404: {  	v0 =	vadd.f32 v3, v0;
	v3 =	vld [tilespmem:s26+$0xF860]  }
0x405: {  	v4 =	vmul.f32 v4, v5  }
0x406: {  	v0 =	vadd.f32 v1, v0  }
0x407: {  	v1 =	vmul.f32 v2, v6  }
0x408: {  	v0 =	vadd.f32 v4, v0  }
0x409: {  	v2 =	vmul.f32 v3, v10  }
0x40a: {  	v0 =	vadd.f32 v1, v0;
	v1 =	vld [tilespmem:s26+$0xE070]  }
0x40b: {  	v3 =	vld [tilespmem:s26+$0xD870]  }
0x40c: {  	v0 =	vadd.f32 v2, v0;
	v2 =	vld [tilespmem:s26+$0xD070]  }
0x40d: {  	v4 =	vld [tilespmem:s26+$0xC870]  }
0x40e: {  	[tilespmem:s26+$0x18860] =	vst v0;
	v0 =	vld [tilespmem:s26+$0xC070]  }
0x40f: {  	v5 =	vld [tilespmem:s13+$0xFFFFFE70]  }
0x410: {  	v6 =	vld [tilespmem:s13+$0xFFFFFEF0]  }
0x411: {  	v7 =	vld [tilespmem:s13+$0xFFFFFF70]  }
0x412: {  	v8 =	vld [tilespmem:s13+$0xFFFFFFF0]  }
0x413: {  	v9 =	vld [tilespmem:s13+$0x70]  }
0x414: {  	v0 =	vmul.f32 v0, v5;
	v5 =	vld [tilespmem:s13+$0xF0]  }
0x415: {  	v4 =	vmul.f32 v4, v6;
	v6 =	vld [tilespmem:s13+$0x170]  }
0x416: {  	v0 =	vadd.f32 $0.0e+00, v0;
	v10 =	vld [tilespmem:s13+$0x1F0]  }
0x417: {  	v2 =	vmul.f32 v2, v7  }
0x418: {  	v0 =	vadd.f32 v4, v0;
	v4 =	vld [tilespmem:s26+$0xE870]  }
0x419: {  	v3 =	vmul.f32 v3, v8  }
0x41a: {  	v0 =	vadd.f32 v2, v0;
	v2 =	vld [tilespmem:s26+$0xF070]  }
0x41b: {  	v1 =	vmul.f32 v1, v9  }
0x41c: {  	v0 =	vadd.f32 v3, v0;
	v3 =	vld [tilespmem:s26+$0xF870]  }
0x41d: {  	v4 =	vmul.f32 v4, v5  }
.Ltmp5:
0x41e: {  	v0 =	vadd.f32 v1, v0;
	(pc) =	sbr.rel @p1 .LBB2_8-.Ltmp5, $4  }
0x41f: {  	v1 =	vmul.f32 v2, v6  }
0x420: {  	v2 =	vadd.f32 v4, v0  }
0x421: {  	v0 =	vmul.f32 v3, v10  }
0x422: {  	s0 =	smov.u32 s2;
	v1 =	vadd.f32 v1, v2  }
0x423: {  	_ = 	snop  }
0x424: {  	s0 =	sshra.s32 s31, $0x2;
	v0 =	vadd.f32 v0, v1  }
0x425: {  	v45 =	vld [tilespmem:s0+$0xC800]  }
0x426: {  	s13 =	sadd.s32 $0x400, s13;
	v2 =	vld [tilespmem:s0+$0xC000];
	[tilespmem:s26+$0x18870] =	vst v0  }
0x427: {  	v0 =	vld [tilespmem:s13+$0xFFFFFE00];
	_ =	sdelay $0x1  }
0x428: {  	v3 =	vld [tilespmem:s13+$0xFFFFFE80]  }
0x429: {  	v4 =	vld [tilespmem:s0+$0xD000]  }
0x42a: {  	v5 =	vld [tilespmem:s13+$0xFFFFFF00]  }
0x42b: {  	v6 =	vld [tilespmem:s0+$0xD800];
	v0 =	vmul.f32 v2, v0  }
0x42c: {  	v46 =	vld [tilespmem:s13+$0xFFFFFF80]  }
0x42d: {  	v47 =	vld [tilespmem:s0+$0xE000];
	v1 =	vmul.f32 v45, v3;
	v0 =	vadd.f32 $0.0e+00, v0  }
0x42e: {  	v7 =	vld [tilespmem:s13+$0x0]  }
0x42f: {  	v48 =	vld [tilespmem:s0+$0xE800];
	v4 =	vmul.f32 v4, v5;
	v0 =	vadd.f32 v1, v0  }
0x430: {  	v49 =	vld [tilespmem:s13+$0x80]  }
0x431: {  	v50 =	vld [tilespmem:s0+$0xF000];
	v2 =	vmul.f32 v6, v46;
	v0 =	vadd.f32 v4, v0  }
0x432: {  	v51 =	vld [tilespmem:s13+$0x100]  }
0x433: {  	v52 =	vld [tilespmem:s0+$0xF800];
	v3 =	vmul.f32 v47, v7;
	v0 =	vadd.f32 v2, v0  }
0x434: {  	v53 =	vld [tilespmem:s13+$0x180]  }
0x435: {  	v1 =	vmul.f32 v48, v49;
	v0 =	vadd.f32 v3, v0;
	_ =	sdelay $0x1  }
0x436: {  	v54 =	vmul.f32 v50, v51;
	v0 =	vadd.f32 v1, v0;
	_ =	sdelay $0x1  }
0x437: {  	v55 =	vmul.f32 v52, v53;
	v0 =	vadd.f32 v54, v0;
	_ =	sdelay $0x1  }
0x438: {  	v0 =	vadd.f32 v55, v0;
	_ =	sdelay $0x1  }
0x439: {  	v56 =	vld [tilespmem:s0+$0xC010];
	[tilespmem:s0+$0x18800] =	vst v0  }
0x43a: {  	v57 =	vld [tilespmem:s13+$0xFFFFFE10]  }
0x43b: {  	v58 =	vld [tilespmem:s0+$0xC810]  }
0x43c: {  	v59 =	vld [tilespmem:s13+$0xFFFFFE90]  }
0x43d: {  	v60 =	vld [tilespmem:s0+$0xD010]  }
0x43e: {  	v61 =	vld [tilespmem:s13+$0xFFFFFF10]  }
0x43f: {  	v62 =	vld [tilespmem:s0+$0xD810];
	v0 =	vmul.f32 v56, v57  }
0x440: {  	v63 =	vld [tilespmem:s13+$0xFFFFFF90]  }
0x441: {  	v9 =	vld [tilespmem:s0+$0xE010];
	v2 =	vmul.f32 v58, v59;
	v0 =	vadd.f32 $0.0e+00, v0  }
0x442: {  	v10 =	vld [tilespmem:s13+$0x10]  }
0x443: {  	v11 =	vld [tilespmem:s0+$0xE810];
	v4 =	vmul.f32 v60, v61;
	v0 =	vadd.f32 v2, v0  }
0x444: {  	v12 =	vld [tilespmem:s13+$0x90]  }
0x445: {  	v13 =	vld [tilespmem:s0+$0xF010];
	v1 =	vmul.f32 v62, v63;
	v0 =	vadd.f32 v4, v0  }
0x446: {  	v14 =	vld [tilespmem:s13+$0x110]  }
0x447: {  	v15 =	vld [tilespmem:s0+$0xF810];
	v3 =	vmul.f32 v9, v10;
	v0 =	vadd.f32 v1, v0  }
0x448: {  	v16 =	vld [tilespmem:s13+$0x190]  }
0x449: {  	v2 =	vmul.f32 v11, v12;
	v0 =	vadd.f32 v3, v0;
	_ =	sdelay $0x1  }
0x44a: {  	v17 =	vmul.f32 v13, v14;
	v0 =	vadd.f32 v2, v0;
	_ =	sdelay $0x1  }
0x44b: {  	v1 =	vmul.f32 v15, v16;
	v0 =	vadd.f32 v17, v0;
	_ =	sdelay $0x1  }
0x44c: {  	v0 =	vadd.f32 v1, v0;
	_ =	sdelay $0x1  }
0x44d: {  	v18 =	vld [tilespmem:s0+$0xC020];
	[tilespmem:s0+$0x18810] =	vst v0  }
0x44e: {  	v19 =	vld [tilespmem:s13+$0xFFFFFE20]  }
0x44f: {  	v20 =	vld [tilespmem:s0+$0xC820]  }
0x450: {  	v21 =	vld [tilespmem:s13+$0xFFFFFEA0]  }
0x451: {  	v22 =	vld [tilespmem:s0+$0xD020]  }
0x452: {  	v23 =	vld [tilespmem:s13+$0xFFFFFF20]  }
0x453: {  	v24 =	vld [tilespmem:s0+$0xD820];
	v0 =	vmul.f32 v18, v19  }
0x454: {  	v25 =	vld [tilespmem:s13+$0xFFFFFFA0]  }
0x455: {  	v26 =	vld [tilespmem:s0+$0xE020];
	v2 =	vmul.f32 v20, v21;
	v0 =	vadd.f32 $0.0e+00, v0  }
0x456: {  	v27 =	vld [tilespmem:s13+$0x20]  }
0x457: {  	v28 =	vld [tilespmem:s0+$0xE820];
	v4 =	vmul.f32 v22, v23;
	v0 =	vadd.f32 v2, v0  }
0x458: {  	v29 =	vld [tilespmem:s13+$0xA0]  }
0x459: {  	v30 =	vld [tilespmem:s0+$0xF020];
	v1 =	vmul.f32 v24, v25;
	v0 =	vadd.f32 v4, v0  }
0x45a: {  	v31 =	vld [tilespmem:s13+$0x120]  }
0x45b: {  	v32 =	vld [tilespmem:s0+$0xF820];
	v3 =	vmul.f32 v26, v27;
	v0 =	vadd.f32 v1, v0  }
0x45c: {  	v33 =	vld [tilespmem:s13+$0x1A0]  }
0x45d: {  	v2 =	vmul.f32 v28, v29;
	v0 =	vadd.f32 v3, v0;
	_ =	sdelay $0x1  }
0x45e: {  	v34 =	vmul.f32 v30, v31;
	v0 =	vadd.f32 v2, v0;
	_ =	sdelay $0x1  }
0x45f: {  	v1 =	vmul.f32 v32, v33;
	v0 =	vadd.f32 v34, v0;
	_ =	sdelay $0x1  }
0x460: {  	v0 =	vadd.f32 v1, v0;
	_ =	sdelay $0x1  }
0x461: {  	v35 =	vld [tilespmem:s0+$0xC030];
	[tilespmem:s0+$0x18820] =	vst v0  }
0x462: {  	v36 =	vld [tilespmem:s13+$0xFFFFFE30]  }
0x463: {  	v37 =	vld [tilespmem:s0+$0xC830]  }
0x464: {  	v38 =	vld [tilespmem:s13+$0xFFFFFEB0]  }
0x465: {  	v39 =	vld [tilespmem:s0+$0xD030]  }
0x466: {  	v40 =	vld [tilespmem:s13+$0xFFFFFF30]  }
0x467: {  	v41 =	vld [tilespmem:s0+$0xD830];
	v0 =	vmul.f32 v35, v36  }
0x468: {  	v42 =	vld [tilespmem:s13+$0xFFFFFFB0]  }
0x469: {  	v43 =	vld [tilespmem:s0+$0xE030];
	v2 =	vmul.f32 v37, v38;
	v0 =	vadd.f32 $0.0e+00, v0  }
0x46a: {  	v44 =	vld [tilespmem:s13+$0x30]  }
0x46b: {  	v45 =	vld [tilespmem:s0+$0xE830];
	v4 =	vmul.f32 v39, v40;
	v0 =	vadd.f32 v2, v0  }
0x46c: {  	v46 =	vld [tilespmem:s13+$0xB0]  }
0x46d: {  	v47 =	vld [tilespmem:s0+$0xF030];
	v1 =	vmul.f32 v41, v42;
	v0 =	vadd.f32 v4, v0  }
0x46e: {  	v48 =	vld [tilespmem:s13+$0x130]  }
0x46f: {  	v49 =	vld [tilespmem:s0+$0xF830];
	v3 =	vmul.f32 v43, v44;
	v0 =	vadd.f32 v1, v0  }
0x470: {  	v50 =	vld [tilespmem:s13+$0x1B0]  }
0x471: {  	v2 =	vmul.f32 v45, v46;
	v0 =	vadd.f32 v3, v0;
	_ =	sdelay $0x1  }
0x472: {  	v51 =	vmul.f32 v47, v48;
	v0 =	vadd.f32 v2, v0;
	_ =	sdelay $0x1  }
0x473: {  	v1 =	vmul.f32 v49, v50;
	v0 =	vadd.f32 v51, v0;
	_ =	sdelay $0x1  }
0x474: {  	v0 =	vadd.f32 v1, v0;
	_ =	sdelay $0x1  }
0x475: {  	v52 =	vld [tilespmem:s0+$0xC040];
	[tilespmem:s0+$0x18830] =	vst v0  }
0x476: {  	v53 =	vld [tilespmem:s13+$0xFFFFFE40]  }
0x477: {  	v54 =	vld [tilespmem:s0+$0xC840]  }
0x478: {  	v55 =	vld [tilespmem:s13+$0xFFFFFEC0]  }
0x479: {  	v56 =	vld [tilespmem:s0+$0xD040]  }
0x47a: {  	v57 =	vld [tilespmem:s13+$0xFFFFFF40]  }
0x47b: {  	v58 =	vld [tilespmem:s0+$0xD840];
	v0 =	vmul.f32 v52, v53  }
0x47c: {  	v59 =	vld [tilespmem:s13+$0xFFFFFFC0]  }
0x47d: {  	v60 =	vld [tilespmem:s0+$0xE040];
	v2 =	vmul.f32 v54, v55;
	v0 =	vadd.f32 $0.0e+00, v0  }
0x47e: {  	v61 =	vld [tilespmem:s13+$0x40]  }
0x47f: {  	v62 =	vld [tilespmem:s0+$0xE840];
	v4 =	vmul.f32 v56, v57;
	v0 =	vadd.f32 v2, v0  }
0x480: {  	v63 =	vld [tilespmem:s13+$0xC0]  }
0x481: {  	v9 =	vld [tilespmem:s0+$0xF040];
	v1 =	vmul.f32 v58, v59;
	v0 =	vadd.f32 v4, v0  }
0x482: {  	v10 =	vld [tilespmem:s13+$0x140]  }
0x483: {  	v11 =	vld [tilespmem:s0+$0xF840];
	v3 =	vmul.f32 v60, v61;
	v0 =	vadd.f32 v1, v0  }
0x484: {  	v12 =	vld [tilespmem:s13+$0x1C0]  }
0x485: {  	v2 =	vmul.f32 v62, v63;
	v0 =	vadd.f32 v3, v0;
	_ =	sdelay $0x1  }
0x486: {  	v13 =	vmul.f32 v9, v10;
	v0 =	vadd.f32 v2, v0;
	_ =	sdelay $0x1  }
0x487: {  	v1 =	vmul.f32 v11, v12;
	v0 =	vadd.f32 v13, v0;
	_ =	sdelay $0x1  }
0x488: {  	v0 =	vadd.f32 v1, v0;
	_ =	sdelay $0x1  }
0x489: {  	v14 =	vld [tilespmem:s0+$0xC050];
	[tilespmem:s0+$0x18840] =	vst v0  }
0x48a: {  	v15 =	vld [tilespmem:s13+$0xFFFFFE50]  }
0x48b: {  	v16 =	vld [tilespmem:s0+$0xC850]  }
0x48c: {  	v17 =	vld [tilespmem:s13+$0xFFFFFED0]  }
0x48d: {  	v18 =	vld [tilespmem:s0+$0xD050]  }
0x48e: {  	v19 =	vld [tilespmem:s13+$0xFFFFFF50]  }
0x48f: {  	v20 =	vld [tilespmem:s0+$0xD850];
	v0 =	vmul.f32 v14, v15  }
0x490: {  	v21 =	vld [tilespmem:s13+$0xFFFFFFD0]  }
0x491: {  	v22 =	vld [tilespmem:s0+$0xE050];
	v2 =	vmul.f32 v16, v17;
	v0 =	vadd.f32 $0.0e+00, v0  }
0x492: {  	v23 =	vld [tilespmem:s13+$0x50]  }
0x493: {  	v24 =	vld [tilespmem:s0+$0xE850];
	v4 =	vmul.f32 v18, v19;
	v0 =	vadd.f32 v2, v0  }
0x494: {  	v8 =	vld [tilespmem:s13+$0xD0]  }
0x495: {  	v26 =	vld [tilespmem:s0+$0xF050];
	v1 =	vmul.f32 v20, v21;
	v0 =	vadd.f32 v4, v0  }
0x496: {  	v25 =	vld [tilespmem:s13+$0x150]  }
0x497: {  	v28 =	vld [tilespmem:s0+$0xF850];
	v3 =	vmul.f32 v22, v23;
	v0 =	vadd.f32 v1, v0  }
0x498: {  	v27 =	vld [tilespmem:s13+$0x1D0]  }
0x499: {  	v2 =	vmul.f32 v24, v8;
	v0 =	vadd.f32 v3, v0;
	_ =	sdelay $0x1  }
0x49a: {  	v29 =	vmul.f32 v26, v25;
	v0 =	vadd.f32 v2, v0;
	_ =	sdelay $0x1  }
0x49b: {  	v1 =	vmul.f32 v28, v27;
	v0 =	vadd.f32 v29, v0;
	_ =	sdelay $0x1  }
0x49c: {  	v0 =	vadd.f32 v1, v0;
	_ =	sdelay $0x1  }
0x49d: {  	v30 =	vld [tilespmem:s0+$0xC060];
	[tilespmem:s0+$0x18850] =	vst v0  }
0x49e: {  	v31 =	vld [tilespmem:s13+$0xFFFFFE60]  }
0x49f: {  	v32 =	vld [tilespmem:s0+$0xC860]  }
0x4a0: {  	v33 =	vld [tilespmem:s13+$0xFFFFFEE0]  }
0x4a1: {  	v34 =	vld [tilespmem:s0+$0xD060]  }
0x4a2: {  	v35 =	vld [tilespmem:s13+$0xFFFFFF60]  }
0x4a3: {  	v36 =	vld [tilespmem:s0+$0xD860];
	v0 =	vmul.f32 v30, v31  }
0x4a4: {  	v37 =	vld [tilespmem:s13+$0xFFFFFFE0]  }
0x4a5: {  	v38 =	vld [tilespmem:s0+$0xE060];
	v2 =	vmul.f32 v32, v33;
	v0 =	vadd.f32 $0.0e+00, v0  }
0x4a6: {  	v39 =	vld [tilespmem:s13+$0x60]  }
0x4a7: {  	v41 =	vld [tilespmem:s0+$0xE860];
	v4 =	vmul.f32 v34, v35;
	v0 =	vadd.f32 v2, v0  }
0x4a8: {  	v40 =	vld [tilespmem:s13+$0xE0]  }
0x4a9: {  	v43 =	vld [tilespmem:s0+$0xF060];
	v1 =	vmul.f32 v36, v37;
	v0 =	vadd.f32 v4, v0  }
0x4aa: {  	v42 =	vld [tilespmem:s13+$0x160]  }
0x4ab: {  	v45 =	vld [tilespmem:s0+$0xF860];
	v3 =	vmul.f32 v38, v39;
	v0 =	vadd.f32 v1, v0  }
0x4ac: {  	v44 =	vld [tilespmem:s13+$0x1E0]  }
0x4ad: {  	v2 =	vmul.f32 v41, v40;
	v0 =	vadd.f32 v3, v0;
	_ =	sdelay $0x1  }
0x4ae: {  	v46 =	vmul.f32 v43, v42;
	v0 =	vadd.f32 v2, v0;
	_ =	sdelay $0x1  }
0x4af: {  	v1 =	vmul.f32 v45, v44;
	v0 =	vadd.f32 v46, v0;
	_ =	sdelay $0x1  }
0x4b0: {  	v0 =	vadd.f32 v1, v0;
	_ =	sdelay $0x1  }
0x4b1: {  	v47 =	vld [tilespmem:s0+$0xC070];
	[tilespmem:s0+$0x18860] =	vst v0  }
0x4b2: {  	v48 =	vld [tilespmem:s13+$0xFFFFFE70]  }
0x4b3: {  	v49 =	vld [tilespmem:s0+$0xC870]  }
0x4b4: {  	v50 =	vld [tilespmem:s13+$0xFFFFFEF0]  }
0x4b5: {  	v51 =	vld [tilespmem:s0+$0xD070]  }
0x4b6: {  	v52 =	vld [tilespmem:s13+$0xFFFFFF70]  }
0x4b7: {  	v53 =	vld [tilespmem:s0+$0xD870];
	v0 =	vmul.f32 v47, v48  }
0x4b8: {  	v54 =	vld [tilespmem:s13+$0xFFFFFFF0]  }
0x4b9: {  	v55 =	vld [tilespmem:s0+$0xE070];
	v2 =	vmul.f32 v49, v50;
	v0 =	vadd.f32 $0.0e+00, v0  }
0x4ba: {  	v56 =	vld [tilespmem:s13+$0x70]  }
0x4bb: {  	v58 =	vld [tilespmem:s0+$0xE870];
	v4 =	vmul.f32 v51, v52;
	v0 =	vadd.f32 v2, v0  }
0x4bc: {  	v57 =	vld [tilespmem:s13+$0xF0]  }
0x4bd: {  	v60 =	vld [tilespmem:s0+$0xF070];
	v1 =	vmul.f32 v53, v54;
	v0 =	vadd.f32 v4, v0  }
0x4be: {  	v59 =	vld [tilespmem:s13+$0x170]  }
0x4bf: {  	v62 =	vld [tilespmem:s0+$0xF870];
	v3 =	vmul.f32 v55, v56;
	v0 =	vadd.f32 v1, v0  }
0x4c0: {  	v61 =	vld [tilespmem:s13+$0x1F0]  }
0x4c1: {  	v2 =	vmul.f32 v58, v57;
	v0 =	vadd.f32 v3, v0;
	_ =	sdelay $0x1  }
0x4c2: {  	v63 =	vmul.f32 v60, v59;
	v0 =	vadd.f32 v2, v0;
	_ =	sdelay $0x1  }
0x4c3: {  	v1 =	vmul.f32 v62, v61;
	v0 =	vadd.f32 v63, v0  }
.Ltmp6:
0x4c4: {  	_ = 	snop;
	(pc) =	sbr.rel @p0 .LBB2_11-.Ltmp6, $4  }
0x4c5: {  	s2 =	sadd.s32 s23, s3;
	v0 =	vadd.f32 v1, v0  }
0x4c6: {  	s2 =	sadd.s32 s8, s2  }
0x4c7: {  	s31 =	sadd.s32 $0x10, s2;
	[tilespmem:s0+$0x18870] =	vst v0  }
0x4c8: {  	[hbm4b:s31+s17] =	stream.strided.scatter [tilespmem:s21], [sflag:$0x6], $0x800, s18, s17, $0x38;
	[tilespmem:$0x19000] =	vst v63  }
0x4c9: {  	s0 =	sshll.u32 s24, $0xB  }
0x4ca: {  	s0 =	sadd.s32 s7, s0  }
0x4cb: {  	s0 =	sshrl.u32 s0, $0x3  }
0x4cc: {  	s8 =	simm.s32 $0xC000;
	s2 =	sadd.s32 s1, s0  }
0x4cd: {  	[tilespmem:s8], [sflag:$0x2] =	stream.linear.gather [hbm4b:s2+s4], $0x800, $0x38;
	[tilespmem:$0x19000] =	vst v63  }
0x4ce: {  	s13 =	simm.s32 $0xC800;
	s28 =	sor.u32 $0x100000, s0;
	s26 =	sadd.s32 $0x80000, s2  }
0x4cf: {  	[tilespmem:s13], [sflag:$0x2] =	stream.linear.gather [hbm4b:s26+s4], $0x800, $0x38;
	[tilespmem:$0x19000] =	vst v63  }
0x4d0: {  	s31 =	simm.s32 $0xD000;
	s8 =	sadd.s32 s1, s28  }
0x4d1: {  	[tilespmem:s31], [sflag:$0x2] =	stream.linear.gather [hbm4b:s8+s4], $0x800, $0x38;
	[tilespmem:$0x19000] =	vst v63  }
0x4d2: {  	s24 =	simm.s32 $0xD800;
	s23 =	sadd.s32 $0x180000, s2;
	s26 =	sor.u32 $0x200000, s0  }
0x4d3: {  	[tilespmem:s24], [sflag:$0x2] =	stream.linear.gather [hbm4b:s23+s4], $0x800, $0x38;
	[tilespmem:$0x19000] =	vst v63  }
0x4d4: {  	s8 =	sadd.s32 s1, s26  }
0x4d5: {  	[tilespmem:s29], [sflag:$0x2] =	stream.linear.gather [hbm4b:s8+s4], $0x800, $0x38;
	[tilespmem:$0x19000] =	vst v63  }
0x4d6: {  	s28 =	sadd.s32 $0x280000, s2  }
0x4d7: {  	[tilespmem:s10], [sflag:$0x2] =	stream.linear.gather [hbm4b:s28+s4], $0x800, $0x38;
	[tilespmem:$0x19000] =	vst v63  }
.Ltmp7:
0x4d8: {  	s0 =	sor.u32 $0x300000, s0;
	(pc) =	sbr.rel .LBB2_2-.Ltmp7, $4  }
0x4d9: {  	s0 =	sadd.s32 s1, s0  }
0x4da: {  	[tilespmem:s11], [sflag:$0x2] =	stream.linear.gather [hbm4b:s0+s4], $0x800, $0x38;
	[tilespmem:$0x19000] =	vst v63  }
0x4db: {  	s25 =	sadd.s32 $0x1, s25;
	s31 =	sadd.s32 $0x380000, s2  }
0x4dc: {  	[tilespmem:s12], [sflag:$0x2] =	stream.linear.gather [hbm4b:s31+s4], $0x800, $0x38;
	[tilespmem:$0x19000] =	vst v63  }
.LBB2_12:
0x4dd: {  	_ =	sfence.sel $0x180000  }
0x4de: {  	[bflag:$0x0] =	sbarrier.arrive $0xFFFF  }
0x4df: {  	_ =	strace $0x90000047  }
0x4e0: {  	s0 =	stileid.u32;
	[bflag:$0x2] =	sbarrier.arrive $0xFFFF  }
0x4e1: {  	p0 =	sne.s32 s0, $0x0;
	s0 =	rddreg [dreg:$0x4]  }
0x4e2: {  	s0 =	sadd.s32 @!p0 $0x100000, s0  }
0x4e3: {  	[sflag:s0] =	ssyncadd.tile.s32 @!p0 $0x1;
	_ =	shalt  }
.Lfunc_end2:
_tile_overlayer_lowered:
.L_overlay_start_2:
0x4e4: {  	(tag) =	ssettag $0x2  }
0x4e5: {  	s0 =	rddreg [dreg:$0x0];
	s2 =	stileid.u32  }
0x4e6: {  	s1 =	rddreg [dreg:$0x1];
	p0 =	sne.s32 s2, $0x0  }
0x4e7: {  	s3 =	rddreg [dreg:$0x2];
	[bflag:$0x3] =	sbarrier.arrive $0xFFFF;
	s2 =	simm.s32 @!p0 $0x1C07  }
0x4e8: {  	[timem:s3], [sflag:s2] =	dma.local @!p0 [hbm:s0], s1  }
0x4e9: {  	s0 =	simm.s32 @!p0 $0x7  }
0x4ea: {  	_ =	swait.ge @!p0 [sflag:s0], s1  }
0x4eb: {  	s1 =	ssub.s32 @!p0 $0x0, s1;
	[sflag:s0] =	ssyncset.done @!p0 $0x0  }
0x4ec: {  	[sflag:s0] =	ssyncadd.s32 @!p0 s1  }
0x4ed: {  	[bflag:$0x3] =	sbarrier.arrive $0xFFFF  }
0x4ee: {  	_ =	shalt  }

</sc_bundles>
